<compile_context>
chip_gen: v7x
topology: tpu7x:2x2x1
jax: 0.10.2.dev20260603
libtpu: 0.0.44.dev20260713+nightly
codegen_flags: <defaults>
</compile_context>

<pallas_src>
import functools

import jax
import jax.numpy as jnp
from jax import lax
from jax.experimental import pallas as pl
from jax.experimental.pallas import tpu as pltpu
from jax.experimental.pallas import tpu_sc as plsc

N = 10000
E = 320000
D = 128
NC = 2
NS = 16
NW = NC * NS
EPW = E // NW
CH = 80
NCHUNK = EPW // CH
NPAD = 10240
RPT = NPAD // NS
ZR = 128
ZD = NPAD // NS

def _worker_id():
    return lax.axis_index("s") * NC + lax.axis_index("c")


SEG = 25
NSEG = NCHUNK // SEG


def _sc_deg_body(ei5_hbm, out_hbm, acc, seg0, seg1, ones, zbuf, lsem0,
                 lsem1, ssem):
    c = lax.axis_index("c")
    s = lax.axis_index("s")
    wid = _worker_id()
    ones_offs = list(range(0, CH - 15, 16))
    if CH % 16:
        ones_offs.append(CH - 16)
    for off in ones_offs:
        ones[pl.ds(off, 16)] = jnp.ones((16,), jnp.float32)
    for k in range(ZD // 16):
        zbuf[pl.ds(16 * k, 16)] = jnp.zeros((16,), jnp.float32)
    pltpu.sync_copy(zbuf, acc.at[pl.ds(s * ZD, ZD)])
    segs = (seg0, seg1)
    lsems = (lsem0, lsem1)
    pltpu.async_copy(ei5_hbm.at[1, wid, 0], seg0, lsem0)
    plsc.subcore_barrier()

    for b in range(NSEG):
        buf, sem = segs[b % 2], lsems[b % 2]
        if b + 1 < NSEG:
            pltpu.async_copy(
                ei5_hbm.at[1, wid, b + 1], segs[(b + 1) % 2], lsems[(b + 1) % 2]
            )
        pltpu.make_async_copy(ei5_hbm.at[1, wid, b], buf, sem).wait()

        def fire(j, carry):
            pltpu.async_copy(ones, acc.at[buf.at[j]], ssem, add=True)
            return carry

        def drain(j, carry):
            pltpu.make_async_copy(ones, acc.at[buf.at[j]], ssem).wait()
            return carry

        lax.fori_loop(0, SEG, fire, 0)
        lax.fori_loop(0, SEG, drain, 0)
    plsc.subcore_barrier()
    pltpu.sync_copy(acc.at[pl.ds(s * ZD, ZD)], out_hbm.at[c, pl.ds(s * ZD, ZD)])


def _sc_pass_body(tab_hbm, ei4_hbm, dst1_hbm, out_hbm, acc, sidx, didx0,
                  didx1, rows0, rows1, gsem0, gsem1, ssem0, ssem1, lsem0,
                  lsem1):
    c = lax.axis_index("c")
    s = lax.axis_index("s")
    wid = _worker_id()

    def zfill(i, carry):
        for k in range(D // 16):
            rows0[i, pl.ds(16 * k, 16)] = jnp.zeros((16,), jnp.float32)
        return carry

    def dst_slice(j):
        return dst1_hbm.at[pl.ds(pl.multiple_of(wid * EPW + j * CH, 8), CH)]

    lax.fori_loop(0, CH, zfill, 0)
    for r in range(RPT // CH):
        pltpu.async_copy(rows0, acc.at[pl.ds(s * RPT + r * CH, CH)], ssem0)
    pltpu.async_copy(ei4_hbm.at[0, wid], sidx, gsem1)
    pltpu.async_copy(dst_slice(0), didx0, lsem0)
    pltpu.async_copy(dst_slice(1), didx1, lsem1)
    for r in range(RPT // CH):
        pltpu.make_async_copy(
            rows0, acc.at[pl.ds(s * RPT + r * CH, CH)], ssem0
        ).wait()
    pltpu.make_async_copy(ei4_hbm.at[0, wid], sidx, gsem1).wait()
    pltpu.make_async_copy(dst_slice(0), didx0, lsem0).wait()
    pltpu.make_async_copy(dst_slice(1), didx1, lsem1).wait()
    pltpu.async_copy(tab_hbm.at[sidx.at[0]], rows0, gsem0)
    plsc.subcore_barrier()

    def gather(j, buf, sem):
        pltpu.async_copy(tab_hbm.at[sidx.at[j]], buf, sem)

    def gather_wait(j, buf, sem):
        pltpu.make_async_copy(tab_hbm.at[sidx.at[j]], buf, sem).wait()

    def scat(buf, dbuf, sem):
        pltpu.async_copy(buf, acc.at[dbuf], sem, add=True)

    def scat_wait(buf, dbuf, sem):
        pltpu.make_async_copy(buf, acc.at[dbuf], sem).wait()

    def dload(j, dbuf, sem):
        pltpu.async_copy(dst_slice(j), dbuf, sem)

    def dload_wait(j, dbuf, sem):
        pltpu.make_async_copy(dst_slice(j), dbuf, sem).wait()


    def pair(i, carry):
        j0 = 2 * i

        @pl.when(i >= 1)
        def _():
            scat_wait(rows1, didx1, ssem1)
            dload(j0 + 1, didx1, lsem1)

        gather(j0 + 1, rows1, gsem1)
        gather_wait(j0, rows0, gsem0)

        @pl.when(i >= 1)
        def _():
            dload_wait(j0, didx0, lsem0)

        scat(rows0, didx0, ssem0)
        scat_wait(rows0, didx0, ssem0)
        dload(j0 + 2, didx0, lsem0)
        gather(j0 + 2, rows0, gsem0)

        @pl.when(i >= 1)
        def _():
            dload_wait(j0 + 1, didx1, lsem1)

        gather_wait(j0 + 1, rows1, gsem1)
        scat(rows1, didx1, ssem1)
        return carry

    last = NCHUNK - 1
    lax.fori_loop(0, (NCHUNK - 1) // 2, pair, 0)
    scat_wait(rows1, didx1, ssem1)
    gather_wait(last, rows0, gsem0)
    dload_wait(last, didx0, lsem0)
    scat(rows0, didx0, ssem0)
    scat_wait(rows0, didx0, ssem0)
    plsc.subcore_barrier()
    pltpu.sync_copy(
        acc.at[pl.ds(s * RPT, RPT)], out_hbm.at[c, pl.ds(s * RPT, RPT)]
    )


@functools.lru_cache(maxsize=None)
def _get_sc_kernels():
    mesh = plsc.VectorSubcoreMesh(
        core_axis_name="c", subcore_axis_name="s",
        num_cores=NC, num_subcores=NS,
    )
    sc_deg = pl.kernel(
        _sc_deg_body,
        out_type=jax.ShapeDtypeStruct((NC, NPAD), jnp.float32),
        mesh=mesh,
        scratch_types=[
            pltpu.VMEM_SHARED((NPAD,), jnp.float32),
            pltpu.VMEM((SEG, CH), jnp.int32),
            pltpu.VMEM((SEG, CH), jnp.int32),
            pltpu.VMEM((CH,), jnp.float32),
            pltpu.VMEM((ZD,), jnp.float32),
            pltpu.SemaphoreType.DMA,
            pltpu.SemaphoreType.DMA,
            pltpu.SemaphoreType.DMA,
        ],
    )
    sc_pass = pl.kernel(
        _sc_pass_body,
        out_type=jax.ShapeDtypeStruct((NC, NPAD, D), jnp.float32),
        mesh=mesh,
        scratch_types=[
            pltpu.VMEM_SHARED((NPAD, D), jnp.float32),
            pltpu.VMEM((NCHUNK, CH), jnp.int32),
            pltpu.VMEM((CH,), jnp.int32),
            pltpu.VMEM((CH,), jnp.int32),
            pltpu.VMEM((CH, D), jnp.float32),
            pltpu.VMEM((CH, D), jnp.float32),
            pltpu.SemaphoreType.DMA,
            pltpu.SemaphoreType.DMA,
            pltpu.SemaphoreType.DMA,
            pltpu.SemaphoreType.DMA,
            pltpu.SemaphoreType.DMA,
            pltpu.SemaphoreType.DMA,
        ],
    )
    return sc_deg, sc_pass


RB = 2048
GRID = NPAD // RB
_CT = (((1,), (1,)), ((), ()))
_F32 = jnp.float32


def _tc_l1_body(x_ref, wli_ref, bli_ref, wlos_ref, blos_ref, l1_ref):
    x = x_ref[...]
    t = lax.dot_general(x, wli_ref[...], _CT, preferred_element_type=_F32)
    t = jnp.maximum(t + bli_ref[...][None, :], 0.0)
    wlos = wlos_ref[...]
    l1_ref[...] = (
        lax.dot_general(x, wlos[:, :D], _CT, preferred_element_type=_F32)
        + lax.dot_general(t, wlos[:, D:], _CT, preferred_element_type=_F32)
        + blos_ref[...][None, :]
    )


_tc_l1 = pl.pallas_call(
    _tc_l1_body,
    grid=(GRID,),
    in_specs=[
        pl.BlockSpec((RB, D), lambda b: (b, 0)),
        pl.BlockSpec((2 * D, D), lambda b: (0, 0)),
        pl.BlockSpec((2 * D,), lambda b: (0,)),
        pl.BlockSpec((D, 3 * D), lambda b: (0, 0)),
        pl.BlockSpec((D,), lambda b: (0,)),
    ],
    out_specs=pl.BlockSpec((RB, D), lambda b: (b, 0)),
    out_shape=jax.ShapeDtypeStruct((N, D), _F32),
)


def _tc_a_body(x_ref, dp_ref, wg1_ref, wg2_ref, zt_ref, dinv_ref):
    x = x_ref[...]
    deg = dp_ref[0] + dp_ref[1] + 1.0
    dinv = lax.rsqrt(deg)
    dinv_ref[...] = dinv
    wc = lax.dot_general(
        wg2_ref[...], wg1_ref[...], (((1,), (0,)), ((), ())),
        preferred_element_type=_F32,
    )
    zt_ref[...] = dinv[:, None] * lax.dot_general(
        x, wc, _CT, preferred_element_type=_F32
    )


_tc_a = pl.pallas_call(
    _tc_a_body,
    grid=(GRID,),
    in_specs=[
        pl.BlockSpec((RB, D), lambda b: (b, 0)),
        pl.BlockSpec((NC, RB), lambda b: (0, b)),
        pl.BlockSpec((2 * D, D), lambda b: (0, 0)),
        pl.BlockSpec((D, 2 * D), lambda b: (0, 0)),
    ],
    out_specs=[
        pl.BlockSpec((RB, D), lambda b: (b, 0)),
        pl.BlockSpec((RB,), lambda b: (b,)),
    ],
    out_shape=[
        jax.ShapeDtypeStruct((N, D), _F32),
        jax.ShapeDtypeStruct((NPAD,), _F32),
    ],
)


def _tc_b_body(acc_ref, zt_ref, dinv_ref, wg2_ref, bg1_ref, zt2_ref):
    dinv = dinv_ref[...][:, None]
    cvec = lax.dot_general(
        bg1_ref[...][None, :], wg2_ref[...], _CT, preferred_element_type=_F32
    )
    y1p = dinv * (acc_ref[0] + acc_ref[1] + zt_ref[...]) + cvec
    zt2_ref[...] = dinv * y1p


_tc_b = pl.pallas_call(
    _tc_b_body,
    grid=(GRID,),
    in_specs=[
        pl.BlockSpec((NC, RB, D), lambda b: (0, b, 0)),
        pl.BlockSpec((RB, D), lambda b: (b, 0)),
        pl.BlockSpec((RB,), lambda b: (b,)),
        pl.BlockSpec((D, 2 * D), lambda b: (0, 0)),
        pl.BlockSpec((2 * D,), lambda b: (0,)),
    ],
    out_specs=pl.BlockSpec((RB, D), lambda b: (b, 0)),
    out_shape=jax.ShapeDtypeStruct((N, D), _F32),
)


def _tc_c_body(acc_ref, zt2_ref, dinv_ref, xn_ref, wlo_ref, blo_ref,
               bg2_ref, x2_ref):
    dinv = dinv_ref[...][:, None]
    g2 = dinv * (acc_ref[0] + acc_ref[1] + zt2_ref[...]) + bg2_ref[...][None, :]
    wlo = wlo_ref[...]
    x2_ref[...] = (
        lax.dot_general(xn_ref[...], wlo[:, :D], _CT, preferred_element_type=_F32)
        + lax.dot_general(g2, wlo[:, D:], _CT, preferred_element_type=_F32)
        + blo_ref[...][None, :]
    )


_tc_c = pl.pallas_call(
    _tc_c_body,
    grid=(GRID,),
    in_specs=[
        pl.BlockSpec((NC, RB, D), lambda b: (0, b, 0)),
        pl.BlockSpec((RB, D), lambda b: (b, 0)),
        pl.BlockSpec((RB,), lambda b: (b,)),
        pl.BlockSpec((RB, D), lambda b: (b, 0)),
        pl.BlockSpec((D, 2 * D), lambda b: (0, 0)),
        pl.BlockSpec((D,), lambda b: (0,)),
        pl.BlockSpec((D,), lambda b: (0,)),
    ],
    out_specs=pl.BlockSpec((RB, D), lambda b: (b, 0)),
    out_shape=jax.ShapeDtypeStruct((N, D), _F32),
)


def kernel(x_self, x_neighbor, edge_index, W_lin_in, b_lin_in, W_los, b_los,
           W_g1, b_g1, W_g2, b_g2, W_lo, b_lo):
    _sc_deg, _sc_pass = _get_sc_kernels()
    ei4 = edge_index.reshape(2, NW, NCHUNK, CH)
    ei5 = edge_index.reshape(2, NW, NSEG, SEG, CH)
    dst1 = ei4[1].reshape(E)
    deg_part = _sc_deg(ei5)
    l1 = _tc_l1(x_self, W_lin_in, b_lin_in, W_los, b_los)
    zt, dinv = _tc_a(x_self, deg_part, W_g1, W_g2)
    acc1 = _sc_pass(zt, ei4, dst1)
    zt2 = _tc_b(acc1, zt, dinv, W_g2, b_g1)
    acc2 = _sc_pass(zt2, ei4, dst1)
    x2 = _tc_c(acc2, zt2, dinv, x_neighbor, W_lo, b_lo, b_g2)
    return (l1, x2)

# --- scband reference (transcript-rebuilt; emitter-appended) ---
"""Pipeline reference for scband-linear-encoder-45148696215964 (READ-ONLY COPY).

The authoritative reference and input builder live on the scoring server;
editing this copy changes nothing except your own understanding.
"""

import jax, jax.numpy as jnp
import numpy as np

N = 10000
E = 320000
D_SELF = 128
D_AGG = 128
OUT = 128


def setup_inputs(seed: int = 0) -> dict:
    key = jax.random.key(seed)
    ks = jax.random.split(key, 16)
    inp = {}
    inp["x_self"] = jax.random.normal(ks[0], (N, D_SELF), dtype=jnp.float32)
    inp["x_neighbor"] = jax.random.normal(ks[1], (N, D_AGG), dtype=jnp.float32)
    inp["edge_index"] = jax.random.randint(ks[2], (2, E), 0, N, dtype=jnp.int32)
    # linear_in_self: Linear(D_SELF, 2*OUT)
    inp["W_lin_in"] = jax.random.normal(ks[3], (2 * OUT, D_SELF), dtype=jnp.float32) * (1.0 / np.sqrt(D_SELF))
    inp["b_lin_in"] = jnp.zeros((2 * OUT,), dtype=jnp.float32)
    # linear_out_self: Linear(D_SELF + 2*OUT, OUT)
    inp["W_los"] = jax.random.normal(ks[4], (OUT, D_SELF + 2 * OUT), dtype=jnp.float32) * (1.0 / np.sqrt(D_SELF + 2 * OUT))
    inp["b_los"] = jnp.zeros((OUT,), dtype=jnp.float32)
    # gcn1: GCNConv(D_SELF, 2*OUT)
    inp["W_g1"] = jax.random.normal(ks[5], (2 * OUT, D_SELF), dtype=jnp.float32) * (1.0 / np.sqrt(D_SELF))
    inp["b_g1"] = jnp.zeros((2 * OUT,), dtype=jnp.float32)
    # gcn2: GCNConv(2*OUT, OUT)
    inp["W_g2"] = jax.random.normal(ks[6], (OUT, 2 * OUT), dtype=jnp.float32) * (1.0 / np.sqrt(2 * OUT))
    inp["b_g2"] = jnp.zeros((OUT,), dtype=jnp.float32)
    # linear_out: Linear(D_AGG + OUT, OUT)
    inp["W_lo"] = jax.random.normal(ks[7], (OUT, D_AGG + OUT), dtype=jnp.float32) * (1.0 / np.sqrt(D_AGG + OUT))
    inp["b_lo"] = jnp.zeros((OUT,), dtype=jnp.float32)
    return inp


def gcn_conv(x, edge_index, W, b, num_nodes):
    # Faithful to PyG GCNConv default: lin -> add self-loops -> sym-normalized scatter-add -> + bias
    h = x @ W.T
    src = edge_index[0]
    dst = edge_index[1]
    loop = jnp.arange(num_nodes, dtype=edge_index.dtype)
    src = jnp.concatenate([src, loop])
    dst = jnp.concatenate([dst, loop])
    deg = jnp.zeros((num_nodes,), dtype=h.dtype).at[dst].add(1.0)
    deg_inv_sqrt = jnp.where(deg > 0, deg ** -0.5, 0.0)
    norm = deg_inv_sqrt[src] * deg_inv_sqrt[dst]
    msg = h[src] * norm[:, None]
    out = jnp.zeros((num_nodes, h.shape[1]), dtype=h.dtype).at[dst].add(msg)
    return out + b


def reference(x_self, x_neighbor, edge_index, W_lin_in, b_lin_in, W_los, b_los, W_g1, b_g1, W_g2, b_g2, W_lo, b_lo):
    num_nodes = x_self.shape[0]
    l1 = jax.nn.relu(x_self @ W_lin_in.T + b_lin_in)
    l1 = jnp.concatenate((x_self, l1), axis=1)
    l1 = l1 @ W_los.T + b_los
    g1 = gcn_conv(x_self, edge_index, W_g1, b_g1, num_nodes)
    g2 = gcn_conv(g1, edge_index, W_g2, b_g2, num_nodes)
    x2 = jnp.concatenate((x_neighbor, g2), axis=1)
    x2 = x2 @ W_lo.T + b_lo
    return (l1, x2)

if __name__ == "__main__":
    import jax
    _d = setup_inputs()
    print(jax.jit(kernel)(*tuple(_d.values())))

</pallas_src>

<mosaic_0001>
#map = affine_map<(d0, d1) -> (0, 0, 0, 0, 0)>
#map1 = affine_map<(d0, d1) -> (0, 0)>
module attributes {stable_mosaic.version = 14 : i64} {
  func.func @_sc_deg_body(%arg0: i32, %arg1: i32, %arg2: memref<2x32x5x25x80xi32, #tpu.memory_space<hbm>>, %arg3: memref<2x10240xf32, #tpu.memory_space<hbm>>, %arg4: memref<10240xf32, #tpu.memory_space<vmem_shared>>, %arg5: memref<25x80xi32, #tpu.memory_space<vmem>>, %arg6: memref<25x80xi32, #tpu.memory_space<vmem>>, %arg7: memref<80xf32, #tpu.memory_space<vmem>>, %arg8: memref<640xf32, #tpu.memory_space<vmem>>, %arg9: memref<!tpu.dma_semaphore, #tpu.memory_space<semaphore_mem>>, %arg10: memref<!tpu.dma_semaphore, #tpu.memory_space<semaphore_mem>>, %arg11: memref<!tpu.dma_semaphore, #tpu.memory_space<semaphore_mem>>) attributes {dimension_semantics = [#tpu.dimension_semantics<core_parallel>, #tpu.dimension_semantics<subcore_parallel>], iteration_bounds = array<i64: 2, 16>, scalar_prefetch = 0 : i64, scratch_operands = 8 : i64, tpu.core_type = #tpu.core_type<sc_vector_subcore>, window_params = [{transform_indices = #map}, {transform_indices = #map1}]} {
    %mul3A = arith.constant 2 : i32
    %mul3A_0 = arith.muli %arg1, %mul3A : i32
    %add3A = arith.addi %mul3A_0, %arg0 : i32
    %broadcast_in_dim3A = arith.constant 1.000000e+00 : f32
    %broadcast_in_dim3A_1 = vector.broadcast %broadcast_in_dim3A : f32 to vector<16xf32>
    %swap3A = arith.constant 0 : index
    %swap3A_2 = tpu.vector_load %arg7[%swap3A] {strides = array<i32>} : memref<80xf32, #tpu.memory_space<vmem>>, vector<16xf32>,
    %swap3A_3 = vector.shape_cast %swap3A_2 : vector<16xf32> to vector<16xf32>
    %swap3A_4 = vector.shape_cast %broadcast_in_dim3A_1 : vector<16xf32> to vector<16xf32>
    tpu.vector_store %arg7[%swap3A], %swap3A_4 {strides = array<i32>} : memref<80xf32, #tpu.memory_space<vmem>>, vector<16xf32>,
    %broadcast_in_dim3A_5 = arith.constant 1.000000e+00 : f32
    %broadcast_in_dim3A_6 = vector.broadcast %broadcast_in_dim3A_5 : f32 to vector<16xf32>
    %swap3A_7 = arith.constant 16 : index
    %swap3A_8 = tpu.vector_load %arg7[%swap3A_7] {strides = array<i32>} : memref<80xf32, #tpu.memory_space<vmem>>, vector<16xf32>,
    %swap3A_9 = vector.shape_cast %swap3A_8 : vector<16xf32> to vector<16xf32>
    %swap3A_10 = vector.shape_cast %broadcast_in_dim3A_6 : vector<16xf32> to vector<16xf32>
    tpu.vector_store %arg7[%swap3A_7], %swap3A_10 {strides = array<i32>} : memref<80xf32, #tpu.memory_space<vmem>>, vector<16xf32>,
    %broadcast_in_dim3A_11 = arith.constant 1.000000e+00 : f32
    %broadcast_in_dim3A_12 = vector.broadcast %broadcast_in_dim3A_11 : f32 to vector<16xf32>
    %swap3A_13 = arith.constant 32 : index
    %swap3A_14 = tpu.vector_load %arg7[%swap3A_13] {strides = array<i32>} : memref<80xf32, #tpu.memory_space<vmem>>, vector<16xf32>,
    %swap3A_15 = vector.shape_cast %swap3A_14 : vector<16xf32> to vector<16xf32>
    %swap3A_16 = vector.shape_cast %broadcast_in_dim3A_12 : vector<16xf32> to vector<16xf32>
    tpu.vector_store %arg7[%swap3A_13], %swap3A_16 {strides = array<i32>} : memref<80xf32, #tpu.memory_space<vmem>>, vector<16xf32>,
    %broadcast_in_dim3A_17 = arith.constant 1.000000e+00 : f32
    %broadcast_in_dim3A_18 = vector.broadcast %broadcast_in_dim3A_17 : f32 to vector<16xf32>
    %swap3A_19 = arith.constant 48 : index
    %swap3A_20 = tpu.vector_load %arg7[%swap3A_19] {strides = array<i32>} : memref<80xf32, #tpu.memory_space<vmem>>, vector<16xf32>,
    %swap3A_21 = vector.shape_cast %swap3A_20 : vector<16xf32> to vector<16xf32>
    %swap3A_22 = vector.shape_cast %broadcast_in_dim3A_18 : vector<16xf32> to vector<16xf32>
    tpu.vector_store %arg7[%swap3A_19], %swap3A_22 {strides = array<i32>} : memref<80xf32, #tpu.memory_space<vmem>>, vector<16xf32>,
    %broadcast_in_dim3A_23 = arith.constant 1.000000e+00 : f32
    %broadcast_in_dim3A_24 = vector.broadcast %broadcast_in_dim3A_23 : f32 to vector<16xf32>
    %swap3A_25 = arith.constant 64 : index
    %swap3A_26 = tpu.vector_load %arg7[%swap3A_25] {strides = array<i32>} : memref<80xf32, #tpu.memory_space<vmem>>, vector<16xf32>,
    %swap3A_27 = vector.shape_cast %swap3A_26 : vector<16xf32> to vector<16xf32>
    %swap3A_28 = vector.shape_cast %broadcast_in_dim3A_24 : vector<16xf32> to vector<16xf32>
    tpu.vector_store %arg7[%swap3A_25], %swap3A_28 {strides = array<i32>} : memref<80xf32, #tpu.memory_space<vmem>>, vector<16xf32>,
    %broadcast_in_dim3A_29 = arith.constant 0.000000e+00 : f32
    %broadcast_in_dim3A_30 = vector.broadcast %broadcast_in_dim3A_29 : f32 to vector<16xf32>
    %swap3A_31 = arith.constant 0 : index
    %swap3A_32 = tpu.vector_load %arg8[%swap3A_31] {strides = array<i32>} : memref<640xf32, #tpu.memory_space<vmem>>, vector<16xf32>,
    %swap3A_33 = vector.shape_cast %swap3A_32 : vector<16xf32> to vector<16xf32>
    %swap3A_34 = vector.shape_cast %broadcast_in_dim3A_30 : vector<16xf32> to vector<16xf32>
    tpu.vector_store %arg8[%swap3A_31], %swap3A_34 {strides = array<i32>} : memref<640xf32, #tpu.memory_space<vmem>>, vector<16xf32>,
    %broadcast_in_dim3A_35 = arith.constant 0.000000e+00 : f32
    %broadcast_in_dim3A_36 = vector.broadcast %broadcast_in_dim3A_35 : f32 to vector<16xf32>
    %swap3A_37 = arith.constant 16 : index
    %swap3A_38 = tpu.vector_load %arg8[%swap3A_37] {strides = array<i32>} : memref<640xf32, #tpu.memory_space<vmem>>, vector<16xf32>,
    %swap3A_39 = vector.shape_cast %swap3A_38 : vector<16xf32> to vector<16xf32>
    %swap3A_40 = vector.shape_cast %broadcast_in_dim3A_36 : vector<16xf32> to vector<16xf32>
    tpu.vector_store %arg8[%swap3A_37], %swap3A_40 {strides = array<i32>} : memref<640xf32, #tpu.memory_space<vmem>>, vector<16xf32>,
    %broadcast_in_dim3A_41 = arith.constant 0.000000e+00 : f32
    %broadcast_in_dim3A_42 = vector.broadcast %broadcast_in_dim3A_41 : f32 to vector<16xf32>
    %swap3A_43 = arith.constant 32 : index
    %swap3A_44 = tpu.vector_load %arg8[%swap3A_43] {strides = array<i32>} : memref<640xf32, #tpu.memory_space<vmem>>, vector<16xf32>,
    %swap3A_45 = vector.shape_cast %swap3A_44 : vector<16xf32> to vector<16xf32>
    %swap3A_46 = vector.shape_cast %broadcast_in_dim3A_42 : vector<16xf32> to vector<16xf32>
    tpu.vector_store %arg8[%swap3A_43], %swap3A_46 {strides = array<i32>} : memref<640xf32, #tpu.memory_space<vmem>>, vector<16xf32>,
    %broadcast_in_dim3A_47 = arith.constant 0.000000e+00 : f32
    %broadcast_in_dim3A_48 = vector.broadcast %broadcast_in_dim3A_47 : f32 to vector<16xf32>
    %swap3A_49 = arith.constant 48 : index
    %swap3A_50 = tpu.vector_load %arg8[%swap3A_49] {strides = array<i32>} : memref<640xf32, #tpu.memory_space<vmem>>, vector<16xf32>,
    %swap3A_51 = vector.shape_cast %swap3A_50 : vector<16xf32> to vector<16xf32>
    %swap3A_52 = vector.shape_cast %broadcast_in_dim3A_48 : vector<16xf32> to vector<16xf32>
    tpu.vector_store %arg8[%swap3A_49], %swap3A_52 {strides = array<i32>} : memref<640xf32, #tpu.memory_space<vmem>>, vector<16xf32>,
    %broadcast_in_dim3A_53 = arith.constant 0.000000e+00 : f32
    %broadcast_in_dim3A_54 = vector.broadcast %broadcast_in_dim3A_53 : f32 to vector<16xf32>
    %swap3A_55 = arith.constant 64 : index
    %swap3A_56 = tpu.vector_load %arg8[%swap3A_55] {strides = array<i32>} : memref<640xf32, #tpu.memory_space<vmem>>, vector<16xf32>,
    %swap3A_57 = vector.shape_cast %swap3A_56 : vector<16xf32> to vector<16xf32>
    %swap3A_58 = vector.shape_cast %broadcast_in_dim3A_54 : vector<16xf32> to vector<16xf32>
    tpu.vector_store %arg8[%swap3A_55], %swap3A_58 {strides = array<i32>} : memref<640xf32, #tpu.memory_space<vmem>>, vector<16xf32>,
    %broadcast_in_dim3A_59 = arith.constant 0.000000e+00 : f32
    %broadcast_in_dim3A_60 = vector.broadcast %broadcast_in_dim3A_59 : f32 to vector<16xf32>
    %swap3A_61 = arith.constant 80 : index
    %swap3A_62 = tpu.vector_load %arg8[%swap3A_61] {strides = array<i32>} : memref<640xf32, #tpu.memory_space<vmem>>, vector<16xf32>,
    %swap3A_63 = vector.shape_cast %swap3A_62 : vector<16xf32> to vector<16xf32>
    %swap3A_64 = vector.shape_cast %broadcast_in_dim3A_60 : vector<16xf32> to vector<16xf32>
    tpu.vector_store %arg8[%swap3A_61], %swap3A_64 {strides = array<i32>} : memref<640xf32, #tpu.memory_space<vmem>>, vector<16xf32>,
    %broadcast_in_dim3A_65 = arith.constant 0.000000e+00 : f32
    %broadcast_in_dim3A_66 = vector.broadcast %broadcast_in_dim3A_65 : f32 to vector<16xf32>
    %swap3A_67 = arith.constant 96 : index
    %swap3A_68 = tpu.vector_load %arg8[%swap3A_67] {strides = array<i32>} : memref<640xf32, #tpu.memory_space<vmem>>, vector<16xf32>,
    %swap3A_69 = vector.shape_cast %swap3A_68 : vector<16xf32> to vector<16xf32>
    %swap3A_70 = vector.shape_cast %broadcast_in_dim3A_66 : vector<16xf32> to vector<16xf32>
    tpu.vector_store %arg8[%swap3A_67], %swap3A_70 {strides = array<i32>} : memref<640xf32, #tpu.memory_space<vmem>>, vector<16xf32>,
    %broadcast_in_dim3A_71 = arith.constant 0.000000e+00 : f32
    %broadcast_in_dim3A_72 = vector.broadcast %broadcast_in_dim3A_71 : f32 to vector<16xf32>
    %swap3A_73 = arith.constant 112 : index
    %swap3A_74 = tpu.vector_load %arg8[%swap3A_73] {strides = array<i32>} : memref<640xf32, #tpu.memory_space<vmem>>, vector<16xf32>,
    %swap3A_75 = vector.shape_cast %swap3A_74 : vector<16xf32> to vector<16xf32>
    %swap3A_76 = vector.shape_cast %broadcast_in_dim3A_72 : vector<16xf32> to vector<16xf32>
    tpu.vector_store %arg8[%swap3A_73], %swap3A_76 {strides = array<i32>} : memref<640xf32, #tpu.memory_space<vmem>>, vector<16xf32>,
    %broadcast_in_dim3A_77 = arith.constant 0.000000e+00 : f32
    %broadcast_in_dim3A_78 = vector.broadcast %broadcast_in_dim3A_77 : f32 to vector<16xf32>
    %swap3A_79 = arith.constant 128 : index
    %swap3A_80 = tpu.vector_load %arg8[%swap3A_79] {strides = array<i32>} : memref<640xf32, #tpu.memory_space<vmem>>, vector<16xf32>,
    %swap3A_81 = vector.shape_cast %swap3A_80 : vector<16xf32> to vector<16xf32>
    %swap3A_82 = vector.shape_cast %broadcast_in_dim3A_78 : vector<16xf32> to vector<16xf32>
    tpu.vector_store %arg8[%swap3A_79], %swap3A_82 {strides = array<i32>} : memref<640xf32, #tpu.memory_space<vmem>>, vector<16xf32>,
    %broadcast_in_dim3A_83 = arith.constant 0.000000e+00 : f32
    %broadcast_in_dim3A_84 = vector.broadcast %broadcast_in_dim3A_83 : f32 to vector<16xf32>
    %swap3A_85 = arith.constant 144 : index
    %swap3A_86 = tpu.vector_load %arg8[%swap3A_85] {strides = array<i32>} : memref<640xf32, #tpu.memory_space<vmem>>, vector<16xf32>,
    %swap3A_87 = vector.shape_cast %swap3A_86 : vector<16xf32> to vector<16xf32>
    %swap3A_88 = vector.shape_cast %broadcast_in_dim3A_84 : vector<16xf32> to vector<16xf32>
    tpu.vector_store %arg8[%swap3A_85], %swap3A_88 {strides = array<i32>} : memref<640xf32, #tpu.memory_space<vmem>>, vector<16xf32>,
    %broadcast_in_dim3A_89 = arith.constant 0.000000e+00 : f32
    %broadcast_in_dim3A_90 = vector.broadcast %broadcast_in_dim3A_89 : f32 to vector<16xf32>
    %swap3A_91 = arith.constant 160 : index
    %swap3A_92 = tpu.vector_load %arg8[%swap3A_91] {strides = array<i32>} : memref<640xf32, #tpu.memory_space<vmem>>, vector<16xf32>,
    %swap3A_93 = vector.shape_cast %swap3A_92 : vector<16xf32> to vector<16xf32>
    %swap3A_94 = vector.shape_cast %broadcast_in_dim3A_90 : vector<16xf32> to vector<16xf32>
    tpu.vector_store %arg8[%swap3A_91], %swap3A_94 {strides = array<i32>} : memref<640xf32, #tpu.memory_space<vmem>>, vector<16xf32>,
    %broadcast_in_dim3A_95 = arith.constant 0.000000e+00 : f32
    %broadcast_in_dim3A_96 = vector.broadcast %broadcast_in_dim3A_95 : f32 to vector<16xf32>
    %swap3A_97 = arith.constant 176 : index
    %swap3A_98 = tpu.vector_load %arg8[%swap3A_97] {strides = array<i32>} : memref<640xf32, #tpu.memory_space<vmem>>, vector<16xf32>,
    %swap3A_99 = vector.shape_cast %swap3A_98 : vector<16xf32> to vector<16xf32>
    %swap3A_100 = vector.shape_cast %broadcast_in_dim3A_96 : vector<16xf32> to vector<16xf32>
    tpu.vector_store %arg8[%swap3A_97], %swap3A_100 {strides = array<i32>} : memref<640xf32, #tpu.memory_space<vmem>>, vector<16xf32>,
    %broadcast_in_dim3A_101 = arith.constant 0.000000e+00 : f32
    %broadcast_in_dim3A_102 = vector.broadcast %broadcast_in_dim3A_101 : f32 to vector<16xf32>
    %swap3A_103 = arith.constant 192 : index
    %swap3A_104 = tpu.vector_load %arg8[%swap3A_103] {strides = array<i32>} : memref<640xf32, #tpu.memory_space<vmem>>, vector<16xf32>,
    %swap3A_105 = vector.shape_cast %swap3A_104 : vector<16xf32> to vector<16xf32>
    %swap3A_106 = vector.shape_cast %broadcast_in_dim3A_102 : vector<16xf32> to vector<16xf32>
    tpu.vector_store %arg8[%swap3A_103], %swap3A_106 {strides = array<i32>} : memref<640xf32, #tpu.memory_space<vmem>>, vector<16xf32>,
    %broadcast_in_dim3A_107 = arith.constant 0.000000e+00 : f32
    %broadcast_in_dim3A_108 = vector.broadcast %broadcast_in_dim3A_107 : f32 to vector<16xf32>
    %swap3A_109 = arith.constant 208 : index
    %swap3A_110 = tpu.vector_load %arg8[%swap3A_109] {strides = array<i32>} : memref<640xf32, #tpu.memory_space<vmem>>, vector<16xf32>,
    %swap3A_111 = vector.shape_cast %swap3A_110 : vector<16xf32> to vector<16xf32>
    %swap3A_112 = vector.shape_cast %broadcast_in_dim3A_108 : vector<16xf32> to vector<16xf32>
    tpu.vector_store %arg8[%swap3A_109], %swap3A_112 {strides = array<i32>} : memref<640xf32, #tpu.memory_space<vmem>>, vector<16xf32>,
    %broadcast_in_dim3A_113 = arith.constant 0.000000e+00 : f32
    %broadcast_in_dim3A_114 = vector.broadcast %broadcast_in_dim3A_113 : f32 to vector<16xf32>
    %swap3A_115 = arith.constant 224 : index
    %swap3A_116 = tpu.vector_load %arg8[%swap3A_115] {strides = array<i32>} : memref<640xf32, #tpu.memory_space<vmem>>, vector<16xf32>,
    %swap3A_117 = vector.shape_cast %swap3A_116 : vector<16xf32> to vector<16xf32>
    %swap3A_118 = vector.shape_cast %broadcast_in_dim3A_114 : vector<16xf32> to vector<16xf32>
    tpu.vector_store %arg8[%swap3A_115], %swap3A_118 {strides = array<i32>} : memref<640xf32, #tpu.memory_space<vmem>>, vector<16xf32>,
    %broadcast_in_dim3A_119 = arith.constant 0.000000e+00 : f32
    %broadcast_in_dim3A_120 = vector.broadcast %broadcast_in_dim3A_119 : f32 to vector<16xf32>
    %swap3A_121 = arith.constant 240 : index
    %swap3A_122 = tpu.vector_load %arg8[%swap3A_121] {strides = array<i32>} : memref<640xf32, #tpu.memory_space<vmem>>, vector<16xf32>,
    %swap3A_123 = vector.shape_cast %swap3A_122 : vector<16xf32> to vector<16xf32>
    %swap3A_124 = vector.shape_cast %broadcast_in_dim3A_120 : vector<16xf32> to vector<16xf32>
    tpu.vector_store %arg8[%swap3A_121], %swap3A_124 {strides = array<i32>} : memref<640xf32, #tpu.memory_space<vmem>>, vector<16xf32>,
    %broadcast_in_dim3A_125 = arith.constant 0.000000e+00 : f32
    %broadcast_in_dim3A_126 = vector.broadcast %broadcast_in_dim3A_125 : f32 to vector<16xf32>
    %swap3A_127 = arith.constant 256 : index
    %swap3A_128 = tpu.vector_load %arg8[%swap3A_127] {strides = array<i32>} : memref<640xf32, #tpu.memory_space<vmem>>, vector<16xf32>,
    %swap3A_129 = vector.shape_cast %swap3A_128 : vector<16xf32> to vector<16xf32>
    %swap3A_130 = vector.shape_cast %broadcast_in_dim3A_126 : vector<16xf32> to vector<16xf32>
    tpu.vector_store %arg8[%swap3A_127], %swap3A_130 {strides = array<i32>} : memref<640xf32, #tpu.memory_space<vmem>>, vector<16xf32>,
    %broadcast_in_dim3A_131 = arith.constant 0.000000e+00 : f32
    %broadcast_in_dim3A_132 = vector.broadcast %broadcast_in_dim3A_131 : f32 to vector<16xf32>
    %swap3A_133 = arith.constant 272 : index
    %swap3A_134 = tpu.vector_load %arg8[%swap3A_133] {strides = array<i32>} : memref<640xf32, #tpu.memory_space<vmem>>, vector<16xf32>,
    %swap3A_135 = vector.shape_cast %swap3A_134 : vector<16xf32> to vector<16xf32>
    %swap3A_136 = vector.shape_cast %broadcast_in_dim3A_132 : vector<16xf32> to vector<16xf32>
    tpu.vector_store %arg8[%swap3A_133], %swap3A_136 {strides = array<i32>} : memref<640xf32, #tpu.memory_space<vmem>>, vector<16xf32>,
    %broadcast_in_dim3A_137 = arith.constant 0.000000e+00 : f32
    %broadcast_in_dim3A_138 = vector.broadcast %broadcast_in_dim3A_137 : f32 to vector<16xf32>
    %swap3A_139 = arith.constant 288 : index
    %swap3A_140 = tpu.vector_load %arg8[%swap3A_139] {strides = array<i32>} : memref<640xf32, #tpu.memory_space<vmem>>, vector<16xf32>,
    %swap3A_141 = vector.shape_cast %swap3A_140 : vector<16xf32> to vector<16xf32>
    %swap3A_142 = vector.shape_cast %broadcast_in_dim3A_138 : vector<16xf32> to vector<16xf32>
    tpu.vector_store %arg8[%swap3A_139], %swap3A_142 {strides = array<i32>} : memref<640xf32, #tpu.memory_space<vmem>>, vector<16xf32>,
    %broadcast_in_dim3A_143 = arith.constant 0.000000e+00 : f32
    %broadcast_in_dim3A_144 = vector.broadcast %broadcast_in_dim3A_143 : f32 to vector<16xf32>
    %swap3A_145 = arith.constant 304 : index
    %swap3A_146 = tpu.vector_load %arg8[%swap3A_145] {strides = array<i32>} : memref<640xf32, #tpu.memory_space<vmem>>, vector<16xf32>,
    %swap3A_147 = vector.shape_cast %swap3A_146 : vector<16xf32> to vector<16xf32>
    %swap3A_148 = vector.shape_cast %broadcast_in_dim3A_144 : vector<16xf32> to vector<16xf32>
    tpu.vector_store %arg8[%swap3A_145], %swap3A_148 {strides = array<i32>} : memref<640xf32, #tpu.memory_space<vmem>>, vector<16xf32>,
    %broadcast_in_dim3A_149 = arith.constant 0.000000e+00 : f32
    %broadcast_in_dim3A_150 = vector.broadcast %broadcast_in_dim3A_149 : f32 to vector<16xf32>
    %swap3A_151 = arith.constant 320 : index
    %swap3A_152 = tpu.vector_load %arg8[%swap3A_151] {strides = array<i32>} : memref<640xf32, #tpu.memory_space<vmem>>, vector<16xf32>,
    %swap3A_153 = vector.shape_cast %swap3A_152 : vector<16xf32> to vector<16xf32>
    %swap3A_154 = vector.shape_cast %broadcast_in_dim3A_150 : vector<16xf32> to vector<16xf32>
    tpu.vector_store %arg8[%swap3A_151], %swap3A_154 {strides = array<i32>} : memref<640xf32, #tpu.memory_space<vmem>>, vector<16xf32>,
    %broadcast_in_dim3A_155 = arith.constant 0.000000e+00 : f32
    %broadcast_in_dim3A_156 = vector.broadcast %broadcast_in_dim3A_155 : f32 to vector<16xf32>
    %swap3A_157 = arith.constant 336 : index
    %swap3A_158 = tpu.vector_load %arg8[%swap3A_157] {strides = array<i32>} : memref<640xf32, #tpu.memory_space<vmem>>, vector<16xf32>,
    %swap3A_159 = vector.shape_cast %swap3A_158 : vector<16xf32> to vector<16xf32>
    %swap3A_160 = vector.shape_cast %broadcast_in_dim3A_156 : vector<16xf32> to vector<16xf32>
    tpu.vector_store %arg8[%swap3A_157], %swap3A_160 {strides = array<i32>} : memref<640xf32, #tpu.memory_space<vmem>>, vector<16xf32>,
    %broadcast_in_dim3A_161 = arith.constant 0.000000e+00 : f32
    %broadcast_in_dim3A_162 = vector.broadcast %broadcast_in_dim3A_161 : f32 to vector<16xf32>
    %swap3A_163 = arith.constant 352 : index
    %swap3A_164 = tpu.vector_load %arg8[%swap3A_163] {strides = array<i32>} : memref<640xf32, #tpu.memory_space<vmem>>, vector<16xf32>,
    %swap3A_165 = vector.shape_cast %swap3A_164 : vector<16xf32> to vector<16xf32>
    %swap3A_166 = vector.shape_cast %broadcast_in_dim3A_162 : vector<16xf32> to vector<16xf32>
    tpu.vector_store %arg8[%swap3A_163], %swap3A_166 {strides = array<i32>} : memref<640xf32, #tpu.memory_space<vmem>>, vector<16xf32>,
    %broadcast_in_dim3A_167 = arith.constant 0.000000e+00 : f32
    %broadcast_in_dim3A_168 = vector.broadcast %broadcast_in_dim3A_167 : f32 to vector<16xf32>
    %swap3A_169 = arith.constant 368 : index
    %swap3A_170 = tpu.vector_load %arg8[%swap3A_169] {strides = array<i32>} : memref<640xf32, #tpu.memory_space<vmem>>, vector<16xf32>,
    %swap3A_171 = vector.shape_cast %swap3A_170 : vector<16xf32> to vector<16xf32>
    %swap3A_172 = vector.shape_cast %broadcast_in_dim3A_168 : vector<16xf32> to vector<16xf32>
    tpu.vector_store %arg8[%swap3A_169], %swap3A_172 {strides = array<i32>} : memref<640xf32, #tpu.memory_space<vmem>>, vector<16xf32>,
    %broadcast_in_dim3A_173 = arith.constant 0.000000e+00 : f32
    %broadcast_in_dim3A_174 = vector.broadcast %broadcast_in_dim3A_173 : f32 to vector<16xf32>
    %swap3A_175 = arith.constant 384 : index
    %swap3A_176 = tpu.vector_load %arg8[%swap3A_175] {strides = array<i32>} : memref<640xf32, #tpu.memory_space<vmem>>, vector<16xf32>,
    %swap3A_177 = vector.shape_cast %swap3A_176 : vector<16xf32> to vector<16xf32>
    %swap3A_178 = vector.shape_cast %broadcast_in_dim3A_174 : vector<16xf32> to vector<16xf32>
    tpu.vector_store %arg8[%swap3A_175], %swap3A_178 {strides = array<i32>} : memref<640xf32, #tpu.memory_space<vmem>>, vector<16xf32>,
    %broadcast_in_dim3A_179 = arith.constant 0.000000e+00 : f32
    %broadcast_in_dim3A_180 = vector.broadcast %broadcast_in_dim3A_179 : f32 to vector<16xf32>
    %swap3A_181 = arith.constant 400 : index
    %swap3A_182 = tpu.vector_load %arg8[%swap3A_181] {strides = array<i32>} : memref<640xf32, #tpu.memory_space<vmem>>, vector<16xf32>,
    %swap3A_183 = vector.shape_cast %swap3A_182 : vector<16xf32> to vector<16xf32>
    %swap3A_184 = vector.shape_cast %broadcast_in_dim3A_180 : vector<16xf32> to vector<16xf32>
    tpu.vector_store %arg8[%swap3A_181], %swap3A_184 {strides = array<i32>} : memref<640xf32, #tpu.memory_space<vmem>>, vector<16xf32>,
    %broadcast_in_dim3A_185 = arith.constant 0.000000e+00 : f32
    %broadcast_in_dim3A_186 = vector.broadcast %broadcast_in_dim3A_185 : f32 to vector<16xf32>
    %swap3A_187 = arith.constant 416 : index
    %swap3A_188 = tpu.vector_load %arg8[%swap3A_187] {strides = array<i32>} : memref<640xf32, #tpu.memory_space<vmem>>, vector<16xf32>,
    %swap3A_189 = vector.shape_cast %swap3A_188 : vector<16xf32> to vector<16xf32>
    %swap3A_190 = vector.shape_cast %broadcast_in_dim3A_186 : vector<16xf32> to vector<16xf32>
    tpu.vector_store %arg8[%swap3A_187], %swap3A_190 {strides = array<i32>} : memref<640xf32, #tpu.memory_space<vmem>>, vector<16xf32>,
    %broadcast_in_dim3A_191 = arith.constant 0.000000e+00 : f32
    %broadcast_in_dim3A_192 = vector.broadcast %broadcast_in_dim3A_191 : f32 to vector<16xf32>
    %swap3A_193 = arith.constant 432 : index
    %swap3A_194 = tpu.vector_load %arg8[%swap3A_193] {strides = array<i32>} : memref<640xf32, #tpu.memory_space<vmem>>, vector<16xf32>,
    %swap3A_195 = vector.shape_cast %swap3A_194 : vector<16xf32> to vector<16xf32>
    %swap3A_196 = vector.shape_cast %broadcast_in_dim3A_192 : vector<16xf32> to vector<16xf32>
    tpu.vector_store %arg8[%swap3A_193], %swap3A_196 {strides = array<i32>} : memref<640xf32, #tpu.memory_space<vmem>>, vector<16xf32>,
    %broadcast_in_dim3A_197 = arith.constant 0.000000e+00 : f32
    %broadcast_in_dim3A_198 = vector.broadcast %broadcast_in_dim3A_197 : f32 to vector<16xf32>
    %swap3A_199 = arith.constant 448 : index
    %swap3A_200 = tpu.vector_load %arg8[%swap3A_199] {strides = array<i32>} : memref<640xf32, #tpu.memory_space<vmem>>, vector<16xf32>,
    %swap3A_201 = vector.shape_cast %swap3A_200 : vector<16xf32> to vector<16xf32>
    %swap3A_202 = vector.shape_cast %broadcast_in_dim3A_198 : vector<16xf32> to vector<16xf32>
    tpu.vector_store %arg8[%swap3A_199], %swap3A_202 {strides = array<i32>} : memref<640xf32, #tpu.memory_space<vmem>>, vector<16xf32>,
    %broadcast_in_dim3A_203 = arith.constant 0.000000e+00 : f32
    %broadcast_in_dim3A_204 = vector.broadcast %broadcast_in_dim3A_203 : f32 to vector<16xf32>
    %swap3A_205 = arith.constant 464 : index
    %swap3A_206 = tpu.vector_load %arg8[%swap3A_205] {strides = array<i32>} : memref<640xf32, #tpu.memory_space<vmem>>, vector<16xf32>,
    %swap3A_207 = vector.shape_cast %swap3A_206 : vector<16xf32> to vector<16xf32>
    %swap3A_208 = vector.shape_cast %broadcast_in_dim3A_204 : vector<16xf32> to vector<16xf32>
    tpu.vector_store %arg8[%swap3A_205], %swap3A_208 {strides = array<i32>} : memref<640xf32, #tpu.memory_space<vmem>>, vector<16xf32>,
    %broadcast_in_dim3A_209 = arith.constant 0.000000e+00 : f32
    %broadcast_in_dim3A_210 = vector.broadcast %broadcast_in_dim3A_209 : f32 to vector<16xf32>
    %swap3A_211 = arith.constant 480 : index
    %swap3A_212 = tpu.vector_load %arg8[%swap3A_211] {strides = array<i32>} : memref<640xf32, #tpu.memory_space<vmem>>, vector<16xf32>,
    %swap3A_213 = vector.shape_cast %swap3A_212 : vector<16xf32> to vector<16xf32>
    %swap3A_214 = vector.shape_cast %broadcast_in_dim3A_210 : vector<16xf32> to vector<16xf32>
    tpu.vector_store %arg8[%swap3A_211], %swap3A_214 {strides = array<i32>} : memref<640xf32, #tpu.memory_space<vmem>>, vector<16xf32>,
    %broadcast_in_dim3A_215 = arith.constant 0.000000e+00 : f32
    %broadcast_in_dim3A_216 = vector.broadcast %broadcast_in_dim3A_215 : f32 to vector<16xf32>
    %swap3A_217 = arith.constant 496 : index
    %swap3A_218 = tpu.vector_load %arg8[%swap3A_217] {strides = array<i32>} : memref<640xf32, #tpu.memory_space<vmem>>, vector<16xf32>,
    %swap3A_219 = vector.shape_cast %swap3A_218 : vector<16xf32> to vector<16xf32>
    %swap3A_220 = vector.shape_cast %broadcast_in_dim3A_216 : vector<16xf32> to vector<16xf32>
    tpu.vector_store %arg8[%swap3A_217], %swap3A_220 {strides = array<i32>} : memref<640xf32, #tpu.memory_space<vmem>>, vector<16xf32>,
    %broadcast_in_dim3A_221 = arith.constant 0.000000e+00 : f32
    %broadcast_in_dim3A_222 = vector.broadcast %broadcast_in_dim3A_221 : f32 to vector<16xf32>
    %swap3A_223 = arith.constant 512 : index
    %swap3A_224 = tpu.vector_load %arg8[%swap3A_223] {strides = array<i32>} : memref<640xf32, #tpu.memory_space<vmem>>, vector<16xf32>,
    %swap3A_225 = vector.shape_cast %swap3A_224 : vector<16xf32> to vector<16xf32>
    %swap3A_226 = vector.shape_cast %broadcast_in_dim3A_222 : vector<16xf32> to vector<16xf32>
    tpu.vector_store %arg8[%swap3A_223], %swap3A_226 {strides = array<i32>} : memref<640xf32, #tpu.memory_space<vmem>>, vector<16xf32>,
    %broadcast_in_dim3A_227 = arith.constant 0.000000e+00 : f32
    %broadcast_in_dim3A_228 = vector.broadcast %broadcast_in_dim3A_227 : f32 to vector<16xf32>
    %swap3A_229 = arith.constant 528 : index
    %swap3A_230 = tpu.vector_load %arg8[%swap3A_229] {strides = array<i32>} : memref<640xf32, #tpu.memory_space<vmem>>, vector<16xf32>,
    %swap3A_231 = vector.shape_cast %swap3A_230 : vector<16xf32> to vector<16xf32>
    %swap3A_232 = vector.shape_cast %broadcast_in_dim3A_228 : vector<16xf32> to vector<16xf32>
    tpu.vector_store %arg8[%swap3A_229], %swap3A_232 {strides = array<i32>} : memref<640xf32, #tpu.memory_space<vmem>>, vector<16xf32>,
    %broadcast_in_dim3A_233 = arith.constant 0.000000e+00 : f32
    %broadcast_in_dim3A_234 = vector.broadcast %broadcast_in_dim3A_233 : f32 to vector<16xf32>
    %swap3A_235 = arith.constant 544 : index
    %swap3A_236 = tpu.vector_load %arg8[%swap3A_235] {strides = array<i32>} : memref<640xf32, #tpu.memory_space<vmem>>, vector<16xf32>,
    %swap3A_237 = vector.shape_cast %swap3A_236 : vector<16xf32> to vector<16xf32>
    %swap3A_238 = vector.shape_cast %broadcast_in_dim3A_234 : vector<16xf32> to vector<16xf32>
    tpu.vector_store %arg8[%swap3A_235], %swap3A_238 {strides = array<i32>} : memref<640xf32, #tpu.memory_space<vmem>>, vector<16xf32>,
    %broadcast_in_dim3A_239 = arith.constant 0.000000e+00 : f32
    %broadcast_in_dim3A_240 = vector.broadcast %broadcast_in_dim3A_239 : f32 to vector<16xf32>
    %swap3A_241 = arith.constant 560 : index
    %swap3A_242 = tpu.vector_load %arg8[%swap3A_241] {strides = array<i32>} : memref<640xf32, #tpu.memory_space<vmem>>, vector<16xf32>,
    %swap3A_243 = vector.shape_cast %swap3A_242 : vector<16xf32> to vector<16xf32>
    %swap3A_244 = vector.shape_cast %broadcast_in_dim3A_240 : vector<16xf32> to vector<16xf32>
    tpu.vector_store %arg8[%swap3A_241], %swap3A_244 {strides = array<i32>} : memref<640xf32, #tpu.memory_space<vmem>>, vector<16xf32>,
    %broadcast_in_dim3A_245 = arith.constant 0.000000e+00 : f32
    %broadcast_in_dim3A_246 = vector.broadcast %broadcast_in_dim3A_245 : f32 to vector<16xf32>
    %swap3A_247 = arith.constant 576 : index
    %swap3A_248 = tpu.vector_load %arg8[%swap3A_247] {strides = array<i32>} : memref<640xf32, #tpu.memory_space<vmem>>, vector<16xf32>,
    %swap3A_249 = vector.shape_cast %swap3A_248 : vector<16xf32> to vector<16xf32>
    %swap3A_250 = vector.shape_cast %broadcast_in_dim3A_246 : vector<16xf32> to vector<16xf32>
    tpu.vector_store %arg8[%swap3A_247], %swap3A_250 {strides = array<i32>} : memref<640xf32, #tpu.memory_space<vmem>>, vector<16xf32>,
    %broadcast_in_dim3A_251 = arith.constant 0.000000e+00 : f32
    %broadcast_in_dim3A_252 = vector.broadcast %broadcast_in_dim3A_251 : f32 to vector<16xf32>
    %swap3A_253 = arith.constant 592 : index
    %swap3A_254 = tpu.vector_load %arg8[%swap3A_253] {strides = array<i32>} : memref<640xf32, #tpu.memory_space<vmem>>, vector<16xf32>,
    %swap3A_255 = vector.shape_cast %swap3A_254 : vector<16xf32> to vector<16xf32>
    %swap3A_256 = vector.shape_cast %broadcast_in_dim3A_252 : vector<16xf32> to vector<16xf32>
    tpu.vector_store %arg8[%swap3A_253], %swap3A_256 {strides = array<i32>} : memref<640xf32, #tpu.memory_space<vmem>>, vector<16xf32>,
    %broadcast_in_dim3A_257 = arith.constant 0.000000e+00 : f32
    %broadcast_in_dim3A_258 = vector.broadcast %broadcast_in_dim3A_257 : f32 to vector<16xf32>
    %swap3A_259 = arith.constant 608 : index
    %swap3A_260 = tpu.vector_load %arg8[%swap3A_259] {strides = array<i32>} : memref<640xf32, #tpu.memory_space<vmem>>, vector<16xf32>,
    %swap3A_261 = vector.shape_cast %swap3A_260 : vector<16xf32> to vector<16xf32>
    %swap3A_262 = vector.shape_cast %broadcast_in_dim3A_258 : vector<16xf32> to vector<16xf32>
    tpu.vector_store %arg8[%swap3A_259], %swap3A_262 {strides = array<i32>} : memref<640xf32, #tpu.memory_space<vmem>>, vector<16xf32>,
    %broadcast_in_dim3A_263 = arith.constant 0.000000e+00 : f32
    %broadcast_in_dim3A_264 = vector.broadcast %broadcast_in_dim3A_263 : f32 to vector<16xf32>
    %swap3A_265 = arith.constant 624 : index
    %swap3A_266 = tpu.vector_load %arg8[%swap3A_265] {strides = array<i32>} : memref<640xf32, #tpu.memory_space<vmem>>, vector<16xf32>,
    %swap3A_267 = vector.shape_cast %swap3A_266 : vector<16xf32> to vector<16xf32>
    %swap3A_268 = vector.shape_cast %broadcast_in_dim3A_264 : vector<16xf32> to vector<16xf32>
    tpu.vector_store %arg8[%swap3A_265], %swap3A_268 {strides = array<i32>} : memref<640xf32, #tpu.memory_space<vmem>>, vector<16xf32>,
    %mul3A_269 = arith.constant 640 : i32
    %mul3A_270 = arith.muli %arg1, %mul3A_269 : i32
    "tpu.region"() ({
      %run_scoped3A = tpu.sem_alloc : memref<!tpu.dma_semaphore, #tpu.memory_space<semaphore_mem>>
      %dma_start3A_433 = tpu.memref_slice %arg4[%mul3A_270] : memref<10240xf32, #tpu.memory_space<vmem_shared>> -> memref<640xf32, #tpu.memory_space<vmem_shared>>
      %dma_start3A_434 = tpu.memref_slice %arg4[%mul3A_270] : memref<10240xf32, #tpu.memory_space<vmem_shared>> -> memref<640xf32, #tpu.memory_space<vmem_shared>>
      tpu.enqueue_dma source(%arg8 : memref<640xf32, #tpu.memory_space<vmem>>) target(%dma_start3A_434 : memref<640xf32, #tpu.memory_space<vmem_shared>>) target_semaphore(%run_scoped3A : memref<!tpu.dma_semaphore, #tpu.memory_space<semaphore_mem>>)
      %dma_wait3A_435 = tpu.memref_slice %arg4[%mul3A_270] : memref<10240xf32, #tpu.memory_space<vmem_shared>> -> memref<640xf32, #tpu.memory_space<vmem_shared>>
      %dma_wait3A_436 = tpu.memref_slice %arg4[%mul3A_270] : memref<10240xf32, #tpu.memory_space<vmem_shared>> -> memref<640xf32, #tpu.memory_space<vmem_shared>>
      tpu.wait_dma2 semaphore(%run_scoped3A : memref<!tpu.dma_semaphore, #tpu.memory_space<semaphore_mem>>) src(%arg8 : memref<640xf32, #tpu.memory_space<vmem>>) dst(%dma_wait3A_436 : memref<640xf32, #tpu.memory_space<vmem_shared>>)
      tpu.yield
    }) : () -> ()
    %dma_start3A = arith.constant 1 : i32
    %dma_start3A_271 = arith.constant 0 : i32
    %dma_start3A_272 = arith.constant 0 : i32
    %dma_start3A_273 = arith.constant 0 : i32
    %dma_start3A_274 = tpu.memref_slice %arg2[%dma_start3A, %add3A, %dma_start3A_271, %dma_start3A_272, %dma_start3A_273] : memref<2x32x5x25x80xi32, #tpu.memory_space<hbm>> -> memref<1x1x1x25x80xi32, #tpu.memory_space<hbm>>
    %dma_start3A_275 = tpu.memref_squeeze %dma_start3A_274 : memref<1x1x1x25x80xi32, #tpu.memory_space<hbm>> -> memref<25x80xi32, #tpu.memory_space<hbm>>
    %dma_start3A_276 = arith.constant 0 : i32
    %dma_start3A_277 = arith.constant 0 : i32
    %dma_start3A_278 = tpu.memref_slice %arg2[%dma_start3A, %add3A, %dma_start3A_271, %dma_start3A_276, %dma_start3A_277] : memref<2x32x5x25x80xi32, #tpu.memory_space<hbm>> -> memref<1x1x1x25x80xi32, #tpu.memory_space<hbm>>
    %dma_start3A_279 = tpu.memref_squeeze %dma_start3A_278 : memref<1x1x1x25x80xi32, #tpu.memory_space<hbm>> -> memref<25x80xi32, #tpu.memory_space<hbm>>
    tpu.enqueue_dma source(%dma_start3A_279 : memref<25x80xi32, #tpu.memory_space<hbm>>) target(%arg5 : memref<25x80xi32, #tpu.memory_space<vmem>>) target_semaphore(%arg9 : memref<!tpu.dma_semaphore, #tpu.memory_space<semaphore_mem>>)
    %barrier3A = arith.constant 0 : index
    tpu.barrier barrier_id(%barrier3A)
    %dma_start3A_280 = arith.constant 1 : i32
    %dma_start3A_281 = arith.constant 1 : i32
    %dma_start3A_282 = arith.constant 0 : i32
    %dma_start3A_283 = arith.constant 0 : i32
    %dma_start3A_284 = tpu.memref_slice %arg2[%dma_start3A_280, %add3A, %dma_start3A_281, %dma_start3A_282, %dma_start3A_283] : memref<2x32x5x25x80xi32, #tpu.memory_space<hbm>> -> memref<1x1x1x25x80xi32, #tpu.memory_space<hbm>>
    %dma_start3A_285 = tpu.memref_squeeze %dma_start3A_284 : memref<1x1x1x25x80xi32, #tpu.memory_space<hbm>> -> memref<25x80xi32, #tpu.memory_space<hbm>>
    %dma_start3A_286 = arith.constant 0 : i32
    %dma_start3A_287 = arith.constant 0 : i32
    %dma_start3A_288 = tpu.memref_slice %arg2[%dma_start3A_280, %add3A, %dma_start3A_281, %dma_start3A_286, %dma_start3A_287] : memref<2x32x5x25x80xi32, #tpu.memory_space<hbm>> -> memref<1x1x1x25x80xi32, #tpu.memory_space<hbm>>
    %dma_start3A_289 = tpu.memref_squeeze %dma_start3A_288 : memref<1x1x1x25x80xi32, #tpu.memory_space<hbm>> -> memref<25x80xi32, #tpu.memory_space<hbm>>
    tpu.enqueue_dma source(%dma_start3A_289 : memref<25x80xi32, #tpu.memory_space<hbm>>) target(%arg6 : memref<25x80xi32, #tpu.memory_space<vmem>>) target_semaphore(%arg10 : memref<!tpu.dma_semaphore, #tpu.memory_space<semaphore_mem>>)
    %dma_wait3A = arith.constant 1 : i32
    %dma_wait3A_290 = arith.constant 0 : i32
    %dma_wait3A_291 = arith.constant 0 : i32
    %dma_wait3A_292 = arith.constant 0 : i32
    %dma_wait3A_293 = tpu.memref_slice %arg2[%dma_wait3A, %add3A, %dma_wait3A_290, %dma_wait3A_291, %dma_wait3A_292] : memref<2x32x5x25x80xi32, #tpu.memory_space<hbm>> -> memref<1x1x1x25x80xi32, #tpu.memory_space<hbm>>
    %dma_wait3A_294 = tpu.memref_squeeze %dma_wait3A_293 : memref<1x1x1x25x80xi32, #tpu.memory_space<hbm>> -> memref<25x80xi32, #tpu.memory_space<hbm>>
    %dma_wait3A_295 = arith.constant 0 : i32
    %dma_wait3A_296 = arith.constant 0 : i32
    %dma_wait3A_297 = tpu.memref_slice %arg2[%dma_wait3A, %add3A, %dma_wait3A_290, %dma_wait3A_295, %dma_wait3A_296] : memref<2x32x5x25x80xi32, #tpu.memory_space<hbm>> -> memref<1x1x1x25x80xi32, #tpu.memory_space<hbm>>
    %dma_wait3A_298 = tpu.memref_squeeze %dma_wait3A_297 : memref<1x1x1x25x80xi32, #tpu.memory_space<hbm>> -> memref<25x80xi32, #tpu.memory_space<hbm>>
    tpu.wait_dma2 semaphore(%arg9 : memref<!tpu.dma_semaphore, #tpu.memory_space<semaphore_mem>>) src(%dma_wait3A_298 : memref<25x80xi32, #tpu.memory_space<hbm>>) dst(%arg5 : memref<25x80xi32, #tpu.memory_space<vmem>>)
    %scan3A = arith.constant 0 : i32
    %scan3A_299 = arith.constant 0 : i32
    %scan3A_300 = arith.constant 25 : i32
    %scan3A_301 = arith.addi %scan3A_299, %scan3A_300 : i32
    %scan3A_302 = arith.constant 1 : i32
    scf.for %scan3A_433 = %scan3A_299 to %scan3A_301 step %scan3A_302  : i32 {
      %dma_start3A_434 = arith.constant 0 : i32
      %dma_start3A_435 = tpu.memref_slice %arg5[%scan3A_433, %dma_start3A_434] : memref<25x80xi32, #tpu.memory_space<vmem>> -> memref<1x80xi32, #tpu.memory_space<vmem>>
      %dma_start3A_436 = tpu.memref_squeeze %dma_start3A_435 : memref<1x80xi32, #tpu.memory_space<vmem>> -> memref<80xi32, #tpu.memory_space<vmem>>
      %dma_start3A_437 = arith.constant 0 : i32
      %dma_start3A_438 = tpu.memref_slice %arg4[%dma_start3A_437] : memref<10240xf32, #tpu.memory_space<vmem_shared>> -> memref<10240xf32, #tpu.memory_space<vmem_shared>>
      tpu.enqueue_indirect_dma source(%arg7 : memref<80xf32, #tpu.memory_space<vmem>>) target(%dma_start3A_438 : memref<10240xf32, #tpu.memory_space<vmem_shared>>) offsets(%dma_start3A_436 : memref<80xi32, #tpu.memory_space<vmem>>) semaphore(%arg11 : memref<!tpu.dma_semaphore, #tpu.memory_space<semaphore_mem>>) {add = true}
    }
    %scan3A_303 = arith.constant 25 : i32
    %scan3A_304 = arith.constant 0 : i32
    %scan3A_305 = arith.constant 0 : i32
    %scan3A_306 = arith.constant 25 : i32
    %scan3A_307 = arith.addi %scan3A_305, %scan3A_306 : i32
    %scan3A_308 = arith.constant 1 : i32
    scf.for %scan3A_433 = %scan3A_305 to %scan3A_307 step %scan3A_308  : i32 {
      %dma_wait3A_434 = arith.constant 0 : i32
      %dma_wait3A_435 = tpu.memref_slice %arg5[%scan3A_433, %dma_wait3A_434] : memref<25x80xi32, #tpu.memory_space<vmem>> -> memref<1x80xi32, #tpu.memory_space<vmem>>
      %dma_wait3A_436 = tpu.memref_squeeze %dma_wait3A_435 : memref<1x80xi32, #tpu.memory_space<vmem>> -> memref<80xi32, #tpu.memory_space<vmem>>
      %dma_wait3A_437 = arith.constant 0 : i32
      %dma_wait3A_438 = tpu.memref_slice %arg4[%dma_wait3A_437] : memref<10240xf32, #tpu.memory_space<vmem_shared>> -> memref<10240xf32, #tpu.memory_space<vmem_shared>>
      tpu.wait_indirect_dma semaphore(%arg11 : memref<!tpu.dma_semaphore, #tpu.memory_space<semaphore_mem>>) src(%arg7 : memref<80xf32, #tpu.memory_space<vmem>>) dst(%dma_wait3A_438 : memref<10240xf32, #tpu.memory_space<vmem_shared>>)
    }
    %scan3A_309 = arith.constant 25 : i32
    %dma_start3A_310 = arith.constant 1 : i32
    %dma_start3A_311 = arith.constant 2 : i32
    %dma_start3A_312 = arith.constant 0 : i32
    %dma_start3A_313 = arith.constant 0 : i32
    %dma_start3A_314 = tpu.memref_slice %arg2[%dma_start3A_310, %add3A, %dma_start3A_311, %dma_start3A_312, %dma_start3A_313] : memref<2x32x5x25x80xi32, #tpu.memory_space<hbm>> -> memref<1x1x1x25x80xi32, #tpu.memory_space<hbm>>
    %dma_start3A_315 = tpu.memref_squeeze %dma_start3A_314 : memref<1x1x1x25x80xi32, #tpu.memory_space<hbm>> -> memref<25x80xi32, #tpu.memory_space<hbm>>
    %dma_start3A_316 = arith.constant 0 : i32
    %dma_start3A_317 = arith.constant 0 : i32
    %dma_start3A_318 = tpu.memref_slice %arg2[%dma_start3A_310, %add3A, %dma_start3A_311, %dma_start3A_316, %dma_start3A_317] : memref<2x32x5x25x80xi32, #tpu.memory_space<hbm>> -> memref<1x1x1x25x80xi32, #tpu.memory_space<hbm>>
    %dma_start3A_319 = tpu.memref_squeeze %dma_start3A_318 : memref<1x1x1x25x80xi32, #tpu.memory_space<hbm>> -> memref<25x80xi32, #tpu.memory_space<hbm>>
    tpu.enqueue_dma source(%dma_start3A_319 : memref<25x80xi32, #tpu.memory_space<hbm>>) target(%arg5 : memref<25x80xi32, #tpu.memory_space<vmem>>) target_semaphore(%arg9 : memref<!tpu.dma_semaphore, #tpu.memory_space<semaphore_mem>>)
    %dma_wait3A_320 = arith.constant 1 : i32
    %dma_wait3A_321 = arith.constant 1 : i32
    %dma_wait3A_322 = arith.constant 0 : i32
    %dma_wait3A_323 = arith.constant 0 : i32
    %dma_wait3A_324 = tpu.memref_slice %arg2[%dma_wait3A_320, %add3A, %dma_wait3A_321, %dma_wait3A_322, %dma_wait3A_323] : memref<2x32x5x25x80xi32, #tpu.memory_space<hbm>> -> memref<1x1x1x25x80xi32, #tpu.memory_space<hbm>>
    %dma_wait3A_325 = tpu.memref_squeeze %dma_wait3A_324 : memref<1x1x1x25x80xi32, #tpu.memory_space<hbm>> -> memref<25x80xi32, #tpu.memory_space<hbm>>
    %dma_wait3A_326 = arith.constant 0 : i32
    %dma_wait3A_327 = arith.constant 0 : i32
    %dma_wait3A_328 = tpu.memref_slice %arg2[%dma_wait3A_320, %add3A, %dma_wait3A_321, %dma_wait3A_326, %dma_wait3A_327] : memref<2x32x5x25x80xi32, #tpu.memory_space<hbm>> -> memref<1x1x1x25x80xi32, #tpu.memory_space<hbm>>
    %dma_wait3A_329 = tpu.memref_squeeze %dma_wait3A_328 : memref<1x1x1x25x80xi32, #tpu.memory_space<hbm>> -> memref<25x80xi32, #tpu.memory_space<hbm>>
    tpu.wait_dma2 semaphore(%arg10 : memref<!tpu.dma_semaphore, #tpu.memory_space<semaphore_mem>>) src(%dma_wait3A_329 : memref<25x80xi32, #tpu.memory_space<hbm>>) dst(%arg6 : memref<25x80xi32, #tpu.memory_space<vmem>>)
    %scan3A_330 = arith.constant 0 : i32
    %scan3A_331 = arith.constant 0 : i32
    %scan3A_332 = arith.constant 25 : i32
    %scan3A_333 = arith.addi %scan3A_331, %scan3A_332 : i32
    %scan3A_334 = arith.constant 1 : i32
    scf.for %scan3A_433 = %scan3A_331 to %scan3A_333 step %scan3A_334  : i32 {
      %dma_start3A_434 = arith.constant 0 : i32
      %dma_start3A_435 = tpu.memref_slice %arg6[%scan3A_433, %dma_start3A_434] : memref<25x80xi32, #tpu.memory_space<vmem>> -> memref<1x80xi32, #tpu.memory_space<vmem>>
      %dma_start3A_436 = tpu.memref_squeeze %dma_start3A_435 : memref<1x80xi32, #tpu.memory_space<vmem>> -> memref<80xi32, #tpu.memory_space<vmem>>
      %dma_start3A_437 = arith.constant 0 : i32
      %dma_start3A_438 = tpu.memref_slice %arg4[%dma_start3A_437] : memref<10240xf32, #tpu.memory_space<vmem_shared>> -> memref<10240xf32, #tpu.memory_space<vmem_shared>>
      tpu.enqueue_indirect_dma source(%arg7 : memref<80xf32, #tpu.memory_space<vmem>>) target(%dma_start3A_438 : memref<10240xf32, #tpu.memory_space<vmem_shared>>) offsets(%dma_start3A_436 : memref<80xi32, #tpu.memory_space<vmem>>) semaphore(%arg11 : memref<!tpu.dma_semaphore, #tpu.memory_space<semaphore_mem>>) {add = true}
    }
    %scan3A_335 = arith.constant 25 : i32
    %scan3A_336 = arith.constant 0 : i32
    %scan3A_337 = arith.constant 0 : i32
    %scan3A_338 = arith.constant 25 : i32
    %scan3A_339 = arith.addi %scan3A_337, %scan3A_338 : i32
    %scan3A_340 = arith.constant 1 : i32
    scf.for %scan3A_433 = %scan3A_337 to %scan3A_339 step %scan3A_340  : i32 {
      %dma_wait3A_434 = arith.constant 0 : i32
      %dma_wait3A_435 = tpu.memref_slice %arg6[%scan3A_433, %dma_wait3A_434] : memref<25x80xi32, #tpu.memory_space<vmem>> -> memref<1x80xi32, #tpu.memory_space<vmem>>
      %dma_wait3A_436 = tpu.memref_squeeze %dma_wait3A_435 : memref<1x80xi32, #tpu.memory_space<vmem>> -> memref<80xi32, #tpu.memory_space<vmem>>
      %dma_wait3A_437 = arith.constant 0 : i32
      %dma_wait3A_438 = tpu.memref_slice %arg4[%dma_wait3A_437] : memref<10240xf32, #tpu.memory_space<vmem_shared>> -> memref<10240xf32, #tpu.memory_space<vmem_shared>>
      tpu.wait_indirect_dma semaphore(%arg11 : memref<!tpu.dma_semaphore, #tpu.memory_space<semaphore_mem>>) src(%arg7 : memref<80xf32, #tpu.memory_space<vmem>>) dst(%dma_wait3A_438 : memref<10240xf32, #tpu.memory_space<vmem_shared>>)
    }
    %scan3A_341 = arith.constant 25 : i32
    %dma_start3A_342 = arith.constant 1 : i32
    %dma_start3A_343 = arith.constant 3 : i32
    %dma_start3A_344 = arith.constant 0 : i32
    %dma_start3A_345 = arith.constant 0 : i32
    %dma_start3A_346 = tpu.memref_slice %arg2[%dma_start3A_342, %add3A, %dma_start3A_343, %dma_start3A_344, %dma_start3A_345] : memref<2x32x5x25x80xi32, #tpu.memory_space<hbm>> -> memref<1x1x1x25x80xi32, #tpu.memory_space<hbm>>
    %dma_start3A_347 = tpu.memref_squeeze %dma_start3A_346 : memref<1x1x1x25x80xi32, #tpu.memory_space<hbm>> -> memref<25x80xi32, #tpu.memory_space<hbm>>
    %dma_start3A_348 = arith.constant 0 : i32
    %dma_start3A_349 = arith.constant 0 : i32
    %dma_start3A_350 = tpu.memref_slice %arg2[%dma_start3A_342, %add3A, %dma_start3A_343, %dma_start3A_348, %dma_start3A_349] : memref<2x32x5x25x80xi32, #tpu.memory_space<hbm>> -> memref<1x1x1x25x80xi32, #tpu.memory_space<hbm>>
    %dma_start3A_351 = tpu.memref_squeeze %dma_start3A_350 : memref<1x1x1x25x80xi32, #tpu.memory_space<hbm>> -> memref<25x80xi32, #tpu.memory_space<hbm>>
    tpu.enqueue_dma source(%dma_start3A_351 : memref<25x80xi32, #tpu.memory_space<hbm>>) target(%arg6 : memref<25x80xi32, #tpu.memory_space<vmem>>) target_semaphore(%arg10 : memref<!tpu.dma_semaphore, #tpu.memory_space<semaphore_mem>>)
    %dma_wait3A_352 = arith.constant 1 : i32
    %dma_wait3A_353 = arith.constant 2 : i32
    %dma_wait3A_354 = arith.constant 0 : i32
    %dma_wait3A_355 = arith.constant 0 : i32
    %dma_wait3A_356 = tpu.memref_slice %arg2[%dma_wait3A_352, %add3A, %dma_wait3A_353, %dma_wait3A_354, %dma_wait3A_355] : memref<2x32x5x25x80xi32, #tpu.memory_space<hbm>> -> memref<1x1x1x25x80xi32, #tpu.memory_space<hbm>>
    %dma_wait3A_357 = tpu.memref_squeeze %dma_wait3A_356 : memref<1x1x1x25x80xi32, #tpu.memory_space<hbm>> -> memref<25x80xi32, #tpu.memory_space<hbm>>
    %dma_wait3A_358 = arith.constant 0 : i32
    %dma_wait3A_359 = arith.constant 0 : i32
    %dma_wait3A_360 = tpu.memref_slice %arg2[%dma_wait3A_352, %add3A, %dma_wait3A_353, %dma_wait3A_358, %dma_wait3A_359] : memref<2x32x5x25x80xi32, #tpu.memory_space<hbm>> -> memref<1x1x1x25x80xi32, #tpu.memory_space<hbm>>
    %dma_wait3A_361 = tpu.memref_squeeze %dma_wait3A_360 : memref<1x1x1x25x80xi32, #tpu.memory_space<hbm>> -> memref<25x80xi32, #tpu.memory_space<hbm>>
    tpu.wait_dma2 semaphore(%arg9 : memref<!tpu.dma_semaphore, #tpu.memory_space<semaphore_mem>>) src(%dma_wait3A_361 : memref<25x80xi32, #tpu.memory_space<hbm>>) dst(%arg5 : memref<25x80xi32, #tpu.memory_space<vmem>>)
    %scan3A_362 = arith.constant 0 : i32
    %scan3A_363 = arith.constant 0 : i32
    %scan3A_364 = arith.constant 25 : i32
    %scan3A_365 = arith.addi %scan3A_363, %scan3A_364 : i32
    %scan3A_366 = arith.constant 1 : i32
    scf.for %scan3A_433 = %scan3A_363 to %scan3A_365 step %scan3A_366  : i32 {
      %dma_start3A_434 = arith.constant 0 : i32
      %dma_start3A_435 = tpu.memref_slice %arg5[%scan3A_433, %dma_start3A_434] : memref<25x80xi32, #tpu.memory_space<vmem>> -> memref<1x80xi32, #tpu.memory_space<vmem>>
      %dma_start3A_436 = tpu.memref_squeeze %dma_start3A_435 : memref<1x80xi32, #tpu.memory_space<vmem>> -> memref<80xi32, #tpu.memory_space<vmem>>
      %dma_start3A_437 = arith.constant 0 : i32
      %dma_start3A_438 = tpu.memref_slice %arg4[%dma_start3A_437] : memref<10240xf32, #tpu.memory_space<vmem_shared>> -> memref<10240xf32, #tpu.memory_space<vmem_shared>>
      tpu.enqueue_indirect_dma source(%arg7 : memref<80xf32, #tpu.memory_space<vmem>>) target(%dma_start3A_438 : memref<10240xf32, #tpu.memory_space<vmem_shared>>) offsets(%dma_start3A_436 : memref<80xi32, #tpu.memory_space<vmem>>) semaphore(%arg11 : memref<!tpu.dma_semaphore, #tpu.memory_space<semaphore_mem>>) {add = true}
    }
    %scan3A_367 = arith.constant 25 : i32
    %scan3A_368 = arith.constant 0 : i32
    %scan3A_369 = arith.constant 0 : i32
    %scan3A_370 = arith.constant 25 : i32
    %scan3A_371 = arith.addi %scan3A_369, %scan3A_370 : i32
    %scan3A_372 = arith.constant 1 : i32
    scf.for %scan3A_433 = %scan3A_369 to %scan3A_371 step %scan3A_372  : i32 {
      %dma_wait3A_434 = arith.constant 0 : i32
      %dma_wait3A_435 = tpu.memref_slice %arg5[%scan3A_433, %dma_wait3A_434] : memref<25x80xi32, #tpu.memory_space<vmem>> -> memref<1x80xi32, #tpu.memory_space<vmem>>
      %dma_wait3A_436 = tpu.memref_squeeze %dma_wait3A_435 : memref<1x80xi32, #tpu.memory_space<vmem>> -> memref<80xi32, #tpu.memory_space<vmem>>
      %dma_wait3A_437 = arith.constant 0 : i32
      %dma_wait3A_438 = tpu.memref_slice %arg4[%dma_wait3A_437] : memref<10240xf32, #tpu.memory_space<vmem_shared>> -> memref<10240xf32, #tpu.memory_space<vmem_shared>>
      tpu.wait_indirect_dma semaphore(%arg11 : memref<!tpu.dma_semaphore, #tpu.memory_space<semaphore_mem>>) src(%arg7 : memref<80xf32, #tpu.memory_space<vmem>>) dst(%dma_wait3A_438 : memref<10240xf32, #tpu.memory_space<vmem_shared>>)
    }
    %scan3A_373 = arith.constant 25 : i32
    %dma_start3A_374 = arith.constant 1 : i32
    %dma_start3A_375 = arith.constant 4 : i32
    %dma_start3A_376 = arith.constant 0 : i32
    %dma_start3A_377 = arith.constant 0 : i32
    %dma_start3A_378 = tpu.memref_slice %arg2[%dma_start3A_374, %add3A, %dma_start3A_375, %dma_start3A_376, %dma_start3A_377] : memref<2x32x5x25x80xi32, #tpu.memory_space<hbm>> -> memref<1x1x1x25x80xi32, #tpu.memory_space<hbm>>
    %dma_start3A_379 = tpu.memref_squeeze %dma_start3A_378 : memref<1x1x1x25x80xi32, #tpu.memory_space<hbm>> -> memref<25x80xi32, #tpu.memory_space<hbm>>
    %dma_start3A_380 = arith.constant 0 : i32
    %dma_start3A_381 = arith.constant 0 : i32
    %dma_start3A_382 = tpu.memref_slice %arg2[%dma_start3A_374, %add3A, %dma_start3A_375, %dma_start3A_380, %dma_start3A_381] : memref<2x32x5x25x80xi32, #tpu.memory_space<hbm>> -> memref<1x1x1x25x80xi32, #tpu.memory_space<hbm>>
    %dma_start3A_383 = tpu.memref_squeeze %dma_start3A_382 : memref<1x1x1x25x80xi32, #tpu.memory_space<hbm>> -> memref<25x80xi32, #tpu.memory_space<hbm>>
    tpu.enqueue_dma source(%dma_start3A_383 : memref<25x80xi32, #tpu.memory_space<hbm>>) target(%arg5 : memref<25x80xi32, #tpu.memory_space<vmem>>) target_semaphore(%arg9 : memref<!tpu.dma_semaphore, #tpu.memory_space<semaphore_mem>>)
    %dma_wait3A_384 = arith.constant 1 : i32
    %dma_wait3A_385 = arith.constant 3 : i32
    %dma_wait3A_386 = arith.constant 0 : i32
    %dma_wait3A_387 = arith.constant 0 : i32
    %dma_wait3A_388 = tpu.memref_slice %arg2[%dma_wait3A_384, %add3A, %dma_wait3A_385, %dma_wait3A_386, %dma_wait3A_387] : memref<2x32x5x25x80xi32, #tpu.memory_space<hbm>> -> memref<1x1x1x25x80xi32, #tpu.memory_space<hbm>>
    %dma_wait3A_389 = tpu.memref_squeeze %dma_wait3A_388 : memref<1x1x1x25x80xi32, #tpu.memory_space<hbm>> -> memref<25x80xi32, #tpu.memory_space<hbm>>
    %dma_wait3A_390 = arith.constant 0 : i32
    %dma_wait3A_391 = arith.constant 0 : i32
    %dma_wait3A_392 = tpu.memref_slice %arg2[%dma_wait3A_384, %add3A, %dma_wait3A_385, %dma_wait3A_390, %dma_wait3A_391] : memref<2x32x5x25x80xi32, #tpu.memory_space<hbm>> -> memref<1x1x1x25x80xi32, #tpu.memory_space<hbm>>
    %dma_wait3A_393 = tpu.memref_squeeze %dma_wait3A_392 : memref<1x1x1x25x80xi32, #tpu.memory_space<hbm>> -> memref<25x80xi32, #tpu.memory_space<hbm>>
    tpu.wait_dma2 semaphore(%arg10 : memref<!tpu.dma_semaphore, #tpu.memory_space<semaphore_mem>>) src(%dma_wait3A_393 : memref<25x80xi32, #tpu.memory_space<hbm>>) dst(%arg6 : memref<25x80xi32, #tpu.memory_space<vmem>>)
    %scan3A_394 = arith.constant 0 : i32
    %scan3A_395 = arith.constant 0 : i32
    %scan3A_396 = arith.constant 25 : i32
    %scan3A_397 = arith.addi %scan3A_395, %scan3A_396 : i32
    %scan3A_398 = arith.constant 1 : i32
    scf.for %scan3A_433 = %scan3A_395 to %scan3A_397 step %scan3A_398  : i32 {
      %dma_start3A_434 = arith.constant 0 : i32
      %dma_start3A_435 = tpu.memref_slice %arg6[%scan3A_433, %dma_start3A_434] : memref<25x80xi32, #tpu.memory_space<vmem>> -> memref<1x80xi32, #tpu.memory_space<vmem>>
      %dma_start3A_436 = tpu.memref_squeeze %dma_start3A_435 : memref<1x80xi32, #tpu.memory_space<vmem>> -> memref<80xi32, #tpu.memory_space<vmem>>
      %dma_start3A_437 = arith.constant 0 : i32
      %dma_start3A_438 = tpu.memref_slice %arg4[%dma_start3A_437] : memref<10240xf32, #tpu.memory_space<vmem_shared>> -> memref<10240xf32, #tpu.memory_space<vmem_shared>>
      tpu.enqueue_indirect_dma source(%arg7 : memref<80xf32, #tpu.memory_space<vmem>>) target(%dma_start3A_438 : memref<10240xf32, #tpu.memory_space<vmem_shared>>) offsets(%dma_start3A_436 : memref<80xi32, #tpu.memory_space<vmem>>) semaphore(%arg11 : memref<!tpu.dma_semaphore, #tpu.memory_space<semaphore_mem>>) {add = true}
    }
    %scan3A_399 = arith.constant 25 : i32
    %scan3A_400 = arith.constant 0 : i32
    %scan3A_401 = arith.constant 0 : i32
    %scan3A_402 = arith.constant 25 : i32
    %scan3A_403 = arith.addi %scan3A_401, %scan3A_402 : i32
    %scan3A_404 = arith.constant 1 : i32
    scf.for %scan3A_433 = %scan3A_401 to %scan3A_403 step %scan3A_404  : i32 {
      %dma_wait3A_434 = arith.constant 0 : i32
      %dma_wait3A_435 = tpu.memref_slice %arg6[%scan3A_433, %dma_wait3A_434] : memref<25x80xi32, #tpu.memory_space<vmem>> -> memref<1x80xi32, #tpu.memory_space<vmem>>
      %dma_wait3A_436 = tpu.memref_squeeze %dma_wait3A_435 : memref<1x80xi32, #tpu.memory_space<vmem>> -> memref<80xi32, #tpu.memory_space<vmem>>
      %dma_wait3A_437 = arith.constant 0 : i32
      %dma_wait3A_438 = tpu.memref_slice %arg4[%dma_wait3A_437] : memref<10240xf32, #tpu.memory_space<vmem_shared>> -> memref<10240xf32, #tpu.memory_space<vmem_shared>>
      tpu.wait_indirect_dma semaphore(%arg11 : memref<!tpu.dma_semaphore, #tpu.memory_space<semaphore_mem>>) src(%arg7 : memref<80xf32, #tpu.memory_space<vmem>>) dst(%dma_wait3A_438 : memref<10240xf32, #tpu.memory_space<vmem_shared>>)
    }
    %scan3A_405 = arith.constant 25 : i32
    %dma_wait3A_406 = arith.constant 1 : i32
    %dma_wait3A_407 = arith.constant 4 : i32
    %dma_wait3A_408 = arith.constant 0 : i32
    %dma_wait3A_409 = arith.constant 0 : i32
    %dma_wait3A_410 = tpu.memref_slice %arg2[%dma_wait3A_406, %add3A, %dma_wait3A_407, %dma_wait3A_408, %dma_wait3A_409] : memref<2x32x5x25x80xi32, #tpu.memory_space<hbm>> -> memref<1x1x1x25x80xi32, #tpu.memory_space<hbm>>
    %dma_wait3A_411 = tpu.memref_squeeze %dma_wait3A_410 : memref<1x1x1x25x80xi32, #tpu.memory_space<hbm>> -> memref<25x80xi32, #tpu.memory_space<hbm>>
    %dma_wait3A_412 = arith.constant 0 : i32
    %dma_wait3A_413 = arith.constant 0 : i32
    %dma_wait3A_414 = tpu.memref_slice %arg2[%dma_wait3A_406, %add3A, %dma_wait3A_407, %dma_wait3A_412, %dma_wait3A_413] : memref<2x32x5x25x80xi32, #tpu.memory_space<hbm>> -> memref<1x1x1x25x80xi32, #tpu.memory_space<hbm>>
    %dma_wait3A_415 = tpu.memref_squeeze %dma_wait3A_414 : memref<1x1x1x25x80xi32, #tpu.memory_space<hbm>> -> memref<25x80xi32, #tpu.memory_space<hbm>>
    tpu.wait_dma2 semaphore(%arg9 : memref<!tpu.dma_semaphore, #tpu.memory_space<semaphore_mem>>) src(%dma_wait3A_415 : memref<25x80xi32, #tpu.memory_space<hbm>>) dst(%arg5 : memref<25x80xi32, #tpu.memory_space<vmem>>)
    %scan3A_416 = arith.constant 0 : i32
    %scan3A_417 = arith.constant 0 : i32
    %scan3A_418 = arith.constant 25 : i32
    %scan3A_419 = arith.addi %scan3A_417, %scan3A_418 : i32
    %scan3A_420 = arith.constant 1 : i32
    scf.for %scan3A_433 = %scan3A_417 to %scan3A_419 step %scan3A_420  : i32 {
      %dma_start3A_434 = arith.constant 0 : i32
      %dma_start3A_435 = tpu.memref_slice %arg5[%scan3A_433, %dma_start3A_434] : memref<25x80xi32, #tpu.memory_space<vmem>> -> memref<1x80xi32, #tpu.memory_space<vmem>>
      %dma_start3A_436 = tpu.memref_squeeze %dma_start3A_435 : memref<1x80xi32, #tpu.memory_space<vmem>> -> memref<80xi32, #tpu.memory_space<vmem>>
      %dma_start3A_437 = arith.constant 0 : i32
      %dma_start3A_438 = tpu.memref_slice %arg4[%dma_start3A_437] : memref<10240xf32, #tpu.memory_space<vmem_shared>> -> memref<10240xf32, #tpu.memory_space<vmem_shared>>
      tpu.enqueue_indirect_dma source(%arg7 : memref<80xf32, #tpu.memory_space<vmem>>) target(%dma_start3A_438 : memref<10240xf32, #tpu.memory_space<vmem_shared>>) offsets(%dma_start3A_436 : memref<80xi32, #tpu.memory_space<vmem>>) semaphore(%arg11 : memref<!tpu.dma_semaphore, #tpu.memory_space<semaphore_mem>>) {add = true}
    }
    %scan3A_421 = arith.constant 25 : i32
    %scan3A_422 = arith.constant 0 : i32
    %scan3A_423 = arith.constant 0 : i32
    %scan3A_424 = arith.constant 25 : i32
    %scan3A_425 = arith.addi %scan3A_423, %scan3A_424 : i32
    %scan3A_426 = arith.constant 1 : i32
    scf.for %scan3A_433 = %scan3A_423 to %scan3A_425 step %scan3A_426  : i32 {
      %dma_wait3A_434 = arith.constant 0 : i32
      %dma_wait3A_435 = tpu.memref_slice %arg5[%scan3A_433, %dma_wait3A_434] : memref<25x80xi32, #tpu.memory_space<vmem>> -> memref<1x80xi32, #tpu.memory_space<vmem>>
      %dma_wait3A_436 = tpu.memref_squeeze %dma_wait3A_435 : memref<1x80xi32, #tpu.memory_space<vmem>> -> memref<80xi32, #tpu.memory_space<vmem>>
      %dma_wait3A_437 = arith.constant 0 : i32
      %dma_wait3A_438 = tpu.memref_slice %arg4[%dma_wait3A_437] : memref<10240xf32, #tpu.memory_space<vmem_shared>> -> memref<10240xf32, #tpu.memory_space<vmem_shared>>
      tpu.wait_indirect_dma semaphore(%arg11 : memref<!tpu.dma_semaphore, #tpu.memory_space<semaphore_mem>>) src(%arg7 : memref<80xf32, #tpu.memory_space<vmem>>) dst(%dma_wait3A_438 : memref<10240xf32, #tpu.memory_space<vmem_shared>>)
    }
    %scan3A_427 = arith.constant 25 : i32
    %barrier3A_428 = arith.constant 0 : index
    tpu.barrier barrier_id(%barrier3A_428)
    %mul3A_429 = arith.constant 640 : i32
    %mul3A_430 = arith.muli %arg1, %mul3A_429 : i32
    %mul3A_431 = arith.constant 640 : i32
    %mul3A_432 = arith.muli %arg1, %mul3A_431 : i32
    "tpu.region"() ({
      %run_scoped3A = tpu.sem_alloc : memref<!tpu.dma_semaphore, #tpu.memory_space<semaphore_mem>>
      %dma_start3A_433 = tpu.memref_slice %arg3[%arg0, %mul3A_432] : memref<2x10240xf32, #tpu.memory_space<hbm>> -> memref<1x640xf32, #tpu.memory_space<hbm>>
      %dma_start3A_434 = tpu.memref_squeeze %dma_start3A_433 : memref<1x640xf32, #tpu.memory_space<hbm>> -> memref<640xf32, #tpu.memory_space<hbm>>
      %dma_start3A_435 = tpu.memref_slice %arg4[%mul3A_430] : memref<10240xf32, #tpu.memory_space<vmem_shared>> -> memref<640xf32, #tpu.memory_space<vmem_shared>>
      tpu.enqueue_dma source(%dma_start3A_435 : memref<640xf32, #tpu.memory_space<vmem_shared>>) target(%dma_start3A_434 : memref<640xf32, #tpu.memory_space<hbm>>) target_semaphore(%run_scoped3A : memref<!tpu.dma_semaphore, #tpu.memory_space<semaphore_mem>>)
      %dma_wait3A_436 = tpu.memref_slice %arg3[%arg0, %mul3A_432] : memref<2x10240xf32, #tpu.memory_space<hbm>> -> memref<1x640xf32, #tpu.memory_space<hbm>>
      %dma_wait3A_437 = tpu.memref_squeeze %dma_wait3A_436 : memref<1x640xf32, #tpu.memory_space<hbm>> -> memref<640xf32, #tpu.memory_space<hbm>>
      %dma_wait3A_438 = tpu.memref_slice %arg4[%mul3A_430] : memref<10240xf32, #tpu.memory_space<vmem_shared>> -> memref<640xf32, #tpu.memory_space<vmem_shared>>
      tpu.wait_dma2 semaphore(%run_scoped3A : memref<!tpu.dma_semaphore, #tpu.memory_space<semaphore_mem>>) src(%dma_wait3A_438 : memref<640xf32, #tpu.memory_space<vmem_shared>>) dst(%dma_wait3A_437 : memref<640xf32, #tpu.memory_space<hbm>>)
      tpu.yield
    }) : () -> ()
    return
  }
}

#map = affine_map<(d0, d1) -> (0, 0)>
#map1 = affine_map<(d0, d1) -> (0, 0, 0, 0)>
#map2 = affine_map<(d0, d1) -> (0)>
#map3 = affine_map<(d0, d1) -> (0, 0, 0)>
module attributes {stable_mosaic.version = 14 : i64} {
  func.func @_sc_pass_body(%arg0: i32, %arg1: i32, %arg2: memref<10000x128xf32, #tpu.memory_space<hbm>>, %arg3: memref<2x32x125x80xi32, #tpu.memory_space<hbm>>, %arg4: memref<320000xi32, #tpu.memory_space<hbm>>, %arg5: memref<2x10240x128xf32, #tpu.memory_space<hbm>>, %arg6: memref<10240x128xf32, #tpu.memory_space<vmem_shared>>, %arg7: memref<125x80xi32, #tpu.memory_space<vmem>>, %arg8: memref<80xi32, #tpu.memory_space<vmem>>, %arg9: memref<80xi32, #tpu.memory_space<vmem>>, %arg10: memref<80x128xf32, #tpu.memory_space<vmem>>, %arg11: memref<80x128xf32, #tpu.memory_space<vmem>>, %arg12: memref<!tpu.dma_semaphore, #tpu.memory_space<semaphore_mem>>, %arg13: memref<!tpu.dma_semaphore, #tpu.memory_space<semaphore_mem>>, %arg14: memref<!tpu.dma_semaphore, #tpu.memory_space<semaphore_mem>>, %arg15: memref<!tpu.dma_semaphore, #tpu.memory_space<semaphore_mem>>, %arg16: memref<!tpu.dma_semaphore, #tpu.memory_space<semaphore_mem>>, %arg17: memref<!tpu.dma_semaphore, #tpu.memory_space<semaphore_mem>>) attributes {dimension_semantics = [#tpu.dimension_semantics<core_parallel>, #tpu.dimension_semantics<subcore_parallel>], iteration_bounds = array<i64: 2, 16>, scalar_prefetch = 0 : i64, scratch_operands = 12 : i64, tpu.core_type = #tpu.core_type<sc_vector_subcore>, window_params = [{transform_indices = #map}, {transform_indices = #map1}, {transform_indices = #map2}, {transform_indices = #map3}]} {
    %mul3A = arith.constant 2 : i32
    %mul3A_0 = arith.muli %arg1, %mul3A : i32
    %add3A = arith.addi %mul3A_0, %arg0 : i32
    %scan3A = arith.constant 0 : i32
    %scan3A_1 = arith.constant 0 : i32
    %scan3A_2 = arith.constant 80 : i32
    %scan3A_3 = arith.addi %scan3A_1, %scan3A_2 : i32
    %scan3A_4 = arith.constant 1 : i32
    scf.for %scan3A_218 = %scan3A_1 to %scan3A_3 step %scan3A_4  : i32 {
      %broadcast_in_dim3A = arith.constant 0.000000e+00 : f32
      %broadcast_in_dim3A_219 = vector.broadcast %broadcast_in_dim3A : f32 to vector<16xf32>
      %swap3A = arith.index_cast %scan3A_218 : i32 to index
      %swap3A_220 = arith.constant 0 : index
      %swap3A_221 = tpu.vector_load %arg10[%swap3A, %swap3A_220] {strides = array<i32>} : memref<80x128xf32, #tpu.memory_space<vmem>>, vector<1x16xf32>,
      %swap3A_222 = vector.shape_cast %swap3A_221 : vector<1x16xf32> to vector<16xf32>
      %swap3A_223 = vector.shape_cast %broadcast_in_dim3A_219 : vector<16xf32> to vector<1x16xf32>
      tpu.vector_store %arg10[%swap3A, %swap3A_220], %swap3A_223 {strides = array<i32>} : memref<80x128xf32, #tpu.memory_space<vmem>>, vector<1x16xf32>,
      %broadcast_in_dim3A_224 = arith.constant 0.000000e+00 : f32
      %broadcast_in_dim3A_225 = vector.broadcast %broadcast_in_dim3A_224 : f32 to vector<16xf32>
      %swap3A_226 = arith.index_cast %scan3A_218 : i32 to index
      %swap3A_227 = arith.constant 16 : index
      %swap3A_228 = tpu.vector_load %arg10[%swap3A_226, %swap3A_227] {strides = array<i32>} : memref<80x128xf32, #tpu.memory_space<vmem>>, vector<1x16xf32>,
      %swap3A_229 = vector.shape_cast %swap3A_228 : vector<1x16xf32> to vector<16xf32>
      %swap3A_230 = vector.shape_cast %broadcast_in_dim3A_225 : vector<16xf32> to vector<1x16xf32>
      tpu.vector_store %arg10[%swap3A_226, %swap3A_227], %swap3A_230 {strides = array<i32>} : memref<80x128xf32, #tpu.memory_space<vmem>>, vector<1x16xf32>,
      %broadcast_in_dim3A_231 = arith.constant 0.000000e+00 : f32
      %broadcast_in_dim3A_232 = vector.broadcast %broadcast_in_dim3A_231 : f32 to vector<16xf32>
      %swap3A_233 = arith.index_cast %scan3A_218 : i32 to index
      %swap3A_234 = arith.constant 32 : index
      %swap3A_235 = tpu.vector_load %arg10[%swap3A_233, %swap3A_234] {strides = array<i32>} : memref<80x128xf32, #tpu.memory_space<vmem>>, vector<1x16xf32>,
      %swap3A_236 = vector.shape_cast %swap3A_235 : vector<1x16xf32> to vector<16xf32>
      %swap3A_237 = vector.shape_cast %broadcast_in_dim3A_232 : vector<16xf32> to vector<1x16xf32>
      tpu.vector_store %arg10[%swap3A_233, %swap3A_234], %swap3A_237 {strides = array<i32>} : memref<80x128xf32, #tpu.memory_space<vmem>>, vector<1x16xf32>,
      %broadcast_in_dim3A_238 = arith.constant 0.000000e+00 : f32
      %broadcast_in_dim3A_239 = vector.broadcast %broadcast_in_dim3A_238 : f32 to vector<16xf32>
      %swap3A_240 = arith.index_cast %scan3A_218 : i32 to index
      %swap3A_241 = arith.constant 48 : index
      %swap3A_242 = tpu.vector_load %arg10[%swap3A_240, %swap3A_241] {strides = array<i32>} : memref<80x128xf32, #tpu.memory_space<vmem>>, vector<1x16xf32>,
      %swap3A_243 = vector.shape_cast %swap3A_242 : vector<1x16xf32> to vector<16xf32>
      %swap3A_244 = vector.shape_cast %broadcast_in_dim3A_239 : vector<16xf32> to vector<1x16xf32>
      tpu.vector_store %arg10[%swap3A_240, %swap3A_241], %swap3A_244 {strides = array<i32>} : memref<80x128xf32, #tpu.memory_space<vmem>>, vector<1x16xf32>,
      %broadcast_in_dim3A_245 = arith.constant 0.000000e+00 : f32
      %broadcast_in_dim3A_246 = vector.broadcast %broadcast_in_dim3A_245 : f32 to vector<16xf32>
      %swap3A_247 = arith.index_cast %scan3A_218 : i32 to index
      %swap3A_248 = arith.constant 64 : index
      %swap3A_249 = tpu.vector_load %arg10[%swap3A_247, %swap3A_248] {strides = array<i32>} : memref<80x128xf32, #tpu.memory_space<vmem>>, vector<1x16xf32>,
      %swap3A_250 = vector.shape_cast %swap3A_249 : vector<1x16xf32> to vector<16xf32>
      %swap3A_251 = vector.shape_cast %broadcast_in_dim3A_246 : vector<16xf32> to vector<1x16xf32>
      tpu.vector_store %arg10[%swap3A_247, %swap3A_248], %swap3A_251 {strides = array<i32>} : memref<80x128xf32, #tpu.memory_space<vmem>>, vector<1x16xf32>,
      %broadcast_in_dim3A_252 = arith.constant 0.000000e+00 : f32
      %broadcast_in_dim3A_253 = vector.broadcast %broadcast_in_dim3A_252 : f32 to vector<16xf32>
      %swap3A_254 = arith.index_cast %scan3A_218 : i32 to index
      %swap3A_255 = arith.constant 80 : index
      %swap3A_256 = tpu.vector_load %arg10[%swap3A_254, %swap3A_255] {strides = array<i32>} : memref<80x128xf32, #tpu.memory_space<vmem>>, vector<1x16xf32>,
      %swap3A_257 = vector.shape_cast %swap3A_256 : vector<1x16xf32> to vector<16xf32>
      %swap3A_258 = vector.shape_cast %broadcast_in_dim3A_253 : vector<16xf32> to vector<1x16xf32>
      tpu.vector_store %arg10[%swap3A_254, %swap3A_255], %swap3A_258 {strides = array<i32>} : memref<80x128xf32, #tpu.memory_space<vmem>>, vector<1x16xf32>,
      %broadcast_in_dim3A_259 = arith.constant 0.000000e+00 : f32
      %broadcast_in_dim3A_260 = vector.broadcast %broadcast_in_dim3A_259 : f32 to vector<16xf32>
      %swap3A_261 = arith.index_cast %scan3A_218 : i32 to index
      %swap3A_262 = arith.constant 96 : index
      %swap3A_263 = tpu.vector_load %arg10[%swap3A_261, %swap3A_262] {strides = array<i32>} : memref<80x128xf32, #tpu.memory_space<vmem>>, vector<1x16xf32>,
      %swap3A_264 = vector.shape_cast %swap3A_263 : vector<1x16xf32> to vector<16xf32>
      %swap3A_265 = vector.shape_cast %broadcast_in_dim3A_260 : vector<16xf32> to vector<1x16xf32>
      tpu.vector_store %arg10[%swap3A_261, %swap3A_262], %swap3A_265 {strides = array<i32>} : memref<80x128xf32, #tpu.memory_space<vmem>>, vector<1x16xf32>,
      %broadcast_in_dim3A_266 = arith.constant 0.000000e+00 : f32
      %broadcast_in_dim3A_267 = vector.broadcast %broadcast_in_dim3A_266 : f32 to vector<16xf32>
      %swap3A_268 = arith.index_cast %scan3A_218 : i32 to index
      %swap3A_269 = arith.constant 112 : index
      %swap3A_270 = tpu.vector_load %arg10[%swap3A_268, %swap3A_269] {strides = array<i32>} : memref<80x128xf32, #tpu.memory_space<vmem>>, vector<1x16xf32>,
      %swap3A_271 = vector.shape_cast %swap3A_270 : vector<1x16xf32> to vector<16xf32>
      %swap3A_272 = vector.shape_cast %broadcast_in_dim3A_267 : vector<16xf32> to vector<1x16xf32>
      tpu.vector_store %arg10[%swap3A_268, %swap3A_269], %swap3A_272 {strides = array<i32>} : memref<80x128xf32, #tpu.memory_space<vmem>>, vector<1x16xf32>,
    }
    %scan3A_5 = arith.constant 80 : i32
    %mul3A_6 = arith.constant 640 : i32
    %mul3A_7 = arith.muli %arg1, %mul3A_6 : i32
    %add3A_8 = arith.constant 0 : i32
    %add3A_9 = arith.addi %mul3A_7, %add3A_8 : i32
    %dma_start3A = arith.constant 0 : i32
    %dma_start3A_10 = tpu.memref_slice %arg6[%add3A_9, %dma_start3A] : memref<10240x128xf32, #tpu.memory_space<vmem_shared>> -> memref<80x128xf32, #tpu.memory_space<vmem_shared>>
    %dma_start3A_11 = arith.constant 0 : i32
    %dma_start3A_12 = tpu.memref_slice %arg6[%add3A_9, %dma_start3A_11] : memref<10240x128xf32, #tpu.memory_space<vmem_shared>> -> memref<80x128xf32, #tpu.memory_space<vmem_shared>>
    tpu.enqueue_dma source(%arg10 : memref<80x128xf32, #tpu.memory_space<vmem>>) target(%dma_start3A_12 : memref<80x128xf32, #tpu.memory_space<vmem_shared>>) target_semaphore(%arg14 : memref<!tpu.dma_semaphore, #tpu.memory_space<semaphore_mem>>)
    %mul3A_13 = arith.constant 640 : i32
    %mul3A_14 = arith.muli %arg1, %mul3A_13 : i32
    %add3A_15 = arith.constant 80 : i32
    %add3A_16 = arith.addi %mul3A_14, %add3A_15 : i32
    %dma_start3A_17 = arith.constant 0 : i32
    %dma_start3A_18 = tpu.memref_slice %arg6[%add3A_16, %dma_start3A_17] : memref<10240x128xf32, #tpu.memory_space<vmem_shared>> -> memref<80x128xf32, #tpu.memory_space<vmem_shared>>
    %dma_start3A_19 = arith.constant 0 : i32
    %dma_start3A_20 = tpu.memref_slice %arg6[%add3A_16, %dma_start3A_19] : memref<10240x128xf32, #tpu.memory_space<vmem_shared>> -> memref<80x128xf32, #tpu.memory_space<vmem_shared>>
    tpu.enqueue_dma source(%arg10 : memref<80x128xf32, #tpu.memory_space<vmem>>) target(%dma_start3A_20 : memref<80x128xf32, #tpu.memory_space<vmem_shared>>) target_semaphore(%arg14 : memref<!tpu.dma_semaphore, #tpu.memory_space<semaphore_mem>>)
    %mul3A_21 = arith.constant 640 : i32
    %mul3A_22 = arith.muli %arg1, %mul3A_21 : i32
    %add3A_23 = arith.constant 160 : i32
    %add3A_24 = arith.addi %mul3A_22, %add3A_23 : i32
    %dma_start3A_25 = arith.constant 0 : i32
    %dma_start3A_26 = tpu.memref_slice %arg6[%add3A_24, %dma_start3A_25] : memref<10240x128xf32, #tpu.memory_space<vmem_shared>> -> memref<80x128xf32, #tpu.memory_space<vmem_shared>>
    %dma_start3A_27 = arith.constant 0 : i32
    %dma_start3A_28 = tpu.memref_slice %arg6[%add3A_24, %dma_start3A_27] : memref<10240x128xf32, #tpu.memory_space<vmem_shared>> -> memref<80x128xf32, #tpu.memory_space<vmem_shared>>
    tpu.enqueue_dma source(%arg10 : memref<80x128xf32, #tpu.memory_space<vmem>>) target(%dma_start3A_28 : memref<80x128xf32, #tpu.memory_space<vmem_shared>>) target_semaphore(%arg14 : memref<!tpu.dma_semaphore, #tpu.memory_space<semaphore_mem>>)
    %mul3A_29 = arith.constant 640 : i32
    %mul3A_30 = arith.muli %arg1, %mul3A_29 : i32
    %add3A_31 = arith.constant 240 : i32
    %add3A_32 = arith.addi %mul3A_30, %add3A_31 : i32
    %dma_start3A_33 = arith.constant 0 : i32
    %dma_start3A_34 = tpu.memref_slice %arg6[%add3A_32, %dma_start3A_33] : memref<10240x128xf32, #tpu.memory_space<vmem_shared>> -> memref<80x128xf32, #tpu.memory_space<vmem_shared>>
    %dma_start3A_35 = arith.constant 0 : i32
    %dma_start3A_36 = tpu.memref_slice %arg6[%add3A_32, %dma_start3A_35] : memref<10240x128xf32, #tpu.memory_space<vmem_shared>> -> memref<80x128xf32, #tpu.memory_space<vmem_shared>>
    tpu.enqueue_dma source(%arg10 : memref<80x128xf32, #tpu.memory_space<vmem>>) target(%dma_start3A_36 : memref<80x128xf32, #tpu.memory_space<vmem_shared>>) target_semaphore(%arg14 : memref<!tpu.dma_semaphore, #tpu.memory_space<semaphore_mem>>)
    %mul3A_37 = arith.constant 640 : i32
    %mul3A_38 = arith.muli %arg1, %mul3A_37 : i32
    %add3A_39 = arith.constant 320 : i32
    %add3A_40 = arith.addi %mul3A_38, %add3A_39 : i32
    %dma_start3A_41 = arith.constant 0 : i32
    %dma_start3A_42 = tpu.memref_slice %arg6[%add3A_40, %dma_start3A_41] : memref<10240x128xf32, #tpu.memory_space<vmem_shared>> -> memref<80x128xf32, #tpu.memory_space<vmem_shared>>
    %dma_start3A_43 = arith.constant 0 : i32
    %dma_start3A_44 = tpu.memref_slice %arg6[%add3A_40, %dma_start3A_43] : memref<10240x128xf32, #tpu.memory_space<vmem_shared>> -> memref<80x128xf32, #tpu.memory_space<vmem_shared>>
    tpu.enqueue_dma source(%arg10 : memref<80x128xf32, #tpu.memory_space<vmem>>) target(%dma_start3A_44 : memref<80x128xf32, #tpu.memory_space<vmem_shared>>) target_semaphore(%arg14 : memref<!tpu.dma_semaphore, #tpu.memory_space<semaphore_mem>>)
    %mul3A_45 = arith.constant 640 : i32
    %mul3A_46 = arith.muli %arg1, %mul3A_45 : i32
    %add3A_47 = arith.constant 400 : i32
    %add3A_48 = arith.addi %mul3A_46, %add3A_47 : i32
    %dma_start3A_49 = arith.constant 0 : i32
    %dma_start3A_50 = tpu.memref_slice %arg6[%add3A_48, %dma_start3A_49] : memref<10240x128xf32, #tpu.memory_space<vmem_shared>> -> memref<80x128xf32, #tpu.memory_space<vmem_shared>>
    %dma_start3A_51 = arith.constant 0 : i32
    %dma_start3A_52 = tpu.memref_slice %arg6[%add3A_48, %dma_start3A_51] : memref<10240x128xf32, #tpu.memory_space<vmem_shared>> -> memref<80x128xf32, #tpu.memory_space<vmem_shared>>
    tpu.enqueue_dma source(%arg10 : memref<80x128xf32, #tpu.memory_space<vmem>>) target(%dma_start3A_52 : memref<80x128xf32, #tpu.memory_space<vmem_shared>>) target_semaphore(%arg14 : memref<!tpu.dma_semaphore, #tpu.memory_space<semaphore_mem>>)
    %mul3A_53 = arith.constant 640 : i32
    %mul3A_54 = arith.muli %arg1, %mul3A_53 : i32
    %add3A_55 = arith.constant 480 : i32
    %add3A_56 = arith.addi %mul3A_54, %add3A_55 : i32
    %dma_start3A_57 = arith.constant 0 : i32
    %dma_start3A_58 = tpu.memref_slice %arg6[%add3A_56, %dma_start3A_57] : memref<10240x128xf32, #tpu.memory_space<vmem_shared>> -> memref<80x128xf32, #tpu.memory_space<vmem_shared>>
    %dma_start3A_59 = arith.constant 0 : i32
    %dma_start3A_60 = tpu.memref_slice %arg6[%add3A_56, %dma_start3A_59] : memref<10240x128xf32, #tpu.memory_space<vmem_shared>> -> memref<80x128xf32, #tpu.memory_space<vmem_shared>>
    tpu.enqueue_dma source(%arg10 : memref<80x128xf32, #tpu.memory_space<vmem>>) target(%dma_start3A_60 : memref<80x128xf32, #tpu.memory_space<vmem_shared>>) target_semaphore(%arg14 : memref<!tpu.dma_semaphore, #tpu.memory_space<semaphore_mem>>)
    %mul3A_61 = arith.constant 640 : i32
    %mul3A_62 = arith.muli %arg1, %mul3A_61 : i32
    %add3A_63 = arith.constant 560 : i32
    %add3A_64 = arith.addi %mul3A_62, %add3A_63 : i32
    %dma_start3A_65 = arith.constant 0 : i32
    %dma_start3A_66 = tpu.memref_slice %arg6[%add3A_64, %dma_start3A_65] : memref<10240x128xf32, #tpu.memory_space<vmem_shared>> -> memref<80x128xf32, #tpu.memory_space<vmem_shared>>
    %dma_start3A_67 = arith.constant 0 : i32
    %dma_start3A_68 = tpu.memref_slice %arg6[%add3A_64, %dma_start3A_67] : memref<10240x128xf32, #tpu.memory_space<vmem_shared>> -> memref<80x128xf32, #tpu.memory_space<vmem_shared>>
    tpu.enqueue_dma source(%arg10 : memref<80x128xf32, #tpu.memory_space<vmem>>) target(%dma_start3A_68 : memref<80x128xf32, #tpu.memory_space<vmem_shared>>) target_semaphore(%arg14 : memref<!tpu.dma_semaphore, #tpu.memory_space<semaphore_mem>>)
    %dma_start3A_69 = arith.constant 0 : i32
    %dma_start3A_70 = arith.constant 0 : i32
    %dma_start3A_71 = arith.constant 0 : i32
    %dma_start3A_72 = tpu.memref_slice %arg3[%dma_start3A_69, %add3A, %dma_start3A_70, %dma_start3A_71] : memref<2x32x125x80xi32, #tpu.memory_space<hbm>> -> memref<1x1x125x80xi32, #tpu.memory_space<hbm>>
    %dma_start3A_73 = tpu.memref_squeeze %dma_start3A_72 : memref<1x1x125x80xi32, #tpu.memory_space<hbm>> -> memref<125x80xi32, #tpu.memory_space<hbm>>
    %dma_start3A_74 = arith.constant 0 : i32
    %dma_start3A_75 = arith.constant 0 : i32
    %dma_start3A_76 = tpu.memref_slice %arg3[%dma_start3A_69, %add3A, %dma_start3A_74, %dma_start3A_75] : memref<2x32x125x80xi32, #tpu.memory_space<hbm>> -> memref<1x1x125x80xi32, #tpu.memory_space<hbm>>
    %dma_start3A_77 = tpu.memref_squeeze %dma_start3A_76 : memref<1x1x125x80xi32, #tpu.memory_space<hbm>> -> memref<125x80xi32, #tpu.memory_space<hbm>>
    tpu.enqueue_dma source(%dma_start3A_77 : memref<125x80xi32, #tpu.memory_space<hbm>>) target(%arg7 : memref<125x80xi32, #tpu.memory_space<vmem>>) target_semaphore(%arg13 : memref<!tpu.dma_semaphore, #tpu.memory_space<semaphore_mem>>)
    %mul3A_78 = arith.constant 10000 : i32
    %mul3A_79 = arith.muli %add3A, %mul3A_78 : i32
    %add3A_80 = arith.constant 0 : i32
    %add3A_81 = arith.addi %mul3A_79, %add3A_80 : i32
    %multiple_of3A = tpu.assume_multiple %add3A_81, 8 : i32
    %dma_start3A_82 = tpu.memref_slice %arg4[%multiple_of3A] : memref<320000xi32, #tpu.memory_space<hbm>> -> memref<80xi32, #tpu.memory_space<hbm>>
    %dma_start3A_83 = tpu.memref_slice %arg4[%multiple_of3A] : memref<320000xi32, #tpu.memory_space<hbm>> -> memref<80xi32, #tpu.memory_space<hbm>>
    tpu.enqueue_dma source(%dma_start3A_83 : memref<80xi32, #tpu.memory_space<hbm>>) target(%arg8 : memref<80xi32, #tpu.memory_space<vmem>>) target_semaphore(%arg16 : memref<!tpu.dma_semaphore, #tpu.memory_space<semaphore_mem>>)
    %mul3A_84 = arith.constant 10000 : i32
    %mul3A_85 = arith.muli %add3A, %mul3A_84 : i32
    %add3A_86 = arith.constant 80 : i32
    %add3A_87 = arith.addi %mul3A_85, %add3A_86 : i32
    %multiple_of3A_88 = tpu.assume_multiple %add3A_87, 8 : i32
    %dma_start3A_89 = tpu.memref_slice %arg4[%multiple_of3A_88] : memref<320000xi32, #tpu.memory_space<hbm>> -> memref<80xi32, #tpu.memory_space<hbm>>
    %dma_start3A_90 = tpu.memref_slice %arg4[%multiple_of3A_88] : memref<320000xi32, #tpu.memory_space<hbm>> -> memref<80xi32, #tpu.memory_space<hbm>>
    tpu.enqueue_dma source(%dma_start3A_90 : memref<80xi32, #tpu.memory_space<hbm>>) target(%arg9 : memref<80xi32, #tpu.memory_space<vmem>>) target_semaphore(%arg17 : memref<!tpu.dma_semaphore, #tpu.memory_space<semaphore_mem>>)
    %mul3A_91 = arith.constant 640 : i32
    %mul3A_92 = arith.muli %arg1, %mul3A_91 : i32
    %add3A_93 = arith.constant 0 : i32
    %add3A_94 = arith.addi %mul3A_92, %add3A_93 : i32
    %dma_wait3A = arith.constant 0 : i32
    %dma_wait3A_95 = tpu.memref_slice %arg6[%add3A_94, %dma_wait3A] : memref<10240x128xf32, #tpu.memory_space<vmem_shared>> -> memref<80x128xf32, #tpu.memory_space<vmem_shared>>
    %dma_wait3A_96 = arith.constant 0 : i32
    %dma_wait3A_97 = tpu.memref_slice %arg6[%add3A_94, %dma_wait3A_96] : memref<10240x128xf32, #tpu.memory_space<vmem_shared>> -> memref<80x128xf32, #tpu.memory_space<vmem_shared>>
    tpu.wait_dma2 semaphore(%arg14 : memref<!tpu.dma_semaphore, #tpu.memory_space<semaphore_mem>>) src(%arg10 : memref<80x128xf32, #tpu.memory_space<vmem>>) dst(%dma_wait3A_97 : memref<80x128xf32, #tpu.memory_space<vmem_shared>>)
    %mul3A_98 = arith.constant 640 : i32
    %mul3A_99 = arith.muli %arg1, %mul3A_98 : i32
    %add3A_100 = arith.constant 80 : i32
    %add3A_101 = arith.addi %mul3A_99, %add3A_100 : i32
    %dma_wait3A_102 = arith.constant 0 : i32
    %dma_wait3A_103 = tpu.memref_slice %arg6[%add3A_101, %dma_wait3A_102] : memref<10240x128xf32, #tpu.memory_space<vmem_shared>> -> memref<80x128xf32, #tpu.memory_space<vmem_shared>>
    %dma_wait3A_104 = arith.constant 0 : i32
    %dma_wait3A_105 = tpu.memref_slice %arg6[%add3A_101, %dma_wait3A_104] : memref<10240x128xf32, #tpu.memory_space<vmem_shared>> -> memref<80x128xf32, #tpu.memory_space<vmem_shared>>
    tpu.wait_dma2 semaphore(%arg14 : memref<!tpu.dma_semaphore, #tpu.memory_space<semaphore_mem>>) src(%arg10 : memref<80x128xf32, #tpu.memory_space<vmem>>) dst(%dma_wait3A_105 : memref<80x128xf32, #tpu.memory_space<vmem_shared>>)
    %mul3A_106 = arith.constant 640 : i32
    %mul3A_107 = arith.muli %arg1, %mul3A_106 : i32
    %add3A_108 = arith.constant 160 : i32
    %add3A_109 = arith.addi %mul3A_107, %add3A_108 : i32
    %dma_wait3A_110 = arith.constant 0 : i32
    %dma_wait3A_111 = tpu.memref_slice %arg6[%add3A_109, %dma_wait3A_110] : memref<10240x128xf32, #tpu.memory_space<vmem_shared>> -> memref<80x128xf32, #tpu.memory_space<vmem_shared>>
    %dma_wait3A_112 = arith.constant 0 : i32
    %dma_wait3A_113 = tpu.memref_slice %arg6[%add3A_109, %dma_wait3A_112] : memref<10240x128xf32, #tpu.memory_space<vmem_shared>> -> memref<80x128xf32, #tpu.memory_space<vmem_shared>>
    tpu.wait_dma2 semaphore(%arg14 : memref<!tpu.dma_semaphore, #tpu.memory_space<semaphore_mem>>) src(%arg10 : memref<80x128xf32, #tpu.memory_space<vmem>>) dst(%dma_wait3A_113 : memref<80x128xf32, #tpu.memory_space<vmem_shared>>)
    %mul3A_114 = arith.constant 640 : i32
    %mul3A_115 = arith.muli %arg1, %mul3A_114 : i32
    %add3A_116 = arith.constant 240 : i32
    %add3A_117 = arith.addi %mul3A_115, %add3A_116 : i32
    %dma_wait3A_118 = arith.constant 0 : i32
    %dma_wait3A_119 = tpu.memref_slice %arg6[%add3A_117, %dma_wait3A_118] : memref<10240x128xf32, #tpu.memory_space<vmem_shared>> -> memref<80x128xf32, #tpu.memory_space<vmem_shared>>
    %dma_wait3A_120 = arith.constant 0 : i32
    %dma_wait3A_121 = tpu.memref_slice %arg6[%add3A_117, %dma_wait3A_120] : memref<10240x128xf32, #tpu.memory_space<vmem_shared>> -> memref<80x128xf32, #tpu.memory_space<vmem_shared>>
    tpu.wait_dma2 semaphore(%arg14 : memref<!tpu.dma_semaphore, #tpu.memory_space<semaphore_mem>>) src(%arg10 : memref<80x128xf32, #tpu.memory_space<vmem>>) dst(%dma_wait3A_121 : memref<80x128xf32, #tpu.memory_space<vmem_shared>>)
    %mul3A_122 = arith.constant 640 : i32
    %mul3A_123 = arith.muli %arg1, %mul3A_122 : i32
    %add3A_124 = arith.constant 320 : i32
    %add3A_125 = arith.addi %mul3A_123, %add3A_124 : i32
    %dma_wait3A_126 = arith.constant 0 : i32
    %dma_wait3A_127 = tpu.memref_slice %arg6[%add3A_125, %dma_wait3A_126] : memref<10240x128xf32, #tpu.memory_space<vmem_shared>> -> memref<80x128xf32, #tpu.memory_space<vmem_shared>>
    %dma_wait3A_128 = arith.constant 0 : i32
    %dma_wait3A_129 = tpu.memref_slice %arg6[%add3A_125, %dma_wait3A_128] : memref<10240x128xf32, #tpu.memory_space<vmem_shared>> -> memref<80x128xf32, #tpu.memory_space<vmem_shared>>
    tpu.wait_dma2 semaphore(%arg14 : memref<!tpu.dma_semaphore, #tpu.memory_space<semaphore_mem>>) src(%arg10 : memref<80x128xf32, #tpu.memory_space<vmem>>) dst(%dma_wait3A_129 : memref<80x128xf32, #tpu.memory_space<vmem_shared>>)
    %mul3A_130 = arith.constant 640 : i32
    %mul3A_131 = arith.muli %arg1, %mul3A_130 : i32
    %add3A_132 = arith.constant 400 : i32
    %add3A_133 = arith.addi %mul3A_131, %add3A_132 : i32
    %dma_wait3A_134 = arith.constant 0 : i32
    %dma_wait3A_135 = tpu.memref_slice %arg6[%add3A_133, %dma_wait3A_134] : memref<10240x128xf32, #tpu.memory_space<vmem_shared>> -> memref<80x128xf32, #tpu.memory_space<vmem_shared>>
    %dma_wait3A_136 = arith.constant 0 : i32
    %dma_wait3A_137 = tpu.memref_slice %arg6[%add3A_133, %dma_wait3A_136] : memref<10240x128xf32, #tpu.memory_space<vmem_shared>> -> memref<80x128xf32, #tpu.memory_space<vmem_shared>>
    tpu.wait_dma2 semaphore(%arg14 : memref<!tpu.dma_semaphore, #tpu.memory_space<semaphore_mem>>) src(%arg10 : memref<80x128xf32, #tpu.memory_space<vmem>>) dst(%dma_wait3A_137 : memref<80x128xf32, #tpu.memory_space<vmem_shared>>)
    %mul3A_138 = arith.constant 640 : i32
    %mul3A_139 = arith.muli %arg1, %mul3A_138 : i32
    %add3A_140 = arith.constant 480 : i32
    %add3A_141 = arith.addi %mul3A_139, %add3A_140 : i32
    %dma_wait3A_142 = arith.constant 0 : i32
    %dma_wait3A_143 = tpu.memref_slice %arg6[%add3A_141, %dma_wait3A_142] : memref<10240x128xf32, #tpu.memory_space<vmem_shared>> -> memref<80x128xf32, #tpu.memory_space<vmem_shared>>
    %dma_wait3A_144 = arith.constant 0 : i32
    %dma_wait3A_145 = tpu.memref_slice %arg6[%add3A_141, %dma_wait3A_144] : memref<10240x128xf32, #tpu.memory_space<vmem_shared>> -> memref<80x128xf32, #tpu.memory_space<vmem_shared>>
    tpu.wait_dma2 semaphore(%arg14 : memref<!tpu.dma_semaphore, #tpu.memory_space<semaphore_mem>>) src(%arg10 : memref<80x128xf32, #tpu.memory_space<vmem>>) dst(%dma_wait3A_145 : memref<80x128xf32, #tpu.memory_space<vmem_shared>>)
    %mul3A_146 = arith.constant 640 : i32
    %mul3A_147 = arith.muli %arg1, %mul3A_146 : i32
    %add3A_148 = arith.constant 560 : i32
    %add3A_149 = arith.addi %mul3A_147, %add3A_148 : i32
    %dma_wait3A_150 = arith.constant 0 : i32
    %dma_wait3A_151 = tpu.memref_slice %arg6[%add3A_149, %dma_wait3A_150] : memref<10240x128xf32, #tpu.memory_space<vmem_shared>> -> memref<80x128xf32, #tpu.memory_space<vmem_shared>>
    %dma_wait3A_152 = arith.constant 0 : i32
    %dma_wait3A_153 = tpu.memref_slice %arg6[%add3A_149, %dma_wait3A_152] : memref<10240x128xf32, #tpu.memory_space<vmem_shared>> -> memref<80x128xf32, #tpu.memory_space<vmem_shared>>
    tpu.wait_dma2 semaphore(%arg14 : memref<!tpu.dma_semaphore, #tpu.memory_space<semaphore_mem>>) src(%arg10 : memref<80x128xf32, #tpu.memory_space<vmem>>) dst(%dma_wait3A_153 : memref<80x128xf32, #tpu.memory_space<vmem_shared>>)
    %dma_wait3A_154 = arith.constant 0 : i32
    %dma_wait3A_155 = arith.constant 0 : i32
    %dma_wait3A_156 = arith.constant 0 : i32
    %dma_wait3A_157 = tpu.memref_slice %arg3[%dma_wait3A_154, %add3A, %dma_wait3A_155, %dma_wait3A_156] : memref<2x32x125x80xi32, #tpu.memory_space<hbm>> -> memref<1x1x125x80xi32, #tpu.memory_space<hbm>>
    %dma_wait3A_158 = tpu.memref_squeeze %dma_wait3A_157 : memref<1x1x125x80xi32, #tpu.memory_space<hbm>> -> memref<125x80xi32, #tpu.memory_space<hbm>>
    %dma_wait3A_159 = arith.constant 0 : i32
    %dma_wait3A_160 = arith.constant 0 : i32
    %dma_wait3A_161 = tpu.memref_slice %arg3[%dma_wait3A_154, %add3A, %dma_wait3A_159, %dma_wait3A_160] : memref<2x32x125x80xi32, #tpu.memory_space<hbm>> -> memref<1x1x125x80xi32, #tpu.memory_space<hbm>>
    %dma_wait3A_162 = tpu.memref_squeeze %dma_wait3A_161 : memref<1x1x125x80xi32, #tpu.memory_space<hbm>> -> memref<125x80xi32, #tpu.memory_space<hbm>>
    tpu.wait_dma2 semaphore(%arg13 : memref<!tpu.dma_semaphore, #tpu.memory_space<semaphore_mem>>) src(%dma_wait3A_162 : memref<125x80xi32, #tpu.memory_space<hbm>>) dst(%arg7 : memref<125x80xi32, #tpu.memory_space<vmem>>)
    %mul3A_163 = arith.constant 10000 : i32
    %mul3A_164 = arith.muli %add3A, %mul3A_163 : i32
    %add3A_165 = arith.constant 0 : i32
    %add3A_166 = arith.addi %mul3A_164, %add3A_165 : i32
    %multiple_of3A_167 = tpu.assume_multiple %add3A_166, 8 : i32
    %dma_wait3A_168 = tpu.memref_slice %arg4[%multiple_of3A_167] : memref<320000xi32, #tpu.memory_space<hbm>> -> memref<80xi32, #tpu.memory_space<hbm>>
    %dma_wait3A_169 = tpu.memref_slice %arg4[%multiple_of3A_167] : memref<320000xi32, #tpu.memory_space<hbm>> -> memref<80xi32, #tpu.memory_space<hbm>>
    tpu.wait_dma2 semaphore(%arg16 : memref<!tpu.dma_semaphore, #tpu.memory_space<semaphore_mem>>) src(%dma_wait3A_169 : memref<80xi32, #tpu.memory_space<hbm>>) dst(%arg8 : memref<80xi32, #tpu.memory_space<vmem>>)
    %mul3A_170 = arith.constant 10000 : i32
    %mul3A_171 = arith.muli %add3A, %mul3A_170 : i32
    %add3A_172 = arith.constant 80 : i32
    %add3A_173 = arith.addi %mul3A_171, %add3A_172 : i32
    %multiple_of3A_174 = tpu.assume_multiple %add3A_173, 8 : i32
    %dma_wait3A_175 = tpu.memref_slice %arg4[%multiple_of3A_174] : memref<320000xi32, #tpu.memory_space<hbm>> -> memref<80xi32, #tpu.memory_space<hbm>>
    %dma_wait3A_176 = tpu.memref_slice %arg4[%multiple_of3A_174] : memref<320000xi32, #tpu.memory_space<hbm>> -> memref<80xi32, #tpu.memory_space<hbm>>
    tpu.wait_dma2 semaphore(%arg17 : memref<!tpu.dma_semaphore, #tpu.memory_space<semaphore_mem>>) src(%dma_wait3A_176 : memref<80xi32, #tpu.memory_space<hbm>>) dst(%arg9 : memref<80xi32, #tpu.memory_space<vmem>>)
    %dma_start3A_177 = arith.constant 0 : i32
    %dma_start3A_178 = arith.constant 0 : i32
    %dma_start3A_179 = tpu.memref_slice %arg7[%dma_start3A_177, %dma_start3A_178] : memref<125x80xi32, #tpu.memory_space<vmem>> -> memref<1x80xi32, #tpu.memory_space<vmem>>
    %dma_start3A_180 = tpu.memref_squeeze %dma_start3A_179 : memref<1x80xi32, #tpu.memory_space<vmem>> -> memref<80xi32, #tpu.memory_space<vmem>>
    %dma_start3A_181 = arith.constant 0 : i32
    %dma_start3A_182 = arith.constant 0 : i32
    %dma_start3A_183 = tpu.memref_slice %arg2[%dma_start3A_181, %dma_start3A_182] : memref<10000x128xf32, #tpu.memory_space<hbm>> -> memref<10000x128xf32, #tpu.memory_space<hbm>>
    tpu.enqueue_indirect_dma source(%dma_start3A_183 : memref<10000x128xf32, #tpu.memory_space<hbm>>) target(%arg10 : memref<80x128xf32, #tpu.memory_space<vmem>>) offsets(%dma_start3A_180 : memref<80xi32, #tpu.memory_space<vmem>>) semaphore(%arg12 : memref<!tpu.dma_semaphore, #tpu.memory_space<semaphore_mem>>)
    %barrier3A = arith.constant 0 : index
    tpu.barrier barrier_id(%barrier3A)
    %scan3A_184 = arith.constant 0 : i32
    %scan3A_185 = arith.constant 0 : i32
    %scan3A_186 = arith.constant 62 : i32
    %scan3A_187 = arith.addi %scan3A_185, %scan3A_186 : i32
    %scan3A_188 = arith.constant 1 : i32
    scf.for %scan3A_218 = %scan3A_185 to %scan3A_187 step %scan3A_188  : i32 {
      %mul3A_219 = arith.constant 2 : i32
      %mul3A_220 = arith.muli %mul3A_219, %scan3A_218 : i32
      %ge3A = arith.constant 1 : i32
      %ge3A_221 = arith.cmpi sge, %scan3A_218, %ge3A : i32
      %convert_element_type3A = arith.extui %ge3A_221 : i1 to i32
      %cond3A = arith.constant 0 : i32
      %cond3A_222 = arith.cmpi ne, %convert_element_type3A, %cond3A : i32
      scf.if %cond3A_222 {
        %dma_wait3A_282 = arith.constant 0 : i32
        %dma_wait3A_283 = arith.constant 0 : i32
        %dma_wait3A_284 = tpu.memref_slice %arg6[%dma_wait3A_282, %dma_wait3A_283] : memref<10240x128xf32, #tpu.memory_space<vmem_shared>> -> memref<10240x128xf32, #tpu.memory_space<vmem_shared>>
        tpu.wait_indirect_dma semaphore(%arg15 : memref<!tpu.dma_semaphore, #tpu.memory_space<semaphore_mem>>) src(%arg11 : memref<80x128xf32, #tpu.memory_space<vmem>>) dst(%dma_wait3A_284 : memref<10240x128xf32, #tpu.memory_space<vmem_shared>>)
        %add3A_285 = arith.constant 1 : i32
        %add3A_286 = arith.addi %mul3A_220, %add3A_285 : i32
        %mul3A_287 = arith.constant 10000 : i32
        %mul3A_288 = arith.muli %add3A, %mul3A_287 : i32
        %mul3A_289 = arith.constant 80 : i32
        %mul3A_290 = arith.muli %add3A_286, %mul3A_289 : i32
        %add3A_291 = arith.addi %mul3A_288, %mul3A_290 : i32
        %multiple_of3A_292 = tpu.assume_multiple %add3A_291, 8 : i32
        %dma_start3A_293 = tpu.memref_slice %arg4[%multiple_of3A_292] : memref<320000xi32, #tpu.memory_space<hbm>> -> memref<80xi32, #tpu.memory_space<hbm>>
        %dma_start3A_294 = tpu.memref_slice %arg4[%multiple_of3A_292] : memref<320000xi32, #tpu.memory_space<hbm>> -> memref<80xi32, #tpu.memory_space<hbm>>
        tpu.enqueue_dma source(%dma_start3A_294 : memref<80xi32, #tpu.memory_space<hbm>>) target(%arg9 : memref<80xi32, #tpu.memory_space<vmem>>) target_semaphore(%arg17 : memref<!tpu.dma_semaphore, #tpu.memory_space<semaphore_mem>>)
      } else {
      }
      %add3A_223 = arith.constant 1 : i32
      %add3A_224 = arith.addi %mul3A_220, %add3A_223 : i32
      %dma_start3A_225 = arith.constant 0 : i32
      %dma_start3A_226 = tpu.memref_slice %arg7[%add3A_224, %dma_start3A_225] : memref<125x80xi32, #tpu.memory_space<vmem>> -> memref<1x80xi32, #tpu.memory_space<vmem>>
      %dma_start3A_227 = tpu.memref_squeeze %dma_start3A_226 : memref<1x80xi32, #tpu.memory_space<vmem>> -> memref<80xi32, #tpu.memory_space<vmem>>
      %dma_start3A_228 = arith.constant 0 : i32
      %dma_start3A_229 = arith.constant 0 : i32
      %dma_start3A_230 = tpu.memref_slice %arg2[%dma_start3A_228, %dma_start3A_229] : memref<10000x128xf32, #tpu.memory_space<hbm>> -> memref<10000x128xf32, #tpu.memory_space<hbm>>
      tpu.enqueue_indirect_dma source(%dma_start3A_230 : memref<10000x128xf32, #tpu.memory_space<hbm>>) target(%arg11 : memref<80x128xf32, #tpu.memory_space<vmem>>) offsets(%dma_start3A_227 : memref<80xi32, #tpu.memory_space<vmem>>) semaphore(%arg13 : memref<!tpu.dma_semaphore, #tpu.memory_space<semaphore_mem>>)
      %dma_wait3A_231 = arith.constant 0 : i32
      %dma_wait3A_232 = tpu.memref_slice %arg7[%mul3A_220, %dma_wait3A_231] : memref<125x80xi32, #tpu.memory_space<vmem>> -> memref<1x80xi32, #tpu.memory_space<vmem>>
      %dma_wait3A_233 = tpu.memref_squeeze %dma_wait3A_232 : memref<1x80xi32, #tpu.memory_space<vmem>> -> memref<80xi32, #tpu.memory_space<vmem>>
      %dma_wait3A_234 = arith.constant 0 : i32
      %dma_wait3A_235 = arith.constant 0 : i32
      %dma_wait3A_236 = tpu.memref_slice %arg2[%dma_wait3A_234, %dma_wait3A_235] : memref<10000x128xf32, #tpu.memory_space<hbm>> -> memref<10000x128xf32, #tpu.memory_space<hbm>>
      tpu.wait_indirect_dma semaphore(%arg12 : memref<!tpu.dma_semaphore, #tpu.memory_space<semaphore_mem>>) src(%dma_wait3A_236 : memref<10000x128xf32, #tpu.memory_space<hbm>>) dst(%arg10 : memref<80x128xf32, #tpu.memory_space<vmem>>)
      %ge3A_237 = arith.constant 1 : i32
      %ge3A_238 = arith.cmpi sge, %scan3A_218, %ge3A_237 : i32
      %convert_element_type3A_239 = arith.extui %ge3A_238 : i1 to i32
      %cond3A_240 = arith.constant 0 : i32
      %cond3A_241 = arith.cmpi ne, %convert_element_type3A_239, %cond3A_240 : i32
      scf.if %cond3A_241 {
        %mul3A_282 = arith.constant 10000 : i32
        %mul3A_283 = arith.muli %add3A, %mul3A_282 : i32
        %mul3A_284 = arith.constant 80 : i32
        %mul3A_285 = arith.muli %mul3A_220, %mul3A_284 : i32
        %add3A_286 = arith.addi %mul3A_283, %mul3A_285 : i32
        %multiple_of3A_287 = tpu.assume_multiple %add3A_286, 8 : i32
        %dma_wait3A_288 = tpu.memref_slice %arg4[%multiple_of3A_287] : memref<320000xi32, #tpu.memory_space<hbm>> -> memref<80xi32, #tpu.memory_space<hbm>>
        %dma_wait3A_289 = tpu.memref_slice %arg4[%multiple_of3A_287] : memref<320000xi32, #tpu.memory_space<hbm>> -> memref<80xi32, #tpu.memory_space<hbm>>
        tpu.wait_dma2 semaphore(%arg16 : memref<!tpu.dma_semaphore, #tpu.memory_space<semaphore_mem>>) src(%dma_wait3A_289 : memref<80xi32, #tpu.memory_space<hbm>>) dst(%arg8 : memref<80xi32, #tpu.memory_space<vmem>>)
      } else {
      }
      %dma_start3A_242 = arith.constant 0 : i32
      %dma_start3A_243 = arith.constant 0 : i32
      %dma_start3A_244 = tpu.memref_slice %arg6[%dma_start3A_242, %dma_start3A_243] : memref<10240x128xf32, #tpu.memory_space<vmem_shared>> -> memref<10240x128xf32, #tpu.memory_space<vmem_shared>>
      tpu.enqueue_indirect_dma source(%arg10 : memref<80x128xf32, #tpu.memory_space<vmem>>) target(%dma_start3A_244 : memref<10240x128xf32, #tpu.memory_space<vmem_shared>>) offsets(%arg8 : memref<80xi32, #tpu.memory_space<vmem>>) semaphore(%arg14 : memref<!tpu.dma_semaphore, #tpu.memory_space<semaphore_mem>>) {add = true}
      %dma_wait3A_245 = arith.constant 0 : i32
      %dma_wait3A_246 = arith.constant 0 : i32
      %dma_wait3A_247 = tpu.memref_slice %arg6[%dma_wait3A_245, %dma_wait3A_246] : memref<10240x128xf32, #tpu.memory_space<vmem_shared>> -> memref<10240x128xf32, #tpu.memory_space<vmem_shared>>
      tpu.wait_indirect_dma semaphore(%arg14 : memref<!tpu.dma_semaphore, #tpu.memory_space<semaphore_mem>>) src(%arg10 : memref<80x128xf32, #tpu.memory_space<vmem>>) dst(%dma_wait3A_247 : memref<10240x128xf32, #tpu.memory_space<vmem_shared>>)
      %add3A_248 = arith.constant 2 : i32
      %add3A_249 = arith.addi %mul3A_220, %add3A_248 : i32
      %mul3A_250 = arith.constant 10000 : i32
      %mul3A_251 = arith.muli %add3A, %mul3A_250 : i32
      %mul3A_252 = arith.constant 80 : i32
      %mul3A_253 = arith.muli %add3A_249, %mul3A_252 : i32
      %add3A_254 = arith.addi %mul3A_251, %mul3A_253 : i32
      %multiple_of3A_255 = tpu.assume_multiple %add3A_254, 8 : i32
      %dma_start3A_256 = tpu.memref_slice %arg4[%multiple_of3A_255] : memref<320000xi32, #tpu.memory_space<hbm>> -> memref<80xi32, #tpu.memory_space<hbm>>
      %dma_start3A_257 = tpu.memref_slice %arg4[%multiple_of3A_255] : memref<320000xi32, #tpu.memory_space<hbm>> -> memref<80xi32, #tpu.memory_space<hbm>>
      tpu.enqueue_dma source(%dma_start3A_257 : memref<80xi32, #tpu.memory_space<hbm>>) target(%arg8 : memref<80xi32, #tpu.memory_space<vmem>>) target_semaphore(%arg16 : memref<!tpu.dma_semaphore, #tpu.memory_space<semaphore_mem>>)
      %add3A_258 = arith.constant 2 : i32
      %add3A_259 = arith.addi %mul3A_220, %add3A_258 : i32
      %dma_start3A_260 = arith.constant 0 : i32
      %dma_start3A_261 = tpu.memref_slice %arg7[%add3A_259, %dma_start3A_260] : memref<125x80xi32, #tpu.memory_space<vmem>> -> memref<1x80xi32, #tpu.memory_space<vmem>>
      %dma_start3A_262 = tpu.memref_squeeze %dma_start3A_261 : memref<1x80xi32, #tpu.memory_space<vmem>> -> memref<80xi32, #tpu.memory_space<vmem>>
      %dma_start3A_263 = arith.constant 0 : i32
      %dma_start3A_264 = arith.constant 0 : i32
      %dma_start3A_265 = tpu.memref_slice %arg2[%dma_start3A_263, %dma_start3A_264] : memref<10000x128xf32, #tpu.memory_space<hbm>> -> memref<10000x128xf32, #tpu.memory_space<hbm>>
      tpu.enqueue_indirect_dma source(%dma_start3A_265 : memref<10000x128xf32, #tpu.memory_space<hbm>>) target(%arg10 : memref<80x128xf32, #tpu.memory_space<vmem>>) offsets(%dma_start3A_262 : memref<80xi32, #tpu.memory_space<vmem>>) semaphore(%arg12 : memref<!tpu.dma_semaphore, #tpu.memory_space<semaphore_mem>>)
      %ge3A_266 = arith.constant 1 : i32
      %ge3A_267 = arith.cmpi sge, %scan3A_218, %ge3A_266 : i32
      %convert_element_type3A_268 = arith.extui %ge3A_267 : i1 to i32
      %cond3A_269 = arith.constant 0 : i32
      %cond3A_270 = arith.cmpi ne, %convert_element_type3A_268, %cond3A_269 : i32
      scf.if %cond3A_270 {
        %add3A_282 = arith.constant 1 : i32
        %add3A_283 = arith.addi %mul3A_220, %add3A_282 : i32
        %mul3A_284 = arith.constant 10000 : i32
        %mul3A_285 = arith.muli %add3A, %mul3A_284 : i32
        %mul3A_286 = arith.constant 80 : i32
        %mul3A_287 = arith.muli %add3A_283, %mul3A_286 : i32
        %add3A_288 = arith.addi %mul3A_285, %mul3A_287 : i32
        %multiple_of3A_289 = tpu.assume_multiple %add3A_288, 8 : i32
        %dma_wait3A_290 = tpu.memref_slice %arg4[%multiple_of3A_289] : memref<320000xi32, #tpu.memory_space<hbm>> -> memref<80xi32, #tpu.memory_space<hbm>>
        %dma_wait3A_291 = tpu.memref_slice %arg4[%multiple_of3A_289] : memref<320000xi32, #tpu.memory_space<hbm>> -> memref<80xi32, #tpu.memory_space<hbm>>
        tpu.wait_dma2 semaphore(%arg17 : memref<!tpu.dma_semaphore, #tpu.memory_space<semaphore_mem>>) src(%dma_wait3A_291 : memref<80xi32, #tpu.memory_space<hbm>>) dst(%arg9 : memref<80xi32, #tpu.memory_space<vmem>>)
      } else {
      }
      %add3A_271 = arith.constant 1 : i32
      %add3A_272 = arith.addi %mul3A_220, %add3A_271 : i32
      %dma_wait3A_273 = arith.constant 0 : i32
      %dma_wait3A_274 = tpu.memref_slice %arg7[%add3A_272, %dma_wait3A_273] : memref<125x80xi32, #tpu.memory_space<vmem>> -> memref<1x80xi32, #tpu.memory_space<vmem>>
      %dma_wait3A_275 = tpu.memref_squeeze %dma_wait3A_274 : memref<1x80xi32, #tpu.memory_space<vmem>> -> memref<80xi32, #tpu.memory_space<vmem>>
      %dma_wait3A_276 = arith.constant 0 : i32
      %dma_wait3A_277 = arith.constant 0 : i32
      %dma_wait3A_278 = tpu.memref_slice %arg2[%dma_wait3A_276, %dma_wait3A_277] : memref<10000x128xf32, #tpu.memory_space<hbm>> -> memref<10000x128xf32, #tpu.memory_space<hbm>>
      tpu.wait_indirect_dma semaphore(%arg13 : memref<!tpu.dma_semaphore, #tpu.memory_space<semaphore_mem>>) src(%dma_wait3A_278 : memref<10000x128xf32, #tpu.memory_space<hbm>>) dst(%arg11 : memref<80x128xf32, #tpu.memory_space<vmem>>)
      %dma_start3A_279 = arith.constant 0 : i32
      %dma_start3A_280 = arith.constant 0 : i32
      %dma_start3A_281 = tpu.memref_slice %arg6[%dma_start3A_279, %dma_start3A_280] : memref<10240x128xf32, #tpu.memory_space<vmem_shared>> -> memref<10240x128xf32, #tpu.memory_space<vmem_shared>>
      tpu.enqueue_indirect_dma source(%arg11 : memref<80x128xf32, #tpu.memory_space<vmem>>) target(%dma_start3A_281 : memref<10240x128xf32, #tpu.memory_space<vmem_shared>>) offsets(%arg9 : memref<80xi32, #tpu.memory_space<vmem>>) semaphore(%arg15 : memref<!tpu.dma_semaphore, #tpu.memory_space<semaphore_mem>>) {add = true}
    }
    %scan3A_189 = arith.constant 62 : i32
    %dma_wait3A_190 = arith.constant 0 : i32
    %dma_wait3A_191 = arith.constant 0 : i32
    %dma_wait3A_192 = tpu.memref_slice %arg6[%dma_wait3A_190, %dma_wait3A_191] : memref<10240x128xf32, #tpu.memory_space<vmem_shared>> -> memref<10240x128xf32, #tpu.memory_space<vmem_shared>>
    tpu.wait_indirect_dma semaphore(%arg15 : memref<!tpu.dma_semaphore, #tpu.memory_space<semaphore_mem>>) src(%arg11 : memref<80x128xf32, #tpu.memory_space<vmem>>) dst(%dma_wait3A_192 : memref<10240x128xf32, #tpu.memory_space<vmem_shared>>)
    %dma_wait3A_193 = arith.constant 124 : i32
    %dma_wait3A_194 = arith.constant 0 : i32
    %dma_wait3A_195 = tpu.memref_slice %arg7[%dma_wait3A_193, %dma_wait3A_194] : memref<125x80xi32, #tpu.memory_space<vmem>> -> memref<1x80xi32, #tpu.memory_space<vmem>>
    %dma_wait3A_196 = tpu.memref_squeeze %dma_wait3A_195 : memref<1x80xi32, #tpu.memory_space<vmem>> -> memref<80xi32, #tpu.memory_space<vmem>>
    %dma_wait3A_197 = arith.constant 0 : i32
    %dma_wait3A_198 = arith.constant 0 : i32
    %dma_wait3A_199 = tpu.memref_slice %arg2[%dma_wait3A_197, %dma_wait3A_198] : memref<10000x128xf32, #tpu.memory_space<hbm>> -> memref<10000x128xf32, #tpu.memory_space<hbm>>
    tpu.wait_indirect_dma semaphore(%arg12 : memref<!tpu.dma_semaphore, #tpu.memory_space<semaphore_mem>>) src(%dma_wait3A_199 : memref<10000x128xf32, #tpu.memory_space<hbm>>) dst(%arg10 : memref<80x128xf32, #tpu.memory_space<vmem>>)
    %mul3A_200 = arith.constant 10000 : i32
    %mul3A_201 = arith.muli %add3A, %mul3A_200 : i32
    %add3A_202 = arith.constant 9920 : i32
    %add3A_203 = arith.addi %mul3A_201, %add3A_202 : i32
    %multiple_of3A_204 = tpu.assume_multiple %add3A_203, 8 : i32
    %dma_wait3A_205 = tpu.memref_slice %arg4[%multiple_of3A_204] : memref<320000xi32, #tpu.memory_space<hbm>> -> memref<80xi32, #tpu.memory_space<hbm>>
    %dma_wait3A_206 = tpu.memref_slice %arg4[%multiple_of3A_204] : memref<320000xi32, #tpu.memory_space<hbm>> -> memref<80xi32, #tpu.memory_space<hbm>>
    tpu.wait_dma2 semaphore(%arg16 : memref<!tpu.dma_semaphore, #tpu.memory_space<semaphore_mem>>) src(%dma_wait3A_206 : memref<80xi32, #tpu.memory_space<hbm>>) dst(%arg8 : memref<80xi32, #tpu.memory_space<vmem>>)
    %dma_start3A_207 = arith.constant 0 : i32
    %dma_start3A_208 = arith.constant 0 : i32
    %dma_start3A_209 = tpu.memref_slice %arg6[%dma_start3A_207, %dma_start3A_208] : memref<10240x128xf32, #tpu.memory_space<vmem_shared>> -> memref<10240x128xf32, #tpu.memory_space<vmem_shared>>
    tpu.enqueue_indirect_dma source(%arg10 : memref<80x128xf32, #tpu.memory_space<vmem>>) target(%dma_start3A_209 : memref<10240x128xf32, #tpu.memory_space<vmem_shared>>) offsets(%arg8 : memref<80xi32, #tpu.memory_space<vmem>>) semaphore(%arg14 : memref<!tpu.dma_semaphore, #tpu.memory_space<semaphore_mem>>) {add = true}
    %dma_wait3A_210 = arith.constant 0 : i32
    %dma_wait3A_211 = arith.constant 0 : i32
    %dma_wait3A_212 = tpu.memref_slice %arg6[%dma_wait3A_210, %dma_wait3A_211] : memref<10240x128xf32, #tpu.memory_space<vmem_shared>> -> memref<10240x128xf32, #tpu.memory_space<vmem_shared>>
    tpu.wait_indirect_dma semaphore(%arg14 : memref<!tpu.dma_semaphore, #tpu.memory_space<semaphore_mem>>) src(%arg10 : memref<80x128xf32, #tpu.memory_space<vmem>>) dst(%dma_wait3A_212 : memref<10240x128xf32, #tpu.memory_space<vmem_shared>>)
    %barrier3A_213 = arith.constant 0 : index
    tpu.barrier barrier_id(%barrier3A_213)
    %mul3A_214 = arith.constant 640 : i32
    %mul3A_215 = arith.muli %arg1, %mul3A_214 : i32
    %mul3A_216 = arith.constant 640 : i32
    %mul3A_217 = arith.muli %arg1, %mul3A_216 : i32
    "tpu.region"() ({
      %run_scoped3A = tpu.sem_alloc : memref<!tpu.dma_semaphore, #tpu.memory_space<semaphore_mem>>
      %dma_start3A_218 = arith.constant 0 : i32
      %dma_start3A_219 = tpu.memref_slice %arg5[%arg0, %mul3A_217, %dma_start3A_218] : memref<2x10240x128xf32, #tpu.memory_space<hbm>> -> memref<1x640x128xf32, #tpu.memory_space<hbm>>
      %dma_start3A_220 = tpu.memref_squeeze %dma_start3A_219 : memref<1x640x128xf32, #tpu.memory_space<hbm>> -> memref<640x128xf32, #tpu.memory_space<hbm>>
      %dma_start3A_221 = arith.constant 0 : i32
      %dma_start3A_222 = tpu.memref_slice %arg6[%mul3A_215, %dma_start3A_221] : memref<10240x128xf32, #tpu.memory_space<vmem_shared>> -> memref<640x128xf32, #tpu.memory_space<vmem_shared>>
      tpu.enqueue_dma source(%dma_start3A_222 : memref<640x128xf32, #tpu.memory_space<vmem_shared>>) target(%dma_start3A_220 : memref<640x128xf32, #tpu.memory_space<hbm>>) target_semaphore(%run_scoped3A : memref<!tpu.dma_semaphore, #tpu.memory_space<semaphore_mem>>)
      %dma_wait3A_223 = arith.constant 0 : i32
      %dma_wait3A_224 = tpu.memref_slice %arg5[%arg0, %mul3A_217, %dma_wait3A_223] : memref<2x10240x128xf32, #tpu.memory_space<hbm>> -> memref<1x640x128xf32, #tpu.memory_space<hbm>>
      %dma_wait3A_225 = tpu.memref_squeeze %dma_wait3A_224 : memref<1x640x128xf32, #tpu.memory_space<hbm>> -> memref<640x128xf32, #tpu.memory_space<hbm>>
      %dma_wait3A_226 = arith.constant 0 : i32
      %dma_wait3A_227 = tpu.memref_slice %arg6[%mul3A_215, %dma_wait3A_226] : memref<10240x128xf32, #tpu.memory_space<vmem_shared>> -> memref<640x128xf32, #tpu.memory_space<vmem_shared>>
      tpu.wait_dma2 semaphore(%run_scoped3A : memref<!tpu.dma_semaphore, #tpu.memory_space<semaphore_mem>>) src(%dma_wait3A_227 : memref<640x128xf32, #tpu.memory_space<vmem_shared>>) dst(%dma_wait3A_225 : memref<640x128xf32, #tpu.memory_space<hbm>>)
      tpu.yield
    }) : () -> ()
    return
  }
}

#map = affine_map<(d0, d1) -> (0, 0)>
#map1 = affine_map<(d0, d1) -> (0, 0, 0, 0)>
#map2 = affine_map<(d0, d1) -> (0)>
#map3 = affine_map<(d0, d1) -> (0, 0, 0)>
module attributes {stable_mosaic.version = 14 : i64} {
  func.func @_sc_pass_body(%arg0: i32, %arg1: i32, %arg2: memref<10000x128xf32, #tpu.memory_space<hbm>>, %arg3: memref<2x32x125x80xi32, #tpu.memory_space<hbm>>, %arg4: memref<320000xi32, #tpu.memory_space<hbm>>, %arg5: memref<2x10240x128xf32, #tpu.memory_space<hbm>>, %arg6: memref<10240x128xf32, #tpu.memory_space<vmem_shared>>, %arg7: memref<125x80xi32, #tpu.memory_space<vmem>>, %arg8: memref<80xi32, #tpu.memory_space<vmem>>, %arg9: memref<80xi32, #tpu.memory_space<vmem>>, %arg10: memref<80x128xf32, #tpu.memory_space<vmem>>, %arg11: memref<80x128xf32, #tpu.memory_space<vmem>>, %arg12: memref<!tpu.dma_semaphore, #tpu.memory_space<semaphore_mem>>, %arg13: memref<!tpu.dma_semaphore, #tpu.memory_space<semaphore_mem>>, %arg14: memref<!tpu.dma_semaphore, #tpu.memory_space<semaphore_mem>>, %arg15: memref<!tpu.dma_semaphore, #tpu.memory_space<semaphore_mem>>, %arg16: memref<!tpu.dma_semaphore, #tpu.memory_space<semaphore_mem>>, %arg17: memref<!tpu.dma_semaphore, #tpu.memory_space<semaphore_mem>>) attributes {dimension_semantics = [#tpu.dimension_semantics<core_parallel>, #tpu.dimension_semantics<subcore_parallel>], iteration_bounds = array<i64: 2, 16>, scalar_prefetch = 0 : i64, scratch_operands = 12 : i64, tpu.core_type = #tpu.core_type<sc_vector_subcore>, window_params = [{transform_indices = #map}, {transform_indices = #map1}, {transform_indices = #map2}, {transform_indices = #map3}]} {
    %mul3A = arith.constant 2 : i32
    %mul3A_0 = arith.muli %arg1, %mul3A : i32
    %add3A = arith.addi %mul3A_0, %arg0 : i32
    %scan3A = arith.constant 0 : i32
    %scan3A_1 = arith.constant 0 : i32
    %scan3A_2 = arith.constant 80 : i32
    %scan3A_3 = arith.addi %scan3A_1, %scan3A_2 : i32
    %scan3A_4 = arith.constant 1 : i32
    scf.for %scan3A_218 = %scan3A_1 to %scan3A_3 step %scan3A_4  : i32 {
      %broadcast_in_dim3A = arith.constant 0.000000e+00 : f32
      %broadcast_in_dim3A_219 = vector.broadcast %broadcast_in_dim3A : f32 to vector<16xf32>
      %swap3A = arith.index_cast %scan3A_218 : i32 to index
      %swap3A_220 = arith.constant 0 : index
      %swap3A_221 = tpu.vector_load %arg10[%swap3A, %swap3A_220] {strides = array<i32>} : memref<80x128xf32, #tpu.memory_space<vmem>>, vector<1x16xf32>,
      %swap3A_222 = vector.shape_cast %swap3A_221 : vector<1x16xf32> to vector<16xf32>
      %swap3A_223 = vector.shape_cast %broadcast_in_dim3A_219 : vector<16xf32> to vector<1x16xf32>
      tpu.vector_store %arg10[%swap3A, %swap3A_220], %swap3A_223 {strides = array<i32>} : memref<80x128xf32, #tpu.memory_space<vmem>>, vector<1x16xf32>,
      %broadcast_in_dim3A_224 = arith.constant 0.000000e+00 : f32
      %broadcast_in_dim3A_225 = vector.broadcast %broadcast_in_dim3A_224 : f32 to vector<16xf32>
      %swap3A_226 = arith.index_cast %scan3A_218 : i32 to index
      %swap3A_227 = arith.constant 16 : index
      %swap3A_228 = tpu.vector_load %arg10[%swap3A_226, %swap3A_227] {strides = array<i32>} : memref<80x128xf32, #tpu.memory_space<vmem>>, vector<1x16xf32>,
      %swap3A_229 = vector.shape_cast %swap3A_228 : vector<1x16xf32> to vector<16xf32>
      %swap3A_230 = vector.shape_cast %broadcast_in_dim3A_225 : vector<16xf32> to vector<1x16xf32>
      tpu.vector_store %arg10[%swap3A_226, %swap3A_227], %swap3A_230 {strides = array<i32>} : memref<80x128xf32, #tpu.memory_space<vmem>>, vector<1x16xf32>,
      %broadcast_in_dim3A_231 = arith.constant 0.000000e+00 : f32
      %broadcast_in_dim3A_232 = vector.broadcast %broadcast_in_dim3A_231 : f32 to vector<16xf32>
      %swap3A_233 = arith.index_cast %scan3A_218 : i32 to index
      %swap3A_234 = arith.constant 32 : index
      %swap3A_235 = tpu.vector_load %arg10[%swap3A_233, %swap3A_234] {strides = array<i32>} : memref<80x128xf32, #tpu.memory_space<vmem>>, vector<1x16xf32>,
      %swap3A_236 = vector.shape_cast %swap3A_235 : vector<1x16xf32> to vector<16xf32>
      %swap3A_237 = vector.shape_cast %broadcast_in_dim3A_232 : vector<16xf32> to vector<1x16xf32>
      tpu.vector_store %arg10[%swap3A_233, %swap3A_234], %swap3A_237 {strides = array<i32>} : memref<80x128xf32, #tpu.memory_space<vmem>>, vector<1x16xf32>,
      %broadcast_in_dim3A_238 = arith.constant 0.000000e+00 : f32
      %broadcast_in_dim3A_239 = vector.broadcast %broadcast_in_dim3A_238 : f32 to vector<16xf32>
      %swap3A_240 = arith.index_cast %scan3A_218 : i32 to index
      %swap3A_241 = arith.constant 48 : index
      %swap3A_242 = tpu.vector_load %arg10[%swap3A_240, %swap3A_241] {strides = array<i32>} : memref<80x128xf32, #tpu.memory_space<vmem>>, vector<1x16xf32>,
      %swap3A_243 = vector.shape_cast %swap3A_242 : vector<1x16xf32> to vector<16xf32>
      %swap3A_244 = vector.shape_cast %broadcast_in_dim3A_239 : vector<16xf32> to vector<1x16xf32>
      tpu.vector_store %arg10[%swap3A_240, %swap3A_241], %swap3A_244 {strides = array<i32>} : memref<80x128xf32, #tpu.memory_space<vmem>>, vector<1x16xf32>,
      %broadcast_in_dim3A_245 = arith.constant 0.000000e+00 : f32
      %broadcast_in_dim3A_246 = vector.broadcast %broadcast_in_dim3A_245 : f32 to vector<16xf32>
      %swap3A_247 = arith.index_cast %scan3A_218 : i32 to index
      %swap3A_248 = arith.constant 64 : index
      %swap3A_249 = tpu.vector_load %arg10[%swap3A_247, %swap3A_248] {strides = array<i32>} : memref<80x128xf32, #tpu.memory_space<vmem>>, vector<1x16xf32>,
      %swap3A_250 = vector.shape_cast %swap3A_249 : vector<1x16xf32> to vector<16xf32>
      %swap3A_251 = vector.shape_cast %broadcast_in_dim3A_246 : vector<16xf32> to vector<1x16xf32>
      tpu.vector_store %arg10[%swap3A_247, %swap3A_248], %swap3A_251 {strides = array<i32>} : memref<80x128xf32, #tpu.memory_space<vmem>>, vector<1x16xf32>,
      %broadcast_in_dim3A_252 = arith.constant 0.000000e+00 : f32
      %broadcast_in_dim3A_253 = vector.broadcast %broadcast_in_dim3A_252 : f32 to vector<16xf32>
      %swap3A_254 = arith.index_cast %scan3A_218 : i32 to index
      %swap3A_255 = arith.constant 80 : index
      %swap3A_256 = tpu.vector_load %arg10[%swap3A_254, %swap3A_255] {strides = array<i32>} : memref<80x128xf32, #tpu.memory_space<vmem>>, vector<1x16xf32>,
      %swap3A_257 = vector.shape_cast %swap3A_256 : vector<1x16xf32> to vector<16xf32>
      %swap3A_258 = vector.shape_cast %broadcast_in_dim3A_253 : vector<16xf32> to vector<1x16xf32>
      tpu.vector_store %arg10[%swap3A_254, %swap3A_255], %swap3A_258 {strides = array<i32>} : memref<80x128xf32, #tpu.memory_space<vmem>>, vector<1x16xf32>,
      %broadcast_in_dim3A_259 = arith.constant 0.000000e+00 : f32
      %broadcast_in_dim3A_260 = vector.broadcast %broadcast_in_dim3A_259 : f32 to vector<16xf32>
      %swap3A_261 = arith.index_cast %scan3A_218 : i32 to index
      %swap3A_262 = arith.constant 96 : index
      %swap3A_263 = tpu.vector_load %arg10[%swap3A_261, %swap3A_262] {strides = array<i32>} : memref<80x128xf32, #tpu.memory_space<vmem>>, vector<1x16xf32>,
      %swap3A_264 = vector.shape_cast %swap3A_263 : vector<1x16xf32> to vector<16xf32>
      %swap3A_265 = vector.shape_cast %broadcast_in_dim3A_260 : vector<16xf32> to vector<1x16xf32>
      tpu.vector_store %arg10[%swap3A_261, %swap3A_262], %swap3A_265 {strides = array<i32>} : memref<80x128xf32, #tpu.memory_space<vmem>>, vector<1x16xf32>,
      %broadcast_in_dim3A_266 = arith.constant 0.000000e+00 : f32
      %broadcast_in_dim3A_267 = vector.broadcast %broadcast_in_dim3A_266 : f32 to vector<16xf32>
      %swap3A_268 = arith.index_cast %scan3A_218 : i32 to index
      %swap3A_269 = arith.constant 112 : index
      %swap3A_270 = tpu.vector_load %arg10[%swap3A_268, %swap3A_269] {strides = array<i32>} : memref<80x128xf32, #tpu.memory_space<vmem>>, vector<1x16xf32>,
      %swap3A_271 = vector.shape_cast %swap3A_270 : vector<1x16xf32> to vector<16xf32>
      %swap3A_272 = vector.shape_cast %broadcast_in_dim3A_267 : vector<16xf32> to vector<1x16xf32>
      tpu.vector_store %arg10[%swap3A_268, %swap3A_269], %swap3A_272 {strides = array<i32>} : memref<80x128xf32, #tpu.memory_space<vmem>>, vector<1x16xf32>,
    }
    %scan3A_5 = arith.constant 80 : i32
    %mul3A_6 = arith.constant 640 : i32
    %mul3A_7 = arith.muli %arg1, %mul3A_6 : i32
    %add3A_8 = arith.constant 0 : i32
    %add3A_9 = arith.addi %mul3A_7, %add3A_8 : i32
    %dma_start3A = arith.constant 0 : i32
    %dma_start3A_10 = tpu.memref_slice %arg6[%add3A_9, %dma_start3A] : memref<10240x128xf32, #tpu.memory_space<vmem_shared>> -> memref<80x128xf32, #tpu.memory_space<vmem_shared>>
    %dma_start3A_11 = arith.constant 0 : i32
    %dma_start3A_12 = tpu.memref_slice %arg6[%add3A_9, %dma_start3A_11] : memref<10240x128xf32, #tpu.memory_space<vmem_shared>> -> memref<80x128xf32, #tpu.memory_space<vmem_shared>>
    tpu.enqueue_dma source(%arg10 : memref<80x128xf32, #tpu.memory_space<vmem>>) target(%dma_start3A_12 : memref<80x128xf32, #tpu.memory_space<vmem_shared>>) target_semaphore(%arg14 : memref<!tpu.dma_semaphore, #tpu.memory_space<semaphore_mem>>)
    %mul3A_13 = arith.constant 640 : i32
    %mul3A_14 = arith.muli %arg1, %mul3A_13 : i32
    %add3A_15 = arith.constant 80 : i32
    %add3A_16 = arith.addi %mul3A_14, %add3A_15 : i32
    %dma_start3A_17 = arith.constant 0 : i32
    %dma_start3A_18 = tpu.memref_slice %arg6[%add3A_16, %dma_start3A_17] : memref<10240x128xf32, #tpu.memory_space<vmem_shared>> -> memref<80x128xf32, #tpu.memory_space<vmem_shared>>
    %dma_start3A_19 = arith.constant 0 : i32
    %dma_start3A_20 = tpu.memref_slice %arg6[%add3A_16, %dma_start3A_19] : memref<10240x128xf32, #tpu.memory_space<vmem_shared>> -> memref<80x128xf32, #tpu.memory_space<vmem_shared>>
    tpu.enqueue_dma source(%arg10 : memref<80x128xf32, #tpu.memory_space<vmem>>) target(%dma_start3A_20 : memref<80x128xf32, #tpu.memory_space<vmem_shared>>) target_semaphore(%arg14 : memref<!tpu.dma_semaphore, #tpu.memory_space<semaphore_mem>>)
    %mul3A_21 = arith.constant 640 : i32
    %mul3A_22 = arith.muli %arg1, %mul3A_21 : i32
    %add3A_23 = arith.constant 160 : i32
    %add3A_24 = arith.addi %mul3A_22, %add3A_23 : i32
    %dma_start3A_25 = arith.constant 0 : i32
    %dma_start3A_26 = tpu.memref_slice %arg6[%add3A_24, %dma_start3A_25] : memref<10240x128xf32, #tpu.memory_space<vmem_shared>> -> memref<80x128xf32, #tpu.memory_space<vmem_shared>>
    %dma_start3A_27 = arith.constant 0 : i32
    %dma_start3A_28 = tpu.memref_slice %arg6[%add3A_24, %dma_start3A_27] : memref<10240x128xf32, #tpu.memory_space<vmem_shared>> -> memref<80x128xf32, #tpu.memory_space<vmem_shared>>
    tpu.enqueue_dma source(%arg10 : memref<80x128xf32, #tpu.memory_space<vmem>>) target(%dma_start3A_28 : memref<80x128xf32, #tpu.memory_space<vmem_shared>>) target_semaphore(%arg14 : memref<!tpu.dma_semaphore, #tpu.memory_space<semaphore_mem>>)
    %mul3A_29 = arith.constant 640 : i32
    %mul3A_30 = arith.muli %arg1, %mul3A_29 : i32
    %add3A_31 = arith.constant 240 : i32
    %add3A_32 = arith.addi %mul3A_30, %add3A_31 : i32
    %dma_start3A_33 = arith.constant 0 : i32
    %dma_start3A_34 = tpu.memref_slice %arg6[%add3A_32, %dma_start3A_33] : memref<10240x128xf32, #tpu.memory_space<vmem_shared>> -> memref<80x128xf32, #tpu.memory_space<vmem_shared>>
    %dma_start3A_35 = arith.constant 0 : i32
    %dma_start3A_36 = tpu.memref_slice %arg6[%add3A_32, %dma_start3A_35] : memref<10240x128xf32, #tpu.memory_space<vmem_shared>> -> memref<80x128xf32, #tpu.memory_space<vmem_shared>>
    tpu.enqueue_dma source(%arg10 : memref<80x128xf32, #tpu.memory_space<vmem>>) target(%dma_start3A_36 : memref<80x128xf32, #tpu.memory_space<vmem_shared>>) target_semaphore(%arg14 : memref<!tpu.dma_semaphore, #tpu.memory_space<semaphore_mem>>)
    %mul3A_37 = arith.constant 640 : i32
    %mul3A_38 = arith.muli %arg1, %mul3A_37 : i32
    %add3A_39 = arith.constant 320 : i32
    %add3A_40 = arith.addi %mul3A_38, %add3A_39 : i32
    %dma_start3A_41 = arith.constant 0 : i32
    %dma_start3A_42 = tpu.memref_slice %arg6[%add3A_40, %dma_start3A_41] : memref<10240x128xf32, #tpu.memory_space<vmem_shared>> -> memref<80x128xf32, #tpu.memory_space<vmem_shared>>
    %dma_start3A_43 = arith.constant 0 : i32
    %dma_start3A_44 = tpu.memref_slice %arg6[%add3A_40, %dma_start3A_43] : memref<10240x128xf32, #tpu.memory_space<vmem_shared>> -> memref<80x128xf32, #tpu.memory_space<vmem_shared>>
    tpu.enqueue_dma source(%arg10 : memref<80x128xf32, #tpu.memory_space<vmem>>) target(%dma_start3A_44 : memref<80x128xf32, #tpu.memory_space<vmem_shared>>) target_semaphore(%arg14 : memref<!tpu.dma_semaphore, #tpu.memory_space<semaphore_mem>>)
    %mul3A_45 = arith.constant 640 : i32
    %mul3A_46 = arith.muli %arg1, %mul3A_45 : i32
    %add3A_47 = arith.constant 400 : i32
    %add3A_48 = arith.addi %mul3A_46, %add3A_47 : i32
    %dma_start3A_49 = arith.constant 0 : i32
    %dma_start3A_50 = tpu.memref_slice %arg6[%add3A_48, %dma_start3A_49] : memref<10240x128xf32, #tpu.memory_space<vmem_shared>> -> memref<80x128xf32, #tpu.memory_space<vmem_shared>>
    %dma_start3A_51 = arith.constant 0 : i32
    %dma_start3A_52 = tpu.memref_slice %arg6[%add3A_48, %dma_start3A_51] : memref<10240x128xf32, #tpu.memory_space<vmem_shared>> -> memref<80x128xf32, #tpu.memory_space<vmem_shared>>
    tpu.enqueue_dma source(%arg10 : memref<80x128xf32, #tpu.memory_space<vmem>>) target(%dma_start3A_52 : memref<80x128xf32, #tpu.memory_space<vmem_shared>>) target_semaphore(%arg14 : memref<!tpu.dma_semaphore, #tpu.memory_space<semaphore_mem>>)
    %mul3A_53 = arith.constant 640 : i32
    %mul3A_54 = arith.muli %arg1, %mul3A_53 : i32
    %add3A_55 = arith.constant 480 : i32
    %add3A_56 = arith.addi %mul3A_54, %add3A_55 : i32
    %dma_start3A_57 = arith.constant 0 : i32
    %dma_start3A_58 = tpu.memref_slice %arg6[%add3A_56, %dma_start3A_57] : memref<10240x128xf32, #tpu.memory_space<vmem_shared>> -> memref<80x128xf32, #tpu.memory_space<vmem_shared>>
    %dma_start3A_59 = arith.constant 0 : i32
    %dma_start3A_60 = tpu.memref_slice %arg6[%add3A_56, %dma_start3A_59] : memref<10240x128xf32, #tpu.memory_space<vmem_shared>> -> memref<80x128xf32, #tpu.memory_space<vmem_shared>>
    tpu.enqueue_dma source(%arg10 : memref<80x128xf32, #tpu.memory_space<vmem>>) target(%dma_start3A_60 : memref<80x128xf32, #tpu.memory_space<vmem_shared>>) target_semaphore(%arg14 : memref<!tpu.dma_semaphore, #tpu.memory_space<semaphore_mem>>)
    %mul3A_61 = arith.constant 640 : i32
    %mul3A_62 = arith.muli %arg1, %mul3A_61 : i32
    %add3A_63 = arith.constant 560 : i32
    %add3A_64 = arith.addi %mul3A_62, %add3A_63 : i32
    %dma_start3A_65 = arith.constant 0 : i32
    %dma_start3A_66 = tpu.memref_slice %arg6[%add3A_64, %dma_start3A_65] : memref<10240x128xf32, #tpu.memory_space<vmem_shared>> -> memref<80x128xf32, #tpu.memory_space<vmem_shared>>
    %dma_start3A_67 = arith.constant 0 : i32
    %dma_start3A_68 = tpu.memref_slice %arg6[%add3A_64, %dma_start3A_67] : memref<10240x128xf32, #tpu.memory_space<vmem_shared>> -> memref<80x128xf32, #tpu.memory_space<vmem_shared>>
    tpu.enqueue_dma source(%arg10 : memref<80x128xf32, #tpu.memory_space<vmem>>) target(%dma_start3A_68 : memref<80x128xf32, #tpu.memory_space<vmem_shared>>) target_semaphore(%arg14 : memref<!tpu.dma_semaphore, #tpu.memory_space<semaphore_mem>>)
    %dma_start3A_69 = arith.constant 0 : i32
    %dma_start3A_70 = arith.constant 0 : i32
    %dma_start3A_71 = arith.constant 0 : i32
    %dma_start3A_72 = tpu.memref_slice %arg3[%dma_start3A_69, %add3A, %dma_start3A_70, %dma_start3A_71] : memref<2x32x125x80xi32, #tpu.memory_space<hbm>> -> memref<1x1x125x80xi32, #tpu.memory_space<hbm>>
    %dma_start3A_73 = tpu.memref_squeeze %dma_start3A_72 : memref<1x1x125x80xi32, #tpu.memory_space<hbm>> -> memref<125x80xi32, #tpu.memory_space<hbm>>
    %dma_start3A_74 = arith.constant 0 : i32
    %dma_start3A_75 = arith.constant 0 : i32
    %dma_start3A_76 = tpu.memref_slice %arg3[%dma_start3A_69, %add3A, %dma_start3A_74, %dma_start3A_75] : memref<2x32x125x80xi32, #tpu.memory_space<hbm>> -> memref<1x1x125x80xi32, #tpu.memory_space<hbm>>
    %dma_start3A_77 = tpu.memref_squeeze %dma_start3A_76 : memref<1x1x125x80xi32, #tpu.memory_space<hbm>> -> memref<125x80xi32, #tpu.memory_space<hbm>>
    tpu.enqueue_dma source(%dma_start3A_77 : memref<125x80xi32, #tpu.memory_space<hbm>>) target(%arg7 : memref<125x80xi32, #tpu.memory_space<vmem>>) target_semaphore(%arg13 : memref<!tpu.dma_semaphore, #tpu.memory_space<semaphore_mem>>)
    %mul3A_78 = arith.constant 10000 : i32
    %mul3A_79 = arith.muli %add3A, %mul3A_78 : i32
    %add3A_80 = arith.constant 0 : i32
    %add3A_81 = arith.addi %mul3A_79, %add3A_80 : i32
    %multiple_of3A = tpu.assume_multiple %add3A_81, 8 : i32
    %dma_start3A_82 = tpu.memref_slice %arg4[%multiple_of3A] : memref<320000xi32, #tpu.memory_space<hbm>> -> memref<80xi32, #tpu.memory_space<hbm>>
    %dma_start3A_83 = tpu.memref_slice %arg4[%multiple_of3A] : memref<320000xi32, #tpu.memory_space<hbm>> -> memref<80xi32, #tpu.memory_space<hbm>>
    tpu.enqueue_dma source(%dma_start3A_83 : memref<80xi32, #tpu.memory_space<hbm>>) target(%arg8 : memref<80xi32, #tpu.memory_space<vmem>>) target_semaphore(%arg16 : memref<!tpu.dma_semaphore, #tpu.memory_space<semaphore_mem>>)
    %mul3A_84 = arith.constant 10000 : i32
    %mul3A_85 = arith.muli %add3A, %mul3A_84 : i32
    %add3A_86 = arith.constant 80 : i32
    %add3A_87 = arith.addi %mul3A_85, %add3A_86 : i32
    %multiple_of3A_88 = tpu.assume_multiple %add3A_87, 8 : i32
    %dma_start3A_89 = tpu.memref_slice %arg4[%multiple_of3A_88] : memref<320000xi32, #tpu.memory_space<hbm>> -> memref<80xi32, #tpu.memory_space<hbm>>
    %dma_start3A_90 = tpu.memref_slice %arg4[%multiple_of3A_88] : memref<320000xi32, #tpu.memory_space<hbm>> -> memref<80xi32, #tpu.memory_space<hbm>>
    tpu.enqueue_dma source(%dma_start3A_90 : memref<80xi32, #tpu.memory_space<hbm>>) target(%arg9 : memref<80xi32, #tpu.memory_space<vmem>>) target_semaphore(%arg17 : memref<!tpu.dma_semaphore, #tpu.memory_space<semaphore_mem>>)
    %mul3A_91 = arith.constant 640 : i32
    %mul3A_92 = arith.muli %arg1, %mul3A_91 : i32
    %add3A_93 = arith.constant 0 : i32
    %add3A_94 = arith.addi %mul3A_92, %add3A_93 : i32
    %dma_wait3A = arith.constant 0 : i32
    %dma_wait3A_95 = tpu.memref_slice %arg6[%add3A_94, %dma_wait3A] : memref<10240x128xf32, #tpu.memory_space<vmem_shared>> -> memref<80x128xf32, #tpu.memory_space<vmem_shared>>
    %dma_wait3A_96 = arith.constant 0 : i32
    %dma_wait3A_97 = tpu.memref_slice %arg6[%add3A_94, %dma_wait3A_96] : memref<10240x128xf32, #tpu.memory_space<vmem_shared>> -> memref<80x128xf32, #tpu.memory_space<vmem_shared>>
    tpu.wait_dma2 semaphore(%arg14 : memref<!tpu.dma_semaphore, #tpu.memory_space<semaphore_mem>>) src(%arg10 : memref<80x128xf32, #tpu.memory_space<vmem>>) dst(%dma_wait3A_97 : memref<80x128xf32, #tpu.memory_space<vmem_shared>>)
    %mul3A_98 = arith.constant 640 : i32
    %mul3A_99 = arith.muli %arg1, %mul3A_98 : i32
    %add3A_100 = arith.constant 80 : i32
    %add3A_101 = arith.addi %mul3A_99, %add3A_100 : i32
    %dma_wait3A_102 = arith.constant 0 : i32
    %dma_wait3A_103 = tpu.memref_slice %arg6[%add3A_101, %dma_wait3A_102] : memref<10240x128xf32, #tpu.memory_space<vmem_shared>> -> memref<80x128xf32, #tpu.memory_space<vmem_shared>>
    %dma_wait3A_104 = arith.constant 0 : i32
    %dma_wait3A_105 = tpu.memref_slice %arg6[%add3A_101, %dma_wait3A_104] : memref<10240x128xf32, #tpu.memory_space<vmem_shared>> -> memref<80x128xf32, #tpu.memory_space<vmem_shared>>
    tpu.wait_dma2 semaphore(%arg14 : memref<!tpu.dma_semaphore, #tpu.memory_space<semaphore_mem>>) src(%arg10 : memref<80x128xf32, #tpu.memory_space<vmem>>) dst(%dma_wait3A_105 : memref<80x128xf32, #tpu.memory_space<vmem_shared>>)
    %mul3A_106 = arith.constant 640 : i32
    %mul3A_107 = arith.muli %arg1, %mul3A_106 : i32
    %add3A_108 = arith.constant 160 : i32
    %add3A_109 = arith.addi %mul3A_107, %add3A_108 : i32
    %dma_wait3A_110 = arith.constant 0 : i32
    %dma_wait3A_111 = tpu.memref_slice %arg6[%add3A_109, %dma_wait3A_110] : memref<10240x128xf32, #tpu.memory_space<vmem_shared>> -> memref<80x128xf32, #tpu.memory_space<vmem_shared>>
    %dma_wait3A_112 = arith.constant 0 : i32
    %dma_wait3A_113 = tpu.memref_slice %arg6[%add3A_109, %dma_wait3A_112] : memref<10240x128xf32, #tpu.memory_space<vmem_shared>> -> memref<80x128xf32, #tpu.memory_space<vmem_shared>>
    tpu.wait_dma2 semaphore(%arg14 : memref<!tpu.dma_semaphore, #tpu.memory_space<semaphore_mem>>) src(%arg10 : memref<80x128xf32, #tpu.memory_space<vmem>>) dst(%dma_wait3A_113 : memref<80x128xf32, #tpu.memory_space<vmem_shared>>)
    %mul3A_114 = arith.constant 640 : i32
    %mul3A_115 = arith.muli %arg1, %mul3A_114 : i32
    %add3A_116 = arith.constant 240 : i32
    %add3A_117 = arith.addi %mul3A_115, %add3A_116 : i32
    %dma_wait3A_118 = arith.constant 0 : i32
    %dma_wait3A_119 = tpu.memref_slice %arg6[%add3A_117, %dma_wait3A_118] : memref<10240x128xf32, #tpu.memory_space<vmem_shared>> -> memref<80x128xf32, #tpu.memory_space<vmem_shared>>
    %dma_wait3A_120 = arith.constant 0 : i32
    %dma_wait3A_121 = tpu.memref_slice %arg6[%add3A_117, %dma_wait3A_120] : memref<10240x128xf32, #tpu.memory_space<vmem_shared>> -> memref<80x128xf32, #tpu.memory_space<vmem_shared>>
    tpu.wait_dma2 semaphore(%arg14 : memref<!tpu.dma_semaphore, #tpu.memory_space<semaphore_mem>>) src(%arg10 : memref<80x128xf32, #tpu.memory_space<vmem>>) dst(%dma_wait3A_121 : memref<80x128xf32, #tpu.memory_space<vmem_shared>>)
    %mul3A_122 = arith.constant 640 : i32
    %mul3A_123 = arith.muli %arg1, %mul3A_122 : i32
    %add3A_124 = arith.constant 320 : i32
    %add3A_125 = arith.addi %mul3A_123, %add3A_124 : i32
    %dma_wait3A_126 = arith.constant 0 : i32
    %dma_wait3A_127 = tpu.memref_slice %arg6[%add3A_125, %dma_wait3A_126] : memref<10240x128xf32, #tpu.memory_space<vmem_shared>> -> memref<80x128xf32, #tpu.memory_space<vmem_shared>>
    %dma_wait3A_128 = arith.constant 0 : i32
    %dma_wait3A_129 = tpu.memref_slice %arg6[%add3A_125, %dma_wait3A_128] : memref<10240x128xf32, #tpu.memory_space<vmem_shared>> -> memref<80x128xf32, #tpu.memory_space<vmem_shared>>
    tpu.wait_dma2 semaphore(%arg14 : memref<!tpu.dma_semaphore, #tpu.memory_space<semaphore_mem>>) src(%arg10 : memref<80x128xf32, #tpu.memory_space<vmem>>) dst(%dma_wait3A_129 : memref<80x128xf32, #tpu.memory_space<vmem_shared>>)
    %mul3A_130 = arith.constant 640 : i32
    %mul3A_131 = arith.muli %arg1, %mul3A_130 : i32
    %add3A_132 = arith.constant 400 : i32
    %add3A_133 = arith.addi %mul3A_131, %add3A_132 : i32
    %dma_wait3A_134 = arith.constant 0 : i32
    %dma_wait3A_135 = tpu.memref_slice %arg6[%add3A_133, %dma_wait3A_134] : memref<10240x128xf32, #tpu.memory_space<vmem_shared>> -> memref<80x128xf32, #tpu.memory_space<vmem_shared>>
    %dma_wait3A_136 = arith.constant 0 : i32
    %dma_wait3A_137 = tpu.memref_slice %arg6[%add3A_133, %dma_wait3A_136] : memref<10240x128xf32, #tpu.memory_space<vmem_shared>> -> memref<80x128xf32, #tpu.memory_space<vmem_shared>>
    tpu.wait_dma2 semaphore(%arg14 : memref<!tpu.dma_semaphore, #tpu.memory_space<semaphore_mem>>) src(%arg10 : memref<80x128xf32, #tpu.memory_space<vmem>>) dst(%dma_wait3A_137 : memref<80x128xf32, #tpu.memory_space<vmem_shared>>)
    %mul3A_138 = arith.constant 640 : i32
    %mul3A_139 = arith.muli %arg1, %mul3A_138 : i32
    %add3A_140 = arith.constant 480 : i32
    %add3A_141 = arith.addi %mul3A_139, %add3A_140 : i32
    %dma_wait3A_142 = arith.constant 0 : i32
    %dma_wait3A_143 = tpu.memref_slice %arg6[%add3A_141, %dma_wait3A_142] : memref<10240x128xf32, #tpu.memory_space<vmem_shared>> -> memref<80x128xf32, #tpu.memory_space<vmem_shared>>
    %dma_wait3A_144 = arith.constant 0 : i32
    %dma_wait3A_145 = tpu.memref_slice %arg6[%add3A_141, %dma_wait3A_144] : memref<10240x128xf32, #tpu.memory_space<vmem_shared>> -> memref<80x128xf32, #tpu.memory_space<vmem_shared>>
    tpu.wait_dma2 semaphore(%arg14 : memref<!tpu.dma_semaphore, #tpu.memory_space<semaphore_mem>>) src(%arg10 : memref<80x128xf32, #tpu.memory_space<vmem>>) dst(%dma_wait3A_145 : memref<80x128xf32, #tpu.memory_space<vmem_shared>>)
    %mul3A_146 = arith.constant 640 : i32
    %mul3A_147 = arith.muli %arg1, %mul3A_146 : i32
    %add3A_148 = arith.constant 560 : i32
    %add3A_149 = arith.addi %mul3A_147, %add3A_148 : i32
    %dma_wait3A_150 = arith.constant 0 : i32
    %dma_wait3A_151 = tpu.memref_slice %arg6[%add3A_149, %dma_wait3A_150] : memref<10240x128xf32, #tpu.memory_space<vmem_shared>> -> memref<80x128xf32, #tpu.memory_space<vmem_shared>>
    %dma_wait3A_152 = arith.constant 0 : i32
    %dma_wait3A_153 = tpu.memref_slice %arg6[%add3A_149, %dma_wait3A_152] : memref<10240x128xf32, #tpu.memory_space<vmem_shared>> -> memref<80x128xf32, #tpu.memory_space<vmem_shared>>
    tpu.wait_dma2 semaphore(%arg14 : memref<!tpu.dma_semaphore, #tpu.memory_space<semaphore_mem>>) src(%arg10 : memref<80x128xf32, #tpu.memory_space<vmem>>) dst(%dma_wait3A_153 : memref<80x128xf32, #tpu.memory_space<vmem_shared>>)
    %dma_wait3A_154 = arith.constant 0 : i32
    %dma_wait3A_155 = arith.constant 0 : i32
    %dma_wait3A_156 = arith.constant 0 : i32
    %dma_wait3A_157 = tpu.memref_slice %arg3[%dma_wait3A_154, %add3A, %dma_wait3A_155, %dma_wait3A_156] : memref<2x32x125x80xi32, #tpu.memory_space<hbm>> -> memref<1x1x125x80xi32, #tpu.memory_space<hbm>>
    %dma_wait3A_158 = tpu.memref_squeeze %dma_wait3A_157 : memref<1x1x125x80xi32, #tpu.memory_space<hbm>> -> memref<125x80xi32, #tpu.memory_space<hbm>>
    %dma_wait3A_159 = arith.constant 0 : i32
    %dma_wait3A_160 = arith.constant 0 : i32
    %dma_wait3A_161 = tpu.memref_slice %arg3[%dma_wait3A_154, %add3A, %dma_wait3A_159, %dma_wait3A_160] : memref<2x32x125x80xi32, #tpu.memory_space<hbm>> -> memref<1x1x125x80xi32, #tpu.memory_space<hbm>>
    %dma_wait3A_162 = tpu.memref_squeeze %dma_wait3A_161 : memref<1x1x125x80xi32, #tpu.memory_space<hbm>> -> memref<125x80xi32, #tpu.memory_space<hbm>>
    tpu.wait_dma2 semaphore(%arg13 : memref<!tpu.dma_semaphore, #tpu.memory_space<semaphore_mem>>) src(%dma_wait3A_162 : memref<125x80xi32, #tpu.memory_space<hbm>>) dst(%arg7 : memref<125x80xi32, #tpu.memory_space<vmem>>)
    %mul3A_163 = arith.constant 10000 : i32
    %mul3A_164 = arith.muli %add3A, %mul3A_163 : i32
    %add3A_165 = arith.constant 0 : i32
    %add3A_166 = arith.addi %mul3A_164, %add3A_165 : i32
    %multiple_of3A_167 = tpu.assume_multiple %add3A_166, 8 : i32
    %dma_wait3A_168 = tpu.memref_slice %arg4[%multiple_of3A_167] : memref<320000xi32, #tpu.memory_space<hbm>> -> memref<80xi32, #tpu.memory_space<hbm>>
    %dma_wait3A_169 = tpu.memref_slice %arg4[%multiple_of3A_167] : memref<320000xi32, #tpu.memory_space<hbm>> -> memref<80xi32, #tpu.memory_space<hbm>>
    tpu.wait_dma2 semaphore(%arg16 : memref<!tpu.dma_semaphore, #tpu.memory_space<semaphore_mem>>) src(%dma_wait3A_169 : memref<80xi32, #tpu.memory_space<hbm>>) dst(%arg8 : memref<80xi32, #tpu.memory_space<vmem>>)
    %mul3A_170 = arith.constant 10000 : i32
    %mul3A_171 = arith.muli %add3A, %mul3A_170 : i32
    %add3A_172 = arith.constant 80 : i32
    %add3A_173 = arith.addi %mul3A_171, %add3A_172 : i32
    %multiple_of3A_174 = tpu.assume_multiple %add3A_173, 8 : i32
    %dma_wait3A_175 = tpu.memref_slice %arg4[%multiple_of3A_174] : memref<320000xi32, #tpu.memory_space<hbm>> -> memref<80xi32, #tpu.memory_space<hbm>>
    %dma_wait3A_176 = tpu.memref_slice %arg4[%multiple_of3A_174] : memref<320000xi32, #tpu.memory_space<hbm>> -> memref<80xi32, #tpu.memory_space<hbm>>
    tpu.wait_dma2 semaphore(%arg17 : memref<!tpu.dma_semaphore, #tpu.memory_space<semaphore_mem>>) src(%dma_wait3A_176 : memref<80xi32, #tpu.memory_space<hbm>>) dst(%arg9 : memref<80xi32, #tpu.memory_space<vmem>>)
    %dma_start3A_177 = arith.constant 0 : i32
    %dma_start3A_178 = arith.constant 0 : i32
    %dma_start3A_179 = tpu.memref_slice %arg7[%dma_start3A_177, %dma_start3A_178] : memref<125x80xi32, #tpu.memory_space<vmem>> -> memref<1x80xi32, #tpu.memory_space<vmem>>
    %dma_start3A_180 = tpu.memref_squeeze %dma_start3A_179 : memref<1x80xi32, #tpu.memory_space<vmem>> -> memref<80xi32, #tpu.memory_space<vmem>>
    %dma_start3A_181 = arith.constant 0 : i32
    %dma_start3A_182 = arith.constant 0 : i32
    %dma_start3A_183 = tpu.memref_slice %arg2[%dma_start3A_181, %dma_start3A_182] : memref<10000x128xf32, #tpu.memory_space<hbm>> -> memref<10000x128xf32, #tpu.memory_space<hbm>>
    tpu.enqueue_indirect_dma source(%dma_start3A_183 : memref<10000x128xf32, #tpu.memory_space<hbm>>) target(%arg10 : memref<80x128xf32, #tpu.memory_space<vmem>>) offsets(%dma_start3A_180 : memref<80xi32, #tpu.memory_space<vmem>>) semaphore(%arg12 : memref<!tpu.dma_semaphore, #tpu.memory_space<semaphore_mem>>)
    %barrier3A = arith.constant 0 : index
    tpu.barrier barrier_id(%barrier3A)
    %scan3A_184 = arith.constant 0 : i32
    %scan3A_185 = arith.constant 0 : i32
    %scan3A_186 = arith.constant 62 : i32
    %scan3A_187 = arith.addi %scan3A_185, %scan3A_186 : i32
    %scan3A_188 = arith.constant 1 : i32
    scf.for %scan3A_218 = %scan3A_185 to %scan3A_187 step %scan3A_188  : i32 {
      %mul3A_219 = arith.constant 2 : i32
      %mul3A_220 = arith.muli %mul3A_219, %scan3A_218 : i32
      %ge3A = arith.constant 1 : i32
      %ge3A_221 = arith.cmpi sge, %scan3A_218, %ge3A : i32
      %convert_element_type3A = arith.extui %ge3A_221 : i1 to i32
      %cond3A = arith.constant 0 : i32
      %cond3A_222 = arith.cmpi ne, %convert_element_type3A, %cond3A : i32
      scf.if %cond3A_222 {
        %dma_wait3A_282 = arith.constant 0 : i32
        %dma_wait3A_283 = arith.constant 0 : i32
        %dma_wait3A_284 = tpu.memref_slice %arg6[%dma_wait3A_282, %dma_wait3A_283] : memref<10240x128xf32, #tpu.memory_space<vmem_shared>> -> memref<10240x128xf32, #tpu.memory_space<vmem_shared>>
        tpu.wait_indirect_dma semaphore(%arg15 : memref<!tpu.dma_semaphore, #tpu.memory_space<semaphore_mem>>) src(%arg11 : memref<80x128xf32, #tpu.memory_space<vmem>>) dst(%dma_wait3A_284 : memref<10240x128xf32, #tpu.memory_space<vmem_shared>>)
        %add3A_285 = arith.constant 1 : i32
        %add3A_286 = arith.addi %mul3A_220, %add3A_285 : i32
        %mul3A_287 = arith.constant 10000 : i32
        %mul3A_288 = arith.muli %add3A, %mul3A_287 : i32
        %mul3A_289 = arith.constant 80 : i32
        %mul3A_290 = arith.muli %add3A_286, %mul3A_289 : i32
        %add3A_291 = arith.addi %mul3A_288, %mul3A_290 : i32
        %multiple_of3A_292 = tpu.assume_multiple %add3A_291, 8 : i32
        %dma_start3A_293 = tpu.memref_slice %arg4[%multiple_of3A_292] : memref<320000xi32, #tpu.memory_space<hbm>> -> memref<80xi32, #tpu.memory_space<hbm>>
        %dma_start3A_294 = tpu.memref_slice %arg4[%multiple_of3A_292] : memref<320000xi32, #tpu.memory_space<hbm>> -> memref<80xi32, #tpu.memory_space<hbm>>
        tpu.enqueue_dma source(%dma_start3A_294 : memref<80xi32, #tpu.memory_space<hbm>>) target(%arg9 : memref<80xi32, #tpu.memory_space<vmem>>) target_semaphore(%arg17 : memref<!tpu.dma_semaphore, #tpu.memory_space<semaphore_mem>>)
      } else {
      }
      %add3A_223 = arith.constant 1 : i32
      %add3A_224 = arith.addi %mul3A_220, %add3A_223 : i32
      %dma_start3A_225 = arith.constant 0 : i32
      %dma_start3A_226 = tpu.memref_slice %arg7[%add3A_224, %dma_start3A_225] : memref<125x80xi32, #tpu.memory_space<vmem>> -> memref<1x80xi32, #tpu.memory_space<vmem>>
      %dma_start3A_227 = tpu.memref_squeeze %dma_start3A_226 : memref<1x80xi32, #tpu.memory_space<vmem>> -> memref<80xi32, #tpu.memory_space<vmem>>
      %dma_start3A_228 = arith.constant 0 : i32
      %dma_start3A_229 = arith.constant 0 : i32
      %dma_start3A_230 = tpu.memref_slice %arg2[%dma_start3A_228, %dma_start3A_229] : memref<10000x128xf32, #tpu.memory_space<hbm>> -> memref<10000x128xf32, #tpu.memory_space<hbm>>
      tpu.enqueue_indirect_dma source(%dma_start3A_230 : memref<10000x128xf32, #tpu.memory_space<hbm>>) target(%arg11 : memref<80x128xf32, #tpu.memory_space<vmem>>) offsets(%dma_start3A_227 : memref<80xi32, #tpu.memory_space<vmem>>) semaphore(%arg13 : memref<!tpu.dma_semaphore, #tpu.memory_space<semaphore_mem>>)
      %dma_wait3A_231 = arith.constant 0 : i32
      %dma_wait3A_232 = tpu.memref_slice %arg7[%mul3A_220, %dma_wait3A_231] : memref<125x80xi32, #tpu.memory_space<vmem>> -> memref<1x80xi32, #tpu.memory_space<vmem>>
      %dma_wait3A_233 = tpu.memref_squeeze %dma_wait3A_232 : memref<1x80xi32, #tpu.memory_space<vmem>> -> memref<80xi32, #tpu.memory_space<vmem>>
      %dma_wait3A_234 = arith.constant 0 : i32
      %dma_wait3A_235 = arith.constant 0 : i32
      %dma_wait3A_236 = tpu.memref_slice %arg2[%dma_wait3A_234, %dma_wait3A_235] : memref<10000x128xf32, #tpu.memory_space<hbm>> -> memref<10000x128xf32, #tpu.memory_space<hbm>>
      tpu.wait_indirect_dma semaphore(%arg12 : memref<!tpu.dma_semaphore, #tpu.memory_space<semaphore_mem>>) src(%dma_wait3A_236 : memref<10000x128xf32, #tpu.memory_space<hbm>>) dst(%arg10 : memref<80x128xf32, #tpu.memory_space<vmem>>)
      %ge3A_237 = arith.constant 1 : i32
      %ge3A_238 = arith.cmpi sge, %scan3A_218, %ge3A_237 : i32
      %convert_element_type3A_239 = arith.extui %ge3A_238 : i1 to i32
      %cond3A_240 = arith.constant 0 : i32
      %cond3A_241 = arith.cmpi ne, %convert_element_type3A_239, %cond3A_240 : i32
      scf.if %cond3A_241 {
        %mul3A_282 = arith.constant 10000 : i32
        %mul3A_283 = arith.muli %add3A, %mul3A_282 : i32
        %mul3A_284 = arith.constant 80 : i32
        %mul3A_285 = arith.muli %mul3A_220, %mul3A_284 : i32
        %add3A_286 = arith.addi %mul3A_283, %mul3A_285 : i32
        %multiple_of3A_287 = tpu.assume_multiple %add3A_286, 8 : i32
        %dma_wait3A_288 = tpu.memref_slice %arg4[%multiple_of3A_287] : memref<320000xi32, #tpu.memory_space<hbm>> -> memref<80xi32, #tpu.memory_space<hbm>>
        %dma_wait3A_289 = tpu.memref_slice %arg4[%multiple_of3A_287] : memref<320000xi32, #tpu.memory_space<hbm>> -> memref<80xi32, #tpu.memory_space<hbm>>
        tpu.wait_dma2 semaphore(%arg16 : memref<!tpu.dma_semaphore, #tpu.memory_space<semaphore_mem>>) src(%dma_wait3A_289 : memref<80xi32, #tpu.memory_space<hbm>>) dst(%arg8 : memref<80xi32, #tpu.memory_space<vmem>>)
      } else {
      }
      %dma_start3A_242 = arith.constant 0 : i32
      %dma_start3A_243 = arith.constant 0 : i32
      %dma_start3A_244 = tpu.memref_slice %arg6[%dma_start3A_242, %dma_start3A_243] : memref<10240x128xf32, #tpu.memory_space<vmem_shared>> -> memref<10240x128xf32, #tpu.memory_space<vmem_shared>>
      tpu.enqueue_indirect_dma source(%arg10 : memref<80x128xf32, #tpu.memory_space<vmem>>) target(%dma_start3A_244 : memref<10240x128xf32, #tpu.memory_space<vmem_shared>>) offsets(%arg8 : memref<80xi32, #tpu.memory_space<vmem>>) semaphore(%arg14 : memref<!tpu.dma_semaphore, #tpu.memory_space<semaphore_mem>>) {add = true}
      %dma_wait3A_245 = arith.constant 0 : i32
      %dma_wait3A_246 = arith.constant 0 : i32
      %dma_wait3A_247 = tpu.memref_slice %arg6[%dma_wait3A_245, %dma_wait3A_246] : memref<10240x128xf32, #tpu.memory_space<vmem_shared>> -> memref<10240x128xf32, #tpu.memory_space<vmem_shared>>
      tpu.wait_indirect_dma semaphore(%arg14 : memref<!tpu.dma_semaphore, #tpu.memory_space<semaphore_mem>>) src(%arg10 : memref<80x128xf32, #tpu.memory_space<vmem>>) dst(%dma_wait3A_247 : memref<10240x128xf32, #tpu.memory_space<vmem_shared>>)
      %add3A_248 = arith.constant 2 : i32
      %add3A_249 = arith.addi %mul3A_220, %add3A_248 : i32
      %mul3A_250 = arith.constant 10000 : i32
      %mul3A_251 = arith.muli %add3A, %mul3A_250 : i32
      %mul3A_252 = arith.constant 80 : i32
      %mul3A_253 = arith.muli %add3A_249, %mul3A_252 : i32
      %add3A_254 = arith.addi %mul3A_251, %mul3A_253 : i32
      %multiple_of3A_255 = tpu.assume_multiple %add3A_254, 8 : i32
      %dma_start3A_256 = tpu.memref_slice %arg4[%multiple_of3A_255] : memref<320000xi32, #tpu.memory_space<hbm>> -> memref<80xi32, #tpu.memory_space<hbm>>
      %dma_start3A_257 = tpu.memref_slice %arg4[%multiple_of3A_255] : memref<320000xi32, #tpu.memory_space<hbm>> -> memref<80xi32, #tpu.memory_space<hbm>>
      tpu.enqueue_dma source(%dma_start3A_257 : memref<80xi32, #tpu.memory_space<hbm>>) target(%arg8 : memref<80xi32, #tpu.memory_space<vmem>>) target_semaphore(%arg16 : memref<!tpu.dma_semaphore, #tpu.memory_space<semaphore_mem>>)
      %add3A_258 = arith.constant 2 : i32
      %add3A_259 = arith.addi %mul3A_220, %add3A_258 : i32
      %dma_start3A_260 = arith.constant 0 : i32
      %dma_start3A_261 = tpu.memref_slice %arg7[%add3A_259, %dma_start3A_260] : memref<125x80xi32, #tpu.memory_space<vmem>> -> memref<1x80xi32, #tpu.memory_space<vmem>>
      %dma_start3A_262 = tpu.memref_squeeze %dma_start3A_261 : memref<1x80xi32, #tpu.memory_space<vmem>> -> memref<80xi32, #tpu.memory_space<vmem>>
      %dma_start3A_263 = arith.constant 0 : i32
      %dma_start3A_264 = arith.constant 0 : i32
      %dma_start3A_265 = tpu.memref_slice %arg2[%dma_start3A_263, %dma_start3A_264] : memref<10000x128xf32, #tpu.memory_space<hbm>> -> memref<10000x128xf32, #tpu.memory_space<hbm>>
      tpu.enqueue_indirect_dma source(%dma_start3A_265 : memref<10000x128xf32, #tpu.memory_space<hbm>>) target(%arg10 : memref<80x128xf32, #tpu.memory_space<vmem>>) offsets(%dma_start3A_262 : memref<80xi32, #tpu.memory_space<vmem>>) semaphore(%arg12 : memref<!tpu.dma_semaphore, #tpu.memory_space<semaphore_mem>>)
      %ge3A_266 = arith.constant 1 : i32
      %ge3A_267 = arith.cmpi sge, %scan3A_218, %ge3A_266 : i32
      %convert_element_type3A_268 = arith.extui %ge3A_267 : i1 to i32
      %cond3A_269 = arith.constant 0 : i32
      %cond3A_270 = arith.cmpi ne, %convert_element_type3A_268, %cond3A_269 : i32
      scf.if %cond3A_270 {
        %add3A_282 = arith.constant 1 : i32
        %add3A_283 = arith.addi %mul3A_220, %add3A_282 : i32
        %mul3A_284 = arith.constant 10000 : i32
        %mul3A_285 = arith.muli %add3A, %mul3A_284 : i32
        %mul3A_286 = arith.constant 80 : i32
        %mul3A_287 = arith.muli %add3A_283, %mul3A_286 : i32
        %add3A_288 = arith.addi %mul3A_285, %mul3A_287 : i32
        %multiple_of3A_289 = tpu.assume_multiple %add3A_288, 8 : i32
        %dma_wait3A_290 = tpu.memref_slice %arg4[%multiple_of3A_289] : memref<320000xi32, #tpu.memory_space<hbm>> -> memref<80xi32, #tpu.memory_space<hbm>>
        %dma_wait3A_291 = tpu.memref_slice %arg4[%multiple_of3A_289] : memref<320000xi32, #tpu.memory_space<hbm>> -> memref<80xi32, #tpu.memory_space<hbm>>
        tpu.wait_dma2 semaphore(%arg17 : memref<!tpu.dma_semaphore, #tpu.memory_space<semaphore_mem>>) src(%dma_wait3A_291 : memref<80xi32, #tpu.memory_space<hbm>>) dst(%arg9 : memref<80xi32, #tpu.memory_space<vmem>>)
      } else {
      }
      %add3A_271 = arith.constant 1 : i32
      %add3A_272 = arith.addi %mul3A_220, %add3A_271 : i32
      %dma_wait3A_273 = arith.constant 0 : i32
      %dma_wait3A_274 = tpu.memref_slice %arg7[%add3A_272, %dma_wait3A_273] : memref<125x80xi32, #tpu.memory_space<vmem>> -> memref<1x80xi32, #tpu.memory_space<vmem>>
      %dma_wait3A_275 = tpu.memref_squeeze %dma_wait3A_274 : memref<1x80xi32, #tpu.memory_space<vmem>> -> memref<80xi32, #tpu.memory_space<vmem>>
      %dma_wait3A_276 = arith.constant 0 : i32
      %dma_wait3A_277 = arith.constant 0 : i32
      %dma_wait3A_278 = tpu.memref_slice %arg2[%dma_wait3A_276, %dma_wait3A_277] : memref<10000x128xf32, #tpu.memory_space<hbm>> -> memref<10000x128xf32, #tpu.memory_space<hbm>>
      tpu.wait_indirect_dma semaphore(%arg13 : memref<!tpu.dma_semaphore, #tpu.memory_space<semaphore_mem>>) src(%dma_wait3A_278 : memref<10000x128xf32, #tpu.memory_space<hbm>>) dst(%arg11 : memref<80x128xf32, #tpu.memory_space<vmem>>)
      %dma_start3A_279 = arith.constant 0 : i32
      %dma_start3A_280 = arith.constant 0 : i32
      %dma_start3A_281 = tpu.memref_slice %arg6[%dma_start3A_279, %dma_start3A_280] : memref<10240x128xf32, #tpu.memory_space<vmem_shared>> -> memref<10240x128xf32, #tpu.memory_space<vmem_shared>>
      tpu.enqueue_indirect_dma source(%arg11 : memref<80x128xf32, #tpu.memory_space<vmem>>) target(%dma_start3A_281 : memref<10240x128xf32, #tpu.memory_space<vmem_shared>>) offsets(%arg9 : memref<80xi32, #tpu.memory_space<vmem>>) semaphore(%arg15 : memref<!tpu.dma_semaphore, #tpu.memory_space<semaphore_mem>>) {add = true}
    }
    %scan3A_189 = arith.constant 62 : i32
    %dma_wait3A_190 = arith.constant 0 : i32
    %dma_wait3A_191 = arith.constant 0 : i32
    %dma_wait3A_192 = tpu.memref_slice %arg6[%dma_wait3A_190, %dma_wait3A_191] : memref<10240x128xf32, #tpu.memory_space<vmem_shared>> -> memref<10240x128xf32, #tpu.memory_space<vmem_shared>>
    tpu.wait_indirect_dma semaphore(%arg15 : memref<!tpu.dma_semaphore, #tpu.memory_space<semaphore_mem>>) src(%arg11 : memref<80x128xf32, #tpu.memory_space<vmem>>) dst(%dma_wait3A_192 : memref<10240x128xf32, #tpu.memory_space<vmem_shared>>)
    %dma_wait3A_193 = arith.constant 124 : i32
    %dma_wait3A_194 = arith.constant 0 : i32
    %dma_wait3A_195 = tpu.memref_slice %arg7[%dma_wait3A_193, %dma_wait3A_194] : memref<125x80xi32, #tpu.memory_space<vmem>> -> memref<1x80xi32, #tpu.memory_space<vmem>>
    %dma_wait3A_196 = tpu.memref_squeeze %dma_wait3A_195 : memref<1x80xi32, #tpu.memory_space<vmem>> -> memref<80xi32, #tpu.memory_space<vmem>>
    %dma_wait3A_197 = arith.constant 0 : i32
    %dma_wait3A_198 = arith.constant 0 : i32
    %dma_wait3A_199 = tpu.memref_slice %arg2[%dma_wait3A_197, %dma_wait3A_198] : memref<10000x128xf32, #tpu.memory_space<hbm>> -> memref<10000x128xf32, #tpu.memory_space<hbm>>
    tpu.wait_indirect_dma semaphore(%arg12 : memref<!tpu.dma_semaphore, #tpu.memory_space<semaphore_mem>>) src(%dma_wait3A_199 : memref<10000x128xf32, #tpu.memory_space<hbm>>) dst(%arg10 : memref<80x128xf32, #tpu.memory_space<vmem>>)
    %mul3A_200 = arith.constant 10000 : i32
    %mul3A_201 = arith.muli %add3A, %mul3A_200 : i32
    %add3A_202 = arith.constant 9920 : i32
    %add3A_203 = arith.addi %mul3A_201, %add3A_202 : i32
    %multiple_of3A_204 = tpu.assume_multiple %add3A_203, 8 : i32
    %dma_wait3A_205 = tpu.memref_slice %arg4[%multiple_of3A_204] : memref<320000xi32, #tpu.memory_space<hbm>> -> memref<80xi32, #tpu.memory_space<hbm>>
    %dma_wait3A_206 = tpu.memref_slice %arg4[%multiple_of3A_204] : memref<320000xi32, #tpu.memory_space<hbm>> -> memref<80xi32, #tpu.memory_space<hbm>>
    tpu.wait_dma2 semaphore(%arg16 : memref<!tpu.dma_semaphore, #tpu.memory_space<semaphore_mem>>) src(%dma_wait3A_206 : memref<80xi32, #tpu.memory_space<hbm>>) dst(%arg8 : memref<80xi32, #tpu.memory_space<vmem>>)
    %dma_start3A_207 = arith.constant 0 : i32
    %dma_start3A_208 = arith.constant 0 : i32
    %dma_start3A_209 = tpu.memref_slice %arg6[%dma_start3A_207, %dma_start3A_208] : memref<10240x128xf32, #tpu.memory_space<vmem_shared>> -> memref<10240x128xf32, #tpu.memory_space<vmem_shared>>
    tpu.enqueue_indirect_dma source(%arg10 : memref<80x128xf32, #tpu.memory_space<vmem>>) target(%dma_start3A_209 : memref<10240x128xf32, #tpu.memory_space<vmem_shared>>) offsets(%arg8 : memref<80xi32, #tpu.memory_space<vmem>>) semaphore(%arg14 : memref<!tpu.dma_semaphore, #tpu.memory_space<semaphore_mem>>) {add = true}
    %dma_wait3A_210 = arith.constant 0 : i32
    %dma_wait3A_211 = arith.constant 0 : i32
    %dma_wait3A_212 = tpu.memref_slice %arg6[%dma_wait3A_210, %dma_wait3A_211] : memref<10240x128xf32, #tpu.memory_space<vmem_shared>> -> memref<10240x128xf32, #tpu.memory_space<vmem_shared>>
    tpu.wait_indirect_dma semaphore(%arg14 : memref<!tpu.dma_semaphore, #tpu.memory_space<semaphore_mem>>) src(%arg10 : memref<80x128xf32, #tpu.memory_space<vmem>>) dst(%dma_wait3A_212 : memref<10240x128xf32, #tpu.memory_space<vmem_shared>>)
    %barrier3A_213 = arith.constant 0 : index
    tpu.barrier barrier_id(%barrier3A_213)
    %mul3A_214 = arith.constant 640 : i32
    %mul3A_215 = arith.muli %arg1, %mul3A_214 : i32
    %mul3A_216 = arith.constant 640 : i32
    %mul3A_217 = arith.muli %arg1, %mul3A_216 : i32
    "tpu.region"() ({
      %run_scoped3A = tpu.sem_alloc : memref<!tpu.dma_semaphore, #tpu.memory_space<semaphore_mem>>
      %dma_start3A_218 = arith.constant 0 : i32
      %dma_start3A_219 = tpu.memref_slice %arg5[%arg0, %mul3A_217, %dma_start3A_218] : memref<2x10240x128xf32, #tpu.memory_space<hbm>> -> memref<1x640x128xf32, #tpu.memory_space<hbm>>
      %dma_start3A_220 = tpu.memref_squeeze %dma_start3A_219 : memref<1x640x128xf32, #tpu.memory_space<hbm>> -> memref<640x128xf32, #tpu.memory_space<hbm>>
      %dma_start3A_221 = arith.constant 0 : i32
      %dma_start3A_222 = tpu.memref_slice %arg6[%mul3A_215, %dma_start3A_221] : memref<10240x128xf32, #tpu.memory_space<vmem_shared>> -> memref<640x128xf32, #tpu.memory_space<vmem_shared>>
      tpu.enqueue_dma source(%dma_start3A_222 : memref<640x128xf32, #tpu.memory_space<vmem_shared>>) target(%dma_start3A_220 : memref<640x128xf32, #tpu.memory_space<hbm>>) target_semaphore(%run_scoped3A : memref<!tpu.dma_semaphore, #tpu.memory_space<semaphore_mem>>)
      %dma_wait3A_223 = arith.constant 0 : i32
      %dma_wait3A_224 = tpu.memref_slice %arg5[%arg0, %mul3A_217, %dma_wait3A_223] : memref<2x10240x128xf32, #tpu.memory_space<hbm>> -> memref<1x640x128xf32, #tpu.memory_space<hbm>>
      %dma_wait3A_225 = tpu.memref_squeeze %dma_wait3A_224 : memref<1x640x128xf32, #tpu.memory_space<hbm>> -> memref<640x128xf32, #tpu.memory_space<hbm>>
      %dma_wait3A_226 = arith.constant 0 : i32
      %dma_wait3A_227 = tpu.memref_slice %arg6[%mul3A_215, %dma_wait3A_226] : memref<10240x128xf32, #tpu.memory_space<vmem_shared>> -> memref<640x128xf32, #tpu.memory_space<vmem_shared>>
      tpu.wait_dma2 semaphore(%run_scoped3A : memref<!tpu.dma_semaphore, #tpu.memory_space<semaphore_mem>>) src(%dma_wait3A_227 : memref<640x128xf32, #tpu.memory_space<vmem_shared>>) dst(%dma_wait3A_225 : memref<640x128xf32, #tpu.memory_space<hbm>>)
      tpu.yield
    }) : () -> ()
    return
  }
}

module attributes {stable_mosaic.version = 14 : i64} {
  func.func @_tc_a_body(%arg0: i32, %arg1: memref<2048x128xf32, #tpu.memory_space<vmem>>, %arg2: memref<2x2048xf32, #tpu.memory_space<vmem>>, %arg3: memref<256x128xf32, #tpu.memory_space<vmem>>, %arg4: memref<128x256xf32, #tpu.memory_space<vmem>>, %arg5: memref<2048x128xf32, #tpu.memory_space<vmem>>, %arg6: memref<2048xf32, #tpu.memory_space<vmem>>) attributes {dimension_semantics = [#tpu.dimension_semantics<arbitrary>], iteration_bounds = array<i64: 5>, scalar_prefetch = 0 : i64, scratch_operands = 0 : i64, tpu.core_type = #tpu.core_type<tc>, window_params = [{transform_indices = @transform_0, window_bounds = array<i64: 2048, 128>}, {transform_indices = @transform_1, window_bounds = array<i64: 2, 2048>}, {pipeline_mode = #tpu.pipeline_mode<synchronous>, transform_indices = @transform_2, window_bounds = array<i64: 256, 128>}, {pipeline_mode = #tpu.pipeline_mode<synchronous>, transform_indices = @transform_3, window_bounds = array<i64: 128, 256>}, {transform_indices = @transform_4, window_bounds = array<i64: 2048, 128>}, {transform_indices = @transform_5, window_bounds = array<i64: 2048>}]} {
    %get3A = arith.constant 0 : index
    %get3A_0 = arith.constant 0 : index
    %get3A_1 = vector.load %arg1[%get3A, %get3A_0] : memref<2048x128xf32, #tpu.memory_space<vmem>>, vector<2048x128xf32>
    %get3A_2 = arith.constant 0 : index
    %get3A_3 = arith.constant 0 : index
    %get3A_4 = vector.load %arg2[%get3A_2, %get3A_3] : memref<2x2048xf32, #tpu.memory_space<vmem>>, vector<1x2048xf32>
    %get3A_5 = vector.shape_cast %get3A_4 : vector<1x2048xf32> to vector<2048xf32>
    %get3A_6 = arith.constant 1 : index
    %get3A_7 = arith.constant 0 : index
    %get3A_8 = vector.load %arg2[%get3A_6, %get3A_7] : memref<2x2048xf32, #tpu.memory_space<vmem>>, vector<1x2048xf32>
    %get3A_9 = vector.shape_cast %get3A_8 : vector<1x2048xf32> to vector<2048xf32>
    %add3A = arith.addf %get3A_5, %get3A_9 : vector<2048xf32>
    %add3A_10 = arith.constant 1.000000e+00 : f32
    %add3A_11 = vector.broadcast %add3A_10 : f32 to vector<2048xf32>
    %add3A_12 = arith.addf %add3A, %add3A_11 : vector<2048xf32>
    %rsqrt3A = math.rsqrt %add3A_12 : vector<2048xf32>
    %swap3A = arith.constant 0 : index
    %swap3A_13 = vector.load %arg6[%swap3A] : memref<2048xf32, #tpu.memory_space<vmem>>, vector<2048xf32>
    tpu.vector_store %arg6[%swap3A], %rsqrt3A {strides = array<i32>} : memref<2048xf32, #tpu.memory_space<vmem>>, vector<2048xf32>,
    %get3A_14 = arith.constant 0 : index
    %get3A_15 = arith.constant 0 : index
    %get3A_16 = vector.load %arg4[%get3A_14, %get3A_15] : memref<128x256xf32, #tpu.memory_space<vmem>>, vector<128x256xf32>
    %get3A_17 = arith.constant 0 : index
    %get3A_18 = arith.constant 0 : index
    %get3A_19 = vector.load %arg3[%get3A_17, %get3A_18] : memref<256x128xf32, #tpu.memory_space<vmem>>, vector<256x128xf32>
    %dot_general3A = arith.constant dense<0.000000e+00> : vector<128x128xf32>
    %dot_general3A_20 = tpu.matmul %get3A_16, %get3A_19, %dot_general3A {dimension_numbers = #tpu.dot_dimension_numbers<[1], [0], [0], [1], [0, 0, 1, 1], [], []>, transpose_lhs_hint = false} : vector<128x256xf32>, vector<256x128xf32>, vector<128x128xf32> -> vector<128x128xf32>
    %broadcast_in_dim3A = vector.shape_cast %rsqrt3A : vector<2048xf32> to vector<2048x1xf32>
    %dot_general3A_21 = arith.constant dense<0.000000e+00> : vector<2048x128xf32>
    %dot_general3A_22 = tpu.matmul %get3A_1, %dot_general3A_20, %dot_general3A_21 {dimension_numbers = #tpu.dot_dimension_numbers<[1], [1], [0], [0], [0, 0, 1, 0], [], []>, transpose_lhs_hint = false} : vector<2048x128xf32>, vector<128x128xf32>, vector<2048x128xf32> -> vector<2048x128xf32>
    %mul3A = vector.broadcast %broadcast_in_dim3A : vector<2048x1xf32> to vector<2048x128xf32>
    %mul3A_23 = arith.mulf %mul3A, %dot_general3A_22 : vector<2048x128xf32>
    %swap3A_24 = arith.constant 0 : index
    %swap3A_25 = arith.constant 0 : index
    %swap3A_26 = vector.load %arg5[%swap3A_24, %swap3A_25] : memref<2048x128xf32, #tpu.memory_space<vmem>>, vector<2048x128xf32>
    tpu.vector_store %arg5[%swap3A_24, %swap3A_25], %mul3A_23 {strides = array<i32>} : memref<2048x128xf32, #tpu.memory_space<vmem>>, vector<2048x128xf32>,
    return
  }
  func.func @transform_0(%arg0: i32) -> (i32, i32) {
    %c0_i32 = arith.constant 0 : i32
    %c0_i32_0 = arith.constant 0 : i32
    return %arg0, %c0_i32 : i32, i32
  }
  func.func @transform_1(%arg0: i32) -> (i32, i32) {
    %c0_i32 = arith.constant 0 : i32
    %c0_i32_0 = arith.constant 0 : i32
    return %c0_i32, %arg0 : i32, i32
  }
  func.func @transform_2(%arg0: i32) -> (i32, i32) {
    %c0_i32 = arith.constant 0 : i32
    %c0_i32_0 = arith.constant 0 : i32
    %c0_i32_1 = arith.constant 0 : i32
    return %c0_i32, %c0_i32_0 : i32, i32
  }
  func.func @transform_3(%arg0: i32) -> (i32, i32) {
    %c0_i32 = arith.constant 0 : i32
    %c0_i32_0 = arith.constant 0 : i32
    %c0_i32_1 = arith.constant 0 : i32
    return %c0_i32, %c0_i32_0 : i32, i32
  }
  func.func @transform_4(%arg0: i32) -> (i32, i32) {
    %c0_i32 = arith.constant 0 : i32
    %c0_i32_0 = arith.constant 0 : i32
    return %arg0, %c0_i32 : i32, i32
  }
  func.func @transform_5(%arg0: i32) -> i32 {
    %c0_i32 = arith.constant 0 : i32
    return %arg0 : i32
  }
}

module attributes {stable_mosaic.version = 14 : i64} {
  func.func @_tc_b_body(%arg0: i32, %arg1: memref<2x2048x128xf32, #tpu.memory_space<vmem>>, %arg2: memref<2048x128xf32, #tpu.memory_space<vmem>>, %arg3: memref<2048xf32, #tpu.memory_space<vmem>>, %arg4: memref<128x256xf32, #tpu.memory_space<vmem>>, %arg5: memref<256xf32, #tpu.memory_space<vmem>>, %arg6: memref<2048x128xf32, #tpu.memory_space<vmem>>) attributes {dimension_semantics = [#tpu.dimension_semantics<arbitrary>], iteration_bounds = array<i64: 5>, scalar_prefetch = 0 : i64, scratch_operands = 0 : i64, tpu.core_type = #tpu.core_type<tc>, window_params = [{transform_indices = @transform_0, window_bounds = array<i64: 2, 2048, 128>}, {transform_indices = @transform_1, window_bounds = array<i64: 2048, 128>}, {transform_indices = @transform_2, window_bounds = array<i64: 2048>}, {pipeline_mode = #tpu.pipeline_mode<synchronous>, transform_indices = @transform_3, window_bounds = array<i64: 128, 256>}, {pipeline_mode = #tpu.pipeline_mode<synchronous>, transform_indices = @transform_4, window_bounds = array<i64: 256>}, {transform_indices = @transform_5, window_bounds = array<i64: 2048, 128>}]} {
    %get3A = arith.constant 0 : index
    %get3A_0 = vector.load %arg3[%get3A] : memref<2048xf32, #tpu.memory_space<vmem>>, vector<2048xf32>
    %broadcast_in_dim3A = vector.shape_cast %get3A_0 : vector<2048xf32> to vector<2048x1xf32>
    %get3A_1 = arith.constant 0 : index
    %get3A_2 = vector.load %arg5[%get3A_1] : memref<256xf32, #tpu.memory_space<vmem>>, vector<256xf32>
    %broadcast_in_dim3A_3 = vector.shape_cast %get3A_2 : vector<256xf32> to vector<1x256xf32>
    %get3A_4 = arith.constant 0 : index
    %get3A_5 = arith.constant 0 : index
    %get3A_6 = vector.load %arg4[%get3A_4, %get3A_5] : memref<128x256xf32, #tpu.memory_space<vmem>>, vector<128x256xf32>
    %dot_general3A = arith.constant dense<0.000000e+00> : vector<1x128xf32>
    %dot_general3A_7 = tpu.matmul %broadcast_in_dim3A_3, %get3A_6, %dot_general3A {dimension_numbers = #tpu.dot_dimension_numbers<[1], [1], [0], [0], [0, 0, 1, 0], [], []>, transpose_lhs_hint = false} : vector<1x256xf32>, vector<128x256xf32>, vector<1x128xf32> -> vector<1x128xf32>
    %get3A_8 = arith.constant 0 : index
    %get3A_9 = arith.constant 0 : index
    %get3A_10 = arith.constant 0 : index
    %get3A_11 = vector.load %arg1[%get3A_8, %get3A_9, %get3A_10] : memref<2x2048x128xf32, #tpu.memory_space<vmem>>, vector<1x2048x128xf32>
    %get3A_12 = vector.shape_cast %get3A_11 : vector<1x2048x128xf32> to vector<2048x128xf32>
    %get3A_13 = arith.constant 1 : index
    %get3A_14 = arith.constant 0 : index
    %get3A_15 = arith.constant 0 : index
    %get3A_16 = vector.load %arg1[%get3A_13, %get3A_14, %get3A_15] : memref<2x2048x128xf32, #tpu.memory_space<vmem>>, vector<1x2048x128xf32>
    %get3A_17 = vector.shape_cast %get3A_16 : vector<1x2048x128xf32> to vector<2048x128xf32>
    %add3A = arith.addf %get3A_12, %get3A_17 : vector<2048x128xf32>
    %get3A_18 = arith.constant 0 : index
    %get3A_19 = arith.constant 0 : index
    %get3A_20 = vector.load %arg2[%get3A_18, %get3A_19] : memref<2048x128xf32, #tpu.memory_space<vmem>>, vector<2048x128xf32>
    %add3A_21 = arith.addf %add3A, %get3A_20 : vector<2048x128xf32>
    %mul3A = vector.broadcast %broadcast_in_dim3A : vector<2048x1xf32> to vector<2048x128xf32>
    %mul3A_22 = arith.mulf %mul3A, %add3A_21 : vector<2048x128xf32>
    %add3A_23 = vector.broadcast %dot_general3A_7 : vector<1x128xf32> to vector<2048x128xf32>
    %add3A_24 = arith.addf %mul3A_22, %add3A_23 : vector<2048x128xf32>
    %mul3A_25 = vector.broadcast %broadcast_in_dim3A : vector<2048x1xf32> to vector<2048x128xf32>
    %mul3A_26 = arith.mulf %mul3A_25, %add3A_24 : vector<2048x128xf32>
    %swap3A = arith.constant 0 : index
    %swap3A_27 = arith.constant 0 : index
    %swap3A_28 = vector.load %arg6[%swap3A, %swap3A_27] : memref<2048x128xf32, #tpu.memory_space<vmem>>, vector<2048x128xf32>
    tpu.vector_store %arg6[%swap3A, %swap3A_27], %mul3A_26 {strides = array<i32>} : memref<2048x128xf32, #tpu.memory_space<vmem>>, vector<2048x128xf32>,
    return
  }
  func.func @transform_0(%arg0: i32) -> (i32, i32, i32) {
    %c0_i32 = arith.constant 0 : i32
    %c0_i32_0 = arith.constant 0 : i32
    %c0_i32_1 = arith.constant 0 : i32
    return %c0_i32, %arg0, %c0_i32_0 : i32, i32, i32
  }
  func.func @transform_1(%arg0: i32) -> (i32, i32) {
    %c0_i32 = arith.constant 0 : i32
    %c0_i32_0 = arith.constant 0 : i32
    return %arg0, %c0_i32 : i32, i32
  }
  func.func @transform_2(%arg0: i32) -> i32 {
    %c0_i32 = arith.constant 0 : i32
    return %arg0 : i32
  }
  func.func @transform_3(%arg0: i32) -> (i32, i32) {
    %c0_i32 = arith.constant 0 : i32
    %c0_i32_0 = arith.constant 0 : i32
    %c0_i32_1 = arith.constant 0 : i32
    return %c0_i32, %c0_i32_0 : i32, i32
  }
  func.func @transform_4(%arg0: i32) -> i32 {
    %c0_i32 = arith.constant 0 : i32
    %c0_i32_0 = arith.constant 0 : i32
    return %c0_i32 : i32
  }
  func.func @transform_5(%arg0: i32) -> (i32, i32) {
    %c0_i32 = arith.constant 0 : i32
    %c0_i32_0 = arith.constant 0 : i32
    return %arg0, %c0_i32 : i32, i32
  }
}

module attributes {stable_mosaic.version = 14 : i64} {
  func.func @_tc_l1_body(%arg0: i32, %arg1: memref<2048x128xf32, #tpu.memory_space<vmem>>, %arg2: memref<256x128xf32, #tpu.memory_space<vmem>>, %arg3: memref<256xf32, #tpu.memory_space<vmem>>, %arg4: memref<128x384xf32, #tpu.memory_space<vmem>>, %arg5: memref<128xf32, #tpu.memory_space<vmem>>, %arg6: memref<2048x128xf32, #tpu.memory_space<vmem>>) attributes {dimension_semantics = [#tpu.dimension_semantics<arbitrary>], iteration_bounds = array<i64: 5>, scalar_prefetch = 0 : i64, scratch_operands = 0 : i64, tpu.core_type = #tpu.core_type<tc>, window_params = [{transform_indices = @transform_0, window_bounds = array<i64: 2048, 128>}, {pipeline_mode = #tpu.pipeline_mode<synchronous>, transform_indices = @transform_1, window_bounds = array<i64: 256, 128>}, {pipeline_mode = #tpu.pipeline_mode<synchronous>, transform_indices = @transform_2, window_bounds = array<i64: 256>}, {pipeline_mode = #tpu.pipeline_mode<synchronous>, transform_indices = @transform_3, window_bounds = array<i64: 128, 384>}, {pipeline_mode = #tpu.pipeline_mode<synchronous>, transform_indices = @transform_4, window_bounds = array<i64: 128>}, {transform_indices = @transform_5, window_bounds = array<i64: 2048, 128>}]} {
    %get3A = arith.constant 0 : index
    %get3A_0 = arith.constant 0 : index
    %get3A_1 = vector.load %arg1[%get3A, %get3A_0] : memref<2048x128xf32, #tpu.memory_space<vmem>>, vector<2048x128xf32>
    %get3A_2 = arith.constant 0 : index
    %get3A_3 = arith.constant 0 : index
    %get3A_4 = vector.load %arg2[%get3A_2, %get3A_3] : memref<256x128xf32, #tpu.memory_space<vmem>>, vector<256x128xf32>
    %dot_general3A = arith.constant dense<0.000000e+00> : vector<2048x256xf32>
    %dot_general3A_5 = tpu.matmul %get3A_1, %get3A_4, %dot_general3A {dimension_numbers = #tpu.dot_dimension_numbers<[1], [1], [0], [0], [0, 0, 1, 0], [], []>, transpose_lhs_hint = false} : vector<2048x128xf32>, vector<256x128xf32>, vector<2048x256xf32> -> vector<2048x256xf32>
    %get3A_6 = arith.constant 0 : index
    %get3A_7 = vector.load %arg3[%get3A_6] : memref<256xf32, #tpu.memory_space<vmem>>, vector<256xf32>
    %broadcast_in_dim3A = vector.shape_cast %get3A_7 : vector<256xf32> to vector<1x256xf32>
    %add3A = vector.broadcast %broadcast_in_dim3A : vector<1x256xf32> to vector<2048x256xf32>
    %add3A_8 = arith.addf %dot_general3A_5, %add3A : vector<2048x256xf32>
    %max3A = arith.constant 0.000000e+00 : f32
    %max3A_9 = vector.broadcast %max3A : f32 to vector<2048x256xf32>
    %max3A_10 = arith.maximumf %add3A_8, %max3A_9 : vector<2048x256xf32>
    %get3A_11 = arith.constant 0 : index
    %get3A_12 = arith.constant 0 : index
    %get3A_13 = vector.load %arg4[%get3A_11, %get3A_12] : memref<128x384xf32, #tpu.memory_space<vmem>>, vector<128x384xf32>
    %slice3A = vector.extract_strided_slice %get3A_13 {offsets = [0, 0], sizes = [128, 128], strides = [1, 1]} : vector<128x384xf32> to vector<128x128xf32>
    %dot_general3A_14 = arith.constant dense<0.000000e+00> : vector<2048x128xf32>
    %dot_general3A_15 = tpu.matmul %get3A_1, %slice3A, %dot_general3A_14 {dimension_numbers = #tpu.dot_dimension_numbers<[1], [1], [0], [0], [0, 0, 1, 0], [], []>, transpose_lhs_hint = false} : vector<2048x128xf32>, vector<128x128xf32>, vector<2048x128xf32> -> vector<2048x128xf32>
    %slice3A_16 = vector.extract_strided_slice %get3A_13 {offsets = [0, 128], sizes = [128, 256], strides = [1, 1]} : vector<128x384xf32> to vector<128x256xf32>
    %dot_general3A_17 = arith.constant dense<0.000000e+00> : vector<2048x128xf32>
    %dot_general3A_18 = tpu.matmul %max3A_10, %slice3A_16, %dot_general3A_17 {dimension_numbers = #tpu.dot_dimension_numbers<[1], [1], [0], [0], [0, 0, 1, 0], [], []>, transpose_lhs_hint = false} : vector<2048x256xf32>, vector<128x256xf32>, vector<2048x128xf32> -> vector<2048x128xf32>
    %add3A_19 = arith.addf %dot_general3A_15, %dot_general3A_18 : vector<2048x128xf32>
    %get3A_20 = arith.constant 0 : index
    %get3A_21 = vector.load %arg5[%get3A_20] : memref<128xf32, #tpu.memory_space<vmem>>, vector<128xf32>
    %broadcast_in_dim3A_22 = vector.shape_cast %get3A_21 : vector<128xf32> to vector<1x128xf32>
    %add3A_23 = vector.broadcast %broadcast_in_dim3A_22 : vector<1x128xf32> to vector<2048x128xf32>
    %add3A_24 = arith.addf %add3A_19, %add3A_23 : vector<2048x128xf32>
    %swap3A = arith.constant 0 : index
    %swap3A_25 = arith.constant 0 : index
    %swap3A_26 = vector.load %arg6[%swap3A, %swap3A_25] : memref<2048x128xf32, #tpu.memory_space<vmem>>, vector<2048x128xf32>
    tpu.vector_store %arg6[%swap3A, %swap3A_25], %add3A_24 {strides = array<i32>} : memref<2048x128xf32, #tpu.memory_space<vmem>>, vector<2048x128xf32>,
    return
  }
  func.func @transform_0(%arg0: i32) -> (i32, i32) {
    %c0_i32 = arith.constant 0 : i32
    %c0_i32_0 = arith.constant 0 : i32
    return %arg0, %c0_i32 : i32, i32
  }
  func.func @transform_1(%arg0: i32) -> (i32, i32) {
    %c0_i32 = arith.constant 0 : i32
    %c0_i32_0 = arith.constant 0 : i32
    %c0_i32_1 = arith.constant 0 : i32
    return %c0_i32, %c0_i32_0 : i32, i32
  }
  func.func @transform_2(%arg0: i32) -> i32 {
    %c0_i32 = arith.constant 0 : i32
    %c0_i32_0 = arith.constant 0 : i32
    return %c0_i32 : i32
  }
  func.func @transform_3(%arg0: i32) -> (i32, i32) {
    %c0_i32 = arith.constant 0 : i32
    %c0_i32_0 = arith.constant 0 : i32
    %c0_i32_1 = arith.constant 0 : i32
    return %c0_i32, %c0_i32_0 : i32, i32
  }
  func.func @transform_4(%arg0: i32) -> i32 {
    %c0_i32 = arith.constant 0 : i32
    %c0_i32_0 = arith.constant 0 : i32
    return %c0_i32 : i32
  }
  func.func @transform_5(%arg0: i32) -> (i32, i32) {
    %c0_i32 = arith.constant 0 : i32
    %c0_i32_0 = arith.constant 0 : i32
    return %arg0, %c0_i32 : i32, i32
  }
}

module attributes {stable_mosaic.version = 14 : i64} {
  func.func @_tc_c_body(%arg0: i32, %arg1: memref<2x2048x128xf32, #tpu.memory_space<vmem>>, %arg2: memref<2048x128xf32, #tpu.memory_space<vmem>>, %arg3: memref<2048xf32, #tpu.memory_space<vmem>>, %arg4: memref<2048x128xf32, #tpu.memory_space<vmem>>, %arg5: memref<128x256xf32, #tpu.memory_space<vmem>>, %arg6: memref<128xf32, #tpu.memory_space<vmem>>, %arg7: memref<128xf32, #tpu.memory_space<vmem>>, %arg8: memref<2048x128xf32, #tpu.memory_space<vmem>>) attributes {dimension_semantics = [#tpu.dimension_semantics<arbitrary>], iteration_bounds = array<i64: 5>, scalar_prefetch = 0 : i64, scratch_operands = 0 : i64, tpu.core_type = #tpu.core_type<tc>, window_params = [{transform_indices = @transform_0, window_bounds = array<i64: 2, 2048, 128>}, {transform_indices = @transform_1, window_bounds = array<i64: 2048, 128>}, {transform_indices = @transform_2, window_bounds = array<i64: 2048>}, {transform_indices = @transform_3, window_bounds = array<i64: 2048, 128>}, {pipeline_mode = #tpu.pipeline_mode<synchronous>, transform_indices = @transform_4, window_bounds = array<i64: 128, 256>}, {pipeline_mode = #tpu.pipeline_mode<synchronous>, transform_indices = @transform_5, window_bounds = array<i64: 128>}, {pipeline_mode = #tpu.pipeline_mode<synchronous>, transform_indices = @transform_6, window_bounds = array<i64: 128>}, {transform_indices = @transform_7, window_bounds = array<i64: 2048, 128>}]} {
    %get3A = arith.constant 0 : index
    %get3A_0 = vector.load %arg3[%get3A] : memref<2048xf32, #tpu.memory_space<vmem>>, vector<2048xf32>
    %broadcast_in_dim3A = vector.shape_cast %get3A_0 : vector<2048xf32> to vector<2048x1xf32>
    %get3A_1 = arith.constant 0 : index
    %get3A_2 = arith.constant 0 : index
    %get3A_3 = arith.constant 0 : index
    %get3A_4 = vector.load %arg1[%get3A_1, %get3A_2, %get3A_3] : memref<2x2048x128xf32, #tpu.memory_space<vmem>>, vector<1x2048x128xf32>
    %get3A_5 = vector.shape_cast %get3A_4 : vector<1x2048x128xf32> to vector<2048x128xf32>
    %get3A_6 = arith.constant 1 : index
    %get3A_7 = arith.constant 0 : index
    %get3A_8 = arith.constant 0 : index
    %get3A_9 = vector.load %arg1[%get3A_6, %get3A_7, %get3A_8] : memref<2x2048x128xf32, #tpu.memory_space<vmem>>, vector<1x2048x128xf32>
    %get3A_10 = vector.shape_cast %get3A_9 : vector<1x2048x128xf32> to vector<2048x128xf32>
    %add3A = arith.addf %get3A_5, %get3A_10 : vector<2048x128xf32>
    %get3A_11 = arith.constant 0 : index
    %get3A_12 = arith.constant 0 : index
    %get3A_13 = vector.load %arg2[%get3A_11, %get3A_12] : memref<2048x128xf32, #tpu.memory_space<vmem>>, vector<2048x128xf32>
    %add3A_14 = arith.addf %add3A, %get3A_13 : vector<2048x128xf32>
    %mul3A = vector.broadcast %broadcast_in_dim3A : vector<2048x1xf32> to vector<2048x128xf32>
    %mul3A_15 = arith.mulf %mul3A, %add3A_14 : vector<2048x128xf32>
    %get3A_16 = arith.constant 0 : index
    %get3A_17 = vector.load %arg7[%get3A_16] : memref<128xf32, #tpu.memory_space<vmem>>, vector<128xf32>
    %broadcast_in_dim3A_18 = vector.shape_cast %get3A_17 : vector<128xf32> to vector<1x128xf32>
    %add3A_19 = vector.broadcast %broadcast_in_dim3A_18 : vector<1x128xf32> to vector<2048x128xf32>
    %add3A_20 = arith.addf %mul3A_15, %add3A_19 : vector<2048x128xf32>
    %get3A_21 = arith.constant 0 : index
    %get3A_22 = arith.constant 0 : index
    %get3A_23 = vector.load %arg5[%get3A_21, %get3A_22] : memref<128x256xf32, #tpu.memory_space<vmem>>, vector<128x256xf32>
    %get3A_24 = arith.constant 0 : index
    %get3A_25 = arith.constant 0 : index
    %get3A_26 = vector.load %arg4[%get3A_24, %get3A_25] : memref<2048x128xf32, #tpu.memory_space<vmem>>, vector<2048x128xf32>
    %slice3A = vector.extract_strided_slice %get3A_23 {offsets = [0, 0], sizes = [128, 128], strides = [1, 1]} : vector<128x256xf32> to vector<128x128xf32>
    %dot_general3A = arith.constant dense<0.000000e+00> : vector<2048x128xf32>
    %dot_general3A_27 = tpu.matmul %get3A_26, %slice3A, %dot_general3A {dimension_numbers = #tpu.dot_dimension_numbers<[1], [1], [0], [0], [0, 0, 1, 0], [], []>, transpose_lhs_hint = false} : vector<2048x128xf32>, vector<128x128xf32>, vector<2048x128xf32> -> vector<2048x128xf32>
    %slice3A_28 = vector.extract_strided_slice %get3A_23 {offsets = [0, 128], sizes = [128, 128], strides = [1, 1]} : vector<128x256xf32> to vector<128x128xf32>
    %dot_general3A_29 = arith.constant dense<0.000000e+00> : vector<2048x128xf32>
    %dot_general3A_30 = tpu.matmul %add3A_20, %slice3A_28, %dot_general3A_29 {dimension_numbers = #tpu.dot_dimension_numbers<[1], [1], [0], [0], [0, 0, 1, 0], [], []>, transpose_lhs_hint = false} : vector<2048x128xf32>, vector<128x128xf32>, vector<2048x128xf32> -> vector<2048x128xf32>
    %add3A_31 = arith.addf %dot_general3A_27, %dot_general3A_30 : vector<2048x128xf32>
    %get3A_32 = arith.constant 0 : index
    %get3A_33 = vector.load %arg6[%get3A_32] : memref<128xf32, #tpu.memory_space<vmem>>, vector<128xf32>
    %broadcast_in_dim3A_34 = vector.shape_cast %get3A_33 : vector<128xf32> to vector<1x128xf32>
    %add3A_35 = vector.broadcast %broadcast_in_dim3A_34 : vector<1x128xf32> to vector<2048x128xf32>
    %add3A_36 = arith.addf %add3A_31, %add3A_35 : vector<2048x128xf32>
    %swap3A = arith.constant 0 : index
    %swap3A_37 = arith.constant 0 : index
    %swap3A_38 = vector.load %arg8[%swap3A, %swap3A_37] : memref<2048x128xf32, #tpu.memory_space<vmem>>, vector<2048x128xf32>
    tpu.vector_store %arg8[%swap3A, %swap3A_37], %add3A_36 {strides = array<i32>} : memref<2048x128xf32, #tpu.memory_space<vmem>>, vector<2048x128xf32>,
    return
  }
  func.func @transform_0(%arg0: i32) -> (i32, i32, i32) {
    %c0_i32 = arith.constant 0 : i32
    %c0_i32_0 = arith.constant 0 : i32
    %c0_i32_1 = arith.constant 0 : i32
    return %c0_i32, %arg0, %c0_i32_0 : i32, i32, i32
  }
  func.func @transform_1(%arg0: i32) -> (i32, i32) {
    %c0_i32 = arith.constant 0 : i32
    %c0_i32_0 = arith.constant 0 : i32
    return %arg0, %c0_i32 : i32, i32
  }
  func.func @transform_2(%arg0: i32) -> i32 {
    %c0_i32 = arith.constant 0 : i32
    return %arg0 : i32
  }
  func.func @transform_3(%arg0: i32) -> (i32, i32) {
    %c0_i32 = arith.constant 0 : i32
    %c0_i32_0 = arith.constant 0 : i32
    return %arg0, %c0_i32 : i32, i32
  }
  func.func @transform_4(%arg0: i32) -> (i32, i32) {
    %c0_i32 = arith.constant 0 : i32
    %c0_i32_0 = arith.constant 0 : i32
    %c0_i32_1 = arith.constant 0 : i32
    return %c0_i32, %c0_i32_0 : i32, i32
  }
  func.func @transform_5(%arg0: i32) -> i32 {
    %c0_i32 = arith.constant 0 : i32
    %c0_i32_0 = arith.constant 0 : i32
    return %c0_i32 : i32
  }
  func.func @transform_6(%arg0: i32) -> i32 {
    %c0_i32 = arith.constant 0 : i32
    %c0_i32_0 = arith.constant 0 : i32
    return %c0_i32 : i32
  }
  func.func @transform_7(%arg0: i32) -> (i32, i32) {
    %c0_i32 = arith.constant 0 : i32
    %c0_i32_0 = arith.constant 0 : i32
    return %arg0, %c0_i32 : i32, i32
  }
}

</mosaic_0001>

<sc_bundles>
// kernel: kernel.12.cloned.1.call-start
scs
__scs_entry_jumppad:
0x0: {  	(pc) =	sbr.rel $0x88, $3  }
0x1: {  	(tag) =	ssettag $0x0;
	lr =	simm.s32 $0x1  }
0x2: {  	[smem:$0x3F94] =	sst lr;
	_ =	strace $0xD0000000  }
0x3: {  	_ = 	snop  }
0x4: {  	_ = 	snop  }
0x5: {  	_ = 	snop  }
0x6: {  	_ = 	snop  }
0x7: {  	_ = 	snop  }
__scs_overlays_trampoline_lowered:
0x8: {  	[smem:$0x3FA3] =	sst s0  }
0x9: {  	[smem:$0x3FA4] =	sst s1  }
0xa: {  	[smem:$0x3FA5] =	sst s2  }
0xb: {  	[smem:$0x3FA6] =	sst s3  }
0xc: {  	[smem:$0x3FA7] =	sst s4  }
0xd: {  	[smem:$0x3FA8] =	sst s5  }
0xe: {  	[smem:$0x3FA9] =	sst s6  }
0xf: {  	[smem:$0x3FAA] =	sst s7  }
0x10: {  	[smem:$0x3FAB] =	sst s8  }
0x11: {  	[smem:$0x3FAC] =	sst s9;
	s0 =	simm.s32 @!p0 $0x0  }
0x12: {  	s1 =	sld [smem:$0x3F92];
	s0 =	simm.s32 @p0 $0x1  }
0x13: {  	[smem:$0x3FAD] =	sst s0;
	s0 =	simm.s32 @!p1 $0x0  }
0x14: {  	s2 =	sld [smem:$0x3F91];
	s0 =	simm.s32 @p1 $0x1  }
0x15: {  	[smem:$0x3FAE] =	sst s0;
	s0 =	simm.s32 @!p2 $0x0  }
0x16: {  	s3 =	sld [smem:$0x3FDB];
	s0 =	simm.s32 @p2 $0x1  }
0x17: {  	s4 =	simm.s32 $0x1BF5;
	[smem:$0x3FB0] =	sst s0  }
0x18: {  	s0 =	sld [smem:$0x3F93];
	_ =	swait.ge [sflag:s4], $0x0  }
0x19: {  	s7 =	sld [smem:$0x3F94]  }
0x1a: {  	s8 =	sadd.s32 $0xFFFFE003, lr  }
0x1b: {  	s9 =	sadd.s32 $0xFFFFFEF7, lr;
	s5 =	simm.s32 $0xFFFFFFFF;
	p2 =	slt.u32 s8, $0xFFFFF086  }
0x1c: {  	p1 =	slt.u32 s9, $0xF7A;
	s5 =	simm.s32 @!p2 $0x0  }
0x1d: {  	s5 =	simm.s32 @p1 $0x1;
	p0 =	seq.s32 s7, s2  }
0x1e: {  	s7 =	smul.u32 @!p0 $0xF7A, s2;
	p2 =	seq.s32 @!p0 s5, $0x0  }
0x1f: {  	s9 =	smul.u32 $0xF7A, s1;
	s8 =	simm.s32 @!p0 $0x1BF5;
	p2 =	por !p2, p0  }
0x20: {  	[sflag:s8] =	ssyncset.s32 @!p0 $0xFFFFF086;
	s6 =	sadd.s32 @!p0 s3, s7;
	s7 =	simm.s32 @!p0 $0x108  }
0x21: {  	s3 =	sadd.s32 s3, s9;
	s6 =	sadd.s32 @!p0 $0x88, s6;
	s7 =	simm.s32 @p2 $0x1082  }
0x22: {  	[simem:s7], [sflag:s8] =	dma.local @!p0 [hbm:s6], $0xF7A  }
0x23: {  	s9 =	sor.u32 $0xD0000000, s2;
	s6 =	simm.s32 $0x108;
	_ =	swait.ge @!p0 [sflag:s8], $0x0  }
0x24: {  	s3 =	sadd.s32 $0x88, s3;
	s6 =	simm.s32 @!p1 $0x1082;
	[sflag:s4] =	ssyncset.s32 $0xFFFFF086  }
0x25: {  	[simem:s6], [sflag:s4] =	dma.local [hbm:s3], $0xF7A  }
0x26: {  	[smem:$0x3F94] =	sst s1;
	(tag) =	ssettag s2;
	_ =	strace s9  }
0x27: {  	s1 =	sld [smem:$0x3FA4]  }
0x28: {  	s2 =	sld [smem:$0x3FA5]  }
0x29: {  	s4 =	sld [smem:$0x3FA7]  }
0x2a: {  	p0 =	seq.s32 s5, $0x0;
	s5 =	sld [smem:$0x3FA8]  }
0x2b: {  	s6 =	sld [smem:$0x3FA9]  }
0x2c: {  	s7 =	sld [smem:$0x3FAA]  }
0x2d: {  	s3 =	simm.s32 $0x108;
	s8 =	sld [smem:$0x3FAB]  }
0x2e: {  	s3 =	simm.s32 @!p0 $0x1082;
	s9 =	sld [smem:$0x3FAC]  }
0x2f: {  	lr =	sadd.s32 s0, s3;
	s0 =	sld [smem:$0x3FA3]  }
0x30: {  	s3 =	sld [smem:$0x3FA6]  }
0x31: {  	[smem:$0x3FAF] =	sst s10  }
0x32: {  	s10 =	sld [smem:$0x3FAD];
	_ =	sdelay $0x3  }
0x33: {  	p0 =	seq.s32 s10, $0x1;
	s10 =	sld [smem:$0x3FAF];
	_ =	sdelay $0x3  }
0x34: {  	[smem:$0x3FAF] =	sst s10  }
0x35: {  	s10 =	sld [smem:$0x3FAE];
	_ =	sdelay $0x3  }
0x36: {  	p1 =	seq.s32 s10, $0x1;
	s10 =	sld [smem:$0x3FAF];
	_ =	sdelay $0x3  }
0x37: {  	[smem:$0x3FAF] =	sst s10  }
0x38: {  	s10 =	sld [smem:$0x3FB0]  }
0x39: {  	_ = 	snop;
	(pc) =	sbr.ind lr, $3  }
0x3a: {  	_ = 	snop  }
0x3b: {  	_ = 	snop  }
0x3c: {  	p2 =	seq.s32 s10, $0x1;
	s10 =	sld [smem:$0x3FAF]  }
0x3d: {  	_ =	shalt  }
0x3e: {  	_ =	shalt  }
0x3f: {  	_ =	shalt  }
0x40: {  	_ =	shalt  }
0x41: {  	_ =	shalt  }
0x42: {  	_ =	shalt  }
0x43: {  	_ =	shalt  }
0x44: {  	_ =	shalt  }
0x45: {  	_ =	shalt  }
0x46: {  	_ =	shalt  }
0x47: {  	_ =	shalt  }
0x48: {  	_ =	shalt  }
0x49: {  	_ =	shalt  }
0x4a: {  	_ =	shalt  }
0x4b: {  	_ =	shalt  }
0x4c: {  	_ =	shalt  }
0x4d: {  	_ =	shalt  }
0x4e: {  	_ =	shalt  }
0x4f: {  	_ =	shalt  }
0x50: {  	_ =	shalt  }
0x51: {  	_ =	shalt  }
0x52: {  	_ =	shalt  }
0x53: {  	_ =	shalt  }
0x54: {  	_ =	shalt  }
0x55: {  	_ =	shalt  }
0x56: {  	_ =	shalt  }
0x57: {  	_ =	shalt  }
0x58: {  	_ =	shalt  }
0x59: {  	_ =	shalt  }
0x5a: {  	_ =	shalt  }
0x5b: {  	_ =	shalt  }
0x5c: {  	_ =	shalt  }
0x5d: {  	_ =	shalt  }
0x5e: {  	_ =	shalt  }
0x5f: {  	_ =	shalt  }
0x60: {  	_ =	shalt  }
0x61: {  	_ =	shalt  }
0x62: {  	_ =	shalt  }
0x63: {  	_ =	shalt  }
0x64: {  	_ =	shalt  }
0x65: {  	_ =	shalt  }
0x66: {  	_ =	shalt  }
0x67: {  	_ =	shalt  }
0x68: {  	_ =	shalt  }
0x69: {  	_ =	shalt  }
0x6a: {  	_ =	shalt  }
0x6b: {  	_ =	shalt  }
0x6c: {  	_ =	shalt  }
0x6d: {  	_ =	shalt  }
0x6e: {  	_ =	shalt  }
0x6f: {  	_ =	shalt  }
0x70: {  	_ =	shalt  }
0x71: {  	_ =	shalt  }
0x72: {  	_ =	shalt  }
0x73: {  	_ =	shalt  }
0x74: {  	_ =	shalt  }
0x75: {  	_ =	shalt  }
0x76: {  	_ =	shalt  }
0x77: {  	_ =	shalt  }
0x78: {  	_ =	shalt  }
0x79: {  	_ =	shalt  }
0x7a: {  	_ =	shalt  }
0x7b: {  	_ =	shalt  }
0x7c: {  	_ =	shalt  }
0x7d: {  	_ =	shalt  }
0x7e: {  	_ =	shalt  }
0x7f: {  	_ =	shalt  }
0x80: {  	_ =	shalt  }
0x81: {  	_ =	shalt  }
0x82: {  	_ =	shalt  }
0x83: {  	_ =	shalt  }
0x84: {  	_ =	shalt  }
0x85: {  	_ =	shalt  }
0x86: {  	_ =	shalt  }
0x87: {  	_ =	shalt  }
.Lfunc_end0:
.L_simem_size_0:
called_computation.1_lowered:
.L_overlay_start_0:
0x88: {  	s2 =	sld [smem:$0x3FD9]  }
0x89: {  	s3 =	sld [smem:$0x3FFE];
	_ =	sdelay $0x1  }
0x8a: {  	s1 =	srdreg.scid  }
0x8b: {  	s0 =	sand.u32 $0x1, s1  }
0x8c: {  	s14 =	sshll.u32 s0, $0xA;
	s2 =	sadd.s32 s3, s2  }
0x8d: {  	s2 =	sadd.s32 s2, s14  }
0x8e: {  	[smem:$0x3FBB] =	sst s2  }
0x8f: {  	_ = 	snop  }
0x90: {  	s2 =	sld [smem:$0x3FD0];
	_ =	sdelay $0x2  }
0x91: {  	s15 =	simm.s32 $0xA;
	s4 =	simm.s32 $0x10  }
0x92: {  	[smem:s4], [sflag:s15] =	dma.local [hbm:s2], $0x1  }
0x93: {  	_ =	swait.eq [sflag:s15], $0x1  }
0x94: {  	[sflag:s15] =	ssyncset.done $0x0  }
0x95: {  	[sflag:s15] =	ssyncadd.s32 $0xFFFFFFFF  }
0x96: {  	s16 =	sld [smem:$0x11];
	(tm) =	ssettm $0x1  }
0x97: {  	s17 =	sld [smem:$0x3FFB];
	_ =	sdelay $0x3  }
0x98: {  	_ =	strace s17  }
0x99: {  	s3 =	sld [smem:$0x3FFC];
	_ =	sdelay $0x3  }
0x9a: {  	_ =	strace s3  }
0x9b: {  	s3 =	sld [smem:$0x3FFD];
	_ =	sdelay $0x3  }
0x9c: {  	_ =	strace s3  }
0x9d: {  	_ =	strace $0x8FFFFFFF  }
0x9e: {  	s18 =	sld [smem:$0x3FDB];
	_ =	sdelay $0x1  }
0x9f: {  	s19 =	simm.s32 $_scs_section_size  }
0xa0: {  	s5 =	simm.s32 $_size__tile_overlayer_lowered;
	s6 =	simm.s32 $_tile_overlayer_lowered  }
0xa1: {  	s22 =	simm.s32 $0x1BFF;
	s21 =	sshll.u32 s6, $0x1;
	s3 =	sadd.s32 s19, s18  }
0xa2: {  	s7 =	simm.s32 $0x0;
	s20 =	sshll.u32 s5, $0x1;
	s5 =	sadd.s32 s21, s3  }
0xa3: {  	[timem:s7], [sflag:s22] =	dma.local [hbm:s5], s20  }
0xa4: {  	_ =	swait.ge [sflag:s22], s20  }
0xa5: {  	s4 =	ssub.s32 $0x0, s20;
	[sflag:s22] =	ssyncset.done $0x0  }
0xa6: {  	[sflag:s22] =	ssyncadd.s32 s4;
	_ =	sdelay $0x1  }
0xa7: {  	s23 =	simm.s32 $0x1B8B  }
0xa8: {  	_ =	swait.ge [sflag:s23], $0x1  }
0xa9: {  	[sflag:s23] =	ssyncset.done $0x0  }
0xaa: {  	s25 =	simm.s32 $0x1B8E;
	s24 =	sld [smem:$0x3FFE];
	[sflag:s23] =	ssyncadd.s32 $0xFFFFFFFF  }
0xab: {  	s26 =	simm.s32 $execute0_lowered;
	[smem:$0x3FD2] =	sst s25  }
0xac: {  	s5 =	sshll.u32 s26, $0x1;
	_ =	strace $0x80000049;
	[dreg:$0x1] =	wrdreg $0xFFFFFFFF  }
0xad: {  	s28 =	simm.s32 $_size_execute0_lowered;
	s3 =	sadd.s32 s3, s5;
	[dreg:$0x0] =	wrdreg $0x0  }
0xae: {  	s5 =	sshll.u32 s28, $0x1;
	[dreg:$0x2] =	wrdreg s3  }
0xaf: {  	[dreg:$0x3] =	wrdreg s5  }
0xb0: {  	[dreg:$0x4] =	wrdreg $0xC0  }
0xb1: {  	_ =	task [dreg:s7], $0x5FFFF  }
0xb2: {  	[dreg:$0x1] =	wrdreg $0xFFFFFFFF  }
0xb3: {  	[dreg:$0x0] =	wrdreg $0x60  }
0xb4: {  	[dreg:$0x2] =	wrdreg s16  }
0xb5: {  	[dreg:$0x3] =	wrdreg s24  }
0xb6: {  	[dreg:$0x4] =	wrdreg $0x0  }
0xb7: {  	[dreg:$0x5] =	wrdreg $0x9  }
0xb8: {  	_ =	task.clear_ibuf [dreg:s7], $0x6FFFF;
	_ =	strace $0x90000049  }
0xb9: {  	s29 =	simm.s32 $0x9;
	_ =	strace $0x8000004B  }
0xba: {  	_ =	swait.ge [sflag:s29], $0x1  }
0xbb: {  	[sflag:s29] =	ssyncadd.s32 $0xFFFFFFFF  }
0xbc: {  	_ =	strace $0x9000004B  }
0xbd: {  	_ =	sfence  }
0xbe: {  	s30 =	sld [smem:$0x0];
	_ =	sdelay $0x2  }
0xbf: {  	s31 =	sshll.u32 s1, $0xD;
	s1 =	sshrl.u32 s1, $0x2  }
0xc0: {  	s3 =	sand.u32 $0x4000, s31;
	s1 =	sadd.s32 s1, s30  }
0xc1: {  	s0 =	sor.u32 s3, s0;
	s1 =	sshll.u32 s1, $0x11  }
0xc2: {  	s0 =	sor.u32 s1, s0  }
0xc3: {  	s0 =	sadd.s32 $0x8F2B, s0  }
0xc4: {  	[sflag:s0] =	ssyncadd.remote.s32 $0x1  }
0xc5: {  	_ =	sfence.sel $0xFFFF  }
0xc6: {  	[dreg:$0x0] =	wrdreg $0xFFFFFFFF;
	(pc) =	sbr.abs _section_cstart, $3  }
0xc7: {  	[dreg:$0x1] =	wrdreg $0xFFFFFFFF  }
0xc8: {  	_ =	task.clear_ibuf [dreg:s7], $0x2FFFF;
	_ =	strace $0x9FFFFFFF  }
0xc9: {  	(tm) =	ssettm $0x7FFFFFFF  }
tec
execute0_lowered:
.L_overlay_start_1:
0x0: {  	(tag) =	ssettag $0x1  }
0x1: {  	s2 =	rddreg [dreg:$0x0]  }
0x2: {  	s0 =	rddreg [dreg:$0x1];
	s1 =	srdreg.scid  }
0x3: {  	s3 =	rddreg [dreg:$0x2];
	s12 =	stileid.u32;
	s4 =	simm.s32 $0x0  }
0x4: {  	s28 =	simm.s32 $0x5;
	s29 =	simm.s32 $0x6;
	s17 =	smul.u32 $0x14000, s12  }
0x5: {  	s30 =	simm.s32 $0x50;
	s31 =	simm.s32 $0x4;
	s9 =	smul.u32 $0x50000, s12  }
0x6: {  	s1 =	sand.u32 $0x1, s1;
	s5 =	sshll.u32 s12, $0x1;
	s24 =	smul.u32 $0x4E20, s12  }
0x7: {  	[smem:$0x7FF] =	sst s4;
	s20 =	sadd.s32 $0x4BE00, s0;
	s6 =	smul.u32 $0x140000, s1  }
0x8: {  	s7 =	sor.u32 s1, s5;
	_ =	strace $0x8000004A;
	s18 =	ssub.s32 $0x2, s1  }
0x9: {  	s1 =	smul.u32 $0x2710, s1;
	s8 =	sshll.u32 s7, $0xB;
	s9 =	sshrl.u32 s9, $0x2  }
0xa: {  	s11 =	sshrl.u32 s18, $0x1;
	s7 =	smul.u32 $0x2710, s7;
	s8 =	sadd.s32 s8, s0  }
0xb: {  	s5 =	sadd.s32 s17, s6;
	s6 =	ssub.s32 s18, s11;
	s26 =	sadd.s32 s1, s24  }
0xc: {  	s24 =	simm.s32 $0x18080;
	s10 =	sshrl.u32 s5, $0x3;
	s5 =	sadd.s32 s9, s3  }
0xd: {  	s7 =	sshrl.u32 s7, $0x3;
	s13 =	sadd.s32 $0x2BE00, s8;
	s17 =	smax.u32 s6, $0x1  }
0xe: {  	s1 =	sadd.s32 $0x140, s26;
	s6 =	simm.s32 $0x7;
	s9 =	sadd.s32 $0x2800, s5  }
0xf: {  	s0 =	sadd.s32 s10, s0;
	s19 =	sadd.s32 $0x5000, s5;
	[dreg:$0x4] =	wrdreg s9  }
0x10: {  	s21 =	sadd.s32 $0x7800, s5;
	s22 =	sadd.s32 $0xA000, s5;
	[dreg:$0x5] =	wrdreg s19  }
0x11: {  	s23 =	sadd.s32 $0xC800, s5;
	s25 =	sadd.s32 $0xF000, s5;
	[dreg:$0x6] =	wrdreg s21  }
0x12: {  	s12 =	sadd.s32 $0x11800, s5;
	s14 =	sadd.s32 s20, s7;
	[dreg:$0x7] =	wrdreg s22  }
0x13: {  	s1 =	sshrl.u32 s1, $0x3;
	s7 =	simm.s32 $0x0;
	[dreg:$0x8] =	wrdreg s23  }
0x14: {  	[dreg:$0x9] =	wrdreg s25;
	s15 =	sadd.s32 $0xA, s14;
	s16 =	sadd.s32 $0x55C00, s0  }
0x15: {  	s0 =	sadd.s32 $0xF0, s26;
	s18 =	sadd.s32 $0x14, s14;
	s19 =	sadd.s32 s1, s20  }
0x16: {  	s21 =	simm.s32 $0x18100;
	s22 =	simm.s32 $0x14000;
	s23 =	simm.s32 $0x18000  }
0x17: {  	s25 =	simm.s32 $0x3;
	s26 =	simm.s32 $0x2;
	s0 =	sshrl.u32 s0, $0x3  }
0x18: {  	v0 =	vimm.f32 $0.0e+00;
	s1 =	simm.s32 $0x1;
	s20 =	sadd.s32 s0, s20;
	s0 =	simm.s32 $0x1A900  }
.LBB2_1:
0x19: {  	s8 =	simm.s32 $0x0;
	s9 =	simm.s32 $0x200  }
.LBB2_2:
0x1a: {  	p0 =	sne.s32 s9, $0x9E00;
	[tilespmem:s8+$0x18170] =	vst v0  }
0x1b: {  	[tilespmem:s8+$0x18100] =	vst v0  }
0x1c: {  	[tilespmem:s8+$0x18110] =	vst v0  }
.Ltmp0:
0x1d: {  	[tilespmem:s8+$0x18120] =	vst v0;
	(pc) =	sbr.rel @p0 .LBB2_2-.Ltmp0, $4  }
0x1e: {  	[tilespmem:s8+$0x18130] =	vst v0  }
0x1f: {  	[tilespmem:s8+$0x18140] =	vst v0  }
0x20: {  	[tilespmem:s8+$0x18150] =	vst v0  }
0x21: {  	[tilespmem:s8+$0x18160] =	vst v0;
	s8 =	sshra.s32 s9, $0x2;
	s9 =	sadd.s32 $0x200, s9  }
0x22: {  	[tilespmem:s8+$0x18170] =	vst v0  }
0x23: {  	[tilespmem:s8+$0x18100] =	vst v0  }
0x24: {  	[tilespmem:s8+$0x18110] =	vst v0  }
0x25: {  	[tilespmem:s8+$0x18120] =	vst v0  }
0x26: {  	[tilespmem:s8+$0x18130] =	vst v0  }
0x27: {  	[tilespmem:s8+$0x18140] =	vst v0  }
0x28: {  	[tilespmem:s8+$0x18150] =	vst v0  }
0x29: {  	[tilespmem:s8+$0x18160] =	vst v0  }
0x2a: {  	[spmem:s5] =	stream.linear.scatter [tilespmem:s21], [sflag:$0x3], $0x2800, $0x38;
	[tilespmem:$0x1D100] =	vst v63  }
0x2b: {  	s11 =	rddreg [dreg:$0x4]  }
0x2c: {  	[spmem:s11] =	stream.linear.scatter [tilespmem:s21], [sflag:$0x3], $0x2800, $0x38;
	[tilespmem:$0x1D100] =	vst v63  }
0x2d: {  	s9 =	rddreg [dreg:$0x5]  }
0x2e: {  	[spmem:s9] =	stream.linear.scatter [tilespmem:s21], [sflag:$0x3], $0x2800, $0x38;
	[tilespmem:$0x1D100] =	vst v63  }
0x2f: {  	s10 =	rddreg [dreg:$0x6]  }
0x30: {  	[spmem:s10] =	stream.linear.scatter [tilespmem:s21], [sflag:$0x3], $0x2800, $0x38;
	[tilespmem:$0x1D100] =	vst v63  }
0x31: {  	s11 =	rddreg [dreg:$0x7]  }
0x32: {  	[spmem:s11] =	stream.linear.scatter [tilespmem:s21], [sflag:$0x3], $0x2800, $0x38;
	[tilespmem:$0x1D100] =	vst v63  }
0x33: {  	s9 =	rddreg [dreg:$0x8]  }
0x34: {  	[spmem:s9] =	stream.linear.scatter [tilespmem:s21], [sflag:$0x3], $0x2800, $0x38;
	[tilespmem:$0x1D100] =	vst v63  }
0x35: {  	s10 =	rddreg [dreg:$0x9]  }
0x36: {  	[spmem:s10] =	stream.linear.scatter [tilespmem:s21], [sflag:$0x3], $0x2800, $0x38;
	[tilespmem:$0x1D100] =	vst v63  }
0x37: {  	_ = 	snop  }
0x38: {  	[spmem:s12] =	stream.linear.scatter [tilespmem:s21], [sflag:$0x3], $0x2800, $0x38;
	[tilespmem:$0x1D100] =	vst v63  }
0x39: {  	s11 =	simm.s32 $0x0  }
0x3a: {  	[tilespmem:s22], [sflag:$0x2] =	stream.linear.gather [hbm4b:s13+s11], $0x3E80, $0x38;
	[tilespmem:$0x1D100] =	vst v63  }
0x3b: {  	_ = 	snop  }
0x3c: {  	[tilespmem:s23], [sflag:$0x5] =	stream.linear.gather [hbm4b:s14+s11], $0x50, $0x38;
	[tilespmem:$0x1D100] =	vst v63  }
0x3d: {  	_ = 	snop  }
0x3e: {  	[tilespmem:s24], [sflag:$0x6] =	stream.linear.gather [hbm4b:s15+s11], $0x50, $0x38;
	[tilespmem:$0x1D100] =	vst v63  }
0x3f: {  	_ =	swait.ge [sflag:s25], $0x2800  }
0x40: {  	[sflag:s25] =	ssyncset.done $0x0  }
0x41: {  	[sflag:s25] =	ssyncadd.s32 $0xFFFFD800  }
0x42: {  	_ =	swait.ge [sflag:s25], $0x2800  }
0x43: {  	[sflag:s25] =	ssyncset.done $0x0  }
0x44: {  	[sflag:s25] =	ssyncadd.s32 $0xFFFFD800  }
0x45: {  	_ =	swait.ge [sflag:s25], $0x2800  }
0x46: {  	[sflag:s25] =	ssyncset.done $0x0  }
0x47: {  	[sflag:s25] =	ssyncadd.s32 $0xFFFFD800  }
0x48: {  	_ =	swait.ge [sflag:s25], $0x2800  }
0x49: {  	[sflag:s25] =	ssyncset.done $0x0  }
0x4a: {  	[sflag:s25] =	ssyncadd.s32 $0xFFFFD800  }
0x4b: {  	_ =	swait.ge [sflag:s25], $0x2800  }
0x4c: {  	[sflag:s25] =	ssyncset.done $0x0  }
0x4d: {  	[sflag:s25] =	ssyncadd.s32 $0xFFFFD800  }
0x4e: {  	_ =	swait.ge [sflag:s25], $0x2800  }
0x4f: {  	[sflag:s25] =	ssyncset.done $0x0  }
0x50: {  	[sflag:s25] =	ssyncadd.s32 $0xFFFFD800  }
0x51: {  	_ =	swait.ge [sflag:s25], $0x2800  }
0x52: {  	[sflag:s25] =	ssyncset.done $0x0  }
0x53: {  	[sflag:s25] =	ssyncadd.s32 $0xFFFFD800  }
0x54: {  	_ =	swait.ge [sflag:s25], $0x2800  }
0x55: {  	[sflag:s25] =	ssyncset.done $0x0  }
0x56: {  	[sflag:s25] =	ssyncadd.s32 $0xFFFFD800  }
0x57: {  	_ =	swait.ge [sflag:s26], $0x3E80  }
0x58: {  	[sflag:s26] =	ssyncset.done $0x0  }
0x59: {  	[sflag:s26] =	ssyncadd.s32 $0xFFFFC180  }
0x5a: {  	_ =	swait.ge [sflag:s28], $0x50  }
0x5b: {  	[sflag:s28] =	ssyncset.done $0x0  }
0x5c: {  	[sflag:s28] =	ssyncadd.s32 $0xFFFFFFB0  }
0x5d: {  	_ =	swait.ge [sflag:s29], $0x50  }
0x5e: {  	[sflag:s29] =	ssyncset.done $0x0  }
0x5f: {  	[sflag:s29] =	ssyncadd.s32 $0xFFFFFFB0  }
0x60: {  	[tilespmem:s21], [sflag:$0x1] =	stream.indirect.gather [hbm4b:s2+s30], $0x80, s22, s30, $0xb8;
	[tilespmem:$0x1D100] =	vst v63  }
0x61: {  	s9 =	simm.s32 $0x14080;
	[bflag:$0x0] =	sbarrier.arrive $0xFFFF  }
0x62: {  	[tilespmem:s0], [sflag:$0x2] =	stream.indirect.gather [hbm4b:s2+s30], $0x80, s9, s30, $0xb8;
	[tilespmem:$0x1D100] =	vst v63  }
0x63: {  	_ =	swait.ge [sflag:s1], $0x2800  }
0x64: {  	[sflag:s1] =	ssyncset.done $0x0  }
0x65: {  	[sflag:s1] =	ssyncadd.s32 $0xFFFFD800  }
0x66: {  	[spmem:s3] =	stream.indirect.scatter.add.f32 [tilespmem:s21], [sflag:$0x3], $0x80, s23, s30, $0xb8;
	[tilespmem:$0x1D100] =	vst v63  }
0x67: {  	_ =	swait.ge [sflag:s25], $0x2800  }
0x68: {  	[sflag:s25] =	ssyncset.done $0x0  }
0x69: {  	[sflag:s25] =	ssyncadd.s32 $0xFFFFD800  }
0x6a: {  	[tilespmem:s23], [sflag:$0x5] =	stream.linear.gather [hbm4b:s18+s11], $0x50, $0x38;
	[tilespmem:$0x1D100] =	vst v63  }
0x6b: {  	s10 =	simm.s32 $0x14100  }
0x6c: {  	[tilespmem:s21], [sflag:$0x1] =	stream.indirect.gather [hbm4b:s2+s30], $0x80, s10, s30, $0xb8;
	[tilespmem:$0x1D100] =	vst v63  }
0x6d: {  	_ =	swait.ge [sflag:s26], $0x2800  }
0x6e: {  	[sflag:s26] =	ssyncset.done $0x0  }
0x6f: {  	[sflag:s26] =	ssyncadd.s32 $0xFFFFD800  }
0x70: {  	[spmem:s3] =	stream.indirect.scatter.add.f32 [tilespmem:s0], [sflag:$0x4], $0x80, s24, s30, $0xb8;
	[tilespmem:$0x1D100] =	vst v63  }
0x71: {  	_ =	swait.ge [sflag:s31], $0x2800  }
0x72: {  	[sflag:s31] =	ssyncset.done $0x0  }
0x73: {  	s11 =	sadd.s32 $0x0, s20;
	[sflag:s31] =	ssyncadd.s32 $0xFFFFD800  }
0x74: {  	[tilespmem:s24], [sflag:$0x6] =	stream.linear.gather [hbm4b:s11+s4], $0x50, $0x38;
	[tilespmem:$0x1D100] =	vst v63  }
0x75: {  	s9 =	simm.s32 $0x14180  }
0x76: {  	[tilespmem:s0], [sflag:$0x2] =	stream.indirect.gather [hbm4b:s2+s30], $0x80, s9, s30, $0xb8;
	[tilespmem:$0x1D100] =	vst v63  }
0x77: {  	_ =	swait.ge [sflag:s1], $0x2800  }
0x78: {  	[sflag:s1] =	ssyncset.done $0x0  }
0x79: {  	[sflag:s1] =	ssyncadd.s32 $0xFFFFD800  }
0x7a: {  	_ =	swait.ge [sflag:s28], $0x50  }
0x7b: {  	[sflag:s28] =	ssyncset.done $0x0  }
0x7c: {  	[sflag:s28] =	ssyncadd.s32 $0xFFFFFFB0  }
0x7d: {  	[spmem:s3] =	stream.indirect.scatter.add.f32 [tilespmem:s21], [sflag:$0x3], $0x80, s23, s30, $0xb8;
	[tilespmem:$0x1D100] =	vst v63  }
0x7e: {  	_ =	swait.ge [sflag:s25], $0x2800  }
0x7f: {  	[sflag:s25] =	ssyncset.done $0x0  }
0x80: {  	s10 =	sadd.s32 $0x0, s19;
	[sflag:s25] =	ssyncadd.s32 $0xFFFFD800  }
0x81: {  	[tilespmem:s23], [sflag:$0x5] =	stream.linear.gather [hbm4b:s10+s4], $0x50, $0x38;
	[tilespmem:$0x1D100] =	vst v63  }
0x82: {  	s11 =	simm.s32 $0x14200  }
0x83: {  	[tilespmem:s21], [sflag:$0x1] =	stream.indirect.gather [hbm4b:s2+s30], $0x80, s11, s30, $0xb8;
	[tilespmem:$0x1D100] =	vst v63  }
0x84: {  	_ =	swait.ge [sflag:s29], $0x50  }
0x85: {  	[sflag:s29] =	ssyncset.done $0x0  }
0x86: {  	[sflag:s29] =	ssyncadd.s32 $0xFFFFFFB0  }
0x87: {  	_ =	swait.ge [sflag:s26], $0x2800  }
0x88: {  	[sflag:s26] =	ssyncset.done $0x0  }
0x89: {  	s8 =	simm.s32 $0x14;
	s9 =	simm.s32 $0x14280;
	[sflag:s26] =	ssyncadd.s32 $0xFFFFD800  }
.LBB2_4:
0x8a: {  	[spmem:s3] =	stream.indirect.scatter.add.f32 [tilespmem:s0], [sflag:$0x4], $0x80, s24, s30, $0xb8;
	[tilespmem:$0x1D100] =	vst v63  }
0x8b: {  	s10 =	smov.u32 s8  }
0x8c: {  	p0 =	sne.s32 s8, $0x4B0;
	s8 =	sadd.s32 $0x14, s8;
	_ =	swait.ge [sflag:s31], $0x2800  }
0x8d: {  	[sflag:s31] =	ssyncset.done $0x0  }
0x8e: {  	s11 =	sadd.s32 s10, s20;
	[sflag:s31] =	ssyncadd.s32 $0xFFFFD800  }
0x8f: {  	[tilespmem:s24], [sflag:$0x6] =	stream.linear.gather [hbm4b:s11+s4], $0x50, $0x38;
	[tilespmem:$0x1D100] =	vst v63  }
0x90: {  	_ = 	snop  }
0x91: {  	[tilespmem:s0], [sflag:$0x2] =	stream.indirect.gather [hbm4b:s2+s30], $0x80, s9, s30, $0xb8;
	[tilespmem:$0x1D100] =	vst v63  }
0x92: {  	_ =	swait.ge [sflag:s1], $0x2800  }
0x93: {  	[sflag:s1] =	ssyncset.done $0x0  }
0x94: {  	[sflag:s1] =	ssyncadd.s32 $0xFFFFD800  }
0x95: {  	_ =	swait.ge [sflag:s28], $0x50  }
0x96: {  	[sflag:s28] =	ssyncset.done $0x0  }
0x97: {  	[sflag:s28] =	ssyncadd.s32 $0xFFFFFFB0  }
0x98: {  	[spmem:s3] =	stream.indirect.scatter.add.f32 [tilespmem:s21], [sflag:$0x3], $0x80, s23, s30, $0xb8;
	[tilespmem:$0x1D100] =	vst v63  }
0x99: {  	_ =	swait.ge [sflag:s25], $0x2800  }
0x9a: {  	[sflag:s25] =	ssyncset.done $0x0  }
0x9b: {  	s10 =	sadd.s32 s10, s19;
	[sflag:s25] =	ssyncadd.s32 $0xFFFFD800  }
0x9c: {  	[tilespmem:s23], [sflag:$0x5] =	stream.linear.gather [hbm4b:s10+s4], $0x50, $0x38;
	[tilespmem:$0x1D100] =	vst v63  }
0x9d: {  	s10 =	sadd.s32 $0x80, s9  }
0x9e: {  	[tilespmem:s21], [sflag:$0x1] =	stream.indirect.gather [hbm4b:s2+s30], $0x80, s10, s30, $0xb8;
	[tilespmem:$0x1D100] =	vst v63  }
0x9f: {  	_ =	swait.ge [sflag:s29], $0x50  }
.Ltmp1:
0xa0: {  	[sflag:s29] =	ssyncset.done $0x0;
	(pc) =	sbr.rel @p0 .LBB2_4-.Ltmp1, $4  }
0xa1: {  	[sflag:s29] =	ssyncadd.s32 $0xFFFFFFB0  }
0xa2: {  	_ =	swait.ge [sflag:s26], $0x2800  }
0xa3: {  	[sflag:s26] =	ssyncset.done $0x0  }
0xa4: {  	s9 =	sadd.s32 $0x100, s9;
	[sflag:s26] =	ssyncadd.s32 $0xFFFFD800  }
0xa5: {  	[spmem:s3] =	stream.indirect.scatter.add.f32 [tilespmem:s0], [sflag:$0x4], $0x80, s24, s30, $0xb8;
	[tilespmem:$0x1D100] =	vst v63  }
0xa6: {  	_ =	swait.ge [sflag:s31], $0x2800  }
0xa7: {  	[sflag:s31] =	ssyncset.done $0x0  }
0xa8: {  	[sflag:s31] =	ssyncadd.s32 $0xFFFFD800  }
0xa9: {  	_ =	swait.ge [sflag:s1], $0x2800  }
0xaa: {  	[sflag:s1] =	ssyncset.done $0x0  }
0xab: {  	[sflag:s1] =	ssyncadd.s32 $0xFFFFD800  }
0xac: {  	_ =	swait.ge [sflag:s28], $0x50  }
0xad: {  	[sflag:s28] =	ssyncset.done $0x0  }
0xae: {  	[sflag:s28] =	ssyncadd.s32 $0xFFFFFFB0  }
0xaf: {  	[spmem:s3] =	stream.indirect.scatter.add.f32 [tilespmem:s21], [sflag:$0x3], $0x80, s23, s30, $0xb8;
	[tilespmem:$0x1D100] =	vst v63  }
0xb0: {  	s8 =	stileid.u32;
	_ =	swait.ge [sflag:s25], $0x2800  }
0xb1: {  	s9 =	sshrl.u32 s5, $0x3;
	s7 =	sadd.s32 $0x1, s7;
	[sflag:s25] =	ssyncset.done $0x0  }
0xb2: {  	s8 =	sshll.u32 s8, $0x6;
	p0 =	sne.s32 s7, s17;
	[sflag:s25] =	ssyncadd.s32 $0xFFFFD800  }
.Ltmp2:
0xb3: {  	s8 =	sor.u32 $0x1C07, s8;
	[bflag:$0x0] =	sbarrier.arrive $0xFFFF;
	(pc) =	sbr.rel @p0 .LBB2_1-.Ltmp2, $4  }
0xb4: {  	[hbm:s16], [sflag:s8] =	dma.local [spmem:s9], $0x2800  }
0xb5: {  	_ =	swait.ge [sflag:s6], $0x2800  }
0xb6: {  	[sflag:s6] =	ssyncset.done $0x0  }
0xb7: {  	[sflag:s6] =	ssyncadd.s32 $0xFFFFD800  }
0xb8: {  	_ =	sfence.sel $0x180000  }
0xb9: {  	[bflag:$0x0] =	sbarrier.arrive $0xFFFF  }
0xba: {  	_ =	strace $0x9000004A  }
0xbb: {  	s0 =	stileid.u32;
	[bflag:$0x2] =	sbarrier.arrive $0xFFFF  }
0xbc: {  	p0 =	sne.s32 s0, $0x0;
	s0 =	rddreg [dreg:$0x3]  }
0xbd: {  	s0 =	sadd.s32 @!p0 $0x100000, s0  }
0xbe: {  	[sflag:s0] =	ssyncadd.tile.s32 @!p0 $0x1;
	_ =	shalt  }
.Lfunc_end2:
_tile_overlayer_lowered:
.L_overlay_start_2:
0xbf: {  	(tag) =	ssettag $0x2  }
0xc0: {  	s0 =	rddreg [dreg:$0x0];
	s2 =	stileid.u32  }
0xc1: {  	s1 =	rddreg [dreg:$0x1];
	p0 =	sne.s32 s2, $0x0  }
0xc2: {  	s3 =	rddreg [dreg:$0x2];
	[bflag:$0x3] =	sbarrier.arrive $0xFFFF;
	s2 =	simm.s32 @!p0 $0x1C07  }
0xc3: {  	[timem:s3], [sflag:s2] =	dma.local @!p0 [hbm:s0], s1  }
0xc4: {  	s0 =	simm.s32 @!p0 $0x7  }
0xc5: {  	_ =	swait.ge @!p0 [sflag:s0], s1  }
0xc6: {  	s1 =	ssub.s32 @!p0 $0x0, s1;
	[sflag:s0] =	ssyncset.done @!p0 $0x0  }
0xc7: {  	[sflag:s0] =	ssyncadd.s32 @!p0 s1  }
0xc8: {  	[bflag:$0x3] =	sbarrier.arrive $0xFFFF  }
0xc9: {  	_ =	shalt  }

// kernel: kernel.15.cloned.1.call-start
scs
__scs_entry_jumppad:
0x0: {  	(pc) =	sbr.rel $0x88, $3  }
0x1: {  	(tag) =	ssettag $0x0;
	lr =	simm.s32 $0x1  }
0x2: {  	[smem:$0x3F94] =	sst lr;
	_ =	strace $0xD0000000  }
0x3: {  	_ = 	snop  }
0x4: {  	_ = 	snop  }
0x5: {  	_ = 	snop  }
0x6: {  	_ = 	snop  }
0x7: {  	_ = 	snop  }
__scs_overlays_trampoline_lowered:
0x8: {  	[smem:$0x3FA3] =	sst s0  }
0x9: {  	[smem:$0x3FA4] =	sst s1  }
0xa: {  	[smem:$0x3FA5] =	sst s2  }
0xb: {  	[smem:$0x3FA6] =	sst s3  }
0xc: {  	[smem:$0x3FA7] =	sst s4  }
0xd: {  	[smem:$0x3FA8] =	sst s5  }
0xe: {  	[smem:$0x3FA9] =	sst s6  }
0xf: {  	[smem:$0x3FAA] =	sst s7  }
0x10: {  	[smem:$0x3FAB] =	sst s8  }
0x11: {  	[smem:$0x3FAC] =	sst s9;
	s0 =	simm.s32 @!p0 $0x0  }
0x12: {  	s1 =	sld [smem:$0x3F92];
	s0 =	simm.s32 @p0 $0x1  }
0x13: {  	[smem:$0x3FAD] =	sst s0;
	s0 =	simm.s32 @!p1 $0x0  }
0x14: {  	s2 =	sld [smem:$0x3F91];
	s0 =	simm.s32 @p1 $0x1  }
0x15: {  	[smem:$0x3FAE] =	sst s0;
	s0 =	simm.s32 @!p2 $0x0  }
0x16: {  	s3 =	sld [smem:$0x3FDB];
	s0 =	simm.s32 @p2 $0x1  }
0x17: {  	s4 =	simm.s32 $0x1BF5;
	[smem:$0x3FB0] =	sst s0  }
0x18: {  	s0 =	sld [smem:$0x3F93];
	_ =	swait.ge [sflag:s4], $0x0  }
0x19: {  	s7 =	sld [smem:$0x3F94]  }
0x1a: {  	s8 =	sadd.s32 $0xFFFFE003, lr  }
0x1b: {  	s9 =	sadd.s32 $0xFFFFFEF7, lr;
	s5 =	simm.s32 $0xFFFFFFFF;
	p2 =	slt.u32 s8, $0xFFFFF086  }
0x1c: {  	p1 =	slt.u32 s9, $0xF7A;
	s5 =	simm.s32 @!p2 $0x0  }
0x1d: {  	s5 =	simm.s32 @p1 $0x1;
	p0 =	seq.s32 s7, s2  }
0x1e: {  	s7 =	smul.u32 @!p0 $0xF7A, s2;
	p2 =	seq.s32 @!p0 s5, $0x0  }
0x1f: {  	s9 =	smul.u32 $0xF7A, s1;
	s8 =	simm.s32 @!p0 $0x1BF5;
	p2 =	por !p2, p0  }
0x20: {  	[sflag:s8] =	ssyncset.s32 @!p0 $0xFFFFF086;
	s6 =	sadd.s32 @!p0 s3, s7;
	s7 =	simm.s32 @!p0 $0x108  }
0x21: {  	s3 =	sadd.s32 s3, s9;
	s6 =	sadd.s32 @!p0 $0x88, s6;
	s7 =	simm.s32 @p2 $0x1082  }
0x22: {  	[simem:s7], [sflag:s8] =	dma.local @!p0 [hbm:s6], $0xF7A  }
0x23: {  	s9 =	sor.u32 $0xD0000000, s2;
	s6 =	simm.s32 $0x108;
	_ =	swait.ge @!p0 [sflag:s8], $0x0  }
0x24: {  	s3 =	sadd.s32 $0x88, s3;
	s6 =	simm.s32 @!p1 $0x1082;
	[sflag:s4] =	ssyncset.s32 $0xFFFFF086  }
0x25: {  	[simem:s6], [sflag:s4] =	dma.local [hbm:s3], $0xF7A  }
0x26: {  	[smem:$0x3F94] =	sst s1;
	(tag) =	ssettag s2;
	_ =	strace s9  }
0x27: {  	s1 =	sld [smem:$0x3FA4]  }
0x28: {  	s2 =	sld [smem:$0x3FA5]  }
0x29: {  	s4 =	sld [smem:$0x3FA7]  }
0x2a: {  	p0 =	seq.s32 s5, $0x0;
	s5 =	sld [smem:$0x3FA8]  }
0x2b: {  	s6 =	sld [smem:$0x3FA9]  }
0x2c: {  	s7 =	sld [smem:$0x3FAA]  }
0x2d: {  	s3 =	simm.s32 $0x108;
	s8 =	sld [smem:$0x3FAB]  }
0x2e: {  	s3 =	simm.s32 @!p0 $0x1082;
	s9 =	sld [smem:$0x3FAC]  }
0x2f: {  	lr =	sadd.s32 s0, s3;
	s0 =	sld [smem:$0x3FA3]  }
0x30: {  	s3 =	sld [smem:$0x3FA6]  }
0x31: {  	[smem:$0x3FAF] =	sst s10  }
0x32: {  	s10 =	sld [smem:$0x3FAD];
	_ =	sdelay $0x3  }
0x33: {  	p0 =	seq.s32 s10, $0x1;
	s10 =	sld [smem:$0x3FAF];
	_ =	sdelay $0x3  }
0x34: {  	[smem:$0x3FAF] =	sst s10  }
0x35: {  	s10 =	sld [smem:$0x3FAE];
	_ =	sdelay $0x3  }
0x36: {  	p1 =	seq.s32 s10, $0x1;
	s10 =	sld [smem:$0x3FAF];
	_ =	sdelay $0x3  }
0x37: {  	[smem:$0x3FAF] =	sst s10  }
0x38: {  	s10 =	sld [smem:$0x3FB0]  }
0x39: {  	_ = 	snop;
	(pc) =	sbr.ind lr, $3  }
0x3a: {  	_ = 	snop  }
0x3b: {  	_ = 	snop  }
0x3c: {  	p2 =	seq.s32 s10, $0x1;
	s10 =	sld [smem:$0x3FAF]  }
0x3d: {  	_ =	shalt  }
0x3e: {  	_ =	shalt  }
0x3f: {  	_ =	shalt  }
0x40: {  	_ =	shalt  }
0x41: {  	_ =	shalt  }
0x42: {  	_ =	shalt  }
0x43: {  	_ =	shalt  }
0x44: {  	_ =	shalt  }
0x45: {  	_ =	shalt  }
0x46: {  	_ =	shalt  }
0x47: {  	_ =	shalt  }
0x48: {  	_ =	shalt  }
0x49: {  	_ =	shalt  }
0x4a: {  	_ =	shalt  }
0x4b: {  	_ =	shalt  }
0x4c: {  	_ =	shalt  }
0x4d: {  	_ =	shalt  }
0x4e: {  	_ =	shalt  }
0x4f: {  	_ =	shalt  }
0x50: {  	_ =	shalt  }
0x51: {  	_ =	shalt  }
0x52: {  	_ =	shalt  }
0x53: {  	_ =	shalt  }
0x54: {  	_ =	shalt  }
0x55: {  	_ =	shalt  }
0x56: {  	_ =	shalt  }
0x57: {  	_ =	shalt  }
0x58: {  	_ =	shalt  }
0x59: {  	_ =	shalt  }
0x5a: {  	_ =	shalt  }
0x5b: {  	_ =	shalt  }
0x5c: {  	_ =	shalt  }
0x5d: {  	_ =	shalt  }
0x5e: {  	_ =	shalt  }
0x5f: {  	_ =	shalt  }
0x60: {  	_ =	shalt  }
0x61: {  	_ =	shalt  }
0x62: {  	_ =	shalt  }
0x63: {  	_ =	shalt  }
0x64: {  	_ =	shalt  }
0x65: {  	_ =	shalt  }
0x66: {  	_ =	shalt  }
0x67: {  	_ =	shalt  }
0x68: {  	_ =	shalt  }
0x69: {  	_ =	shalt  }
0x6a: {  	_ =	shalt  }
0x6b: {  	_ =	shalt  }
0x6c: {  	_ =	shalt  }
0x6d: {  	_ =	shalt  }
0x6e: {  	_ =	shalt  }
0x6f: {  	_ =	shalt  }
0x70: {  	_ =	shalt  }
0x71: {  	_ =	shalt  }
0x72: {  	_ =	shalt  }
0x73: {  	_ =	shalt  }
0x74: {  	_ =	shalt  }
0x75: {  	_ =	shalt  }
0x76: {  	_ =	shalt  }
0x77: {  	_ =	shalt  }
0x78: {  	_ =	shalt  }
0x79: {  	_ =	shalt  }
0x7a: {  	_ =	shalt  }
0x7b: {  	_ =	shalt  }
0x7c: {  	_ =	shalt  }
0x7d: {  	_ =	shalt  }
0x7e: {  	_ =	shalt  }
0x7f: {  	_ =	shalt  }
0x80: {  	_ =	shalt  }
0x81: {  	_ =	shalt  }
0x82: {  	_ =	shalt  }
0x83: {  	_ =	shalt  }
0x84: {  	_ =	shalt  }
0x85: {  	_ =	shalt  }
0x86: {  	_ =	shalt  }
0x87: {  	_ =	shalt  }
.Lfunc_end0:
.L_simem_size_0:
called_computation.2_lowered:
.L_overlay_start_0:
0x88: {  	s2 =	sld [smem:$0x3FD9]  }
0x89: {  	s3 =	sld [smem:$0x3FFE];
	_ =	sdelay $0x1  }
0x8a: {  	s1 =	srdreg.scid  }
0x8b: {  	s0 =	sand.u32 $0x1, s1  }
0x8c: {  	s14 =	sshll.u32 s0, $0xA;
	s2 =	sadd.s32 s3, s2  }
0x8d: {  	s2 =	sadd.s32 s2, s14  }
0x8e: {  	[smem:$0x3FBB] =	sst s2  }
0x8f: {  	_ = 	snop  }
0x90: {  	s2 =	sld [smem:$0x3FD0];
	_ =	sdelay $0x2  }
0x91: {  	s15 =	simm.s32 $0xA;
	s4 =	simm.s32 $0x10  }
0x92: {  	[smem:s4], [sflag:s15] =	dma.local [hbm:s2], $0x1  }
0x93: {  	_ =	swait.eq [sflag:s15], $0x1  }
0x94: {  	[sflag:s15] =	ssyncset.done $0x0  }
0x95: {  	[sflag:s15] =	ssyncadd.s32 $0xFFFFFFFF  }
0x96: {  	s16 =	sld [smem:$0x11];
	(tm) =	ssettm $0x1  }
0x97: {  	s17 =	sld [smem:$0x3FFB];
	_ =	sdelay $0x3  }
0x98: {  	_ =	strace s17  }
0x99: {  	s3 =	sld [smem:$0x3FFC];
	_ =	sdelay $0x3  }
0x9a: {  	_ =	strace s3  }
0x9b: {  	s3 =	sld [smem:$0x3FFD];
	_ =	sdelay $0x3  }
0x9c: {  	_ =	strace s3  }
0x9d: {  	_ =	strace $0x8FFFFFFF  }
0x9e: {  	s18 =	sld [smem:$0x3FDB];
	_ =	sdelay $0x1  }
0x9f: {  	s19 =	simm.s32 $_scs_section_size  }
0xa0: {  	s5 =	simm.s32 $_size__tile_overlayer_lowered;
	s6 =	simm.s32 $_tile_overlayer_lowered  }
0xa1: {  	s22 =	simm.s32 $0x1BFF;
	s21 =	sshll.u32 s6, $0x1;
	s3 =	sadd.s32 s19, s18  }
0xa2: {  	s7 =	simm.s32 $0x0;
	s20 =	sshll.u32 s5, $0x1;
	s5 =	sadd.s32 s21, s3  }
0xa3: {  	[timem:s7], [sflag:s22] =	dma.local [hbm:s5], s20  }
0xa4: {  	_ =	swait.ge [sflag:s22], s20  }
0xa5: {  	s4 =	ssub.s32 $0x0, s20;
	[sflag:s22] =	ssyncset.done $0x0  }
0xa6: {  	[sflag:s22] =	ssyncadd.s32 s4;
	_ =	sdelay $0x1  }
0xa7: {  	s23 =	simm.s32 $0x1B8B  }
0xa8: {  	_ =	swait.ge [sflag:s23], $0x1  }
0xa9: {  	[sflag:s23] =	ssyncset.done $0x0  }
0xaa: {  	s25 =	simm.s32 $0x1B8E;
	s24 =	sld [smem:$0x3FFE];
	[sflag:s23] =	ssyncadd.s32 $0xFFFFFFFF  }
0xab: {  	s26 =	simm.s32 $execute0_lowered;
	[smem:$0x3FD2] =	sst s25  }
0xac: {  	s5 =	sshll.u32 s26, $0x1;
	_ =	strace $0x8000004C;
	[dreg:$0x1] =	wrdreg $0xFFFFFFFF  }
0xad: {  	s28 =	simm.s32 $_size_execute0_lowered;
	s3 =	sadd.s32 s3, s5;
	[dreg:$0x0] =	wrdreg $0x0  }
0xae: {  	s5 =	sshll.u32 s28, $0x1;
	[dreg:$0x2] =	wrdreg s3  }
0xaf: {  	[dreg:$0x3] =	wrdreg s5  }
0xb0: {  	[dreg:$0x4] =	wrdreg $0xC0  }
0xb1: {  	_ =	task [dreg:s7], $0x5FFFF  }
0xb2: {  	[dreg:$0x1] =	wrdreg $0xFFFFFFFF  }
0xb3: {  	[dreg:$0x0] =	wrdreg $0x60  }
0xb4: {  	[dreg:$0x2] =	wrdreg s16  }
0xb5: {  	[dreg:$0x3] =	wrdreg s24  }
0xb6: {  	[dreg:$0x4] =	wrdreg $0x0  }
0xb7: {  	[dreg:$0x5] =	wrdreg $0x9  }
0xb8: {  	_ =	task.clear_ibuf [dreg:s7], $0x6FFFF;
	_ =	strace $0x9000004C  }
0xb9: {  	s29 =	simm.s32 $0x9;
	_ =	strace $0x8000004E  }
0xba: {  	_ =	swait.ge [sflag:s29], $0x1  }
0xbb: {  	[sflag:s29] =	ssyncadd.s32 $0xFFFFFFFF  }
0xbc: {  	_ =	strace $0x9000004E  }
0xbd: {  	_ =	sfence  }
0xbe: {  	s30 =	sld [smem:$0x0];
	_ =	sdelay $0x2  }
0xbf: {  	s31 =	sshll.u32 s1, $0xD;
	s1 =	sshrl.u32 s1, $0x2  }
0xc0: {  	s3 =	sand.u32 $0x4000, s31;
	s1 =	sadd.s32 s1, s30  }
0xc1: {  	s0 =	sor.u32 s3, s0;
	s1 =	sshll.u32 s1, $0x11  }
0xc2: {  	s0 =	sor.u32 s1, s0  }
0xc3: {  	s0 =	sadd.s32 $0x8F2B, s0  }
0xc4: {  	[sflag:s0] =	ssyncadd.remote.s32 $0x1  }
0xc5: {  	_ =	sfence.sel $0xFFFF  }
0xc6: {  	[dreg:$0x0] =	wrdreg $0xFFFFFFFF;
	(pc) =	sbr.abs _section_cstart, $3  }
0xc7: {  	[dreg:$0x1] =	wrdreg $0xFFFFFFFF  }
0xc8: {  	_ =	task.clear_ibuf [dreg:s7], $0x2FFFF;
	_ =	strace $0x9FFFFFFF  }
0xc9: {  	(tm) =	ssettm $0x7FFFFFFF  }
tec
execute0_lowered:
.L_overlay_start_1:
0x0: {  	(tag) =	ssettag $0x1  }
0x1: {  	s2 =	rddreg [dreg:$0x0]  }
0x2: {  	s0 =	rddreg [dreg:$0x1];
	s1 =	srdreg.scid  }
0x3: {  	s3 =	rddreg [dreg:$0x2];
	s12 =	stileid.u32;
	s4 =	simm.s32 $0x0  }
0x4: {  	s28 =	simm.s32 $0x5;
	s29 =	simm.s32 $0x6;
	s17 =	smul.u32 $0x14000, s12  }
0x5: {  	s30 =	simm.s32 $0x50;
	s31 =	simm.s32 $0x4;
	s9 =	smul.u32 $0x50000, s12  }
0x6: {  	s1 =	sand.u32 $0x1, s1;
	s5 =	sshll.u32 s12, $0x1;
	s24 =	smul.u32 $0x4E20, s12  }
0x7: {  	[smem:$0x7FF] =	sst s4;
	s20 =	sadd.s32 $0x4BE00, s0;
	s6 =	smul.u32 $0x140000, s1  }
0x8: {  	s7 =	sor.u32 s1, s5;
	_ =	strace $0x8000004D;
	s18 =	ssub.s32 $0x2, s1  }
0x9: {  	s1 =	smul.u32 $0x2710, s1;
	s8 =	sshll.u32 s7, $0xB;
	s9 =	sshrl.u32 s9, $0x2  }
0xa: {  	s11 =	sshrl.u32 s18, $0x1;
	s7 =	smul.u32 $0x2710, s7;
	s8 =	sadd.s32 s8, s0  }
0xb: {  	s5 =	sadd.s32 s17, s6;
	s6 =	ssub.s32 s18, s11;
	s26 =	sadd.s32 s1, s24  }
0xc: {  	s24 =	simm.s32 $0x18080;
	s10 =	sshrl.u32 s5, $0x3;
	s5 =	sadd.s32 s9, s3  }
0xd: {  	s7 =	sshrl.u32 s7, $0x3;
	s13 =	sadd.s32 $0x2BE00, s8;
	s17 =	smax.u32 s6, $0x1  }
0xe: {  	s1 =	sadd.s32 $0x140, s26;
	s6 =	simm.s32 $0x7;
	s9 =	sadd.s32 $0x2800, s5  }
0xf: {  	s0 =	sadd.s32 s10, s0;
	s19 =	sadd.s32 $0x5000, s5;
	[dreg:$0x4] =	wrdreg s9  }
0x10: {  	s21 =	sadd.s32 $0x7800, s5;
	s22 =	sadd.s32 $0xA000, s5;
	[dreg:$0x5] =	wrdreg s19  }
0x11: {  	s23 =	sadd.s32 $0xC800, s5;
	s25 =	sadd.s32 $0xF000, s5;
	[dreg:$0x6] =	wrdreg s21  }
0x12: {  	s12 =	sadd.s32 $0x11800, s5;
	s14 =	sadd.s32 s20, s7;
	[dreg:$0x7] =	wrdreg s22  }
0x13: {  	s1 =	sshrl.u32 s1, $0x3;
	s7 =	simm.s32 $0x0;
	[dreg:$0x8] =	wrdreg s23  }
0x14: {  	[dreg:$0x9] =	wrdreg s25;
	s15 =	sadd.s32 $0xA, s14;
	s16 =	sadd.s32 $0x55C00, s0  }
0x15: {  	s0 =	sadd.s32 $0xF0, s26;
	s18 =	sadd.s32 $0x14, s14;
	s19 =	sadd.s32 s1, s20  }
0x16: {  	s21 =	simm.s32 $0x18100;
	s22 =	simm.s32 $0x14000;
	s23 =	simm.s32 $0x18000  }
0x17: {  	s25 =	simm.s32 $0x3;
	s26 =	simm.s32 $0x2;
	s0 =	sshrl.u32 s0, $0x3  }
0x18: {  	v0 =	vimm.f32 $0.0e+00;
	s1 =	simm.s32 $0x1;
	s20 =	sadd.s32 s0, s20;
	s0 =	simm.s32 $0x1A900  }
.LBB2_1:
0x19: {  	s8 =	simm.s32 $0x0;
	s9 =	simm.s32 $0x200  }
.LBB2_2:
0x1a: {  	p0 =	sne.s32 s9, $0x9E00;
	[tilespmem:s8+$0x18170] =	vst v0  }
0x1b: {  	[tilespmem:s8+$0x18100] =	vst v0  }
0x1c: {  	[tilespmem:s8+$0x18110] =	vst v0  }
.Ltmp0:
0x1d: {  	[tilespmem:s8+$0x18120] =	vst v0;
	(pc) =	sbr.rel @p0 .LBB2_2-.Ltmp0, $4  }
0x1e: {  	[tilespmem:s8+$0x18130] =	vst v0  }
0x1f: {  	[tilespmem:s8+$0x18140] =	vst v0  }
0x20: {  	[tilespmem:s8+$0x18150] =	vst v0  }
0x21: {  	[tilespmem:s8+$0x18160] =	vst v0;
	s8 =	sshra.s32 s9, $0x2;
	s9 =	sadd.s32 $0x200, s9  }
0x22: {  	[tilespmem:s8+$0x18170] =	vst v0  }
0x23: {  	[tilespmem:s8+$0x18100] =	vst v0  }
0x24: {  	[tilespmem:s8+$0x18110] =	vst v0  }
0x25: {  	[tilespmem:s8+$0x18120] =	vst v0  }
0x26: {  	[tilespmem:s8+$0x18130] =	vst v0  }
0x27: {  	[tilespmem:s8+$0x18140] =	vst v0  }
0x28: {  	[tilespmem:s8+$0x18150] =	vst v0  }
0x29: {  	[tilespmem:s8+$0x18160] =	vst v0  }
0x2a: {  	[spmem:s5] =	stream.linear.scatter [tilespmem:s21], [sflag:$0x3], $0x2800, $0x38;
	[tilespmem:$0x1D100] =	vst v63  }
0x2b: {  	s11 =	rddreg [dreg:$0x4]  }
0x2c: {  	[spmem:s11] =	stream.linear.scatter [tilespmem:s21], [sflag:$0x3], $0x2800, $0x38;
	[tilespmem:$0x1D100] =	vst v63  }
0x2d: {  	s9 =	rddreg [dreg:$0x5]  }
0x2e: {  	[spmem:s9] =	stream.linear.scatter [tilespmem:s21], [sflag:$0x3], $0x2800, $0x38;
	[tilespmem:$0x1D100] =	vst v63  }
0x2f: {  	s10 =	rddreg [dreg:$0x6]  }
0x30: {  	[spmem:s10] =	stream.linear.scatter [tilespmem:s21], [sflag:$0x3], $0x2800, $0x38;
	[tilespmem:$0x1D100] =	vst v63  }
0x31: {  	s11 =	rddreg [dreg:$0x7]  }
0x32: {  	[spmem:s11] =	stream.linear.scatter [tilespmem:s21], [sflag:$0x3], $0x2800, $0x38;
	[tilespmem:$0x1D100] =	vst v63  }
0x33: {  	s9 =	rddreg [dreg:$0x8]  }
0x34: {  	[spmem:s9] =	stream.linear.scatter [tilespmem:s21], [sflag:$0x3], $0x2800, $0x38;
	[tilespmem:$0x1D100] =	vst v63  }
0x35: {  	s10 =	rddreg [dreg:$0x9]  }
0x36: {  	[spmem:s10] =	stream.linear.scatter [tilespmem:s21], [sflag:$0x3], $0x2800, $0x38;
	[tilespmem:$0x1D100] =	vst v63  }
0x37: {  	_ = 	snop  }
0x38: {  	[spmem:s12] =	stream.linear.scatter [tilespmem:s21], [sflag:$0x3], $0x2800, $0x38;
	[tilespmem:$0x1D100] =	vst v63  }
0x39: {  	s11 =	simm.s32 $0x0  }
0x3a: {  	[tilespmem:s22], [sflag:$0x2] =	stream.linear.gather [hbm4b:s13+s11], $0x3E80, $0x38;
	[tilespmem:$0x1D100] =	vst v63  }
0x3b: {  	_ = 	snop  }
0x3c: {  	[tilespmem:s23], [sflag:$0x5] =	stream.linear.gather [hbm4b:s14+s11], $0x50, $0x38;
	[tilespmem:$0x1D100] =	vst v63  }
0x3d: {  	_ = 	snop  }
0x3e: {  	[tilespmem:s24], [sflag:$0x6] =	stream.linear.gather [hbm4b:s15+s11], $0x50, $0x38;
	[tilespmem:$0x1D100] =	vst v63  }
0x3f: {  	_ =	swait.ge [sflag:s25], $0x2800  }
0x40: {  	[sflag:s25] =	ssyncset.done $0x0  }
0x41: {  	[sflag:s25] =	ssyncadd.s32 $0xFFFFD800  }
0x42: {  	_ =	swait.ge [sflag:s25], $0x2800  }
0x43: {  	[sflag:s25] =	ssyncset.done $0x0  }
0x44: {  	[sflag:s25] =	ssyncadd.s32 $0xFFFFD800  }
0x45: {  	_ =	swait.ge [sflag:s25], $0x2800  }
0x46: {  	[sflag:s25] =	ssyncset.done $0x0  }
0x47: {  	[sflag:s25] =	ssyncadd.s32 $0xFFFFD800  }
0x48: {  	_ =	swait.ge [sflag:s25], $0x2800  }
0x49: {  	[sflag:s25] =	ssyncset.done $0x0  }
0x4a: {  	[sflag:s25] =	ssyncadd.s32 $0xFFFFD800  }
0x4b: {  	_ =	swait.ge [sflag:s25], $0x2800  }
0x4c: {  	[sflag:s25] =	ssyncset.done $0x0  }
0x4d: {  	[sflag:s25] =	ssyncadd.s32 $0xFFFFD800  }
0x4e: {  	_ =	swait.ge [sflag:s25], $0x2800  }
0x4f: {  	[sflag:s25] =	ssyncset.done $0x0  }
0x50: {  	[sflag:s25] =	ssyncadd.s32 $0xFFFFD800  }
0x51: {  	_ =	swait.ge [sflag:s25], $0x2800  }
0x52: {  	[sflag:s25] =	ssyncset.done $0x0  }
0x53: {  	[sflag:s25] =	ssyncadd.s32 $0xFFFFD800  }
0x54: {  	_ =	swait.ge [sflag:s25], $0x2800  }
0x55: {  	[sflag:s25] =	ssyncset.done $0x0  }
0x56: {  	[sflag:s25] =	ssyncadd.s32 $0xFFFFD800  }
0x57: {  	_ =	swait.ge [sflag:s26], $0x3E80  }
0x58: {  	[sflag:s26] =	ssyncset.done $0x0  }
0x59: {  	[sflag:s26] =	ssyncadd.s32 $0xFFFFC180  }
0x5a: {  	_ =	swait.ge [sflag:s28], $0x50  }
0x5b: {  	[sflag:s28] =	ssyncset.done $0x0  }
0x5c: {  	[sflag:s28] =	ssyncadd.s32 $0xFFFFFFB0  }
0x5d: {  	_ =	swait.ge [sflag:s29], $0x50  }
0x5e: {  	[sflag:s29] =	ssyncset.done $0x0  }
0x5f: {  	[sflag:s29] =	ssyncadd.s32 $0xFFFFFFB0  }
0x60: {  	[tilespmem:s21], [sflag:$0x1] =	stream.indirect.gather [hbm4b:s2+s30], $0x80, s22, s30, $0xb8;
	[tilespmem:$0x1D100] =	vst v63  }
0x61: {  	s9 =	simm.s32 $0x14080;
	[bflag:$0x0] =	sbarrier.arrive $0xFFFF  }
0x62: {  	[tilespmem:s0], [sflag:$0x2] =	stream.indirect.gather [hbm4b:s2+s30], $0x80, s9, s30, $0xb8;
	[tilespmem:$0x1D100] =	vst v63  }
0x63: {  	_ =	swait.ge [sflag:s1], $0x2800  }
0x64: {  	[sflag:s1] =	ssyncset.done $0x0  }
0x65: {  	[sflag:s1] =	ssyncadd.s32 $0xFFFFD800  }
0x66: {  	[spmem:s3] =	stream.indirect.scatter.add.f32 [tilespmem:s21], [sflag:$0x3], $0x80, s23, s30, $0xb8;
	[tilespmem:$0x1D100] =	vst v63  }
0x67: {  	_ =	swait.ge [sflag:s25], $0x2800  }
0x68: {  	[sflag:s25] =	ssyncset.done $0x0  }
0x69: {  	[sflag:s25] =	ssyncadd.s32 $0xFFFFD800  }
0x6a: {  	[tilespmem:s23], [sflag:$0x5] =	stream.linear.gather [hbm4b:s18+s11], $0x50, $0x38;
	[tilespmem:$0x1D100] =	vst v63  }
0x6b: {  	s10 =	simm.s32 $0x14100  }
0x6c: {  	[tilespmem:s21], [sflag:$0x1] =	stream.indirect.gather [hbm4b:s2+s30], $0x80, s10, s30, $0xb8;
	[tilespmem:$0x1D100] =	vst v63  }
0x6d: {  	_ =	swait.ge [sflag:s26], $0x2800  }
0x6e: {  	[sflag:s26] =	ssyncset.done $0x0  }
0x6f: {  	[sflag:s26] =	ssyncadd.s32 $0xFFFFD800  }
0x70: {  	[spmem:s3] =	stream.indirect.scatter.add.f32 [tilespmem:s0], [sflag:$0x4], $0x80, s24, s30, $0xb8;
	[tilespmem:$0x1D100] =	vst v63  }
0x71: {  	_ =	swait.ge [sflag:s31], $0x2800  }
0x72: {  	[sflag:s31] =	ssyncset.done $0x0  }
0x73: {  	s11 =	sadd.s32 $0x0, s20;
	[sflag:s31] =	ssyncadd.s32 $0xFFFFD800  }
0x74: {  	[tilespmem:s24], [sflag:$0x6] =	stream.linear.gather [hbm4b:s11+s4], $0x50, $0x38;
	[tilespmem:$0x1D100] =	vst v63  }
0x75: {  	s9 =	simm.s32 $0x14180  }
0x76: {  	[tilespmem:s0], [sflag:$0x2] =	stream.indirect.gather [hbm4b:s2+s30], $0x80, s9, s30, $0xb8;
	[tilespmem:$0x1D100] =	vst v63  }
0x77: {  	_ =	swait.ge [sflag:s1], $0x2800  }
0x78: {  	[sflag:s1] =	ssyncset.done $0x0  }
0x79: {  	[sflag:s1] =	ssyncadd.s32 $0xFFFFD800  }
0x7a: {  	_ =	swait.ge [sflag:s28], $0x50  }
0x7b: {  	[sflag:s28] =	ssyncset.done $0x0  }
0x7c: {  	[sflag:s28] =	ssyncadd.s32 $0xFFFFFFB0  }
0x7d: {  	[spmem:s3] =	stream.indirect.scatter.add.f32 [tilespmem:s21], [sflag:$0x3], $0x80, s23, s30, $0xb8;
	[tilespmem:$0x1D100] =	vst v63  }
0x7e: {  	_ =	swait.ge [sflag:s25], $0x2800  }
0x7f: {  	[sflag:s25] =	ssyncset.done $0x0  }
0x80: {  	s10 =	sadd.s32 $0x0, s19;
	[sflag:s25] =	ssyncadd.s32 $0xFFFFD800  }
0x81: {  	[tilespmem:s23], [sflag:$0x5] =	stream.linear.gather [hbm4b:s10+s4], $0x50, $0x38;
	[tilespmem:$0x1D100] =	vst v63  }
0x82: {  	s11 =	simm.s32 $0x14200  }
0x83: {  	[tilespmem:s21], [sflag:$0x1] =	stream.indirect.gather [hbm4b:s2+s30], $0x80, s11, s30, $0xb8;
	[tilespmem:$0x1D100] =	vst v63  }
0x84: {  	_ =	swait.ge [sflag:s29], $0x50  }
0x85: {  	[sflag:s29] =	ssyncset.done $0x0  }
0x86: {  	[sflag:s29] =	ssyncadd.s32 $0xFFFFFFB0  }
0x87: {  	_ =	swait.ge [sflag:s26], $0x2800  }
0x88: {  	[sflag:s26] =	ssyncset.done $0x0  }
0x89: {  	s8 =	simm.s32 $0x14;
	s9 =	simm.s32 $0x14280;
	[sflag:s26] =	ssyncadd.s32 $0xFFFFD800  }
.LBB2_4:
0x8a: {  	[spmem:s3] =	stream.indirect.scatter.add.f32 [tilespmem:s0], [sflag:$0x4], $0x80, s24, s30, $0xb8;
	[tilespmem:$0x1D100] =	vst v63  }
0x8b: {  	s10 =	smov.u32 s8  }
0x8c: {  	p0 =	sne.s32 s8, $0x4B0;
	s8 =	sadd.s32 $0x14, s8;
	_ =	swait.ge [sflag:s31], $0x2800  }
0x8d: {  	[sflag:s31] =	ssyncset.done $0x0  }
0x8e: {  	s11 =	sadd.s32 s10, s20;
	[sflag:s31] =	ssyncadd.s32 $0xFFFFD800  }
0x8f: {  	[tilespmem:s24], [sflag:$0x6] =	stream.linear.gather [hbm4b:s11+s4], $0x50, $0x38;
	[tilespmem:$0x1D100] =	vst v63  }
0x90: {  	_ = 	snop  }
0x91: {  	[tilespmem:s0], [sflag:$0x2] =	stream.indirect.gather [hbm4b:s2+s30], $0x80, s9, s30, $0xb8;
	[tilespmem:$0x1D100] =	vst v63  }
0x92: {  	_ =	swait.ge [sflag:s1], $0x2800  }
0x93: {  	[sflag:s1] =	ssyncset.done $0x0  }
0x94: {  	[sflag:s1] =	ssyncadd.s32 $0xFFFFD800  }
0x95: {  	_ =	swait.ge [sflag:s28], $0x50  }
0x96: {  	[sflag:s28] =	ssyncset.done $0x0  }
0x97: {  	[sflag:s28] =	ssyncadd.s32 $0xFFFFFFB0  }
0x98: {  	[spmem:s3] =	stream.indirect.scatter.add.f32 [tilespmem:s21], [sflag:$0x3], $0x80, s23, s30, $0xb8;
	[tilespmem:$0x1D100] =	vst v63  }
0x99: {  	_ =	swait.ge [sflag:s25], $0x2800  }
0x9a: {  	[sflag:s25] =	ssyncset.done $0x0  }
0x9b: {  	s10 =	sadd.s32 s10, s19;
	[sflag:s25] =	ssyncadd.s32 $0xFFFFD800  }
0x9c: {  	[tilespmem:s23], [sflag:$0x5] =	stream.linear.gather [hbm4b:s10+s4], $0x50, $0x38;
	[tilespmem:$0x1D100] =	vst v63  }
0x9d: {  	s10 =	sadd.s32 $0x80, s9  }
0x9e: {  	[tilespmem:s21], [sflag:$0x1] =	stream.indirect.gather [hbm4b:s2+s30], $0x80, s10, s30, $0xb8;
	[tilespmem:$0x1D100] =	vst v63  }
0x9f: {  	_ =	swait.ge [sflag:s29], $0x50  }
.Ltmp1:
0xa0: {  	[sflag:s29] =	ssyncset.done $0x0;
	(pc) =	sbr.rel @p0 .LBB2_4-.Ltmp1, $4  }
0xa1: {  	[sflag:s29] =	ssyncadd.s32 $0xFFFFFFB0  }
0xa2: {  	_ =	swait.ge [sflag:s26], $0x2800  }
0xa3: {  	[sflag:s26] =	ssyncset.done $0x0  }
0xa4: {  	s9 =	sadd.s32 $0x100, s9;
	[sflag:s26] =	ssyncadd.s32 $0xFFFFD800  }
0xa5: {  	[spmem:s3] =	stream.indirect.scatter.add.f32 [tilespmem:s0], [sflag:$0x4], $0x80, s24, s30, $0xb8;
	[tilespmem:$0x1D100] =	vst v63  }
0xa6: {  	_ =	swait.ge [sflag:s31], $0x2800  }
0xa7: {  	[sflag:s31] =	ssyncset.done $0x0  }
0xa8: {  	[sflag:s31] =	ssyncadd.s32 $0xFFFFD800  }
0xa9: {  	_ =	swait.ge [sflag:s1], $0x2800  }
0xaa: {  	[sflag:s1] =	ssyncset.done $0x0  }
0xab: {  	[sflag:s1] =	ssyncadd.s32 $0xFFFFD800  }
0xac: {  	_ =	swait.ge [sflag:s28], $0x50  }
0xad: {  	[sflag:s28] =	ssyncset.done $0x0  }
0xae: {  	[sflag:s28] =	ssyncadd.s32 $0xFFFFFFB0  }
0xaf: {  	[spmem:s3] =	stream.indirect.scatter.add.f32 [tilespmem:s21], [sflag:$0x3], $0x80, s23, s30, $0xb8;
	[tilespmem:$0x1D100] =	vst v63  }
0xb0: {  	s8 =	stileid.u32;
	_ =	swait.ge [sflag:s25], $0x2800  }
0xb1: {  	s9 =	sshrl.u32 s5, $0x3;
	s7 =	sadd.s32 $0x1, s7;
	[sflag:s25] =	ssyncset.done $0x0  }
0xb2: {  	s8 =	sshll.u32 s8, $0x6;
	p0 =	sne.s32 s7, s17;
	[sflag:s25] =	ssyncadd.s32 $0xFFFFD800  }
.Ltmp2:
0xb3: {  	s8 =	sor.u32 $0x1C07, s8;
	[bflag:$0x0] =	sbarrier.arrive $0xFFFF;
	(pc) =	sbr.rel @p0 .LBB2_1-.Ltmp2, $4  }
0xb4: {  	[hbm:s16], [sflag:s8] =	dma.local [spmem:s9], $0x2800  }
0xb5: {  	_ =	swait.ge [sflag:s6], $0x2800  }
0xb6: {  	[sflag:s6] =	ssyncset.done $0x0  }
0xb7: {  	[sflag:s6] =	ssyncadd.s32 $0xFFFFD800  }
0xb8: {  	_ =	sfence.sel $0x180000  }
0xb9: {  	[bflag:$0x0] =	sbarrier.arrive $0xFFFF  }
0xba: {  	_ =	strace $0x9000004D  }
0xbb: {  	s0 =	stileid.u32;
	[bflag:$0x2] =	sbarrier.arrive $0xFFFF  }
0xbc: {  	p0 =	sne.s32 s0, $0x0;
	s0 =	rddreg [dreg:$0x3]  }
0xbd: {  	s0 =	sadd.s32 @!p0 $0x100000, s0  }
0xbe: {  	[sflag:s0] =	ssyncadd.tile.s32 @!p0 $0x1;
	_ =	shalt  }
.Lfunc_end2:
_tile_overlayer_lowered:
.L_overlay_start_2:
0xbf: {  	(tag) =	ssettag $0x2  }
0xc0: {  	s0 =	rddreg [dreg:$0x0];
	s2 =	stileid.u32  }
0xc1: {  	s1 =	rddreg [dreg:$0x1];
	p0 =	sne.s32 s2, $0x0  }
0xc2: {  	s3 =	rddreg [dreg:$0x2];
	[bflag:$0x3] =	sbarrier.arrive $0xFFFF;
	s2 =	simm.s32 @!p0 $0x1C07  }
0xc3: {  	[timem:s3], [sflag:s2] =	dma.local @!p0 [hbm:s0], s1  }
0xc4: {  	s0 =	simm.s32 @!p0 $0x7  }
0xc5: {  	_ =	swait.ge @!p0 [sflag:s0], s1  }
0xc6: {  	s1 =	ssub.s32 @!p0 $0x0, s1;
	[sflag:s0] =	ssyncset.done @!p0 $0x0  }
0xc7: {  	[sflag:s0] =	ssyncadd.s32 @!p0 s1  }
0xc8: {  	[bflag:$0x3] =	sbarrier.arrive $0xFFFF  }
0xc9: {  	_ =	shalt  }

// kernel: kernel.9.cloned.1.call-start
scs
__scs_entry_jumppad:
0x0: {  	(pc) =	sbr.rel $0x88, $3  }
0x1: {  	(tag) =	ssettag $0x0;
	lr =	simm.s32 $0x1  }
0x2: {  	[smem:$0x3F94] =	sst lr;
	_ =	strace $0xD0000000  }
0x3: {  	_ = 	snop  }
0x4: {  	_ = 	snop  }
0x5: {  	_ = 	snop  }
0x6: {  	_ = 	snop  }
0x7: {  	_ = 	snop  }
__scs_overlays_trampoline_lowered:
0x8: {  	[smem:$0x3FA3] =	sst s0  }
0x9: {  	[smem:$0x3FA4] =	sst s1  }
0xa: {  	[smem:$0x3FA5] =	sst s2  }
0xb: {  	[smem:$0x3FA6] =	sst s3  }
0xc: {  	[smem:$0x3FA7] =	sst s4  }
0xd: {  	[smem:$0x3FA8] =	sst s5  }
0xe: {  	[smem:$0x3FA9] =	sst s6  }
0xf: {  	[smem:$0x3FAA] =	sst s7  }
0x10: {  	[smem:$0x3FAB] =	sst s8  }
0x11: {  	[smem:$0x3FAC] =	sst s9;
	s0 =	simm.s32 @!p0 $0x0  }
0x12: {  	s1 =	sld [smem:$0x3F92];
	s0 =	simm.s32 @p0 $0x1  }
0x13: {  	[smem:$0x3FAD] =	sst s0;
	s0 =	simm.s32 @!p1 $0x0  }
0x14: {  	s2 =	sld [smem:$0x3F91];
	s0 =	simm.s32 @p1 $0x1  }
0x15: {  	[smem:$0x3FAE] =	sst s0;
	s0 =	simm.s32 @!p2 $0x0  }
0x16: {  	s3 =	sld [smem:$0x3FDB];
	s0 =	simm.s32 @p2 $0x1  }
0x17: {  	s4 =	simm.s32 $0x1BF5;
	[smem:$0x3FB0] =	sst s0  }
0x18: {  	s0 =	sld [smem:$0x3F93];
	_ =	swait.ge [sflag:s4], $0x0  }
0x19: {  	s7 =	sld [smem:$0x3F94]  }
0x1a: {  	s8 =	sadd.s32 $0xFFFFE003, lr  }
0x1b: {  	s9 =	sadd.s32 $0xFFFFFEF7, lr;
	s5 =	simm.s32 $0xFFFFFFFF;
	p2 =	slt.u32 s8, $0xFFFFF086  }
0x1c: {  	p1 =	slt.u32 s9, $0xF7A;
	s5 =	simm.s32 @!p2 $0x0  }
0x1d: {  	s5 =	simm.s32 @p1 $0x1;
	p0 =	seq.s32 s7, s2  }
0x1e: {  	s7 =	smul.u32 @!p0 $0xF7A, s2;
	p2 =	seq.s32 @!p0 s5, $0x0  }
0x1f: {  	s9 =	smul.u32 $0xF7A, s1;
	s8 =	simm.s32 @!p0 $0x1BF5;
	p2 =	por !p2, p0  }
0x20: {  	[sflag:s8] =	ssyncset.s32 @!p0 $0xFFFFF086;
	s6 =	sadd.s32 @!p0 s3, s7;
	s7 =	simm.s32 @!p0 $0x108  }
0x21: {  	s3 =	sadd.s32 s3, s9;
	s6 =	sadd.s32 @!p0 $0x88, s6;
	s7 =	simm.s32 @p2 $0x1082  }
0x22: {  	[simem:s7], [sflag:s8] =	dma.local @!p0 [hbm:s6], $0xF7A  }
0x23: {  	s9 =	sor.u32 $0xD0000000, s2;
	s6 =	simm.s32 $0x108;
	_ =	swait.ge @!p0 [sflag:s8], $0x0  }
0x24: {  	s3 =	sadd.s32 $0x88, s3;
	s6 =	simm.s32 @!p1 $0x1082;
	[sflag:s4] =	ssyncset.s32 $0xFFFFF086  }
0x25: {  	[simem:s6], [sflag:s4] =	dma.local [hbm:s3], $0xF7A  }
0x26: {  	[smem:$0x3F94] =	sst s1;
	(tag) =	ssettag s2;
	_ =	strace s9  }
0x27: {  	s1 =	sld [smem:$0x3FA4]  }
0x28: {  	s2 =	sld [smem:$0x3FA5]  }
0x29: {  	s4 =	sld [smem:$0x3FA7]  }
0x2a: {  	p0 =	seq.s32 s5, $0x0;
	s5 =	sld [smem:$0x3FA8]  }
0x2b: {  	s6 =	sld [smem:$0x3FA9]  }
0x2c: {  	s7 =	sld [smem:$0x3FAA]  }
0x2d: {  	s3 =	simm.s32 $0x108;
	s8 =	sld [smem:$0x3FAB]  }
0x2e: {  	s3 =	simm.s32 @!p0 $0x1082;
	s9 =	sld [smem:$0x3FAC]  }
0x2f: {  	lr =	sadd.s32 s0, s3;
	s0 =	sld [smem:$0x3FA3]  }
0x30: {  	s3 =	sld [smem:$0x3FA6]  }
0x31: {  	[smem:$0x3FAF] =	sst s10  }
0x32: {  	s10 =	sld [smem:$0x3FAD];
	_ =	sdelay $0x3  }
0x33: {  	p0 =	seq.s32 s10, $0x1;
	s10 =	sld [smem:$0x3FAF];
	_ =	sdelay $0x3  }
0x34: {  	[smem:$0x3FAF] =	sst s10  }
0x35: {  	s10 =	sld [smem:$0x3FAE];
	_ =	sdelay $0x3  }
0x36: {  	p1 =	seq.s32 s10, $0x1;
	s10 =	sld [smem:$0x3FAF];
	_ =	sdelay $0x3  }
0x37: {  	[smem:$0x3FAF] =	sst s10  }
0x38: {  	s10 =	sld [smem:$0x3FB0]  }
0x39: {  	_ = 	snop;
	(pc) =	sbr.ind lr, $3  }
0x3a: {  	_ = 	snop  }
0x3b: {  	_ = 	snop  }
0x3c: {  	p2 =	seq.s32 s10, $0x1;
	s10 =	sld [smem:$0x3FAF]  }
0x3d: {  	_ =	shalt  }
0x3e: {  	_ =	shalt  }
0x3f: {  	_ =	shalt  }
0x40: {  	_ =	shalt  }
0x41: {  	_ =	shalt  }
0x42: {  	_ =	shalt  }
0x43: {  	_ =	shalt  }
0x44: {  	_ =	shalt  }
0x45: {  	_ =	shalt  }
0x46: {  	_ =	shalt  }
0x47: {  	_ =	shalt  }
0x48: {  	_ =	shalt  }
0x49: {  	_ =	shalt  }
0x4a: {  	_ =	shalt  }
0x4b: {  	_ =	shalt  }
0x4c: {  	_ =	shalt  }
0x4d: {  	_ =	shalt  }
0x4e: {  	_ =	shalt  }
0x4f: {  	_ =	shalt  }
0x50: {  	_ =	shalt  }
0x51: {  	_ =	shalt  }
0x52: {  	_ =	shalt  }
0x53: {  	_ =	shalt  }
0x54: {  	_ =	shalt  }
0x55: {  	_ =	shalt  }
0x56: {  	_ =	shalt  }
0x57: {  	_ =	shalt  }
0x58: {  	_ =	shalt  }
0x59: {  	_ =	shalt  }
0x5a: {  	_ =	shalt  }
0x5b: {  	_ =	shalt  }
0x5c: {  	_ =	shalt  }
0x5d: {  	_ =	shalt  }
0x5e: {  	_ =	shalt  }
0x5f: {  	_ =	shalt  }
0x60: {  	_ =	shalt  }
0x61: {  	_ =	shalt  }
0x62: {  	_ =	shalt  }
0x63: {  	_ =	shalt  }
0x64: {  	_ =	shalt  }
0x65: {  	_ =	shalt  }
0x66: {  	_ =	shalt  }
0x67: {  	_ =	shalt  }
0x68: {  	_ =	shalt  }
0x69: {  	_ =	shalt  }
0x6a: {  	_ =	shalt  }
0x6b: {  	_ =	shalt  }
0x6c: {  	_ =	shalt  }
0x6d: {  	_ =	shalt  }
0x6e: {  	_ =	shalt  }
0x6f: {  	_ =	shalt  }
0x70: {  	_ =	shalt  }
0x71: {  	_ =	shalt  }
0x72: {  	_ =	shalt  }
0x73: {  	_ =	shalt  }
0x74: {  	_ =	shalt  }
0x75: {  	_ =	shalt  }
0x76: {  	_ =	shalt  }
0x77: {  	_ =	shalt  }
0x78: {  	_ =	shalt  }
0x79: {  	_ =	shalt  }
0x7a: {  	_ =	shalt  }
0x7b: {  	_ =	shalt  }
0x7c: {  	_ =	shalt  }
0x7d: {  	_ =	shalt  }
0x7e: {  	_ =	shalt  }
0x7f: {  	_ =	shalt  }
0x80: {  	_ =	shalt  }
0x81: {  	_ =	shalt  }
0x82: {  	_ =	shalt  }
0x83: {  	_ =	shalt  }
0x84: {  	_ =	shalt  }
0x85: {  	_ =	shalt  }
0x86: {  	_ =	shalt  }
0x87: {  	_ =	shalt  }
.Lfunc_end0:
.L_simem_size_0:
called_computation_lowered:
.L_overlay_start_0:
0x88: {  	s2 =	sld [smem:$0x3FD9]  }
0x89: {  	s3 =	sld [smem:$0x3FFE];
	_ =	sdelay $0x1  }
0x8a: {  	s1 =	srdreg.scid  }
0x8b: {  	s0 =	sand.u32 $0x1, s1  }
0x8c: {  	s14 =	sshll.u32 s0, $0xA;
	s2 =	sadd.s32 s3, s2  }
0x8d: {  	s2 =	sadd.s32 s2, s14  }
0x8e: {  	[smem:$0x3FBB] =	sst s2  }
0x8f: {  	_ = 	snop  }
0x90: {  	s2 =	sld [smem:$0x3FD0];
	_ =	sdelay $0x2  }
0x91: {  	s15 =	simm.s32 $0xA;
	s4 =	simm.s32 $0x10  }
0x92: {  	[smem:s4], [sflag:s15] =	dma.local [hbm:s2], $0x1  }
0x93: {  	_ =	swait.eq [sflag:s15], $0x1  }
0x94: {  	[sflag:s15] =	ssyncset.done $0x0  }
0x95: {  	[sflag:s15] =	ssyncadd.s32 $0xFFFFFFFF  }
0x96: {  	s16 =	sld [smem:$0x11];
	(tm) =	ssettm $0x1  }
0x97: {  	s17 =	sld [smem:$0x3FFB];
	_ =	sdelay $0x3  }
0x98: {  	_ =	strace s17  }
0x99: {  	s3 =	sld [smem:$0x3FFC];
	_ =	sdelay $0x3  }
0x9a: {  	_ =	strace s3  }
0x9b: {  	s3 =	sld [smem:$0x3FFD];
	_ =	sdelay $0x3  }
0x9c: {  	_ =	strace s3  }
0x9d: {  	_ =	strace $0x8FFFFFFF  }
0x9e: {  	s18 =	sld [smem:$0x3FDB];
	_ =	sdelay $0x1  }
0x9f: {  	s19 =	simm.s32 $_scs_section_size  }
0xa0: {  	s5 =	simm.s32 $_size__tile_overlayer_lowered;
	s6 =	simm.s32 $_tile_overlayer_lowered  }
0xa1: {  	s22 =	simm.s32 $0x1BFF;
	s21 =	sshll.u32 s6, $0x1;
	s3 =	sadd.s32 s19, s18  }
0xa2: {  	s7 =	simm.s32 $0x0;
	s20 =	sshll.u32 s5, $0x1;
	s5 =	sadd.s32 s21, s3  }
0xa3: {  	[timem:s7], [sflag:s22] =	dma.local [hbm:s5], s20  }
0xa4: {  	_ =	swait.ge [sflag:s22], s20  }
0xa5: {  	s4 =	ssub.s32 $0x0, s20;
	[sflag:s22] =	ssyncset.done $0x0  }
0xa6: {  	[sflag:s22] =	ssyncadd.s32 s4;
	_ =	sdelay $0x1  }
0xa7: {  	s23 =	simm.s32 $0x1B8B  }
0xa8: {  	_ =	swait.ge [sflag:s23], $0x1  }
0xa9: {  	[sflag:s23] =	ssyncset.done $0x0  }
0xaa: {  	s25 =	simm.s32 $0x1B8E;
	s24 =	sld [smem:$0x3FFE];
	[sflag:s23] =	ssyncadd.s32 $0xFFFFFFFF  }
0xab: {  	s26 =	simm.s32 $execute0_lowered;
	[smem:$0x3FD2] =	sst s25  }
0xac: {  	s5 =	sshll.u32 s26, $0x1;
	_ =	strace $0x80000046;
	[dreg:$0x1] =	wrdreg $0xFFFFFFFF  }
0xad: {  	s28 =	simm.s32 $_size_execute0_lowered;
	s3 =	sadd.s32 s3, s5;
	[dreg:$0x0] =	wrdreg $0x0  }
0xae: {  	s5 =	sshll.u32 s28, $0x1;
	[dreg:$0x2] =	wrdreg s3  }
0xaf: {  	[dreg:$0x3] =	wrdreg s5  }
0xb0: {  	[dreg:$0x4] =	wrdreg $0xC0  }
0xb1: {  	_ =	task [dreg:s7], $0x5FFFF  }
0xb2: {  	[dreg:$0x1] =	wrdreg $0xFFFFFFFF  }
0xb3: {  	[dreg:$0x0] =	wrdreg $0x60  }
0xb4: {  	[dreg:$0x2] =	wrdreg s24  }
0xb5: {  	[dreg:$0x3] =	wrdreg s16  }
0xb6: {  	[dreg:$0x4] =	wrdreg $0x0  }
0xb7: {  	[dreg:$0x5] =	wrdreg $0x9  }
0xb8: {  	_ =	task.clear_ibuf [dreg:s7], $0x6FFFF;
	_ =	strace $0x90000046  }
0xb9: {  	s29 =	simm.s32 $0x9;
	_ =	strace $0x80000048  }
0xba: {  	_ =	swait.ge [sflag:s29], $0x1  }
0xbb: {  	[sflag:s29] =	ssyncadd.s32 $0xFFFFFFFF  }
0xbc: {  	_ =	strace $0x90000048  }
0xbd: {  	_ =	sfence  }
0xbe: {  	s30 =	sld [smem:$0x0];
	_ =	sdelay $0x2  }
0xbf: {  	s31 =	sshll.u32 s1, $0xD;
	s1 =	sshrl.u32 s1, $0x2  }
0xc0: {  	s3 =	sand.u32 $0x4000, s31;
	s1 =	sadd.s32 s1, s30  }
0xc1: {  	s0 =	sor.u32 s3, s0;
	s1 =	sshll.u32 s1, $0x11  }
0xc2: {  	s0 =	sor.u32 s1, s0  }
0xc3: {  	s0 =	sadd.s32 $0x8F2B, s0  }
0xc4: {  	[sflag:s0] =	ssyncadd.remote.s32 $0x1  }
0xc5: {  	_ =	sfence.sel $0xFFFF  }
0xc6: {  	[dreg:$0x0] =	wrdreg $0xFFFFFFFF;
	(pc) =	sbr.abs _section_cstart, $3  }
0xc7: {  	[dreg:$0x1] =	wrdreg $0xFFFFFFFF  }
0xc8: {  	_ =	task.clear_ibuf [dreg:s7], $0x2FFFF;
	_ =	strace $0x9FFFFFFF  }
0xc9: {  	(tm) =	ssettm $0x7FFFFFFF  }
tec
execute0_lowered:
.L_overlay_start_1:
0x0: {  	(tag) =	ssettag $0x1  }
0x1: {  	s3 =	rddreg [dreg:$0x0]  }
0x2: {  	s0 =	rddreg [dreg:$0x1];
	s17 =	simm.s32 $0x0  }
0x3: {  	v0 =	vimm.f32 $1.000000000e+00;
	[smem:$0x7FF] =	sst s17  }
0x4: {  	s1 =	rddreg [dreg:$0x2];
	v1 =	vimm.f32 $0.0e+00;
	_ =	strace $0x80000047;
	[tilespmem:$0x2280] =	vst v0  }
0x5: {  	[tilespmem:$0x2570] =	vst v1  }
0x6: {  	[tilespmem:$0x2560] =	vst v1  }
0x7: {  	[tilespmem:$0x2550] =	vst v1  }
0x8: {  	[tilespmem:$0x2540] =	vst v1  }
0x9: {  	[tilespmem:$0x2530] =	vst v1  }
0xa: {  	[tilespmem:$0x2520] =	vst v1  }
0xb: {  	[tilespmem:$0x2510] =	vst v1  }
0xc: {  	[tilespmem:$0x2500] =	vst v1  }
0xd: {  	[tilespmem:$0x24F0] =	vst v1  }
0xe: {  	[tilespmem:$0x24E0] =	vst v1  }
0xf: {  	[tilespmem:$0x24D0] =	vst v1  }
0x10: {  	[tilespmem:$0x24C0] =	vst v1  }
0x11: {  	[tilespmem:$0x24B0] =	vst v1  }
0x12: {  	[tilespmem:$0x24A0] =	vst v1  }
0x13: {  	[tilespmem:$0x2490] =	vst v1  }
0x14: {  	[tilespmem:$0x2480] =	vst v1  }
0x15: {  	[tilespmem:$0x2470] =	vst v1  }
0x16: {  	[tilespmem:$0x2460] =	vst v1  }
0x17: {  	[tilespmem:$0x2450] =	vst v1  }
0x18: {  	[tilespmem:$0x2440] =	vst v1  }
0x19: {  	[tilespmem:$0x2430] =	vst v1  }
0x1a: {  	[tilespmem:$0x2420] =	vst v1  }
0x1b: {  	[tilespmem:$0x2410] =	vst v1  }
0x1c: {  	[tilespmem:$0x2400] =	vst v1  }
0x1d: {  	[tilespmem:$0x23F0] =	vst v1  }
0x1e: {  	[tilespmem:$0x23E0] =	vst v1  }
0x1f: {  	[tilespmem:$0x23D0] =	vst v1  }
0x20: {  	[tilespmem:$0x23C0] =	vst v1  }
0x21: {  	[tilespmem:$0x23B0] =	vst v1  }
0x22: {  	[tilespmem:$0x23A0] =	vst v1  }
0x23: {  	s4 =	srdreg.scid;
	[tilespmem:$0x2390] =	vst v1  }
0x24: {  	s5 =	stileid.u32;
	s19 =	stileid.u32;
	s24 =	simm.s32 $0x2300;
	[tilespmem:$0x2380] =	vst v1  }
0x25: {  	s26 =	simm.s32 $0x20;
	s2 =	sand.u32 $0x1, s4;
	s18 =	sshll.u32 s5, $0x1;
	[tilespmem:$0x2370] =	vst v1  }
0x26: {  	s5 =	smul.u32 $0x500, s19;
	s4 =	sor.u32 s2, s18;
	[dreg:$0x10] =	wrdreg s2;
	[tilespmem:$0x2360] =	vst v1  }
0x27: {  	[tilespmem:$0x2350] =	vst v1;
	s6 =	sshll.u32 s2, $0x7;
	[dreg:$0xa] =	wrdreg s24;
	s4 =	smul.u32 $0x5000, s4  }
0x28: {  	s29 =	simm.s32 $0x10;
	[tilespmem:$0x2340] =	vst v1;
	[dreg:$0xb] =	wrdreg s26;
	s5 =	sor.u32 s6, s5  }
0x29: {  	[tilespmem:$0x2330] =	vst v1;
	[dreg:$0xc] =	wrdreg s29;
	s23 =	sshrl.u32 s5, $0x3;
	s4 =	sshrl.u32 s4, $0x3  }
0x2a: {  	[tilespmem:$0x2320] =	vst v1;
	s28 =	rddreg [dreg:$0xa];
	s0 =	sadd.s32 s0, s23;
	s3 =	sadd.s32 s4, s3  }
0x2b: {  	[tilespmem:$0x2310] =	vst v1;
	[dreg:$0x9] =	wrdreg s0;
	s4 =	sadd.s32 $0x17E00, s3  }
0x2c: {  	s7 =	stileid.u32;
	[tilespmem:$0x2300] =	vst v1;
	s20 =	sadd.s32 $0x18000, s3;
	[dreg:$0x4] =	wrdreg s4  }
0x2d: {  	s25 =	smul.u32 $0xA00, s7;
	[tilespmem:$0x22C0] =	vst v0;
	s21 =	sadd.s32 $0x18200, s3;
	[dreg:$0x5] =	wrdreg s20  }
0x2e: {  	[tilespmem:$0x22B0] =	vst v0;
	s22 =	sadd.s32 $0x18400, s3;
	s3 =	sadd.s32 $0x18600, s3;
	[dreg:$0x6] =	wrdreg s21  }
0x2f: {  	[tilespmem:$0x22A0] =	vst v0;
	[dreg:$0x8] =	wrdreg s3;
	s3 =	sshrl.u32 s25, $0x2  }
0x30: {  	s30 =	simm.s32 $0x4;
	[tilespmem:$0x2290] =	vst v0;
	[dreg:$0x7] =	wrdreg s22;
	s16 =	sadd.s32 s3, s1  }
0x31: {  	[spmem:s16] =	stream.linear.scatter [tilespmem:s28], [sflag:$0x4], $0x280, $0x38;
	[tilespmem:$0x2580] =	vst v63  }
0x32: {  	_ =	swait.ge [sflag:s30], $0x280  }
0x33: {  	[sflag:s30] =	ssyncset.done $0x0  }
0x34: {  	s3 =	simm.s32 $0x280;
	s31 =	rddreg [dreg:$0x4];
	[sflag:s30] =	ssyncadd.s32 $0xFFFFFD80  }
0x35: {  	[tilespmem:s3], [sflag:$0x1] =	stream.linear.gather [hbm4b:s31+s17], $0xC80, $0x38;
	[tilespmem:$0x2580] =	vst v63  }
0x36: {  	[bflag:$0x0] =	sbarrier.arrive $0xFFFF  }
0x37: {  	s2 =	simm.s32 $0x1;
	s5 =	simm.s32 $0x1280;
	s4 =	rddreg [dreg:$0x5]  }
0x38: {  	[tilespmem:s5], [sflag:$0x2] =	stream.linear.gather [hbm4b:s4+s17], $0xC80, $0x38;
	[tilespmem:$0x2580] =	vst v63  }
0x39: {  	_ =	swait.ge [sflag:s2], $0xC80  }
0x3a: {  	[sflag:s2] =	ssyncset.done $0x0  }
0x3b: {  	s9 =	simm.s32 $0x50;
	s10 =	simm.s32 $0x2280;
	[sflag:s2] =	ssyncadd.s32 $0xFFFFF380  }
0x3c: {  	[spmem:s1] =	stream.indirect.scatter.add.f32 [tilespmem:s10], [sflag:$0x3], $0x1, s3, s9, $0xb8;
	[tilespmem:$0x2580] =	vst v63  }
0x3d: {  	s6 =	simm.s32 $0x300  }
0x3e: {  	[spmem:s1] =	stream.indirect.scatter.add.f32 [tilespmem:s10], [sflag:$0x3], $0x1, s6, s9, $0xb8;
	[tilespmem:$0x2580] =	vst v63  }
0x3f: {  	s7 =	simm.s32 $0x380  }
0x40: {  	[spmem:s1] =	stream.indirect.scatter.add.f32 [tilespmem:s10], [sflag:$0x3], $0x1, s7, s9, $0xb8;
	[tilespmem:$0x2580] =	vst v63  }
0x41: {  	s8 =	simm.s32 $0x400  }
0x42: {  	[spmem:s1] =	stream.indirect.scatter.add.f32 [tilespmem:s10], [sflag:$0x3], $0x1, s8, s9, $0xb8;
	[tilespmem:$0x2580] =	vst v63  }
0x43: {  	s11 =	simm.s32 $0x480  }
0x44: {  	[spmem:s1] =	stream.indirect.scatter.add.f32 [tilespmem:s10], [sflag:$0x3], $0x1, s11, s9, $0xb8;
	[tilespmem:$0x2580] =	vst v63  }
0x45: {  	s12 =	simm.s32 $0x500  }
0x46: {  	[spmem:s1] =	stream.indirect.scatter.add.f32 [tilespmem:s10], [sflag:$0x3], $0x1, s12, s9, $0xb8;
	[tilespmem:$0x2580] =	vst v63  }
0x47: {  	s13 =	simm.s32 $0x580  }
0x48: {  	[spmem:s1] =	stream.indirect.scatter.add.f32 [tilespmem:s10], [sflag:$0x3], $0x1, s13, s9, $0xb8;
	[tilespmem:$0x2580] =	vst v63  }
0x49: {  	s14 =	simm.s32 $0x600  }
0x4a: {  	[spmem:s1] =	stream.indirect.scatter.add.f32 [tilespmem:s10], [sflag:$0x3], $0x1, s14, s9, $0xb8;
	[tilespmem:$0x2580] =	vst v63  }
0x4b: {  	s15 =	simm.s32 $0x680  }
0x4c: {  	[spmem:s1] =	stream.indirect.scatter.add.f32 [tilespmem:s10], [sflag:$0x3], $0x1, s15, s9, $0xb8;
	[tilespmem:$0x2580] =	vst v63  }
0x4d: {  	s18 =	simm.s32 $0x700  }
0x4e: {  	[spmem:s1] =	stream.indirect.scatter.add.f32 [tilespmem:s10], [sflag:$0x3], $0x1, s18, s9, $0xb8;
	[tilespmem:$0x2580] =	vst v63  }
0x4f: {  	s19 =	simm.s32 $0x780  }
0x50: {  	[spmem:s1] =	stream.indirect.scatter.add.f32 [tilespmem:s10], [sflag:$0x3], $0x1, s19, s9, $0xb8;
	[tilespmem:$0x2580] =	vst v63  }
0x51: {  	s20 =	simm.s32 $0x800  }
0x52: {  	[spmem:s1] =	stream.indirect.scatter.add.f32 [tilespmem:s10], [sflag:$0x3], $0x1, s20, s9, $0xb8;
	[tilespmem:$0x2580] =	vst v63  }
0x53: {  	s21 =	simm.s32 $0x880  }
0x54: {  	[spmem:s1] =	stream.indirect.scatter.add.f32 [tilespmem:s10], [sflag:$0x3], $0x1, s21, s9, $0xb8;
	[tilespmem:$0x2580] =	vst v63  }
0x55: {  	s22 =	simm.s32 $0x900  }
0x56: {  	[spmem:s1] =	stream.indirect.scatter.add.f32 [tilespmem:s10], [sflag:$0x3], $0x1, s22, s9, $0xb8;
	[tilespmem:$0x2580] =	vst v63  }
0x57: {  	s23 =	simm.s32 $0x980  }
0x58: {  	[spmem:s1] =	stream.indirect.scatter.add.f32 [tilespmem:s10], [sflag:$0x3], $0x1, s23, s9, $0xb8;
	[tilespmem:$0x2580] =	vst v63  }
0x59: {  	s24 =	simm.s32 $0xA00  }
0x5a: {  	[spmem:s1] =	stream.indirect.scatter.add.f32 [tilespmem:s10], [sflag:$0x3], $0x1, s24, s9, $0xb8;
	[tilespmem:$0x2580] =	vst v63  }
0x5b: {  	s25 =	simm.s32 $0xA80  }
0x5c: {  	[spmem:s1] =	stream.indirect.scatter.add.f32 [tilespmem:s10], [sflag:$0x3], $0x1, s25, s9, $0xb8;
	[tilespmem:$0x2580] =	vst v63  }
0x5d: {  	s26 =	simm.s32 $0xB00  }
0x5e: {  	[spmem:s1] =	stream.indirect.scatter.add.f32 [tilespmem:s10], [sflag:$0x3], $0x1, s26, s9, $0xb8;
	[tilespmem:$0x2580] =	vst v63  }
0x5f: {  	s28 =	simm.s32 $0xB80  }
0x60: {  	[spmem:s1] =	stream.indirect.scatter.add.f32 [tilespmem:s10], [sflag:$0x3], $0x1, s28, s9, $0xb8;
	[tilespmem:$0x2580] =	vst v63  }
0x61: {  	s29 =	simm.s32 $0xC00  }
0x62: {  	[spmem:s1] =	stream.indirect.scatter.add.f32 [tilespmem:s10], [sflag:$0x3], $0x1, s29, s9, $0xb8;
	[tilespmem:$0x2580] =	vst v63  }
0x63: {  	s30 =	simm.s32 $0xC80  }
0x64: {  	[spmem:s1] =	stream.indirect.scatter.add.f32 [tilespmem:s10], [sflag:$0x3], $0x1, s30, s9, $0xb8;
	[tilespmem:$0x2580] =	vst v63  }
0x65: {  	s31 =	simm.s32 $0xD00  }
0x66: {  	[spmem:s1] =	stream.indirect.scatter.add.f32 [tilespmem:s10], [sflag:$0x3], $0x1, s31, s9, $0xb8;
	[tilespmem:$0x2580] =	vst v63  }
0x67: {  	s4 =	simm.s32 $0xD80  }
0x68: {  	[spmem:s1] =	stream.indirect.scatter.add.f32 [tilespmem:s10], [sflag:$0x3], $0x1, s4, s9, $0xb8;
	[tilespmem:$0x2580] =	vst v63  }
0x69: {  	s5 =	simm.s32 $0xE00  }
0x6a: {  	[spmem:s1] =	stream.indirect.scatter.add.f32 [tilespmem:s10], [sflag:$0x3], $0x1, s5, s9, $0xb8;
	[tilespmem:$0x2580] =	vst v63  }
0x6b: {  	s6 =	simm.s32 $0xE80;
	s12 =	simm.s32 $0x3  }
0x6c: {  	[spmem:s1] =	stream.indirect.scatter.add.f32 [tilespmem:s10], [sflag:$0x3], $0x1, s6, s9, $0xb8;
	[tilespmem:$0x2580] =	vst v63  }
0x6d: {  	_ =	swait.ge [sflag:s12], $0x50  }
0x6e: {  	[sflag:s12] =	ssyncset.done $0x0  }
0x6f: {  	[sflag:s12] =	ssyncadd.s32 $0xFFFFFFB0  }
0x70: {  	_ =	swait.ge [sflag:s12], $0x50  }
0x71: {  	[sflag:s12] =	ssyncset.done $0x0  }
0x72: {  	[sflag:s12] =	ssyncadd.s32 $0xFFFFFFB0  }
0x73: {  	_ =	swait.ge [sflag:s12], $0x50  }
0x74: {  	[sflag:s12] =	ssyncset.done $0x0  }
0x75: {  	[sflag:s12] =	ssyncadd.s32 $0xFFFFFFB0  }
0x76: {  	_ =	swait.ge [sflag:s12], $0x50  }
0x77: {  	[sflag:s12] =	ssyncset.done $0x0  }
0x78: {  	[sflag:s12] =	ssyncadd.s32 $0xFFFFFFB0  }
0x79: {  	_ =	swait.ge [sflag:s12], $0x50  }
0x7a: {  	[sflag:s12] =	ssyncset.done $0x0  }
0x7b: {  	[sflag:s12] =	ssyncadd.s32 $0xFFFFFFB0  }
0x7c: {  	_ =	swait.ge [sflag:s12], $0x50  }
0x7d: {  	[sflag:s12] =	ssyncset.done $0x0  }
0x7e: {  	[sflag:s12] =	ssyncadd.s32 $0xFFFFFFB0  }
0x7f: {  	_ =	swait.ge [sflag:s12], $0x50  }
0x80: {  	[sflag:s12] =	ssyncset.done $0x0  }
0x81: {  	[sflag:s12] =	ssyncadd.s32 $0xFFFFFFB0  }
0x82: {  	_ =	swait.ge [sflag:s12], $0x50  }
0x83: {  	[sflag:s12] =	ssyncset.done $0x0  }
0x84: {  	[sflag:s12] =	ssyncadd.s32 $0xFFFFFFB0  }
0x85: {  	_ =	swait.ge [sflag:s12], $0x50  }
0x86: {  	[sflag:s12] =	ssyncset.done $0x0  }
0x87: {  	[sflag:s12] =	ssyncadd.s32 $0xFFFFFFB0  }
0x88: {  	_ =	swait.ge [sflag:s12], $0x50  }
0x89: {  	[sflag:s12] =	ssyncset.done $0x0  }
0x8a: {  	[sflag:s12] =	ssyncadd.s32 $0xFFFFFFB0  }
0x8b: {  	_ =	swait.ge [sflag:s12], $0x50  }
0x8c: {  	[sflag:s12] =	ssyncset.done $0x0  }
0x8d: {  	[sflag:s12] =	ssyncadd.s32 $0xFFFFFFB0  }
0x8e: {  	_ =	swait.ge [sflag:s12], $0x50  }
0x8f: {  	[sflag:s12] =	ssyncset.done $0x0  }
0x90: {  	[sflag:s12] =	ssyncadd.s32 $0xFFFFFFB0  }
0x91: {  	_ =	swait.ge [sflag:s12], $0x50  }
0x92: {  	[sflag:s12] =	ssyncset.done $0x0  }
0x93: {  	[sflag:s12] =	ssyncadd.s32 $0xFFFFFFB0  }
0x94: {  	_ =	swait.ge [sflag:s12], $0x50  }
0x95: {  	[sflag:s12] =	ssyncset.done $0x0  }
0x96: {  	[sflag:s12] =	ssyncadd.s32 $0xFFFFFFB0  }
0x97: {  	_ =	swait.ge [sflag:s12], $0x50  }
0x98: {  	[sflag:s12] =	ssyncset.done $0x0  }
0x99: {  	[sflag:s12] =	ssyncadd.s32 $0xFFFFFFB0  }
0x9a: {  	_ =	swait.ge [sflag:s12], $0x50  }
0x9b: {  	[sflag:s12] =	ssyncset.done $0x0  }
0x9c: {  	[sflag:s12] =	ssyncadd.s32 $0xFFFFFFB0  }
0x9d: {  	_ =	swait.ge [sflag:s12], $0x50  }
0x9e: {  	[sflag:s12] =	ssyncset.done $0x0  }
0x9f: {  	[sflag:s12] =	ssyncadd.s32 $0xFFFFFFB0  }
0xa0: {  	_ =	swait.ge [sflag:s12], $0x50  }
0xa1: {  	[sflag:s12] =	ssyncset.done $0x0  }
0xa2: {  	[sflag:s12] =	ssyncadd.s32 $0xFFFFFFB0  }
0xa3: {  	_ =	swait.ge [sflag:s12], $0x50  }
0xa4: {  	[sflag:s12] =	ssyncset.done $0x0  }
0xa5: {  	[sflag:s12] =	ssyncadd.s32 $0xFFFFFFB0  }
0xa6: {  	_ =	swait.ge [sflag:s12], $0x50  }
0xa7: {  	[sflag:s12] =	ssyncset.done $0x0  }
0xa8: {  	[sflag:s12] =	ssyncadd.s32 $0xFFFFFFB0  }
0xa9: {  	_ =	swait.ge [sflag:s12], $0x50  }
0xaa: {  	[sflag:s12] =	ssyncset.done $0x0  }
0xab: {  	[sflag:s12] =	ssyncadd.s32 $0xFFFFFFB0  }
0xac: {  	_ =	swait.ge [sflag:s12], $0x50  }
0xad: {  	[sflag:s12] =	ssyncset.done $0x0  }
0xae: {  	[sflag:s12] =	ssyncadd.s32 $0xFFFFFFB0  }
0xaf: {  	_ =	swait.ge [sflag:s12], $0x50  }
0xb0: {  	[sflag:s12] =	ssyncset.done $0x0  }
0xb1: {  	[sflag:s12] =	ssyncadd.s32 $0xFFFFFFB0  }
0xb2: {  	_ =	swait.ge [sflag:s12], $0x50  }
0xb3: {  	[sflag:s12] =	ssyncset.done $0x0  }
0xb4: {  	[sflag:s12] =	ssyncadd.s32 $0xFFFFFFB0  }
0xb5: {  	_ =	swait.ge [sflag:s12], $0x50  }
0xb6: {  	[sflag:s12] =	ssyncset.done $0x0  }
0xb7: {  	s13 =	rddreg [dreg:$0x6];
	[sflag:s12] =	ssyncadd.s32 $0xFFFFFFB0  }
0xb8: {  	[tilespmem:s3], [sflag:$0x1] =	stream.linear.gather [hbm4b:s13+s17], $0xC80, $0x38;
	[tilespmem:$0x2580] =	vst v63  }
0xb9: {  	s13 =	simm.s32 $0x2  }
0xba: {  	_ =	swait.ge [sflag:s13], $0xC80  }
0xbb: {  	[sflag:s13] =	ssyncset.done $0x0  }
0xbc: {  	s0 =	simm.s32 $0x1280;
	[sflag:s13] =	ssyncadd.s32 $0xFFFFF380  }
0xbd: {  	[spmem:s1] =	stream.indirect.scatter.add.f32 [tilespmem:s10], [sflag:$0x3], $0x1, s0, s9, $0xb8;
	[tilespmem:$0x2580] =	vst v63  }
0xbe: {  	s7 =	simm.s32 $0x1300  }
0xbf: {  	[spmem:s1] =	stream.indirect.scatter.add.f32 [tilespmem:s10], [sflag:$0x3], $0x1, s7, s9, $0xb8;
	[tilespmem:$0x2580] =	vst v63  }
0xc0: {  	s8 =	simm.s32 $0x1380  }
0xc1: {  	[spmem:s1] =	stream.indirect.scatter.add.f32 [tilespmem:s10], [sflag:$0x3], $0x1, s8, s9, $0xb8;
	[tilespmem:$0x2580] =	vst v63  }
0xc2: {  	s11 =	simm.s32 $0x1400  }
0xc3: {  	[spmem:s1] =	stream.indirect.scatter.add.f32 [tilespmem:s10], [sflag:$0x3], $0x1, s11, s9, $0xb8;
	[tilespmem:$0x2580] =	vst v63  }
0xc4: {  	s14 =	simm.s32 $0x1480  }
0xc5: {  	[spmem:s1] =	stream.indirect.scatter.add.f32 [tilespmem:s10], [sflag:$0x3], $0x1, s14, s9, $0xb8;
	[tilespmem:$0x2580] =	vst v63  }
0xc6: {  	s15 =	simm.s32 $0x1500  }
0xc7: {  	[spmem:s1] =	stream.indirect.scatter.add.f32 [tilespmem:s10], [sflag:$0x3], $0x1, s15, s9, $0xb8;
	[tilespmem:$0x2580] =	vst v63  }
0xc8: {  	s18 =	simm.s32 $0x1580  }
0xc9: {  	[spmem:s1] =	stream.indirect.scatter.add.f32 [tilespmem:s10], [sflag:$0x3], $0x1, s18, s9, $0xb8;
	[tilespmem:$0x2580] =	vst v63  }
0xca: {  	s19 =	simm.s32 $0x1600  }
0xcb: {  	[spmem:s1] =	stream.indirect.scatter.add.f32 [tilespmem:s10], [sflag:$0x3], $0x1, s19, s9, $0xb8;
	[tilespmem:$0x2580] =	vst v63  }
0xcc: {  	s20 =	simm.s32 $0x1680  }
0xcd: {  	[spmem:s1] =	stream.indirect.scatter.add.f32 [tilespmem:s10], [sflag:$0x3], $0x1, s20, s9, $0xb8;
	[tilespmem:$0x2580] =	vst v63  }
0xce: {  	s21 =	simm.s32 $0x1700  }
0xcf: {  	[spmem:s1] =	stream.indirect.scatter.add.f32 [tilespmem:s10], [sflag:$0x3], $0x1, s21, s9, $0xb8;
	[tilespmem:$0x2580] =	vst v63  }
0xd0: {  	s22 =	simm.s32 $0x1780  }
0xd1: {  	[spmem:s1] =	stream.indirect.scatter.add.f32 [tilespmem:s10], [sflag:$0x3], $0x1, s22, s9, $0xb8;
	[tilespmem:$0x2580] =	vst v63  }
0xd2: {  	s23 =	simm.s32 $0x1800  }
0xd3: {  	[spmem:s1] =	stream.indirect.scatter.add.f32 [tilespmem:s10], [sflag:$0x3], $0x1, s23, s9, $0xb8;
	[tilespmem:$0x2580] =	vst v63  }
0xd4: {  	s24 =	simm.s32 $0x1880  }
0xd5: {  	[spmem:s1] =	stream.indirect.scatter.add.f32 [tilespmem:s10], [sflag:$0x3], $0x1, s24, s9, $0xb8;
	[tilespmem:$0x2580] =	vst v63  }
0xd6: {  	s25 =	simm.s32 $0x1900  }
0xd7: {  	[spmem:s1] =	stream.indirect.scatter.add.f32 [tilespmem:s10], [sflag:$0x3], $0x1, s25, s9, $0xb8;
	[tilespmem:$0x2580] =	vst v63  }
0xd8: {  	s26 =	simm.s32 $0x1980  }
0xd9: {  	[spmem:s1] =	stream.indirect.scatter.add.f32 [tilespmem:s10], [sflag:$0x3], $0x1, s26, s9, $0xb8;
	[tilespmem:$0x2580] =	vst v63  }
0xda: {  	s28 =	simm.s32 $0x1A00  }
0xdb: {  	[spmem:s1] =	stream.indirect.scatter.add.f32 [tilespmem:s10], [sflag:$0x3], $0x1, s28, s9, $0xb8;
	[tilespmem:$0x2580] =	vst v63  }
0xdc: {  	s29 =	simm.s32 $0x1A80  }
0xdd: {  	[spmem:s1] =	stream.indirect.scatter.add.f32 [tilespmem:s10], [sflag:$0x3], $0x1, s29, s9, $0xb8;
	[tilespmem:$0x2580] =	vst v63  }
0xde: {  	s30 =	simm.s32 $0x1B00  }
0xdf: {  	[spmem:s1] =	stream.indirect.scatter.add.f32 [tilespmem:s10], [sflag:$0x3], $0x1, s30, s9, $0xb8;
	[tilespmem:$0x2580] =	vst v63  }
0xe0: {  	s31 =	simm.s32 $0x1B80  }
0xe1: {  	[spmem:s1] =	stream.indirect.scatter.add.f32 [tilespmem:s10], [sflag:$0x3], $0x1, s31, s9, $0xb8;
	[tilespmem:$0x2580] =	vst v63  }
0xe2: {  	s5 =	simm.s32 $0x1C00  }
0xe3: {  	[spmem:s1] =	stream.indirect.scatter.add.f32 [tilespmem:s10], [sflag:$0x3], $0x1, s5, s9, $0xb8;
	[tilespmem:$0x2580] =	vst v63  }
0xe4: {  	s6 =	simm.s32 $0x1C80  }
0xe5: {  	[spmem:s1] =	stream.indirect.scatter.add.f32 [tilespmem:s10], [sflag:$0x3], $0x1, s6, s9, $0xb8;
	[tilespmem:$0x2580] =	vst v63  }
0xe6: {  	s7 =	simm.s32 $0x1D00  }
0xe7: {  	[spmem:s1] =	stream.indirect.scatter.add.f32 [tilespmem:s10], [sflag:$0x3], $0x1, s7, s9, $0xb8;
	[tilespmem:$0x2580] =	vst v63  }
0xe8: {  	s8 =	simm.s32 $0x1D80  }
0xe9: {  	[spmem:s1] =	stream.indirect.scatter.add.f32 [tilespmem:s10], [sflag:$0x3], $0x1, s8, s9, $0xb8;
	[tilespmem:$0x2580] =	vst v63  }
0xea: {  	s11 =	simm.s32 $0x1E00  }
0xeb: {  	[spmem:s1] =	stream.indirect.scatter.add.f32 [tilespmem:s10], [sflag:$0x3], $0x1, s11, s9, $0xb8;
	[tilespmem:$0x2580] =	vst v63  }
0xec: {  	s14 =	simm.s32 $0x1E80  }
0xed: {  	[spmem:s1] =	stream.indirect.scatter.add.f32 [tilespmem:s10], [sflag:$0x3], $0x1, s14, s9, $0xb8;
	[tilespmem:$0x2580] =	vst v63  }
0xee: {  	_ =	swait.ge [sflag:s12], $0x50  }
0xef: {  	[sflag:s12] =	ssyncset.done $0x0  }
0xf0: {  	[sflag:s12] =	ssyncadd.s32 $0xFFFFFFB0  }
0xf1: {  	_ =	swait.ge [sflag:s12], $0x50  }
0xf2: {  	[sflag:s12] =	ssyncset.done $0x0  }
0xf3: {  	[sflag:s12] =	ssyncadd.s32 $0xFFFFFFB0  }
0xf4: {  	_ =	swait.ge [sflag:s12], $0x50  }
0xf5: {  	[sflag:s12] =	ssyncset.done $0x0  }
0xf6: {  	[sflag:s12] =	ssyncadd.s32 $0xFFFFFFB0  }
0xf7: {  	_ =	swait.ge [sflag:s12], $0x50  }
0xf8: {  	[sflag:s12] =	ssyncset.done $0x0  }
0xf9: {  	[sflag:s12] =	ssyncadd.s32 $0xFFFFFFB0  }
0xfa: {  	_ =	swait.ge [sflag:s12], $0x50  }
0xfb: {  	[sflag:s12] =	ssyncset.done $0x0  }
0xfc: {  	[sflag:s12] =	ssyncadd.s32 $0xFFFFFFB0  }
0xfd: {  	_ =	swait.ge [sflag:s12], $0x50  }
0xfe: {  	[sflag:s12] =	ssyncset.done $0x0  }
0xff: {  	[sflag:s12] =	ssyncadd.s32 $0xFFFFFFB0  }
0x100: {  	_ =	swait.ge [sflag:s12], $0x50  }
0x101: {  	[sflag:s12] =	ssyncset.done $0x0  }
0x102: {  	[sflag:s12] =	ssyncadd.s32 $0xFFFFFFB0  }
0x103: {  	_ =	swait.ge [sflag:s12], $0x50  }
0x104: {  	[sflag:s12] =	ssyncset.done $0x0  }
0x105: {  	[sflag:s12] =	ssyncadd.s32 $0xFFFFFFB0  }
0x106: {  	_ =	swait.ge [sflag:s12], $0x50  }
0x107: {  	[sflag:s12] =	ssyncset.done $0x0  }
0x108: {  	[sflag:s12] =	ssyncadd.s32 $0xFFFFFFB0  }
0x109: {  	_ =	swait.ge [sflag:s12], $0x50  }
0x10a: {  	[sflag:s12] =	ssyncset.done $0x0  }
0x10b: {  	[sflag:s12] =	ssyncadd.s32 $0xFFFFFFB0  }
0x10c: {  	_ =	swait.ge [sflag:s12], $0x50  }
0x10d: {  	[sflag:s12] =	ssyncset.done $0x0  }
0x10e: {  	[sflag:s12] =	ssyncadd.s32 $0xFFFFFFB0  }
0x10f: {  	_ =	swait.ge [sflag:s12], $0x50  }
0x110: {  	[sflag:s12] =	ssyncset.done $0x0  }
0x111: {  	[sflag:s12] =	ssyncadd.s32 $0xFFFFFFB0  }
0x112: {  	_ =	swait.ge [sflag:s12], $0x50  }
0x113: {  	[sflag:s12] =	ssyncset.done $0x0  }
0x114: {  	[sflag:s12] =	ssyncadd.s32 $0xFFFFFFB0  }
0x115: {  	_ =	swait.ge [sflag:s12], $0x50  }
0x116: {  	[sflag:s12] =	ssyncset.done $0x0  }
0x117: {  	[sflag:s12] =	ssyncadd.s32 $0xFFFFFFB0  }
0x118: {  	_ =	swait.ge [sflag:s12], $0x50  }
0x119: {  	[sflag:s12] =	ssyncset.done $0x0  }
0x11a: {  	[sflag:s12] =	ssyncadd.s32 $0xFFFFFFB0  }
0x11b: {  	_ =	swait.ge [sflag:s12], $0x50  }
0x11c: {  	[sflag:s12] =	ssyncset.done $0x0  }
0x11d: {  	[sflag:s12] =	ssyncadd.s32 $0xFFFFFFB0  }
0x11e: {  	_ =	swait.ge [sflag:s12], $0x50  }
0x11f: {  	[sflag:s12] =	ssyncset.done $0x0  }
0x120: {  	[sflag:s12] =	ssyncadd.s32 $0xFFFFFFB0  }
0x121: {  	_ =	swait.ge [sflag:s12], $0x50  }
0x122: {  	[sflag:s12] =	ssyncset.done $0x0  }
0x123: {  	[sflag:s12] =	ssyncadd.s32 $0xFFFFFFB0  }
0x124: {  	_ =	swait.ge [sflag:s12], $0x50  }
0x125: {  	[sflag:s12] =	ssyncset.done $0x0  }
0x126: {  	[sflag:s12] =	ssyncadd.s32 $0xFFFFFFB0  }
0x127: {  	_ =	swait.ge [sflag:s12], $0x50  }
0x128: {  	[sflag:s12] =	ssyncset.done $0x0  }
0x129: {  	[sflag:s12] =	ssyncadd.s32 $0xFFFFFFB0  }
0x12a: {  	_ =	swait.ge [sflag:s12], $0x50  }
0x12b: {  	[sflag:s12] =	ssyncset.done $0x0  }
0x12c: {  	[sflag:s12] =	ssyncadd.s32 $0xFFFFFFB0  }
0x12d: {  	_ =	swait.ge [sflag:s12], $0x50  }
0x12e: {  	[sflag:s12] =	ssyncset.done $0x0  }
0x12f: {  	[sflag:s12] =	ssyncadd.s32 $0xFFFFFFB0  }
0x130: {  	_ =	swait.ge [sflag:s12], $0x50  }
0x131: {  	[sflag:s12] =	ssyncset.done $0x0  }
0x132: {  	[sflag:s12] =	ssyncadd.s32 $0xFFFFFFB0  }
0x133: {  	_ =	swait.ge [sflag:s12], $0x50  }
0x134: {  	[sflag:s12] =	ssyncset.done $0x0  }
0x135: {  	[sflag:s12] =	ssyncadd.s32 $0xFFFFFFB0  }
0x136: {  	_ =	swait.ge [sflag:s12], $0x50  }
0x137: {  	[sflag:s12] =	ssyncset.done $0x0  }
0x138: {  	s14 =	rddreg [dreg:$0x7];
	[sflag:s12] =	ssyncadd.s32 $0xFFFFFFB0  }
0x139: {  	[tilespmem:s0], [sflag:$0x2] =	stream.linear.gather [hbm4b:s14+s17], $0xC80, $0x38;
	[tilespmem:$0x2580] =	vst v63  }
0x13a: {  	_ =	swait.ge [sflag:s2], $0xC80  }
0x13b: {  	[sflag:s2] =	ssyncset.done $0x0  }
0x13c: {  	[sflag:s2] =	ssyncadd.s32 $0xFFFFF380  }
0x13d: {  	[spmem:s1] =	stream.indirect.scatter.add.f32 [tilespmem:s10], [sflag:$0x3], $0x1, s3, s9, $0xb8;
	[tilespmem:$0x2580] =	vst v63  }
0x13e: {  	s15 =	simm.s32 $0x300  }
0x13f: {  	[spmem:s1] =	stream.indirect.scatter.add.f32 [tilespmem:s10], [sflag:$0x3], $0x1, s15, s9, $0xb8;
	[tilespmem:$0x2580] =	vst v63  }
0x140: {  	s4 =	simm.s32 $0x380  }
0x141: {  	[spmem:s1] =	stream.indirect.scatter.add.f32 [tilespmem:s10], [sflag:$0x3], $0x1, s4, s9, $0xb8;
	[tilespmem:$0x2580] =	vst v63  }
0x142: {  	s5 =	simm.s32 $0x400  }
0x143: {  	[spmem:s1] =	stream.indirect.scatter.add.f32 [tilespmem:s10], [sflag:$0x3], $0x1, s5, s9, $0xb8;
	[tilespmem:$0x2580] =	vst v63  }
0x144: {  	s6 =	simm.s32 $0x480  }
0x145: {  	[spmem:s1] =	stream.indirect.scatter.add.f32 [tilespmem:s10], [sflag:$0x3], $0x1, s6, s9, $0xb8;
	[tilespmem:$0x2580] =	vst v63  }
0x146: {  	s7 =	simm.s32 $0x500  }
0x147: {  	[spmem:s1] =	stream.indirect.scatter.add.f32 [tilespmem:s10], [sflag:$0x3], $0x1, s7, s9, $0xb8;
	[tilespmem:$0x2580] =	vst v63  }
0x148: {  	s8 =	simm.s32 $0x580  }
0x149: {  	[spmem:s1] =	stream.indirect.scatter.add.f32 [tilespmem:s10], [sflag:$0x3], $0x1, s8, s9, $0xb8;
	[tilespmem:$0x2580] =	vst v63  }
0x14a: {  	s11 =	simm.s32 $0x600  }
0x14b: {  	[spmem:s1] =	stream.indirect.scatter.add.f32 [tilespmem:s10], [sflag:$0x3], $0x1, s11, s9, $0xb8;
	[tilespmem:$0x2580] =	vst v63  }
0x14c: {  	s15 =	simm.s32 $0x680  }
0x14d: {  	[spmem:s1] =	stream.indirect.scatter.add.f32 [tilespmem:s10], [sflag:$0x3], $0x1, s15, s9, $0xb8;
	[tilespmem:$0x2580] =	vst v63  }
0x14e: {  	s18 =	simm.s32 $0x700  }
0x14f: {  	[spmem:s1] =	stream.indirect.scatter.add.f32 [tilespmem:s10], [sflag:$0x3], $0x1, s18, s9, $0xb8;
	[tilespmem:$0x2580] =	vst v63  }
0x150: {  	s19 =	simm.s32 $0x780  }
0x151: {  	[spmem:s1] =	stream.indirect.scatter.add.f32 [tilespmem:s10], [sflag:$0x3], $0x1, s19, s9, $0xb8;
	[tilespmem:$0x2580] =	vst v63  }
0x152: {  	s20 =	simm.s32 $0x800  }
0x153: {  	[spmem:s1] =	stream.indirect.scatter.add.f32 [tilespmem:s10], [sflag:$0x3], $0x1, s20, s9, $0xb8;
	[tilespmem:$0x2580] =	vst v63  }
0x154: {  	s21 =	simm.s32 $0x880  }
0x155: {  	[spmem:s1] =	stream.indirect.scatter.add.f32 [tilespmem:s10], [sflag:$0x3], $0x1, s21, s9, $0xb8;
	[tilespmem:$0x2580] =	vst v63  }
0x156: {  	s22 =	simm.s32 $0x900  }
0x157: {  	[spmem:s1] =	stream.indirect.scatter.add.f32 [tilespmem:s10], [sflag:$0x3], $0x1, s22, s9, $0xb8;
	[tilespmem:$0x2580] =	vst v63  }
0x158: {  	s23 =	simm.s32 $0x980  }
0x159: {  	[spmem:s1] =	stream.indirect.scatter.add.f32 [tilespmem:s10], [sflag:$0x3], $0x1, s23, s9, $0xb8;
	[tilespmem:$0x2580] =	vst v63  }
0x15a: {  	s24 =	simm.s32 $0xA00  }
0x15b: {  	[spmem:s1] =	stream.indirect.scatter.add.f32 [tilespmem:s10], [sflag:$0x3], $0x1, s24, s9, $0xb8;
	[tilespmem:$0x2580] =	vst v63  }
0x15c: {  	s25 =	simm.s32 $0xA80  }
0x15d: {  	[spmem:s1] =	stream.indirect.scatter.add.f32 [tilespmem:s10], [sflag:$0x3], $0x1, s25, s9, $0xb8;
	[tilespmem:$0x2580] =	vst v63  }
0x15e: {  	s26 =	simm.s32 $0xB00  }
0x15f: {  	[spmem:s1] =	stream.indirect.scatter.add.f32 [tilespmem:s10], [sflag:$0x3], $0x1, s26, s9, $0xb8;
	[tilespmem:$0x2580] =	vst v63  }
0x160: {  	s28 =	simm.s32 $0xB80  }
0x161: {  	[spmem:s1] =	stream.indirect.scatter.add.f32 [tilespmem:s10], [sflag:$0x3], $0x1, s28, s9, $0xb8;
	[tilespmem:$0x2580] =	vst v63  }
0x162: {  	s29 =	simm.s32 $0xC00  }
0x163: {  	[spmem:s1] =	stream.indirect.scatter.add.f32 [tilespmem:s10], [sflag:$0x3], $0x1, s29, s9, $0xb8;
	[tilespmem:$0x2580] =	vst v63  }
0x164: {  	s30 =	simm.s32 $0xC80  }
0x165: {  	[spmem:s1] =	stream.indirect.scatter.add.f32 [tilespmem:s10], [sflag:$0x3], $0x1, s30, s9, $0xb8;
	[tilespmem:$0x2580] =	vst v63  }
0x166: {  	s31 =	simm.s32 $0xD00  }
0x167: {  	[spmem:s1] =	stream.indirect.scatter.add.f32 [tilespmem:s10], [sflag:$0x3], $0x1, s31, s9, $0xb8;
	[tilespmem:$0x2580] =	vst v63  }
0x168: {  	s14 =	simm.s32 $0xD80  }
0x169: {  	[spmem:s1] =	stream.indirect.scatter.add.f32 [tilespmem:s10], [sflag:$0x3], $0x1, s14, s9, $0xb8;
	[tilespmem:$0x2580] =	vst v63  }
0x16a: {  	s14 =	simm.s32 $0xE00  }
0x16b: {  	[spmem:s1] =	stream.indirect.scatter.add.f32 [tilespmem:s10], [sflag:$0x3], $0x1, s14, s9, $0xb8;
	[tilespmem:$0x2580] =	vst v63  }
0x16c: {  	s14 =	simm.s32 $0xE80  }
0x16d: {  	[spmem:s1] =	stream.indirect.scatter.add.f32 [tilespmem:s10], [sflag:$0x3], $0x1, s14, s9, $0xb8;
	[tilespmem:$0x2580] =	vst v63  }
0x16e: {  	_ =	swait.ge [sflag:s12], $0x50  }
0x16f: {  	[sflag:s12] =	ssyncset.done $0x0  }
0x170: {  	[sflag:s12] =	ssyncadd.s32 $0xFFFFFFB0  }
0x171: {  	_ =	swait.ge [sflag:s12], $0x50  }
0x172: {  	[sflag:s12] =	ssyncset.done $0x0  }
0x173: {  	[sflag:s12] =	ssyncadd.s32 $0xFFFFFFB0  }
0x174: {  	_ =	swait.ge [sflag:s12], $0x50  }
0x175: {  	[sflag:s12] =	ssyncset.done $0x0  }
0x176: {  	[sflag:s12] =	ssyncadd.s32 $0xFFFFFFB0  }
0x177: {  	_ =	swait.ge [sflag:s12], $0x50  }
0x178: {  	[sflag:s12] =	ssyncset.done $0x0  }
0x179: {  	[sflag:s12] =	ssyncadd.s32 $0xFFFFFFB0  }
0x17a: {  	_ =	swait.ge [sflag:s12], $0x50  }
0x17b: {  	[sflag:s12] =	ssyncset.done $0x0  }
0x17c: {  	[sflag:s12] =	ssyncadd.s32 $0xFFFFFFB0  }
0x17d: {  	_ =	swait.ge [sflag:s12], $0x50  }
0x17e: {  	[sflag:s12] =	ssyncset.done $0x0  }
0x17f: {  	[sflag:s12] =	ssyncadd.s32 $0xFFFFFFB0  }
0x180: {  	_ =	swait.ge [sflag:s12], $0x50  }
0x181: {  	[sflag:s12] =	ssyncset.done $0x0  }
0x182: {  	[sflag:s12] =	ssyncadd.s32 $0xFFFFFFB0  }
0x183: {  	_ =	swait.ge [sflag:s12], $0x50  }
0x184: {  	[sflag:s12] =	ssyncset.done $0x0  }
0x185: {  	[sflag:s12] =	ssyncadd.s32 $0xFFFFFFB0  }
0x186: {  	_ =	swait.ge [sflag:s12], $0x50  }
0x187: {  	[sflag:s12] =	ssyncset.done $0x0  }
0x188: {  	[sflag:s12] =	ssyncadd.s32 $0xFFFFFFB0  }
0x189: {  	_ =	swait.ge [sflag:s12], $0x50  }
0x18a: {  	[sflag:s12] =	ssyncset.done $0x0  }
0x18b: {  	[sflag:s12] =	ssyncadd.s32 $0xFFFFFFB0  }
0x18c: {  	_ =	swait.ge [sflag:s12], $0x50  }
0x18d: {  	[sflag:s12] =	ssyncset.done $0x0  }
0x18e: {  	[sflag:s12] =	ssyncadd.s32 $0xFFFFFFB0  }
0x18f: {  	_ =	swait.ge [sflag:s12], $0x50  }
0x190: {  	[sflag:s12] =	ssyncset.done $0x0  }
0x191: {  	[sflag:s12] =	ssyncadd.s32 $0xFFFFFFB0  }
0x192: {  	_ =	swait.ge [sflag:s12], $0x50  }
0x193: {  	[sflag:s12] =	ssyncset.done $0x0  }
0x194: {  	[sflag:s12] =	ssyncadd.s32 $0xFFFFFFB0  }
0x195: {  	_ =	swait.ge [sflag:s12], $0x50  }
0x196: {  	[sflag:s12] =	ssyncset.done $0x0  }
0x197: {  	[sflag:s12] =	ssyncadd.s32 $0xFFFFFFB0  }
0x198: {  	_ =	swait.ge [sflag:s12], $0x50  }
0x199: {  	[sflag:s12] =	ssyncset.done $0x0  }
0x19a: {  	[sflag:s12] =	ssyncadd.s32 $0xFFFFFFB0  }
0x19b: {  	_ =	swait.ge [sflag:s12], $0x50  }
0x19c: {  	[sflag:s12] =	ssyncset.done $0x0  }
0x19d: {  	[sflag:s12] =	ssyncadd.s32 $0xFFFFFFB0  }
0x19e: {  	_ =	swait.ge [sflag:s12], $0x50  }
0x19f: {  	[sflag:s12] =	ssyncset.done $0x0  }
0x1a0: {  	[sflag:s12] =	ssyncadd.s32 $0xFFFFFFB0  }
0x1a1: {  	_ =	swait.ge [sflag:s12], $0x50  }
0x1a2: {  	[sflag:s12] =	ssyncset.done $0x0  }
0x1a3: {  	[sflag:s12] =	ssyncadd.s32 $0xFFFFFFB0  }
0x1a4: {  	_ =	swait.ge [sflag:s12], $0x50  }
0x1a5: {  	[sflag:s12] =	ssyncset.done $0x0  }
0x1a6: {  	[sflag:s12] =	ssyncadd.s32 $0xFFFFFFB0  }
0x1a7: {  	_ =	swait.ge [sflag:s12], $0x50  }
0x1a8: {  	[sflag:s12] =	ssyncset.done $0x0  }
0x1a9: {  	[sflag:s12] =	ssyncadd.s32 $0xFFFFFFB0  }
0x1aa: {  	_ =	swait.ge [sflag:s12], $0x50  }
0x1ab: {  	[sflag:s12] =	ssyncset.done $0x0  }
0x1ac: {  	[sflag:s12] =	ssyncadd.s32 $0xFFFFFFB0  }
0x1ad: {  	_ =	swait.ge [sflag:s12], $0x50  }
0x1ae: {  	[sflag:s12] =	ssyncset.done $0x0  }
0x1af: {  	[sflag:s12] =	ssyncadd.s32 $0xFFFFFFB0  }
0x1b0: {  	_ =	swait.ge [sflag:s12], $0x50  }
0x1b1: {  	[sflag:s12] =	ssyncset.done $0x0  }
0x1b2: {  	[sflag:s12] =	ssyncadd.s32 $0xFFFFFFB0  }
0x1b3: {  	_ =	swait.ge [sflag:s12], $0x50  }
0x1b4: {  	[sflag:s12] =	ssyncset.done $0x0  }
0x1b5: {  	[sflag:s12] =	ssyncadd.s32 $0xFFFFFFB0  }
0x1b6: {  	_ =	swait.ge [sflag:s12], $0x50  }
0x1b7: {  	[sflag:s12] =	ssyncset.done $0x0  }
0x1b8: {  	s14 =	rddreg [dreg:$0x8];
	[sflag:s12] =	ssyncadd.s32 $0xFFFFFFB0  }
0x1b9: {  	[tilespmem:s3], [sflag:$0x1] =	stream.linear.gather [hbm4b:s14+s17], $0xC80, $0x38;
	[tilespmem:$0x2580] =	vst v63  }
0x1ba: {  	_ =	swait.ge [sflag:s13], $0xC80  }
0x1bb: {  	[sflag:s13] =	ssyncset.done $0x0  }
0x1bc: {  	s0 =	simm.s32 $0x1280;
	[sflag:s13] =	ssyncadd.s32 $0xFFFFF380  }
0x1bd: {  	[spmem:s1] =	stream.indirect.scatter.add.f32 [tilespmem:s10], [sflag:$0x3], $0x1, s0, s9, $0xb8;
	[tilespmem:$0x2580] =	vst v63  }
0x1be: {  	s17 =	simm.s32 $0x1300  }
0x1bf: {  	[spmem:s1] =	stream.indirect.scatter.add.f32 [tilespmem:s10], [sflag:$0x3], $0x1, s17, s9, $0xb8;
	[tilespmem:$0x2580] =	vst v63  }
0x1c0: {  	s13 =	simm.s32 $0x1380  }
0x1c1: {  	[spmem:s1] =	stream.indirect.scatter.add.f32 [tilespmem:s10], [sflag:$0x3], $0x1, s13, s9, $0xb8;
	[tilespmem:$0x2580] =	vst v63  }
0x1c2: {  	s14 =	simm.s32 $0x1400  }
0x1c3: {  	[spmem:s1] =	stream.indirect.scatter.add.f32 [tilespmem:s10], [sflag:$0x3], $0x1, s14, s9, $0xb8;
	[tilespmem:$0x2580] =	vst v63  }
0x1c4: {  	s17 =	simm.s32 $0x1480  }
0x1c5: {  	[spmem:s1] =	stream.indirect.scatter.add.f32 [tilespmem:s10], [sflag:$0x3], $0x1, s17, s9, $0xb8;
	[tilespmem:$0x2580] =	vst v63  }
0x1c6: {  	s13 =	simm.s32 $0x1500  }
0x1c7: {  	[spmem:s1] =	stream.indirect.scatter.add.f32 [tilespmem:s10], [sflag:$0x3], $0x1, s13, s9, $0xb8;
	[tilespmem:$0x2580] =	vst v63  }
0x1c8: {  	s14 =	simm.s32 $0x1580  }
0x1c9: {  	[spmem:s1] =	stream.indirect.scatter.add.f32 [tilespmem:s10], [sflag:$0x3], $0x1, s14, s9, $0xb8;
	[tilespmem:$0x2580] =	vst v63  }
0x1ca: {  	s17 =	simm.s32 $0x1600  }
0x1cb: {  	[spmem:s1] =	stream.indirect.scatter.add.f32 [tilespmem:s10], [sflag:$0x3], $0x1, s17, s9, $0xb8;
	[tilespmem:$0x2580] =	vst v63  }
0x1cc: {  	s13 =	simm.s32 $0x1680  }
0x1cd: {  	[spmem:s1] =	stream.indirect.scatter.add.f32 [tilespmem:s10], [sflag:$0x3], $0x1, s13, s9, $0xb8;
	[tilespmem:$0x2580] =	vst v63  }
0x1ce: {  	s14 =	simm.s32 $0x1700  }
0x1cf: {  	[spmem:s1] =	stream.indirect.scatter.add.f32 [tilespmem:s10], [sflag:$0x3], $0x1, s14, s9, $0xb8;
	[tilespmem:$0x2580] =	vst v63  }
0x1d0: {  	s17 =	simm.s32 $0x1780  }
0x1d1: {  	[spmem:s1] =	stream.indirect.scatter.add.f32 [tilespmem:s10], [sflag:$0x3], $0x1, s17, s9, $0xb8;
	[tilespmem:$0x2580] =	vst v63  }
0x1d2: {  	s13 =	simm.s32 $0x1800  }
0x1d3: {  	[spmem:s1] =	stream.indirect.scatter.add.f32 [tilespmem:s10], [sflag:$0x3], $0x1, s13, s9, $0xb8;
	[tilespmem:$0x2580] =	vst v63  }
0x1d4: {  	s14 =	simm.s32 $0x1880  }
0x1d5: {  	[spmem:s1] =	stream.indirect.scatter.add.f32 [tilespmem:s10], [sflag:$0x3], $0x1, s14, s9, $0xb8;
	[tilespmem:$0x2580] =	vst v63  }
0x1d6: {  	s17 =	simm.s32 $0x1900  }
0x1d7: {  	[spmem:s1] =	stream.indirect.scatter.add.f32 [tilespmem:s10], [sflag:$0x3], $0x1, s17, s9, $0xb8;
	[tilespmem:$0x2580] =	vst v63  }
0x1d8: {  	s13 =	simm.s32 $0x1980  }
0x1d9: {  	[spmem:s1] =	stream.indirect.scatter.add.f32 [tilespmem:s10], [sflag:$0x3], $0x1, s13, s9, $0xb8;
	[tilespmem:$0x2580] =	vst v63  }
0x1da: {  	s14 =	simm.s32 $0x1A00  }
0x1db: {  	[spmem:s1] =	stream.indirect.scatter.add.f32 [tilespmem:s10], [sflag:$0x3], $0x1, s14, s9, $0xb8;
	[tilespmem:$0x2580] =	vst v63  }
0x1dc: {  	s17 =	simm.s32 $0x1A80  }
0x1dd: {  	[spmem:s1] =	stream.indirect.scatter.add.f32 [tilespmem:s10], [sflag:$0x3], $0x1, s17, s9, $0xb8;
	[tilespmem:$0x2580] =	vst v63  }
0x1de: {  	s13 =	simm.s32 $0x1B00  }
0x1df: {  	[spmem:s1] =	stream.indirect.scatter.add.f32 [tilespmem:s10], [sflag:$0x3], $0x1, s13, s9, $0xb8;
	[tilespmem:$0x2580] =	vst v63  }
0x1e0: {  	s14 =	simm.s32 $0x1B80  }
0x1e1: {  	[spmem:s1] =	stream.indirect.scatter.add.f32 [tilespmem:s10], [sflag:$0x3], $0x1, s14, s9, $0xb8;
	[tilespmem:$0x2580] =	vst v63  }
0x1e2: {  	s17 =	simm.s32 $0x1C00  }
0x1e3: {  	[spmem:s1] =	stream.indirect.scatter.add.f32 [tilespmem:s10], [sflag:$0x3], $0x1, s17, s9, $0xb8;
	[tilespmem:$0x2580] =	vst v63  }
0x1e4: {  	s13 =	simm.s32 $0x1C80  }
0x1e5: {  	[spmem:s1] =	stream.indirect.scatter.add.f32 [tilespmem:s10], [sflag:$0x3], $0x1, s13, s9, $0xb8;
	[tilespmem:$0x2580] =	vst v63  }
0x1e6: {  	s14 =	simm.s32 $0x1D00  }
0x1e7: {  	[spmem:s1] =	stream.indirect.scatter.add.f32 [tilespmem:s10], [sflag:$0x3], $0x1, s14, s9, $0xb8;
	[tilespmem:$0x2580] =	vst v63  }
0x1e8: {  	s17 =	simm.s32 $0x1D80  }
0x1e9: {  	[spmem:s1] =	stream.indirect.scatter.add.f32 [tilespmem:s10], [sflag:$0x3], $0x1, s17, s9, $0xb8;
	[tilespmem:$0x2580] =	vst v63  }
0x1ea: {  	s13 =	simm.s32 $0x1E00  }
0x1eb: {  	[spmem:s1] =	stream.indirect.scatter.add.f32 [tilespmem:s10], [sflag:$0x3], $0x1, s13, s9, $0xb8;
	[tilespmem:$0x2580] =	vst v63  }
0x1ec: {  	s14 =	simm.s32 $0x1E80  }
0x1ed: {  	[spmem:s1] =	stream.indirect.scatter.add.f32 [tilespmem:s10], [sflag:$0x3], $0x1, s14, s9, $0xb8;
	[tilespmem:$0x2580] =	vst v63  }
0x1ee: {  	_ =	swait.ge [sflag:s12], $0x50  }
0x1ef: {  	[sflag:s12] =	ssyncset.done $0x0  }
0x1f0: {  	[sflag:s12] =	ssyncadd.s32 $0xFFFFFFB0  }
0x1f1: {  	_ =	swait.ge [sflag:s12], $0x50  }
0x1f2: {  	[sflag:s12] =	ssyncset.done $0x0  }
0x1f3: {  	[sflag:s12] =	ssyncadd.s32 $0xFFFFFFB0  }
0x1f4: {  	_ =	swait.ge [sflag:s12], $0x50  }
0x1f5: {  	[sflag:s12] =	ssyncset.done $0x0  }
0x1f6: {  	[sflag:s12] =	ssyncadd.s32 $0xFFFFFFB0  }
0x1f7: {  	_ =	swait.ge [sflag:s12], $0x50  }
0x1f8: {  	[sflag:s12] =	ssyncset.done $0x0  }
0x1f9: {  	[sflag:s12] =	ssyncadd.s32 $0xFFFFFFB0  }
0x1fa: {  	_ =	swait.ge [sflag:s12], $0x50  }
0x1fb: {  	[sflag:s12] =	ssyncset.done $0x0  }
0x1fc: {  	[sflag:s12] =	ssyncadd.s32 $0xFFFFFFB0  }
0x1fd: {  	_ =	swait.ge [sflag:s12], $0x50  }
0x1fe: {  	[sflag:s12] =	ssyncset.done $0x0  }
0x1ff: {  	[sflag:s12] =	ssyncadd.s32 $0xFFFFFFB0  }
0x200: {  	_ =	swait.ge [sflag:s12], $0x50  }
0x201: {  	[sflag:s12] =	ssyncset.done $0x0  }
0x202: {  	[sflag:s12] =	ssyncadd.s32 $0xFFFFFFB0  }
0x203: {  	_ =	swait.ge [sflag:s12], $0x50  }
0x204: {  	[sflag:s12] =	ssyncset.done $0x0  }
0x205: {  	[sflag:s12] =	ssyncadd.s32 $0xFFFFFFB0  }
0x206: {  	_ =	swait.ge [sflag:s12], $0x50  }
0x207: {  	[sflag:s12] =	ssyncset.done $0x0  }
0x208: {  	[sflag:s12] =	ssyncadd.s32 $0xFFFFFFB0  }
0x209: {  	_ =	swait.ge [sflag:s12], $0x50  }
0x20a: {  	[sflag:s12] =	ssyncset.done $0x0  }
0x20b: {  	[sflag:s12] =	ssyncadd.s32 $0xFFFFFFB0  }
0x20c: {  	_ =	swait.ge [sflag:s12], $0x50  }
0x20d: {  	[sflag:s12] =	ssyncset.done $0x0  }
0x20e: {  	[sflag:s12] =	ssyncadd.s32 $0xFFFFFFB0  }
0x20f: {  	_ =	swait.ge [sflag:s12], $0x50  }
0x210: {  	[sflag:s12] =	ssyncset.done $0x0  }
0x211: {  	[sflag:s12] =	ssyncadd.s32 $0xFFFFFFB0  }
0x212: {  	_ =	swait.ge [sflag:s12], $0x50  }
0x213: {  	[sflag:s12] =	ssyncset.done $0x0  }
0x214: {  	[sflag:s12] =	ssyncadd.s32 $0xFFFFFFB0  }
0x215: {  	_ =	swait.ge [sflag:s12], $0x50  }
0x216: {  	[sflag:s12] =	ssyncset.done $0x0  }
0x217: {  	[sflag:s12] =	ssyncadd.s32 $0xFFFFFFB0  }
0x218: {  	_ =	swait.ge [sflag:s12], $0x50  }
0x219: {  	[sflag:s12] =	ssyncset.done $0x0  }
0x21a: {  	[sflag:s12] =	ssyncadd.s32 $0xFFFFFFB0  }
0x21b: {  	_ =	swait.ge [sflag:s12], $0x50  }
0x21c: {  	[sflag:s12] =	ssyncset.done $0x0  }
0x21d: {  	[sflag:s12] =	ssyncadd.s32 $0xFFFFFFB0  }
0x21e: {  	_ =	swait.ge [sflag:s12], $0x50  }
0x21f: {  	[sflag:s12] =	ssyncset.done $0x0  }
0x220: {  	[sflag:s12] =	ssyncadd.s32 $0xFFFFFFB0  }
0x221: {  	_ =	swait.ge [sflag:s12], $0x50  }
0x222: {  	[sflag:s12] =	ssyncset.done $0x0  }
0x223: {  	[sflag:s12] =	ssyncadd.s32 $0xFFFFFFB0  }
0x224: {  	_ =	swait.ge [sflag:s12], $0x50  }
0x225: {  	[sflag:s12] =	ssyncset.done $0x0  }
0x226: {  	[sflag:s12] =	ssyncadd.s32 $0xFFFFFFB0  }
0x227: {  	_ =	swait.ge [sflag:s12], $0x50  }
0x228: {  	[sflag:s12] =	ssyncset.done $0x0  }
0x229: {  	[sflag:s12] =	ssyncadd.s32 $0xFFFFFFB0  }
0x22a: {  	_ =	swait.ge [sflag:s12], $0x50  }
0x22b: {  	[sflag:s12] =	ssyncset.done $0x0  }
0x22c: {  	[sflag:s12] =	ssyncadd.s32 $0xFFFFFFB0  }
0x22d: {  	_ =	swait.ge [sflag:s12], $0x50  }
0x22e: {  	[sflag:s12] =	ssyncset.done $0x0  }
0x22f: {  	[sflag:s12] =	ssyncadd.s32 $0xFFFFFFB0  }
0x230: {  	_ =	swait.ge [sflag:s12], $0x50  }
0x231: {  	[sflag:s12] =	ssyncset.done $0x0  }
0x232: {  	[sflag:s12] =	ssyncadd.s32 $0xFFFFFFB0  }
0x233: {  	_ =	swait.ge [sflag:s12], $0x50  }
0x234: {  	[sflag:s12] =	ssyncset.done $0x0  }
0x235: {  	[sflag:s12] =	ssyncadd.s32 $0xFFFFFFB0  }
0x236: {  	_ =	swait.ge [sflag:s12], $0x50  }
0x237: {  	[sflag:s12] =	ssyncset.done $0x0  }
0x238: {  	[sflag:s12] =	ssyncadd.s32 $0xFFFFFFB0  }
0x239: {  	_ =	swait.ge [sflag:s2], $0xC80  }
0x23a: {  	[sflag:s2] =	ssyncset.done $0x0  }
0x23b: {  	[sflag:s2] =	ssyncadd.s32 $0xFFFFF380  }
0x23c: {  	[spmem:s1] =	stream.indirect.scatter.add.f32 [tilespmem:s10], [sflag:$0x3], $0x1, s3, s9, $0xb8;
	[tilespmem:$0x2580] =	vst v63  }
0x23d: {  	s17 =	simm.s32 $0x300  }
0x23e: {  	[spmem:s1] =	stream.indirect.scatter.add.f32 [tilespmem:s10], [sflag:$0x3], $0x1, s17, s9, $0xb8;
	[tilespmem:$0x2580] =	vst v63  }
0x23f: {  	_ = 	snop  }
0x240: {  	[spmem:s1] =	stream.indirect.scatter.add.f32 [tilespmem:s10], [sflag:$0x3], $0x1, s4, s9, $0xb8;
	[tilespmem:$0x2580] =	vst v63  }
0x241: {  	_ = 	snop  }
0x242: {  	[spmem:s1] =	stream.indirect.scatter.add.f32 [tilespmem:s10], [sflag:$0x3], $0x1, s5, s9, $0xb8;
	[tilespmem:$0x2580] =	vst v63  }
0x243: {  	_ = 	snop  }
0x244: {  	[spmem:s1] =	stream.indirect.scatter.add.f32 [tilespmem:s10], [sflag:$0x3], $0x1, s6, s9, $0xb8;
	[tilespmem:$0x2580] =	vst v63  }
0x245: {  	_ = 	snop  }
0x246: {  	[spmem:s1] =	stream.indirect.scatter.add.f32 [tilespmem:s10], [sflag:$0x3], $0x1, s7, s9, $0xb8;
	[tilespmem:$0x2580] =	vst v63  }
0x247: {  	_ = 	snop  }
0x248: {  	[spmem:s1] =	stream.indirect.scatter.add.f32 [tilespmem:s10], [sflag:$0x3], $0x1, s8, s9, $0xb8;
	[tilespmem:$0x2580] =	vst v63  }
0x249: {  	_ = 	snop  }
0x24a: {  	[spmem:s1] =	stream.indirect.scatter.add.f32 [tilespmem:s10], [sflag:$0x3], $0x1, s11, s9, $0xb8;
	[tilespmem:$0x2580] =	vst v63  }
0x24b: {  	_ = 	snop  }
0x24c: {  	[spmem:s1] =	stream.indirect.scatter.add.f32 [tilespmem:s10], [sflag:$0x3], $0x1, s15, s9, $0xb8;
	[tilespmem:$0x2580] =	vst v63  }
0x24d: {  	_ = 	snop  }
0x24e: {  	[spmem:s1] =	stream.indirect.scatter.add.f32 [tilespmem:s10], [sflag:$0x3], $0x1, s18, s9, $0xb8;
	[tilespmem:$0x2580] =	vst v63  }
0x24f: {  	_ = 	snop  }
0x250: {  	[spmem:s1] =	stream.indirect.scatter.add.f32 [tilespmem:s10], [sflag:$0x3], $0x1, s19, s9, $0xb8;
	[tilespmem:$0x2580] =	vst v63  }
0x251: {  	_ = 	snop  }
0x252: {  	[spmem:s1] =	stream.indirect.scatter.add.f32 [tilespmem:s10], [sflag:$0x3], $0x1, s20, s9, $0xb8;
	[tilespmem:$0x2580] =	vst v63  }
0x253: {  	_ = 	snop  }
0x254: {  	[spmem:s1] =	stream.indirect.scatter.add.f32 [tilespmem:s10], [sflag:$0x3], $0x1, s21, s9, $0xb8;
	[tilespmem:$0x2580] =	vst v63  }
0x255: {  	_ = 	snop  }
0x256: {  	[spmem:s1] =	stream.indirect.scatter.add.f32 [tilespmem:s10], [sflag:$0x3], $0x1, s22, s9, $0xb8;
	[tilespmem:$0x2580] =	vst v63  }
0x257: {  	_ = 	snop  }
0x258: {  	[spmem:s1] =	stream.indirect.scatter.add.f32 [tilespmem:s10], [sflag:$0x3], $0x1, s23, s9, $0xb8;
	[tilespmem:$0x2580] =	vst v63  }
0x259: {  	_ = 	snop  }
0x25a: {  	[spmem:s1] =	stream.indirect.scatter.add.f32 [tilespmem:s10], [sflag:$0x3], $0x1, s24, s9, $0xb8;
	[tilespmem:$0x2580] =	vst v63  }
0x25b: {  	_ = 	snop  }
0x25c: {  	[spmem:s1] =	stream.indirect.scatter.add.f32 [tilespmem:s10], [sflag:$0x3], $0x1, s25, s9, $0xb8;
	[tilespmem:$0x2580] =	vst v63  }
0x25d: {  	_ = 	snop  }
0x25e: {  	[spmem:s1] =	stream.indirect.scatter.add.f32 [tilespmem:s10], [sflag:$0x3], $0x1, s26, s9, $0xb8;
	[tilespmem:$0x2580] =	vst v63  }
0x25f: {  	_ = 	snop  }
0x260: {  	[spmem:s1] =	stream.indirect.scatter.add.f32 [tilespmem:s10], [sflag:$0x3], $0x1, s28, s9, $0xb8;
	[tilespmem:$0x2580] =	vst v63  }
0x261: {  	_ = 	snop  }
0x262: {  	[spmem:s1] =	stream.indirect.scatter.add.f32 [tilespmem:s10], [sflag:$0x3], $0x1, s29, s9, $0xb8;
	[tilespmem:$0x2580] =	vst v63  }
0x263: {  	_ = 	snop  }
0x264: {  	[spmem:s1] =	stream.indirect.scatter.add.f32 [tilespmem:s10], [sflag:$0x3], $0x1, s30, s9, $0xb8;
	[tilespmem:$0x2580] =	vst v63  }
0x265: {  	_ = 	snop  }
0x266: {  	[spmem:s1] =	stream.indirect.scatter.add.f32 [tilespmem:s10], [sflag:$0x3], $0x1, s31, s9, $0xb8;
	[tilespmem:$0x2580] =	vst v63  }
0x267: {  	s21 =	simm.s32 $0xD80  }
0x268: {  	[spmem:s1] =	stream.indirect.scatter.add.f32 [tilespmem:s10], [sflag:$0x3], $0x1, s21, s9, $0xb8;
	[tilespmem:$0x2580] =	vst v63  }
0x269: {  	s22 =	simm.s32 $0xE00  }
0x26a: {  	[spmem:s1] =	stream.indirect.scatter.add.f32 [tilespmem:s10], [sflag:$0x3], $0x1, s22, s9, $0xb8;
	[tilespmem:$0x2580] =	vst v63  }
0x26b: {  	s23 =	simm.s32 $0xE80  }
0x26c: {  	[spmem:s1] =	stream.indirect.scatter.add.f32 [tilespmem:s10], [sflag:$0x3], $0x1, s23, s9, $0xb8;
	[tilespmem:$0x2580] =	vst v63  }
0x26d: {  	_ =	swait.ge [sflag:s12], $0x50  }
0x26e: {  	[sflag:s12] =	ssyncset.done $0x0  }
0x26f: {  	[sflag:s12] =	ssyncadd.s32 $0xFFFFFFB0  }
0x270: {  	_ =	swait.ge [sflag:s12], $0x50  }
0x271: {  	[sflag:s12] =	ssyncset.done $0x0  }
0x272: {  	[sflag:s12] =	ssyncadd.s32 $0xFFFFFFB0  }
0x273: {  	_ =	swait.ge [sflag:s12], $0x50  }
0x274: {  	[sflag:s12] =	ssyncset.done $0x0  }
0x275: {  	[sflag:s12] =	ssyncadd.s32 $0xFFFFFFB0  }
0x276: {  	_ =	swait.ge [sflag:s12], $0x50  }
0x277: {  	[sflag:s12] =	ssyncset.done $0x0  }
0x278: {  	[sflag:s12] =	ssyncadd.s32 $0xFFFFFFB0  }
0x279: {  	_ =	swait.ge [sflag:s12], $0x50  }
0x27a: {  	[sflag:s12] =	ssyncset.done $0x0  }
0x27b: {  	[sflag:s12] =	ssyncadd.s32 $0xFFFFFFB0  }
0x27c: {  	_ =	swait.ge [sflag:s12], $0x50  }
0x27d: {  	[sflag:s12] =	ssyncset.done $0x0  }
0x27e: {  	[sflag:s12] =	ssyncadd.s32 $0xFFFFFFB0  }
0x27f: {  	_ =	swait.ge [sflag:s12], $0x50  }
0x280: {  	[sflag:s12] =	ssyncset.done $0x0  }
0x281: {  	[sflag:s12] =	ssyncadd.s32 $0xFFFFFFB0  }
0x282: {  	_ =	swait.ge [sflag:s12], $0x50  }
0x283: {  	[sflag:s12] =	ssyncset.done $0x0  }
0x284: {  	[sflag:s12] =	ssyncadd.s32 $0xFFFFFFB0  }
0x285: {  	_ =	swait.ge [sflag:s12], $0x50  }
0x286: {  	[sflag:s12] =	ssyncset.done $0x0  }
0x287: {  	[sflag:s12] =	ssyncadd.s32 $0xFFFFFFB0  }
0x288: {  	_ =	swait.ge [sflag:s12], $0x50  }
0x289: {  	[sflag:s12] =	ssyncset.done $0x0  }
0x28a: {  	[sflag:s12] =	ssyncadd.s32 $0xFFFFFFB0  }
0x28b: {  	_ =	swait.ge [sflag:s12], $0x50  }
0x28c: {  	[sflag:s12] =	ssyncset.done $0x0  }
0x28d: {  	[sflag:s12] =	ssyncadd.s32 $0xFFFFFFB0  }
0x28e: {  	_ =	swait.ge [sflag:s12], $0x50  }
0x28f: {  	[sflag:s12] =	ssyncset.done $0x0  }
0x290: {  	[sflag:s12] =	ssyncadd.s32 $0xFFFFFFB0  }
0x291: {  	_ =	swait.ge [sflag:s12], $0x50  }
0x292: {  	[sflag:s12] =	ssyncset.done $0x0  }
0x293: {  	[sflag:s12] =	ssyncadd.s32 $0xFFFFFFB0  }
0x294: {  	_ =	swait.ge [sflag:s12], $0x50  }
0x295: {  	[sflag:s12] =	ssyncset.done $0x0  }
0x296: {  	[sflag:s12] =	ssyncadd.s32 $0xFFFFFFB0  }
0x297: {  	_ =	swait.ge [sflag:s12], $0x50  }
0x298: {  	[sflag:s12] =	ssyncset.done $0x0  }
0x299: {  	[sflag:s12] =	ssyncadd.s32 $0xFFFFFFB0  }
0x29a: {  	_ =	swait.ge [sflag:s12], $0x50  }
0x29b: {  	[sflag:s12] =	ssyncset.done $0x0  }
0x29c: {  	[sflag:s12] =	ssyncadd.s32 $0xFFFFFFB0  }
0x29d: {  	_ =	swait.ge [sflag:s12], $0x50  }
0x29e: {  	[sflag:s12] =	ssyncset.done $0x0  }
0x29f: {  	[sflag:s12] =	ssyncadd.s32 $0xFFFFFFB0  }
0x2a0: {  	_ =	swait.ge [sflag:s12], $0x50  }
0x2a1: {  	[sflag:s12] =	ssyncset.done $0x0  }
0x2a2: {  	[sflag:s12] =	ssyncadd.s32 $0xFFFFFFB0  }
0x2a3: {  	_ =	swait.ge [sflag:s12], $0x50  }
0x2a4: {  	[sflag:s12] =	ssyncset.done $0x0  }
0x2a5: {  	[sflag:s12] =	ssyncadd.s32 $0xFFFFFFB0  }
0x2a6: {  	_ =	swait.ge [sflag:s12], $0x50  }
0x2a7: {  	[sflag:s12] =	ssyncset.done $0x0  }
0x2a8: {  	[sflag:s12] =	ssyncadd.s32 $0xFFFFFFB0  }
0x2a9: {  	_ =	swait.ge [sflag:s12], $0x50  }
0x2aa: {  	[sflag:s12] =	ssyncset.done $0x0  }
0x2ab: {  	[sflag:s12] =	ssyncadd.s32 $0xFFFFFFB0  }
0x2ac: {  	_ =	swait.ge [sflag:s12], $0x50  }
0x2ad: {  	[sflag:s12] =	ssyncset.done $0x0  }
0x2ae: {  	[sflag:s12] =	ssyncadd.s32 $0xFFFFFFB0  }
0x2af: {  	_ =	swait.ge [sflag:s12], $0x50  }
0x2b0: {  	[sflag:s12] =	ssyncset.done $0x0  }
0x2b1: {  	[sflag:s12] =	ssyncadd.s32 $0xFFFFFFB0  }
0x2b2: {  	_ =	swait.ge [sflag:s12], $0x50  }
0x2b3: {  	[sflag:s12] =	ssyncset.done $0x0  }
0x2b4: {  	[sflag:s12] =	ssyncadd.s32 $0xFFFFFFB0  }
0x2b5: {  	_ =	swait.ge [sflag:s12], $0x50  }
0x2b6: {  	[sflag:s12] =	ssyncset.done $0x0  }
0x2b7: {  	[sflag:s12] =	ssyncadd.s32 $0xFFFFFFB0  }
0x2b8: {  	[bflag:$0x0] =	sbarrier.arrive $0xFFFF  }
0x2b9: {  	s24 =	rddreg [dreg:$0xc]  }
0x2ba: {  	s28 =	stileid.u32;
	s25 =	rddreg [dreg:$0x9]  }
0x2bb: {  	s29 =	sshll.u32 s28, $0x6;
	s26 =	rddreg [dreg:$0xb]  }
0x2bc: {  	s0 =	sor.u32 $0x1C04, s29;
	[dreg:$0xd] =	wrdreg s16  }
0x2bd: {  	s30 =	sshrl.u32 s16, $0x3;
	[dreg:$0xe] =	wrdreg s0  }
0x2be: {  	[dreg:$0xf] =	wrdreg s30  }
0x2bf: {  	[hbm:s25@s26], [sflag:s0] =	dma.strided [spmem:s30@s24], $0x50, s2, $0x10   }
0x2c0: {  	s0 =	rddreg [dreg:$0x10]  }
0x2c1: {  	s0 =	ssub.s32 $0x2, s0  }
0x2c2: {  	s31 =	sshrl.u32 s0, $0x1  }
0x2c3: {  	s14 =	ssub.s32 s0, s31  }
0x2c4: {  	s14 =	smax.u32 s14, $0x1  }
0x2c5: {  	p0 =	sne.s32 s14, $0x1  }
.Ltmp0:
0x2c6: {  	_ = 	snop;
	(pc) =	sbr.rel @!p0 .LBB2_3-.Ltmp0, $2  }
0x2c7: {  	_ =	sdelay $0x2  }
0x2c8: {  	s14 =	sadd.s32 $0xFFFFFFFF, s14  }
0x2c9: {  	s4 =	simm.s32 $0x0;
	s13 =	simm.s32 $0x280  }
0x2ca: {  	s2 =	simm.s32 $0x1;
	s6 =	simm.s32 $0x1400;
	s7 =	simm.s32 $0x1480  }
0x2cb: {  	s8 =	simm.s32 $0x1500;
	s11 =	simm.s32 $0x1580;
	s18 =	simm.s32 $0x1700  }
0x2cc: {  	s19 =	simm.s32 $0x1780;
	s20 =	simm.s32 $0x1800;
	s21 =	simm.s32 $0x1880  }
0x2cd: {  	s22 =	simm.s32 $0x1900;
	s23 =	simm.s32 $0x1980;
	s24 =	simm.s32 $0x1A00  }
0x2ce: {  	s25 =	simm.s32 $0x1A80;
	s26 =	simm.s32 $0x1B00;
	s28 =	simm.s32 $0x1B80  }
0x2cf: {  	s29 =	simm.s32 $0x1C00;
	s30 =	simm.s32 $0x1C80;
	s31 =	simm.s32 $0x1D00  }
.LBB2_2:
0x2d0: {  	s0 =	simm.s32 $0x4  }
0x2d1: {  	_ =	swait.ge [sflag:s0], $0x50  }
0x2d2: {  	[sflag:s0] =	ssyncset.done $0x0  }
0x2d3: {  	[sflag:s0] =	ssyncadd.s32 $0xFFFFFFB0  }
0x2d4: {  	[tilespmem:$0x2280] =	vst v0  }
0x2d5: {  	[tilespmem:$0x2570] =	vst v1  }
0x2d6: {  	[tilespmem:$0x2560] =	vst v1  }
0x2d7: {  	[tilespmem:$0x2550] =	vst v1  }
0x2d8: {  	[tilespmem:$0x2540] =	vst v1  }
0x2d9: {  	[tilespmem:$0x2530] =	vst v1  }
0x2da: {  	[tilespmem:$0x2520] =	vst v1  }
0x2db: {  	[tilespmem:$0x2510] =	vst v1  }
0x2dc: {  	[tilespmem:$0x2500] =	vst v1  }
0x2dd: {  	[tilespmem:$0x24F0] =	vst v1  }
0x2de: {  	[tilespmem:$0x24E0] =	vst v1  }
0x2df: {  	[tilespmem:$0x24D0] =	vst v1  }
0x2e0: {  	[tilespmem:$0x24C0] =	vst v1  }
0x2e1: {  	[tilespmem:$0x24B0] =	vst v1  }
0x2e2: {  	[tilespmem:$0x24A0] =	vst v1  }
0x2e3: {  	[tilespmem:$0x2490] =	vst v1  }
0x2e4: {  	[tilespmem:$0x2480] =	vst v1  }
0x2e5: {  	[tilespmem:$0x2470] =	vst v1  }
0x2e6: {  	[tilespmem:$0x2460] =	vst v1  }
0x2e7: {  	[tilespmem:$0x2450] =	vst v1  }
0x2e8: {  	[tilespmem:$0x2440] =	vst v1  }
0x2e9: {  	[tilespmem:$0x2430] =	vst v1  }
0x2ea: {  	[tilespmem:$0x2420] =	vst v1  }
0x2eb: {  	[tilespmem:$0x2410] =	vst v1  }
0x2ec: {  	[tilespmem:$0x2400] =	vst v1  }
0x2ed: {  	[tilespmem:$0x23F0] =	vst v1  }
0x2ee: {  	[tilespmem:$0x23E0] =	vst v1  }
0x2ef: {  	[tilespmem:$0x23D0] =	vst v1  }
0x2f0: {  	[tilespmem:$0x23C0] =	vst v1  }
0x2f1: {  	[tilespmem:$0x23B0] =	vst v1  }
0x2f2: {  	[tilespmem:$0x23A0] =	vst v1  }
0x2f3: {  	[tilespmem:$0x2390] =	vst v1  }
0x2f4: {  	[tilespmem:$0x2380] =	vst v1  }
0x2f5: {  	[tilespmem:$0x2370] =	vst v1  }
0x2f6: {  	[tilespmem:$0x2360] =	vst v1  }
0x2f7: {  	[tilespmem:$0x2350] =	vst v1  }
0x2f8: {  	[tilespmem:$0x2340] =	vst v1  }
0x2f9: {  	[tilespmem:$0x2330] =	vst v1  }
0x2fa: {  	[tilespmem:$0x2320] =	vst v1  }
0x2fb: {  	[tilespmem:$0x2310] =	vst v1  }
0x2fc: {  	[tilespmem:$0x2300] =	vst v1  }
0x2fd: {  	[tilespmem:$0x22C0] =	vst v0  }
0x2fe: {  	[tilespmem:$0x22B0] =	vst v0  }
0x2ff: {  	s15 =	rddreg [dreg:$0xa];
	[tilespmem:$0x22A0] =	vst v0  }
0x300: {  	s16 =	rddreg [dreg:$0xd];
	[tilespmem:$0x2290] =	vst v0  }
0x301: {  	[spmem:s16] =	stream.linear.scatter [tilespmem:s15], [sflag:$0x4], $0x280, $0x38;
	[tilespmem:$0x2580] =	vst v63  }
0x302: {  	_ =	swait.ge [sflag:s0], $0x280  }
0x303: {  	[sflag:s0] =	ssyncset.done $0x0  }
0x304: {  	s17 =	rddreg [dreg:$0x4];
	[sflag:s0] =	ssyncadd.s32 $0xFFFFFD80  }
0x305: {  	[tilespmem:s13], [sflag:$0x1] =	stream.linear.gather [hbm4b:s17+s4], $0xC80, $0x38;
	[tilespmem:$0x2580] =	vst v63  }
0x306: {  	[bflag:$0x0] =	sbarrier.arrive $0xFFFF  }
0x307: {  	s3 =	simm.s32 $0x1280;
	s0 =	rddreg [dreg:$0x5]  }
0x308: {  	[tilespmem:s3], [sflag:$0x2] =	stream.linear.gather [hbm4b:s0+s4], $0xC80, $0x38;
	[tilespmem:$0x2580] =	vst v63  }
0x309: {  	_ =	swait.ge [sflag:s2], $0xC80  }
0x30a: {  	[sflag:s2] =	ssyncset.done $0x0  }
0x30b: {  	[sflag:s2] =	ssyncadd.s32 $0xFFFFF380  }
0x30c: {  	[spmem:s1] =	stream.indirect.scatter.add.f32 [tilespmem:s10], [sflag:$0x3], $0x1, s13, s9, $0xb8;
	[tilespmem:$0x2580] =	vst v63  }
0x30d: {  	s5 =	simm.s32 $0x300  }
0x30e: {  	[spmem:s1] =	stream.indirect.scatter.add.f32 [tilespmem:s10], [sflag:$0x3], $0x1, s5, s9, $0xb8;
	[tilespmem:$0x2580] =	vst v63  }
0x30f: {  	s15 =	simm.s32 $0x380  }
0x310: {  	[spmem:s1] =	stream.indirect.scatter.add.f32 [tilespmem:s10], [sflag:$0x3], $0x1, s15, s9, $0xb8;
	[tilespmem:$0x2580] =	vst v63  }
0x311: {  	s16 =	simm.s32 $0x400  }
0x312: {  	[spmem:s1] =	stream.indirect.scatter.add.f32 [tilespmem:s10], [sflag:$0x3], $0x1, s16, s9, $0xb8;
	[tilespmem:$0x2580] =	vst v63  }
0x313: {  	s17 =	simm.s32 $0x480  }
0x314: {  	[spmem:s1] =	stream.indirect.scatter.add.f32 [tilespmem:s10], [sflag:$0x3], $0x1, s17, s9, $0xb8;
	[tilespmem:$0x2580] =	vst v63  }
0x315: {  	s5 =	simm.s32 $0x500  }
0x316: {  	[spmem:s1] =	stream.indirect.scatter.add.f32 [tilespmem:s10], [sflag:$0x3], $0x1, s5, s9, $0xb8;
	[tilespmem:$0x2580] =	vst v63  }
0x317: {  	s15 =	simm.s32 $0x580  }
0x318: {  	[spmem:s1] =	stream.indirect.scatter.add.f32 [tilespmem:s10], [sflag:$0x3], $0x1, s15, s9, $0xb8;
	[tilespmem:$0x2580] =	vst v63  }
0x319: {  	s16 =	simm.s32 $0x600  }
0x31a: {  	[spmem:s1] =	stream.indirect.scatter.add.f32 [tilespmem:s10], [sflag:$0x3], $0x1, s16, s9, $0xb8;
	[tilespmem:$0x2580] =	vst v63  }
0x31b: {  	s17 =	simm.s32 $0x680  }
0x31c: {  	[spmem:s1] =	stream.indirect.scatter.add.f32 [tilespmem:s10], [sflag:$0x3], $0x1, s17, s9, $0xb8;
	[tilespmem:$0x2580] =	vst v63  }
0x31d: {  	s5 =	simm.s32 $0x700  }
0x31e: {  	[spmem:s1] =	stream.indirect.scatter.add.f32 [tilespmem:s10], [sflag:$0x3], $0x1, s5, s9, $0xb8;
	[tilespmem:$0x2580] =	vst v63  }
0x31f: {  	s15 =	simm.s32 $0x780  }
0x320: {  	[spmem:s1] =	stream.indirect.scatter.add.f32 [tilespmem:s10], [sflag:$0x3], $0x1, s15, s9, $0xb8;
	[tilespmem:$0x2580] =	vst v63  }
0x321: {  	s16 =	simm.s32 $0x800  }
0x322: {  	[spmem:s1] =	stream.indirect.scatter.add.f32 [tilespmem:s10], [sflag:$0x3], $0x1, s16, s9, $0xb8;
	[tilespmem:$0x2580] =	vst v63  }
0x323: {  	s17 =	simm.s32 $0x880  }
0x324: {  	[spmem:s1] =	stream.indirect.scatter.add.f32 [tilespmem:s10], [sflag:$0x3], $0x1, s17, s9, $0xb8;
	[tilespmem:$0x2580] =	vst v63  }
0x325: {  	s5 =	simm.s32 $0x900  }
0x326: {  	[spmem:s1] =	stream.indirect.scatter.add.f32 [tilespmem:s10], [sflag:$0x3], $0x1, s5, s9, $0xb8;
	[tilespmem:$0x2580] =	vst v63  }
0x327: {  	s15 =	simm.s32 $0x980  }
0x328: {  	[spmem:s1] =	stream.indirect.scatter.add.f32 [tilespmem:s10], [sflag:$0x3], $0x1, s15, s9, $0xb8;
	[tilespmem:$0x2580] =	vst v63  }
0x329: {  	s16 =	simm.s32 $0xA00  }
0x32a: {  	[spmem:s1] =	stream.indirect.scatter.add.f32 [tilespmem:s10], [sflag:$0x3], $0x1, s16, s9, $0xb8;
	[tilespmem:$0x2580] =	vst v63  }
0x32b: {  	s17 =	simm.s32 $0xA80  }
0x32c: {  	[spmem:s1] =	stream.indirect.scatter.add.f32 [tilespmem:s10], [sflag:$0x3], $0x1, s17, s9, $0xb8;
	[tilespmem:$0x2580] =	vst v63  }
0x32d: {  	s5 =	simm.s32 $0xB00  }
0x32e: {  	[spmem:s1] =	stream.indirect.scatter.add.f32 [tilespmem:s10], [sflag:$0x3], $0x1, s5, s9, $0xb8;
	[tilespmem:$0x2580] =	vst v63  }
0x32f: {  	s15 =	simm.s32 $0xB80  }
0x330: {  	[spmem:s1] =	stream.indirect.scatter.add.f32 [tilespmem:s10], [sflag:$0x3], $0x1, s15, s9, $0xb8;
	[tilespmem:$0x2580] =	vst v63  }
0x331: {  	s16 =	simm.s32 $0xC00  }
0x332: {  	[spmem:s1] =	stream.indirect.scatter.add.f32 [tilespmem:s10], [sflag:$0x3], $0x1, s16, s9, $0xb8;
	[tilespmem:$0x2580] =	vst v63  }
0x333: {  	s17 =	simm.s32 $0xC80  }
0x334: {  	[spmem:s1] =	stream.indirect.scatter.add.f32 [tilespmem:s10], [sflag:$0x3], $0x1, s17, s9, $0xb8;
	[tilespmem:$0x2580] =	vst v63  }
0x335: {  	s5 =	simm.s32 $0xD00  }
0x336: {  	[spmem:s1] =	stream.indirect.scatter.add.f32 [tilespmem:s10], [sflag:$0x3], $0x1, s5, s9, $0xb8;
	[tilespmem:$0x2580] =	vst v63  }
0x337: {  	s15 =	simm.s32 $0xD80  }
0x338: {  	[spmem:s1] =	stream.indirect.scatter.add.f32 [tilespmem:s10], [sflag:$0x3], $0x1, s15, s9, $0xb8;
	[tilespmem:$0x2580] =	vst v63  }
0x339: {  	s16 =	simm.s32 $0xE00  }
0x33a: {  	[spmem:s1] =	stream.indirect.scatter.add.f32 [tilespmem:s10], [sflag:$0x3], $0x1, s16, s9, $0xb8;
	[tilespmem:$0x2580] =	vst v63  }
0x33b: {  	s17 =	simm.s32 $0xE80  }
0x33c: {  	[spmem:s1] =	stream.indirect.scatter.add.f32 [tilespmem:s10], [sflag:$0x3], $0x1, s17, s9, $0xb8;
	[tilespmem:$0x2580] =	vst v63  }
0x33d: {  	_ =	swait.ge [sflag:s12], $0x50  }
0x33e: {  	[sflag:s12] =	ssyncset.done $0x0  }
0x33f: {  	[sflag:s12] =	ssyncadd.s32 $0xFFFFFFB0  }
0x340: {  	_ =	swait.ge [sflag:s12], $0x50  }
0x341: {  	[sflag:s12] =	ssyncset.done $0x0  }
0x342: {  	[sflag:s12] =	ssyncadd.s32 $0xFFFFFFB0  }
0x343: {  	_ =	swait.ge [sflag:s12], $0x50  }
0x344: {  	[sflag:s12] =	ssyncset.done $0x0  }
0x345: {  	[sflag:s12] =	ssyncadd.s32 $0xFFFFFFB0  }
0x346: {  	_ =	swait.ge [sflag:s12], $0x50  }
0x347: {  	[sflag:s12] =	ssyncset.done $0x0  }
0x348: {  	[sflag:s12] =	ssyncadd.s32 $0xFFFFFFB0  }
0x349: {  	_ =	swait.ge [sflag:s12], $0x50  }
0x34a: {  	[sflag:s12] =	ssyncset.done $0x0  }
0x34b: {  	[sflag:s12] =	ssyncadd.s32 $0xFFFFFFB0  }
0x34c: {  	_ =	swait.ge [sflag:s12], $0x50  }
0x34d: {  	[sflag:s12] =	ssyncset.done $0x0  }
0x34e: {  	[sflag:s12] =	ssyncadd.s32 $0xFFFFFFB0  }
0x34f: {  	_ =	swait.ge [sflag:s12], $0x50  }
0x350: {  	[sflag:s12] =	ssyncset.done $0x0  }
0x351: {  	[sflag:s12] =	ssyncadd.s32 $0xFFFFFFB0  }
0x352: {  	_ =	swait.ge [sflag:s12], $0x50  }
0x353: {  	[sflag:s12] =	ssyncset.done $0x0  }
0x354: {  	[sflag:s12] =	ssyncadd.s32 $0xFFFFFFB0  }
0x355: {  	_ =	swait.ge [sflag:s12], $0x50  }
0x356: {  	[sflag:s12] =	ssyncset.done $0x0  }
0x357: {  	[sflag:s12] =	ssyncadd.s32 $0xFFFFFFB0  }
0x358: {  	_ =	swait.ge [sflag:s12], $0x50  }
0x359: {  	[sflag:s12] =	ssyncset.done $0x0  }
0x35a: {  	[sflag:s12] =	ssyncadd.s32 $0xFFFFFFB0  }
0x35b: {  	_ =	swait.ge [sflag:s12], $0x50  }
0x35c: {  	[sflag:s12] =	ssyncset.done $0x0  }
0x35d: {  	[sflag:s12] =	ssyncadd.s32 $0xFFFFFFB0  }
0x35e: {  	_ =	swait.ge [sflag:s12], $0x50  }
0x35f: {  	[sflag:s12] =	ssyncset.done $0x0  }
0x360: {  	[sflag:s12] =	ssyncadd.s32 $0xFFFFFFB0  }
0x361: {  	_ =	swait.ge [sflag:s12], $0x50  }
0x362: {  	[sflag:s12] =	ssyncset.done $0x0  }
0x363: {  	[sflag:s12] =	ssyncadd.s32 $0xFFFFFFB0  }
0x364: {  	_ =	swait.ge [sflag:s12], $0x50  }
0x365: {  	[sflag:s12] =	ssyncset.done $0x0  }
0x366: {  	[sflag:s12] =	ssyncadd.s32 $0xFFFFFFB0  }
0x367: {  	_ =	swait.ge [sflag:s12], $0x50  }
0x368: {  	[sflag:s12] =	ssyncset.done $0x0  }
0x369: {  	[sflag:s12] =	ssyncadd.s32 $0xFFFFFFB0  }
0x36a: {  	_ =	swait.ge [sflag:s12], $0x50  }
0x36b: {  	[sflag:s12] =	ssyncset.done $0x0  }
0x36c: {  	[sflag:s12] =	ssyncadd.s32 $0xFFFFFFB0  }
0x36d: {  	_ =	swait.ge [sflag:s12], $0x50  }
0x36e: {  	[sflag:s12] =	ssyncset.done $0x0  }
0x36f: {  	[sflag:s12] =	ssyncadd.s32 $0xFFFFFFB0  }
0x370: {  	_ =	swait.ge [sflag:s12], $0x50  }
0x371: {  	[sflag:s12] =	ssyncset.done $0x0  }
0x372: {  	[sflag:s12] =	ssyncadd.s32 $0xFFFFFFB0  }
0x373: {  	_ =	swait.ge [sflag:s12], $0x50  }
0x374: {  	[sflag:s12] =	ssyncset.done $0x0  }
0x375: {  	[sflag:s12] =	ssyncadd.s32 $0xFFFFFFB0  }
0x376: {  	_ =	swait.ge [sflag:s12], $0x50  }
0x377: {  	[sflag:s12] =	ssyncset.done $0x0  }
0x378: {  	[sflag:s12] =	ssyncadd.s32 $0xFFFFFFB0  }
0x379: {  	_ =	swait.ge [sflag:s12], $0x50  }
0x37a: {  	[sflag:s12] =	ssyncset.done $0x0  }
0x37b: {  	[sflag:s12] =	ssyncadd.s32 $0xFFFFFFB0  }
0x37c: {  	_ =	swait.ge [sflag:s12], $0x50  }
0x37d: {  	[sflag:s12] =	ssyncset.done $0x0  }
0x37e: {  	[sflag:s12] =	ssyncadd.s32 $0xFFFFFFB0  }
0x37f: {  	_ =	swait.ge [sflag:s12], $0x50  }
0x380: {  	[sflag:s12] =	ssyncset.done $0x0  }
0x381: {  	[sflag:s12] =	ssyncadd.s32 $0xFFFFFFB0  }
0x382: {  	_ =	swait.ge [sflag:s12], $0x50  }
0x383: {  	[sflag:s12] =	ssyncset.done $0x0  }
0x384: {  	[sflag:s12] =	ssyncadd.s32 $0xFFFFFFB0  }
0x385: {  	_ =	swait.ge [sflag:s12], $0x50  }
0x386: {  	[sflag:s12] =	ssyncset.done $0x0  }
0x387: {  	s0 =	rddreg [dreg:$0x6];
	[sflag:s12] =	ssyncadd.s32 $0xFFFFFFB0  }
0x388: {  	[tilespmem:s13], [sflag:$0x1] =	stream.linear.gather [hbm4b:s0+s4], $0xC80, $0x38;
	[tilespmem:$0x2580] =	vst v63  }
0x389: {  	s0 =	simm.s32 $0x2  }
0x38a: {  	_ =	swait.ge [sflag:s0], $0xC80  }
0x38b: {  	[sflag:s0] =	ssyncset.done $0x0  }
0x38c: {  	[sflag:s0] =	ssyncadd.s32 $0xFFFFF380  }
0x38d: {  	[spmem:s1] =	stream.indirect.scatter.add.f32 [tilespmem:s10], [sflag:$0x3], $0x1, s3, s9, $0xb8;
	[tilespmem:$0x2580] =	vst v63  }
0x38e: {  	s5 =	simm.s32 $0x1300  }
0x38f: {  	[spmem:s1] =	stream.indirect.scatter.add.f32 [tilespmem:s10], [sflag:$0x3], $0x1, s5, s9, $0xb8;
	[tilespmem:$0x2580] =	vst v63  }
0x390: {  	s5 =	simm.s32 $0x1380  }
0x391: {  	[spmem:s1] =	stream.indirect.scatter.add.f32 [tilespmem:s10], [sflag:$0x3], $0x1, s5, s9, $0xb8;
	[tilespmem:$0x2580] =	vst v63  }
0x392: {  	_ = 	snop  }
0x393: {  	[spmem:s1] =	stream.indirect.scatter.add.f32 [tilespmem:s10], [sflag:$0x3], $0x1, s6, s9, $0xb8;
	[tilespmem:$0x2580] =	vst v63  }
0x394: {  	_ = 	snop  }
0x395: {  	[spmem:s1] =	stream.indirect.scatter.add.f32 [tilespmem:s10], [sflag:$0x3], $0x1, s7, s9, $0xb8;
	[tilespmem:$0x2580] =	vst v63  }
0x396: {  	_ = 	snop  }
0x397: {  	[spmem:s1] =	stream.indirect.scatter.add.f32 [tilespmem:s10], [sflag:$0x3], $0x1, s8, s9, $0xb8;
	[tilespmem:$0x2580] =	vst v63  }
0x398: {  	_ = 	snop  }
0x399: {  	[spmem:s1] =	stream.indirect.scatter.add.f32 [tilespmem:s10], [sflag:$0x3], $0x1, s11, s9, $0xb8;
	[tilespmem:$0x2580] =	vst v63  }
0x39a: {  	s16 =	simm.s32 $0x1600  }
0x39b: {  	[spmem:s1] =	stream.indirect.scatter.add.f32 [tilespmem:s10], [sflag:$0x3], $0x1, s16, s9, $0xb8;
	[tilespmem:$0x2580] =	vst v63  }
0x39c: {  	s17 =	simm.s32 $0x1680  }
0x39d: {  	[spmem:s1] =	stream.indirect.scatter.add.f32 [tilespmem:s10], [sflag:$0x3], $0x1, s17, s9, $0xb8;
	[tilespmem:$0x2580] =	vst v63  }
0x39e: {  	_ = 	snop  }
0x39f: {  	[spmem:s1] =	stream.indirect.scatter.add.f32 [tilespmem:s10], [sflag:$0x3], $0x1, s18, s9, $0xb8;
	[tilespmem:$0x2580] =	vst v63  }
0x3a0: {  	_ = 	snop  }
0x3a1: {  	[spmem:s1] =	stream.indirect.scatter.add.f32 [tilespmem:s10], [sflag:$0x3], $0x1, s19, s9, $0xb8;
	[tilespmem:$0x2580] =	vst v63  }
0x3a2: {  	_ = 	snop  }
0x3a3: {  	[spmem:s1] =	stream.indirect.scatter.add.f32 [tilespmem:s10], [sflag:$0x3], $0x1, s20, s9, $0xb8;
	[tilespmem:$0x2580] =	vst v63  }
0x3a4: {  	_ = 	snop  }
0x3a5: {  	[spmem:s1] =	stream.indirect.scatter.add.f32 [tilespmem:s10], [sflag:$0x3], $0x1, s21, s9, $0xb8;
	[tilespmem:$0x2580] =	vst v63  }
0x3a6: {  	_ = 	snop  }
0x3a7: {  	[spmem:s1] =	stream.indirect.scatter.add.f32 [tilespmem:s10], [sflag:$0x3], $0x1, s22, s9, $0xb8;
	[tilespmem:$0x2580] =	vst v63  }
0x3a8: {  	_ = 	snop  }
0x3a9: {  	[spmem:s1] =	stream.indirect.scatter.add.f32 [tilespmem:s10], [sflag:$0x3], $0x1, s23, s9, $0xb8;
	[tilespmem:$0x2580] =	vst v63  }
0x3aa: {  	_ = 	snop  }
0x3ab: {  	[spmem:s1] =	stream.indirect.scatter.add.f32 [tilespmem:s10], [sflag:$0x3], $0x1, s24, s9, $0xb8;
	[tilespmem:$0x2580] =	vst v63  }
0x3ac: {  	_ = 	snop  }
0x3ad: {  	[spmem:s1] =	stream.indirect.scatter.add.f32 [tilespmem:s10], [sflag:$0x3], $0x1, s25, s9, $0xb8;
	[tilespmem:$0x2580] =	vst v63  }
0x3ae: {  	_ = 	snop  }
0x3af: {  	[spmem:s1] =	stream.indirect.scatter.add.f32 [tilespmem:s10], [sflag:$0x3], $0x1, s26, s9, $0xb8;
	[tilespmem:$0x2580] =	vst v63  }
0x3b0: {  	_ = 	snop  }
0x3b1: {  	[spmem:s1] =	stream.indirect.scatter.add.f32 [tilespmem:s10], [sflag:$0x3], $0x1, s28, s9, $0xb8;
	[tilespmem:$0x2580] =	vst v63  }
0x3b2: {  	_ = 	snop  }
0x3b3: {  	[spmem:s1] =	stream.indirect.scatter.add.f32 [tilespmem:s10], [sflag:$0x3], $0x1, s29, s9, $0xb8;
	[tilespmem:$0x2580] =	vst v63  }
0x3b4: {  	_ = 	snop  }
0x3b5: {  	[spmem:s1] =	stream.indirect.scatter.add.f32 [tilespmem:s10], [sflag:$0x3], $0x1, s30, s9, $0xb8;
	[tilespmem:$0x2580] =	vst v63  }
0x3b6: {  	_ = 	snop  }
0x3b7: {  	[spmem:s1] =	stream.indirect.scatter.add.f32 [tilespmem:s10], [sflag:$0x3], $0x1, s31, s9, $0xb8;
	[tilespmem:$0x2580] =	vst v63  }
0x3b8: {  	s15 =	simm.s32 $0x1D80  }
0x3b9: {  	[spmem:s1] =	stream.indirect.scatter.add.f32 [tilespmem:s10], [sflag:$0x3], $0x1, s15, s9, $0xb8;
	[tilespmem:$0x2580] =	vst v63  }
0x3ba: {  	s15 =	simm.s32 $0x1E00  }
0x3bb: {  	[spmem:s1] =	stream.indirect.scatter.add.f32 [tilespmem:s10], [sflag:$0x3], $0x1, s15, s9, $0xb8;
	[tilespmem:$0x2580] =	vst v63  }
0x3bc: {  	s15 =	simm.s32 $0x1E80  }
0x3bd: {  	[spmem:s1] =	stream.indirect.scatter.add.f32 [tilespmem:s10], [sflag:$0x3], $0x1, s15, s9, $0xb8;
	[tilespmem:$0x2580] =	vst v63  }
0x3be: {  	_ =	swait.ge [sflag:s12], $0x50  }
0x3bf: {  	[sflag:s12] =	ssyncset.done $0x0  }
0x3c0: {  	[sflag:s12] =	ssyncadd.s32 $0xFFFFFFB0  }
0x3c1: {  	_ =	swait.ge [sflag:s12], $0x50  }
0x3c2: {  	[sflag:s12] =	ssyncset.done $0x0  }
0x3c3: {  	[sflag:s12] =	ssyncadd.s32 $0xFFFFFFB0  }
0x3c4: {  	_ =	swait.ge [sflag:s12], $0x50  }
0x3c5: {  	[sflag:s12] =	ssyncset.done $0x0  }
0x3c6: {  	[sflag:s12] =	ssyncadd.s32 $0xFFFFFFB0  }
0x3c7: {  	_ =	swait.ge [sflag:s12], $0x50  }
0x3c8: {  	[sflag:s12] =	ssyncset.done $0x0  }
0x3c9: {  	[sflag:s12] =	ssyncadd.s32 $0xFFFFFFB0  }
0x3ca: {  	_ =	swait.ge [sflag:s12], $0x50  }
0x3cb: {  	[sflag:s12] =	ssyncset.done $0x0  }
0x3cc: {  	[sflag:s12] =	ssyncadd.s32 $0xFFFFFFB0  }
0x3cd: {  	_ =	swait.ge [sflag:s12], $0x50  }
0x3ce: {  	[sflag:s12] =	ssyncset.done $0x0  }
0x3cf: {  	[sflag:s12] =	ssyncadd.s32 $0xFFFFFFB0  }
0x3d0: {  	_ =	swait.ge [sflag:s12], $0x50  }
0x3d1: {  	[sflag:s12] =	ssyncset.done $0x0  }
0x3d2: {  	[sflag:s12] =	ssyncadd.s32 $0xFFFFFFB0  }
0x3d3: {  	_ =	swait.ge [sflag:s12], $0x50  }
0x3d4: {  	[sflag:s12] =	ssyncset.done $0x0  }
0x3d5: {  	[sflag:s12] =	ssyncadd.s32 $0xFFFFFFB0  }
0x3d6: {  	_ =	swait.ge [sflag:s12], $0x50  }
0x3d7: {  	[sflag:s12] =	ssyncset.done $0x0  }
0x3d8: {  	[sflag:s12] =	ssyncadd.s32 $0xFFFFFFB0  }
0x3d9: {  	_ =	swait.ge [sflag:s12], $0x50  }
0x3da: {  	[sflag:s12] =	ssyncset.done $0x0  }
0x3db: {  	[sflag:s12] =	ssyncadd.s32 $0xFFFFFFB0  }
0x3dc: {  	_ =	swait.ge [sflag:s12], $0x50  }
0x3dd: {  	[sflag:s12] =	ssyncset.done $0x0  }
0x3de: {  	[sflag:s12] =	ssyncadd.s32 $0xFFFFFFB0  }
0x3df: {  	_ =	swait.ge [sflag:s12], $0x50  }
0x3e0: {  	[sflag:s12] =	ssyncset.done $0x0  }
0x3e1: {  	[sflag:s12] =	ssyncadd.s32 $0xFFFFFFB0  }
0x3e2: {  	_ =	swait.ge [sflag:s12], $0x50  }
0x3e3: {  	[sflag:s12] =	ssyncset.done $0x0  }
0x3e4: {  	[sflag:s12] =	ssyncadd.s32 $0xFFFFFFB0  }
0x3e5: {  	_ =	swait.ge [sflag:s12], $0x50  }
0x3e6: {  	[sflag:s12] =	ssyncset.done $0x0  }
0x3e7: {  	[sflag:s12] =	ssyncadd.s32 $0xFFFFFFB0  }
0x3e8: {  	_ =	swait.ge [sflag:s12], $0x50  }
0x3e9: {  	[sflag:s12] =	ssyncset.done $0x0  }
0x3ea: {  	[sflag:s12] =	ssyncadd.s32 $0xFFFFFFB0  }
0x3eb: {  	_ =	swait.ge [sflag:s12], $0x50  }
0x3ec: {  	[sflag:s12] =	ssyncset.done $0x0  }
0x3ed: {  	[sflag:s12] =	ssyncadd.s32 $0xFFFFFFB0  }
0x3ee: {  	_ =	swait.ge [sflag:s12], $0x50  }
0x3ef: {  	[sflag:s12] =	ssyncset.done $0x0  }
0x3f0: {  	[sflag:s12] =	ssyncadd.s32 $0xFFFFFFB0  }
0x3f1: {  	_ =	swait.ge [sflag:s12], $0x50  }
0x3f2: {  	[sflag:s12] =	ssyncset.done $0x0  }
0x3f3: {  	[sflag:s12] =	ssyncadd.s32 $0xFFFFFFB0  }
0x3f4: {  	_ =	swait.ge [sflag:s12], $0x50  }
0x3f5: {  	[sflag:s12] =	ssyncset.done $0x0  }
0x3f6: {  	[sflag:s12] =	ssyncadd.s32 $0xFFFFFFB0  }
0x3f7: {  	_ =	swait.ge [sflag:s12], $0x50  }
0x3f8: {  	[sflag:s12] =	ssyncset.done $0x0  }
0x3f9: {  	[sflag:s12] =	ssyncadd.s32 $0xFFFFFFB0  }
0x3fa: {  	_ =	swait.ge [sflag:s12], $0x50  }
0x3fb: {  	[sflag:s12] =	ssyncset.done $0x0  }
0x3fc: {  	[sflag:s12] =	ssyncadd.s32 $0xFFFFFFB0  }
0x3fd: {  	_ =	swait.ge [sflag:s12], $0x50  }
0x3fe: {  	[sflag:s12] =	ssyncset.done $0x0  }
0x3ff: {  	[sflag:s12] =	ssyncadd.s32 $0xFFFFFFB0  }
0x400: {  	_ =	swait.ge [sflag:s12], $0x50  }
0x401: {  	[sflag:s12] =	ssyncset.done $0x0  }
0x402: {  	[sflag:s12] =	ssyncadd.s32 $0xFFFFFFB0  }
0x403: {  	_ =	swait.ge [sflag:s12], $0x50  }
0x404: {  	[sflag:s12] =	ssyncset.done $0x0  }
0x405: {  	[sflag:s12] =	ssyncadd.s32 $0xFFFFFFB0  }
0x406: {  	_ =	swait.ge [sflag:s12], $0x50  }
0x407: {  	[sflag:s12] =	ssyncset.done $0x0  }
0x408: {  	s15 =	rddreg [dreg:$0x7];
	[sflag:s12] =	ssyncadd.s32 $0xFFFFFFB0  }
0x409: {  	[tilespmem:s3], [sflag:$0x2] =	stream.linear.gather [hbm4b:s15+s4], $0xC80, $0x38;
	[tilespmem:$0x2580] =	vst v63  }
0x40a: {  	_ =	swait.ge [sflag:s2], $0xC80  }
0x40b: {  	[sflag:s2] =	ssyncset.done $0x0  }
0x40c: {  	[sflag:s2] =	ssyncadd.s32 $0xFFFFF380  }
0x40d: {  	[spmem:s1] =	stream.indirect.scatter.add.f32 [tilespmem:s10], [sflag:$0x3], $0x1, s13, s9, $0xb8;
	[tilespmem:$0x2580] =	vst v63  }
0x40e: {  	s15 =	simm.s32 $0x300  }
0x40f: {  	[spmem:s1] =	stream.indirect.scatter.add.f32 [tilespmem:s10], [sflag:$0x3], $0x1, s15, s9, $0xb8;
	[tilespmem:$0x2580] =	vst v63  }
0x410: {  	s15 =	simm.s32 $0x380  }
0x411: {  	[spmem:s1] =	stream.indirect.scatter.add.f32 [tilespmem:s10], [sflag:$0x3], $0x1, s15, s9, $0xb8;
	[tilespmem:$0x2580] =	vst v63  }
0x412: {  	s15 =	simm.s32 $0x400  }
0x413: {  	[spmem:s1] =	stream.indirect.scatter.add.f32 [tilespmem:s10], [sflag:$0x3], $0x1, s15, s9, $0xb8;
	[tilespmem:$0x2580] =	vst v63  }
0x414: {  	s15 =	simm.s32 $0x480  }
0x415: {  	[spmem:s1] =	stream.indirect.scatter.add.f32 [tilespmem:s10], [sflag:$0x3], $0x1, s15, s9, $0xb8;
	[tilespmem:$0x2580] =	vst v63  }
0x416: {  	s15 =	simm.s32 $0x500  }
0x417: {  	[spmem:s1] =	stream.indirect.scatter.add.f32 [tilespmem:s10], [sflag:$0x3], $0x1, s15, s9, $0xb8;
	[tilespmem:$0x2580] =	vst v63  }
0x418: {  	s15 =	simm.s32 $0x580  }
0x419: {  	[spmem:s1] =	stream.indirect.scatter.add.f32 [tilespmem:s10], [sflag:$0x3], $0x1, s15, s9, $0xb8;
	[tilespmem:$0x2580] =	vst v63  }
0x41a: {  	s15 =	simm.s32 $0x600  }
0x41b: {  	[spmem:s1] =	stream.indirect.scatter.add.f32 [tilespmem:s10], [sflag:$0x3], $0x1, s15, s9, $0xb8;
	[tilespmem:$0x2580] =	vst v63  }
0x41c: {  	s15 =	simm.s32 $0x680  }
0x41d: {  	[spmem:s1] =	stream.indirect.scatter.add.f32 [tilespmem:s10], [sflag:$0x3], $0x1, s15, s9, $0xb8;
	[tilespmem:$0x2580] =	vst v63  }
0x41e: {  	s15 =	simm.s32 $0x700  }
0x41f: {  	[spmem:s1] =	stream.indirect.scatter.add.f32 [tilespmem:s10], [sflag:$0x3], $0x1, s15, s9, $0xb8;
	[tilespmem:$0x2580] =	vst v63  }
0x420: {  	s15 =	simm.s32 $0x780  }
0x421: {  	[spmem:s1] =	stream.indirect.scatter.add.f32 [tilespmem:s10], [sflag:$0x3], $0x1, s15, s9, $0xb8;
	[tilespmem:$0x2580] =	vst v63  }
0x422: {  	s15 =	simm.s32 $0x800  }
0x423: {  	[spmem:s1] =	stream.indirect.scatter.add.f32 [tilespmem:s10], [sflag:$0x3], $0x1, s15, s9, $0xb8;
	[tilespmem:$0x2580] =	vst v63  }
0x424: {  	s15 =	simm.s32 $0x880  }
0x425: {  	[spmem:s1] =	stream.indirect.scatter.add.f32 [tilespmem:s10], [sflag:$0x3], $0x1, s15, s9, $0xb8;
	[tilespmem:$0x2580] =	vst v63  }
0x426: {  	s15 =	simm.s32 $0x900  }
0x427: {  	[spmem:s1] =	stream.indirect.scatter.add.f32 [tilespmem:s10], [sflag:$0x3], $0x1, s15, s9, $0xb8;
	[tilespmem:$0x2580] =	vst v63  }
0x428: {  	s15 =	simm.s32 $0x980  }
0x429: {  	[spmem:s1] =	stream.indirect.scatter.add.f32 [tilespmem:s10], [sflag:$0x3], $0x1, s15, s9, $0xb8;
	[tilespmem:$0x2580] =	vst v63  }
0x42a: {  	s15 =	simm.s32 $0xA00  }
0x42b: {  	[spmem:s1] =	stream.indirect.scatter.add.f32 [tilespmem:s10], [sflag:$0x3], $0x1, s15, s9, $0xb8;
	[tilespmem:$0x2580] =	vst v63  }
0x42c: {  	s15 =	simm.s32 $0xA80  }
0x42d: {  	[spmem:s1] =	stream.indirect.scatter.add.f32 [tilespmem:s10], [sflag:$0x3], $0x1, s15, s9, $0xb8;
	[tilespmem:$0x2580] =	vst v63  }
0x42e: {  	s15 =	simm.s32 $0xB00  }
0x42f: {  	[spmem:s1] =	stream.indirect.scatter.add.f32 [tilespmem:s10], [sflag:$0x3], $0x1, s15, s9, $0xb8;
	[tilespmem:$0x2580] =	vst v63  }
0x430: {  	s15 =	simm.s32 $0xB80  }
0x431: {  	[spmem:s1] =	stream.indirect.scatter.add.f32 [tilespmem:s10], [sflag:$0x3], $0x1, s15, s9, $0xb8;
	[tilespmem:$0x2580] =	vst v63  }
0x432: {  	s15 =	simm.s32 $0xC00  }
0x433: {  	[spmem:s1] =	stream.indirect.scatter.add.f32 [tilespmem:s10], [sflag:$0x3], $0x1, s15, s9, $0xb8;
	[tilespmem:$0x2580] =	vst v63  }
0x434: {  	s15 =	simm.s32 $0xC80  }
0x435: {  	[spmem:s1] =	stream.indirect.scatter.add.f32 [tilespmem:s10], [sflag:$0x3], $0x1, s15, s9, $0xb8;
	[tilespmem:$0x2580] =	vst v63  }
0x436: {  	s15 =	simm.s32 $0xD00  }
0x437: {  	[spmem:s1] =	stream.indirect.scatter.add.f32 [tilespmem:s10], [sflag:$0x3], $0x1, s15, s9, $0xb8;
	[tilespmem:$0x2580] =	vst v63  }
0x438: {  	s15 =	simm.s32 $0xD80  }
0x439: {  	[spmem:s1] =	stream.indirect.scatter.add.f32 [tilespmem:s10], [sflag:$0x3], $0x1, s15, s9, $0xb8;
	[tilespmem:$0x2580] =	vst v63  }
0x43a: {  	s15 =	simm.s32 $0xE00  }
0x43b: {  	[spmem:s1] =	stream.indirect.scatter.add.f32 [tilespmem:s10], [sflag:$0x3], $0x1, s15, s9, $0xb8;
	[tilespmem:$0x2580] =	vst v63  }
0x43c: {  	s15 =	simm.s32 $0xE80  }
0x43d: {  	[spmem:s1] =	stream.indirect.scatter.add.f32 [tilespmem:s10], [sflag:$0x3], $0x1, s15, s9, $0xb8;
	[tilespmem:$0x2580] =	vst v63  }
0x43e: {  	_ =	swait.ge [sflag:s12], $0x50  }
0x43f: {  	[sflag:s12] =	ssyncset.done $0x0  }
0x440: {  	[sflag:s12] =	ssyncadd.s32 $0xFFFFFFB0  }
0x441: {  	_ =	swait.ge [sflag:s12], $0x50  }
0x442: {  	[sflag:s12] =	ssyncset.done $0x0  }
0x443: {  	[sflag:s12] =	ssyncadd.s32 $0xFFFFFFB0  }
0x444: {  	_ =	swait.ge [sflag:s12], $0x50  }
0x445: {  	[sflag:s12] =	ssyncset.done $0x0  }
0x446: {  	[sflag:s12] =	ssyncadd.s32 $0xFFFFFFB0  }
0x447: {  	_ =	swait.ge [sflag:s12], $0x50  }
0x448: {  	[sflag:s12] =	ssyncset.done $0x0  }
0x449: {  	[sflag:s12] =	ssyncadd.s32 $0xFFFFFFB0  }
0x44a: {  	_ =	swait.ge [sflag:s12], $0x50  }
0x44b: {  	[sflag:s12] =	ssyncset.done $0x0  }
0x44c: {  	[sflag:s12] =	ssyncadd.s32 $0xFFFFFFB0  }
0x44d: {  	_ =	swait.ge [sflag:s12], $0x50  }
0x44e: {  	[sflag:s12] =	ssyncset.done $0x0  }
0x44f: {  	[sflag:s12] =	ssyncadd.s32 $0xFFFFFFB0  }
0x450: {  	_ =	swait.ge [sflag:s12], $0x50  }
0x451: {  	[sflag:s12] =	ssyncset.done $0x0  }
0x452: {  	[sflag:s12] =	ssyncadd.s32 $0xFFFFFFB0  }
0x453: {  	_ =	swait.ge [sflag:s12], $0x50  }
0x454: {  	[sflag:s12] =	ssyncset.done $0x0  }
0x455: {  	[sflag:s12] =	ssyncadd.s32 $0xFFFFFFB0  }
0x456: {  	_ =	swait.ge [sflag:s12], $0x50  }
0x457: {  	[sflag:s12] =	ssyncset.done $0x0  }
0x458: {  	[sflag:s12] =	ssyncadd.s32 $0xFFFFFFB0  }
0x459: {  	_ =	swait.ge [sflag:s12], $0x50  }
0x45a: {  	[sflag:s12] =	ssyncset.done $0x0  }
0x45b: {  	[sflag:s12] =	ssyncadd.s32 $0xFFFFFFB0  }
0x45c: {  	_ =	swait.ge [sflag:s12], $0x50  }
0x45d: {  	[sflag:s12] =	ssyncset.done $0x0  }
0x45e: {  	[sflag:s12] =	ssyncadd.s32 $0xFFFFFFB0  }
0x45f: {  	_ =	swait.ge [sflag:s12], $0x50  }
0x460: {  	[sflag:s12] =	ssyncset.done $0x0  }
0x461: {  	[sflag:s12] =	ssyncadd.s32 $0xFFFFFFB0  }
0x462: {  	_ =	swait.ge [sflag:s12], $0x50  }
0x463: {  	[sflag:s12] =	ssyncset.done $0x0  }
0x464: {  	[sflag:s12] =	ssyncadd.s32 $0xFFFFFFB0  }
0x465: {  	_ =	swait.ge [sflag:s12], $0x50  }
0x466: {  	[sflag:s12] =	ssyncset.done $0x0  }
0x467: {  	[sflag:s12] =	ssyncadd.s32 $0xFFFFFFB0  }
0x468: {  	_ =	swait.ge [sflag:s12], $0x50  }
0x469: {  	[sflag:s12] =	ssyncset.done $0x0  }
0x46a: {  	[sflag:s12] =	ssyncadd.s32 $0xFFFFFFB0  }
0x46b: {  	_ =	swait.ge [sflag:s12], $0x50  }
0x46c: {  	[sflag:s12] =	ssyncset.done $0x0  }
0x46d: {  	[sflag:s12] =	ssyncadd.s32 $0xFFFFFFB0  }
0x46e: {  	_ =	swait.ge [sflag:s12], $0x50  }
0x46f: {  	[sflag:s12] =	ssyncset.done $0x0  }
0x470: {  	[sflag:s12] =	ssyncadd.s32 $0xFFFFFFB0  }
0x471: {  	_ =	swait.ge [sflag:s12], $0x50  }
0x472: {  	[sflag:s12] =	ssyncset.done $0x0  }
0x473: {  	[sflag:s12] =	ssyncadd.s32 $0xFFFFFFB0  }
0x474: {  	_ =	swait.ge [sflag:s12], $0x50  }
0x475: {  	[sflag:s12] =	ssyncset.done $0x0  }
0x476: {  	[sflag:s12] =	ssyncadd.s32 $0xFFFFFFB0  }
0x477: {  	_ =	swait.ge [sflag:s12], $0x50  }
0x478: {  	[sflag:s12] =	ssyncset.done $0x0  }
0x479: {  	[sflag:s12] =	ssyncadd.s32 $0xFFFFFFB0  }
0x47a: {  	_ =	swait.ge [sflag:s12], $0x50  }
0x47b: {  	[sflag:s12] =	ssyncset.done $0x0  }
0x47c: {  	[sflag:s12] =	ssyncadd.s32 $0xFFFFFFB0  }
0x47d: {  	_ =	swait.ge [sflag:s12], $0x50  }
0x47e: {  	[sflag:s12] =	ssyncset.done $0x0  }
0x47f: {  	[sflag:s12] =	ssyncadd.s32 $0xFFFFFFB0  }
0x480: {  	_ =	swait.ge [sflag:s12], $0x50  }
0x481: {  	[sflag:s12] =	ssyncset.done $0x0  }
0x482: {  	[sflag:s12] =	ssyncadd.s32 $0xFFFFFFB0  }
0x483: {  	_ =	swait.ge [sflag:s12], $0x50  }
0x484: {  	[sflag:s12] =	ssyncset.done $0x0  }
0x485: {  	[sflag:s12] =	ssyncadd.s32 $0xFFFFFFB0  }
0x486: {  	_ =	swait.ge [sflag:s12], $0x50  }
0x487: {  	[sflag:s12] =	ssyncset.done $0x0  }
0x488: {  	s15 =	rddreg [dreg:$0x8];
	[sflag:s12] =	ssyncadd.s32 $0xFFFFFFB0  }
0x489: {  	[tilespmem:s13], [sflag:$0x1] =	stream.linear.gather [hbm4b:s15+s4], $0xC80, $0x38;
	[tilespmem:$0x2580] =	vst v63  }
0x48a: {  	_ =	swait.ge [sflag:s0], $0xC80  }
0x48b: {  	[sflag:s0] =	ssyncset.done $0x0  }
0x48c: {  	[sflag:s0] =	ssyncadd.s32 $0xFFFFF380  }
0x48d: {  	[spmem:s1] =	stream.indirect.scatter.add.f32 [tilespmem:s10], [sflag:$0x3], $0x1, s3, s9, $0xb8;
	[tilespmem:$0x2580] =	vst v63  }
0x48e: {  	s3 =	simm.s32 $0x1300  }
0x48f: {  	[spmem:s1] =	stream.indirect.scatter.add.f32 [tilespmem:s10], [sflag:$0x3], $0x1, s3, s9, $0xb8;
	[tilespmem:$0x2580] =	vst v63  }
0x490: {  	_ = 	snop  }
0x491: {  	[spmem:s1] =	stream.indirect.scatter.add.f32 [tilespmem:s10], [sflag:$0x3], $0x1, s5, s9, $0xb8;
	[tilespmem:$0x2580] =	vst v63  }
0x492: {  	_ = 	snop  }
0x493: {  	[spmem:s1] =	stream.indirect.scatter.add.f32 [tilespmem:s10], [sflag:$0x3], $0x1, s6, s9, $0xb8;
	[tilespmem:$0x2580] =	vst v63  }
0x494: {  	_ = 	snop  }
0x495: {  	[spmem:s1] =	stream.indirect.scatter.add.f32 [tilespmem:s10], [sflag:$0x3], $0x1, s7, s9, $0xb8;
	[tilespmem:$0x2580] =	vst v63  }
0x496: {  	_ = 	snop  }
0x497: {  	[spmem:s1] =	stream.indirect.scatter.add.f32 [tilespmem:s10], [sflag:$0x3], $0x1, s8, s9, $0xb8;
	[tilespmem:$0x2580] =	vst v63  }
0x498: {  	_ = 	snop  }
0x499: {  	[spmem:s1] =	stream.indirect.scatter.add.f32 [tilespmem:s10], [sflag:$0x3], $0x1, s11, s9, $0xb8;
	[tilespmem:$0x2580] =	vst v63  }
0x49a: {  	_ = 	snop  }
0x49b: {  	[spmem:s1] =	stream.indirect.scatter.add.f32 [tilespmem:s10], [sflag:$0x3], $0x1, s16, s9, $0xb8;
	[tilespmem:$0x2580] =	vst v63  }
0x49c: {  	_ = 	snop  }
0x49d: {  	[spmem:s1] =	stream.indirect.scatter.add.f32 [tilespmem:s10], [sflag:$0x3], $0x1, s17, s9, $0xb8;
	[tilespmem:$0x2580] =	vst v63  }
0x49e: {  	_ = 	snop  }
0x49f: {  	[spmem:s1] =	stream.indirect.scatter.add.f32 [tilespmem:s10], [sflag:$0x3], $0x1, s18, s9, $0xb8;
	[tilespmem:$0x2580] =	vst v63  }
0x4a0: {  	_ = 	snop  }
0x4a1: {  	[spmem:s1] =	stream.indirect.scatter.add.f32 [tilespmem:s10], [sflag:$0x3], $0x1, s19, s9, $0xb8;
	[tilespmem:$0x2580] =	vst v63  }
0x4a2: {  	_ = 	snop  }
0x4a3: {  	[spmem:s1] =	stream.indirect.scatter.add.f32 [tilespmem:s10], [sflag:$0x3], $0x1, s20, s9, $0xb8;
	[tilespmem:$0x2580] =	vst v63  }
0x4a4: {  	_ = 	snop  }
0x4a5: {  	[spmem:s1] =	stream.indirect.scatter.add.f32 [tilespmem:s10], [sflag:$0x3], $0x1, s21, s9, $0xb8;
	[tilespmem:$0x2580] =	vst v63  }
0x4a6: {  	_ = 	snop  }
0x4a7: {  	[spmem:s1] =	stream.indirect.scatter.add.f32 [tilespmem:s10], [sflag:$0x3], $0x1, s22, s9, $0xb8;
	[tilespmem:$0x2580] =	vst v63  }
0x4a8: {  	_ = 	snop  }
0x4a9: {  	[spmem:s1] =	stream.indirect.scatter.add.f32 [tilespmem:s10], [sflag:$0x3], $0x1, s23, s9, $0xb8;
	[tilespmem:$0x2580] =	vst v63  }
0x4aa: {  	_ = 	snop  }
0x4ab: {  	[spmem:s1] =	stream.indirect.scatter.add.f32 [tilespmem:s10], [sflag:$0x3], $0x1, s24, s9, $0xb8;
	[tilespmem:$0x2580] =	vst v63  }
0x4ac: {  	_ = 	snop  }
0x4ad: {  	[spmem:s1] =	stream.indirect.scatter.add.f32 [tilespmem:s10], [sflag:$0x3], $0x1, s25, s9, $0xb8;
	[tilespmem:$0x2580] =	vst v63  }
0x4ae: {  	_ = 	snop  }
0x4af: {  	[spmem:s1] =	stream.indirect.scatter.add.f32 [tilespmem:s10], [sflag:$0x3], $0x1, s26, s9, $0xb8;
	[tilespmem:$0x2580] =	vst v63  }
0x4b0: {  	_ = 	snop  }
0x4b1: {  	[spmem:s1] =	stream.indirect.scatter.add.f32 [tilespmem:s10], [sflag:$0x3], $0x1, s28, s9, $0xb8;
	[tilespmem:$0x2580] =	vst v63  }
0x4b2: {  	_ = 	snop  }
0x4b3: {  	[spmem:s1] =	stream.indirect.scatter.add.f32 [tilespmem:s10], [sflag:$0x3], $0x1, s29, s9, $0xb8;
	[tilespmem:$0x2580] =	vst v63  }
0x4b4: {  	_ = 	snop  }
0x4b5: {  	[spmem:s1] =	stream.indirect.scatter.add.f32 [tilespmem:s10], [sflag:$0x3], $0x1, s30, s9, $0xb8;
	[tilespmem:$0x2580] =	vst v63  }
0x4b6: {  	_ = 	snop  }
0x4b7: {  	[spmem:s1] =	stream.indirect.scatter.add.f32 [tilespmem:s10], [sflag:$0x3], $0x1, s31, s9, $0xb8;
	[tilespmem:$0x2580] =	vst v63  }
0x4b8: {  	s5 =	simm.s32 $0x1D80  }
0x4b9: {  	[spmem:s1] =	stream.indirect.scatter.add.f32 [tilespmem:s10], [sflag:$0x3], $0x1, s5, s9, $0xb8;
	[tilespmem:$0x2580] =	vst v63  }
0x4ba: {  	s15 =	simm.s32 $0x1E00  }
0x4bb: {  	[spmem:s1] =	stream.indirect.scatter.add.f32 [tilespmem:s10], [sflag:$0x3], $0x1, s15, s9, $0xb8;
	[tilespmem:$0x2580] =	vst v63  }
0x4bc: {  	s16 =	simm.s32 $0x1E80  }
0x4bd: {  	[spmem:s1] =	stream.indirect.scatter.add.f32 [tilespmem:s10], [sflag:$0x3], $0x1, s16, s9, $0xb8;
	[tilespmem:$0x2580] =	vst v63  }
0x4be: {  	_ =	swait.ge [sflag:s12], $0x50  }
0x4bf: {  	[sflag:s12] =	ssyncset.done $0x0  }
0x4c0: {  	[sflag:s12] =	ssyncadd.s32 $0xFFFFFFB0  }
0x4c1: {  	_ =	swait.ge [sflag:s12], $0x50  }
0x4c2: {  	[sflag:s12] =	ssyncset.done $0x0  }
0x4c3: {  	[sflag:s12] =	ssyncadd.s32 $0xFFFFFFB0  }
0x4c4: {  	_ =	swait.ge [sflag:s12], $0x50  }
0x4c5: {  	[sflag:s12] =	ssyncset.done $0x0  }
0x4c6: {  	[sflag:s12] =	ssyncadd.s32 $0xFFFFFFB0  }
0x4c7: {  	_ =	swait.ge [sflag:s12], $0x50  }
0x4c8: {  	[sflag:s12] =	ssyncset.done $0x0  }
0x4c9: {  	[sflag:s12] =	ssyncadd.s32 $0xFFFFFFB0  }
0x4ca: {  	_ =	swait.ge [sflag:s12], $0x50  }
0x4cb: {  	[sflag:s12] =	ssyncset.done $0x0  }
0x4cc: {  	[sflag:s12] =	ssyncadd.s32 $0xFFFFFFB0  }
0x4cd: {  	_ =	swait.ge [sflag:s12], $0x50  }
0x4ce: {  	[sflag:s12] =	ssyncset.done $0x0  }
0x4cf: {  	[sflag:s12] =	ssyncadd.s32 $0xFFFFFFB0  }
0x4d0: {  	_ =	swait.ge [sflag:s12], $0x50  }
0x4d1: {  	[sflag:s12] =	ssyncset.done $0x0  }
0x4d2: {  	[sflag:s12] =	ssyncadd.s32 $0xFFFFFFB0  }
0x4d3: {  	_ =	swait.ge [sflag:s12], $0x50  }
0x4d4: {  	[sflag:s12] =	ssyncset.done $0x0  }
0x4d5: {  	[sflag:s12] =	ssyncadd.s32 $0xFFFFFFB0  }
0x4d6: {  	_ =	swait.ge [sflag:s12], $0x50  }
0x4d7: {  	[sflag:s12] =	ssyncset.done $0x0  }
0x4d8: {  	[sflag:s12] =	ssyncadd.s32 $0xFFFFFFB0  }
0x4d9: {  	_ =	swait.ge [sflag:s12], $0x50  }
0x4da: {  	[sflag:s12] =	ssyncset.done $0x0  }
0x4db: {  	[sflag:s12] =	ssyncadd.s32 $0xFFFFFFB0  }
0x4dc: {  	_ =	swait.ge [sflag:s12], $0x50  }
0x4dd: {  	[sflag:s12] =	ssyncset.done $0x0  }
0x4de: {  	[sflag:s12] =	ssyncadd.s32 $0xFFFFFFB0  }
0x4df: {  	_ =	swait.ge [sflag:s12], $0x50  }
0x4e0: {  	[sflag:s12] =	ssyncset.done $0x0  }
0x4e1: {  	[sflag:s12] =	ssyncadd.s32 $0xFFFFFFB0  }
0x4e2: {  	_ =	swait.ge [sflag:s12], $0x50  }
0x4e3: {  	[sflag:s12] =	ssyncset.done $0x0  }
0x4e4: {  	[sflag:s12] =	ssyncadd.s32 $0xFFFFFFB0  }
0x4e5: {  	_ =	swait.ge [sflag:s12], $0x50  }
0x4e6: {  	[sflag:s12] =	ssyncset.done $0x0  }
0x4e7: {  	[sflag:s12] =	ssyncadd.s32 $0xFFFFFFB0  }
0x4e8: {  	_ =	swait.ge [sflag:s12], $0x50  }
0x4e9: {  	[sflag:s12] =	ssyncset.done $0x0  }
0x4ea: {  	[sflag:s12] =	ssyncadd.s32 $0xFFFFFFB0  }
0x4eb: {  	_ =	swait.ge [sflag:s12], $0x50  }
0x4ec: {  	[sflag:s12] =	ssyncset.done $0x0  }
0x4ed: {  	[sflag:s12] =	ssyncadd.s32 $0xFFFFFFB0  }
0x4ee: {  	_ =	swait.ge [sflag:s12], $0x50  }
0x4ef: {  	[sflag:s12] =	ssyncset.done $0x0  }
0x4f0: {  	[sflag:s12] =	ssyncadd.s32 $0xFFFFFFB0  }
0x4f1: {  	_ =	swait.ge [sflag:s12], $0x50  }
0x4f2: {  	[sflag:s12] =	ssyncset.done $0x0  }
0x4f3: {  	[sflag:s12] =	ssyncadd.s32 $0xFFFFFFB0  }
0x4f4: {  	_ =	swait.ge [sflag:s12], $0x50  }
0x4f5: {  	[sflag:s12] =	ssyncset.done $0x0  }
0x4f6: {  	[sflag:s12] =	ssyncadd.s32 $0xFFFFFFB0  }
0x4f7: {  	_ =	swait.ge [sflag:s12], $0x50  }
0x4f8: {  	[sflag:s12] =	ssyncset.done $0x0  }
0x4f9: {  	[sflag:s12] =	ssyncadd.s32 $0xFFFFFFB0  }
0x4fa: {  	_ =	swait.ge [sflag:s12], $0x50  }
0x4fb: {  	[sflag:s12] =	ssyncset.done $0x0  }
0x4fc: {  	[sflag:s12] =	ssyncadd.s32 $0xFFFFFFB0  }
0x4fd: {  	_ =	swait.ge [sflag:s12], $0x50  }
0x4fe: {  	[sflag:s12] =	ssyncset.done $0x0  }
0x4ff: {  	[sflag:s12] =	ssyncadd.s32 $0xFFFFFFB0  }
0x500: {  	_ =	swait.ge [sflag:s12], $0x50  }
0x501: {  	[sflag:s12] =	ssyncset.done $0x0  }
0x502: {  	[sflag:s12] =	ssyncadd.s32 $0xFFFFFFB0  }
0x503: {  	_ =	swait.ge [sflag:s12], $0x50  }
0x504: {  	[sflag:s12] =	ssyncset.done $0x0  }
0x505: {  	[sflag:s12] =	ssyncadd.s32 $0xFFFFFFB0  }
0x506: {  	_ =	swait.ge [sflag:s12], $0x50  }
0x507: {  	[sflag:s12] =	ssyncset.done $0x0  }
0x508: {  	[sflag:s12] =	ssyncadd.s32 $0xFFFFFFB0  }
0x509: {  	_ =	swait.ge [sflag:s2], $0xC80  }
0x50a: {  	[sflag:s2] =	ssyncset.done $0x0  }
0x50b: {  	[sflag:s2] =	ssyncadd.s32 $0xFFFFF380  }
0x50c: {  	[spmem:s1] =	stream.indirect.scatter.add.f32 [tilespmem:s10], [sflag:$0x3], $0x1, s13, s9, $0xb8;
	[tilespmem:$0x2580] =	vst v63  }
0x50d: {  	s17 =	simm.s32 $0x300  }
0x50e: {  	[spmem:s1] =	stream.indirect.scatter.add.f32 [tilespmem:s10], [sflag:$0x3], $0x1, s17, s9, $0xb8;
	[tilespmem:$0x2580] =	vst v63  }
0x50f: {  	s3 =	simm.s32 $0x380  }
0x510: {  	[spmem:s1] =	stream.indirect.scatter.add.f32 [tilespmem:s10], [sflag:$0x3], $0x1, s3, s9, $0xb8;
	[tilespmem:$0x2580] =	vst v63  }
0x511: {  	s5 =	simm.s32 $0x400  }
0x512: {  	[spmem:s1] =	stream.indirect.scatter.add.f32 [tilespmem:s10], [sflag:$0x3], $0x1, s5, s9, $0xb8;
	[tilespmem:$0x2580] =	vst v63  }
0x513: {  	s15 =	simm.s32 $0x480  }
0x514: {  	[spmem:s1] =	stream.indirect.scatter.add.f32 [tilespmem:s10], [sflag:$0x3], $0x1, s15, s9, $0xb8;
	[tilespmem:$0x2580] =	vst v63  }
0x515: {  	s16 =	simm.s32 $0x500  }
0x516: {  	[spmem:s1] =	stream.indirect.scatter.add.f32 [tilespmem:s10], [sflag:$0x3], $0x1, s16, s9, $0xb8;
	[tilespmem:$0x2580] =	vst v63  }
0x517: {  	s17 =	simm.s32 $0x580  }
0x518: {  	[spmem:s1] =	stream.indirect.scatter.add.f32 [tilespmem:s10], [sflag:$0x3], $0x1, s17, s9, $0xb8;
	[tilespmem:$0x2580] =	vst v63  }
0x519: {  	s3 =	simm.s32 $0x600  }
0x51a: {  	[spmem:s1] =	stream.indirect.scatter.add.f32 [tilespmem:s10], [sflag:$0x3], $0x1, s3, s9, $0xb8;
	[tilespmem:$0x2580] =	vst v63  }
0x51b: {  	s5 =	simm.s32 $0x680  }
0x51c: {  	[spmem:s1] =	stream.indirect.scatter.add.f32 [tilespmem:s10], [sflag:$0x3], $0x1, s5, s9, $0xb8;
	[tilespmem:$0x2580] =	vst v63  }
0x51d: {  	s15 =	simm.s32 $0x700  }
0x51e: {  	[spmem:s1] =	stream.indirect.scatter.add.f32 [tilespmem:s10], [sflag:$0x3], $0x1, s15, s9, $0xb8;
	[tilespmem:$0x2580] =	vst v63  }
0x51f: {  	s16 =	simm.s32 $0x780  }
0x520: {  	[spmem:s1] =	stream.indirect.scatter.add.f32 [tilespmem:s10], [sflag:$0x3], $0x1, s16, s9, $0xb8;
	[tilespmem:$0x2580] =	vst v63  }
0x521: {  	s17 =	simm.s32 $0x800  }
0x522: {  	[spmem:s1] =	stream.indirect.scatter.add.f32 [tilespmem:s10], [sflag:$0x3], $0x1, s17, s9, $0xb8;
	[tilespmem:$0x2580] =	vst v63  }
0x523: {  	s3 =	simm.s32 $0x880  }
0x524: {  	[spmem:s1] =	stream.indirect.scatter.add.f32 [tilespmem:s10], [sflag:$0x3], $0x1, s3, s9, $0xb8;
	[tilespmem:$0x2580] =	vst v63  }
0x525: {  	s5 =	simm.s32 $0x900  }
0x526: {  	[spmem:s1] =	stream.indirect.scatter.add.f32 [tilespmem:s10], [sflag:$0x3], $0x1, s5, s9, $0xb8;
	[tilespmem:$0x2580] =	vst v63  }
0x527: {  	s15 =	simm.s32 $0x980  }
0x528: {  	[spmem:s1] =	stream.indirect.scatter.add.f32 [tilespmem:s10], [sflag:$0x3], $0x1, s15, s9, $0xb8;
	[tilespmem:$0x2580] =	vst v63  }
0x529: {  	s16 =	simm.s32 $0xA00  }
0x52a: {  	[spmem:s1] =	stream.indirect.scatter.add.f32 [tilespmem:s10], [sflag:$0x3], $0x1, s16, s9, $0xb8;
	[tilespmem:$0x2580] =	vst v63  }
0x52b: {  	s17 =	simm.s32 $0xA80  }
0x52c: {  	[spmem:s1] =	stream.indirect.scatter.add.f32 [tilespmem:s10], [sflag:$0x3], $0x1, s17, s9, $0xb8;
	[tilespmem:$0x2580] =	vst v63  }
0x52d: {  	s3 =	simm.s32 $0xB00  }
0x52e: {  	[spmem:s1] =	stream.indirect.scatter.add.f32 [tilespmem:s10], [sflag:$0x3], $0x1, s3, s9, $0xb8;
	[tilespmem:$0x2580] =	vst v63  }
0x52f: {  	s5 =	simm.s32 $0xB80  }
0x530: {  	[spmem:s1] =	stream.indirect.scatter.add.f32 [tilespmem:s10], [sflag:$0x3], $0x1, s5, s9, $0xb8;
	[tilespmem:$0x2580] =	vst v63  }
0x531: {  	s15 =	simm.s32 $0xC00  }
0x532: {  	[spmem:s1] =	stream.indirect.scatter.add.f32 [tilespmem:s10], [sflag:$0x3], $0x1, s15, s9, $0xb8;
	[tilespmem:$0x2580] =	vst v63  }
0x533: {  	s16 =	simm.s32 $0xC80  }
0x534: {  	[spmem:s1] =	stream.indirect.scatter.add.f32 [tilespmem:s10], [sflag:$0x3], $0x1, s16, s9, $0xb8;
	[tilespmem:$0x2580] =	vst v63  }
0x535: {  	s17 =	simm.s32 $0xD00  }
0x536: {  	[spmem:s1] =	stream.indirect.scatter.add.f32 [tilespmem:s10], [sflag:$0x3], $0x1, s17, s9, $0xb8;
	[tilespmem:$0x2580] =	vst v63  }
0x537: {  	s3 =	simm.s32 $0xD80  }
0x538: {  	[spmem:s1] =	stream.indirect.scatter.add.f32 [tilespmem:s10], [sflag:$0x3], $0x1, s3, s9, $0xb8;
	[tilespmem:$0x2580] =	vst v63  }
0x539: {  	s5 =	simm.s32 $0xE00  }
0x53a: {  	[spmem:s1] =	stream.indirect.scatter.add.f32 [tilespmem:s10], [sflag:$0x3], $0x1, s5, s9, $0xb8;
	[tilespmem:$0x2580] =	vst v63  }
0x53b: {  	s15 =	simm.s32 $0xE80  }
0x53c: {  	[spmem:s1] =	stream.indirect.scatter.add.f32 [tilespmem:s10], [sflag:$0x3], $0x1, s15, s9, $0xb8;
	[tilespmem:$0x2580] =	vst v63  }
0x53d: {  	_ =	swait.ge [sflag:s12], $0x50  }
0x53e: {  	[sflag:s12] =	ssyncset.done $0x0  }
0x53f: {  	[sflag:s12] =	ssyncadd.s32 $0xFFFFFFB0  }
0x540: {  	_ =	swait.ge [sflag:s12], $0x50  }
0x541: {  	[sflag:s12] =	ssyncset.done $0x0  }
0x542: {  	[sflag:s12] =	ssyncadd.s32 $0xFFFFFFB0  }
0x543: {  	_ =	swait.ge [sflag:s12], $0x50  }
0x544: {  	[sflag:s12] =	ssyncset.done $0x0  }
0x545: {  	[sflag:s12] =	ssyncadd.s32 $0xFFFFFFB0  }
0x546: {  	_ =	swait.ge [sflag:s12], $0x50  }
0x547: {  	[sflag:s12] =	ssyncset.done $0x0  }
0x548: {  	[sflag:s12] =	ssyncadd.s32 $0xFFFFFFB0  }
0x549: {  	_ =	swait.ge [sflag:s12], $0x50  }
0x54a: {  	[sflag:s12] =	ssyncset.done $0x0  }
0x54b: {  	[sflag:s12] =	ssyncadd.s32 $0xFFFFFFB0  }
0x54c: {  	_ =	swait.ge [sflag:s12], $0x50  }
0x54d: {  	[sflag:s12] =	ssyncset.done $0x0  }
0x54e: {  	[sflag:s12] =	ssyncadd.s32 $0xFFFFFFB0  }
0x54f: {  	_ =	swait.ge [sflag:s12], $0x50  }
0x550: {  	[sflag:s12] =	ssyncset.done $0x0  }
0x551: {  	[sflag:s12] =	ssyncadd.s32 $0xFFFFFFB0  }
0x552: {  	_ =	swait.ge [sflag:s12], $0x50  }
0x553: {  	[sflag:s12] =	ssyncset.done $0x0  }
0x554: {  	[sflag:s12] =	ssyncadd.s32 $0xFFFFFFB0  }
0x555: {  	_ =	swait.ge [sflag:s12], $0x50  }
0x556: {  	[sflag:s12] =	ssyncset.done $0x0  }
0x557: {  	[sflag:s12] =	ssyncadd.s32 $0xFFFFFFB0  }
0x558: {  	_ =	swait.ge [sflag:s12], $0x50  }
0x559: {  	[sflag:s12] =	ssyncset.done $0x0  }
0x55a: {  	[sflag:s12] =	ssyncadd.s32 $0xFFFFFFB0  }
0x55b: {  	_ =	swait.ge [sflag:s12], $0x50  }
0x55c: {  	[sflag:s12] =	ssyncset.done $0x0  }
0x55d: {  	[sflag:s12] =	ssyncadd.s32 $0xFFFFFFB0  }
0x55e: {  	_ =	swait.ge [sflag:s12], $0x50  }
0x55f: {  	[sflag:s12] =	ssyncset.done $0x0  }
0x560: {  	[sflag:s12] =	ssyncadd.s32 $0xFFFFFFB0  }
0x561: {  	_ =	swait.ge [sflag:s12], $0x50  }
0x562: {  	[sflag:s12] =	ssyncset.done $0x0  }
0x563: {  	[sflag:s12] =	ssyncadd.s32 $0xFFFFFFB0  }
0x564: {  	_ =	swait.ge [sflag:s12], $0x50  }
0x565: {  	[sflag:s12] =	ssyncset.done $0x0  }
0x566: {  	[sflag:s12] =	ssyncadd.s32 $0xFFFFFFB0  }
0x567: {  	_ =	swait.ge [sflag:s12], $0x50  }
0x568: {  	[sflag:s12] =	ssyncset.done $0x0  }
0x569: {  	[sflag:s12] =	ssyncadd.s32 $0xFFFFFFB0  }
0x56a: {  	_ =	swait.ge [sflag:s12], $0x50  }
0x56b: {  	[sflag:s12] =	ssyncset.done $0x0  }
0x56c: {  	[sflag:s12] =	ssyncadd.s32 $0xFFFFFFB0  }
0x56d: {  	_ =	swait.ge [sflag:s12], $0x50  }
0x56e: {  	[sflag:s12] =	ssyncset.done $0x0  }
0x56f: {  	[sflag:s12] =	ssyncadd.s32 $0xFFFFFFB0  }
0x570: {  	_ =	swait.ge [sflag:s12], $0x50  }
0x571: {  	[sflag:s12] =	ssyncset.done $0x0  }
0x572: {  	[sflag:s12] =	ssyncadd.s32 $0xFFFFFFB0  }
0x573: {  	_ =	swait.ge [sflag:s12], $0x50  }
0x574: {  	[sflag:s12] =	ssyncset.done $0x0  }
0x575: {  	[sflag:s12] =	ssyncadd.s32 $0xFFFFFFB0  }
0x576: {  	_ =	swait.ge [sflag:s12], $0x50  }
0x577: {  	[sflag:s12] =	ssyncset.done $0x0  }
0x578: {  	[sflag:s12] =	ssyncadd.s32 $0xFFFFFFB0  }
0x579: {  	_ =	swait.ge [sflag:s12], $0x50  }
0x57a: {  	[sflag:s12] =	ssyncset.done $0x0  }
0x57b: {  	[sflag:s12] =	ssyncadd.s32 $0xFFFFFFB0  }
0x57c: {  	_ =	swait.ge [sflag:s12], $0x50  }
0x57d: {  	[sflag:s12] =	ssyncset.done $0x0  }
0x57e: {  	[sflag:s12] =	ssyncadd.s32 $0xFFFFFFB0  }
0x57f: {  	_ =	swait.ge [sflag:s12], $0x50  }
0x580: {  	[sflag:s12] =	ssyncset.done $0x0  }
0x581: {  	[sflag:s12] =	ssyncadd.s32 $0xFFFFFFB0  }
0x582: {  	_ =	swait.ge [sflag:s12], $0x50  }
0x583: {  	[sflag:s12] =	ssyncset.done $0x0  }
0x584: {  	[sflag:s12] =	ssyncadd.s32 $0xFFFFFFB0  }
0x585: {  	_ =	swait.ge [sflag:s12], $0x50  }
0x586: {  	[sflag:s12] =	ssyncset.done $0x0  }
0x587: {  	[sflag:s12] =	ssyncadd.s32 $0xFFFFFFB0  }
0x588: {  	[bflag:$0x0] =	sbarrier.arrive $0xFFFF  }
0x589: {  	p0 =	sne.s32 s14, $0x1;
	s16 =	rddreg [dreg:$0xc]  }
.Ltmp1:
0x58a: {  	s17 =	rddreg [dreg:$0x9];
	(pc) =	sbr.rel @p0 .LBB2_2-.Ltmp1, $4  }
0x58b: {  	s0 =	rddreg [dreg:$0xb]  }
0x58c: {  	s3 =	rddreg [dreg:$0xe]  }
0x58d: {  	s14 =	sadd.s32 $0xFFFFFFFF, s14;
	s5 =	rddreg [dreg:$0xf]  }
0x58e: {  	[hbm:s17@s0], [sflag:s3] =	dma.strided [spmem:s5@s16], $0x50, s2, $0x10   }
.LBB2_3:
0x58f: {  	s0 =	simm.s32 $0x4  }
0x590: {  	_ =	swait.ge [sflag:s0], $0x50  }
0x591: {  	[sflag:s0] =	ssyncset.done $0x0  }
0x592: {  	[sflag:s0] =	ssyncadd.s32 $0xFFFFFFB0  }
0x593: {  	_ =	sfence.sel $0x180000  }
0x594: {  	[bflag:$0x0] =	sbarrier.arrive $0xFFFF  }
0x595: {  	_ =	strace $0x90000047  }
0x596: {  	s31 =	stileid.u32;
	[bflag:$0x2] =	sbarrier.arrive $0xFFFF  }
0x597: {  	p0 =	sne.s32 s31, $0x0;
	s0 =	rddreg [dreg:$0x3]  }
0x598: {  	s0 =	sadd.s32 @!p0 $0x100000, s0  }
0x599: {  	[sflag:s0] =	ssyncadd.tile.s32 @!p0 $0x1;
	_ =	shalt  }
.Lfunc_end2:
_tile_overlayer_lowered:
.L_overlay_start_2:
0x59a: {  	(tag) =	ssettag $0x2  }
0x59b: {  	s0 =	rddreg [dreg:$0x0];
	s2 =	stileid.u32  }
0x59c: {  	s1 =	rddreg [dreg:$0x1];
	p0 =	sne.s32 s2, $0x0  }
0x59d: {  	s3 =	rddreg [dreg:$0x2];
	[bflag:$0x3] =	sbarrier.arrive $0xFFFF;
	s2 =	simm.s32 @!p0 $0x1C04  }
0x59e: {  	[timem:s3], [sflag:s2] =	dma.local @!p0 [hbm:s0], s1  }
0x59f: {  	s0 =	simm.s32 @!p0 $0x4  }
0x5a0: {  	_ =	swait.ge @!p0 [sflag:s0], s1  }
0x5a1: {  	s1 =	ssub.s32 @!p0 $0x0, s1;
	[sflag:s0] =	ssyncset.done @!p0 $0x0  }
0x5a2: {  	[sflag:s0] =	ssyncadd.s32 @!p0 s1  }
0x5a3: {  	[bflag:$0x3] =	sbarrier.arrive $0xFFFF  }
0x5a4: {  	_ =	shalt  }

</sc_bundles>
